<compile_context>
chip_gen: v7x
topology: tpu7x:2x2x1
jax: 0.10.2.dev20260603
libtpu: 0.0.44.dev20260713+nightly
codegen_flags: <defaults>
</compile_context>

<pallas_src>
import functools

import jax
import jax.numpy as jnp
from jax import lax
from jax.experimental import pallas as pl
from jax.experimental.pallas import tpu as pltpu
from jax.experimental.pallas import tpu_sc as plsc

_N = 10000
_E = 320000
_D = 128
_DOUT = 64

_NC = 2
_NS = 16
_NW = _NC * _NS
_C = 128
_K = (-(-_E // (_NW * _C)) + 7) // 8 * 8
_EP = _NW * _K * _C
_NP = 10240
_RPS = _NP // _NS
_DEGW = 16

_f32 = jnp.float32



def _deg_body(dst_hbm, degp_hbm, dst_v, ones_v, acc):
    cid = lax.axis_index("c")
    sid = lax.axis_index("s")
    wid = sid * _NC + cid

    def fill(val):
        def fi(i, _):
            def fl(l, _):
                ones_v[i, pl.ds(l * 16, 16)] = jnp.full((16,), val, _f32)
                return 0
            lax.fori_loop(0, _D // 16, fl, 0)
            return 0
        lax.fori_loop(0, _C, fi, 0)

    fill(0.0)
    for t in range(_RPS // _C):
        pltpu.sync_copy(ones_v, acc.at[pl.ds(sid * _RPS + t * _C, _C)])
    fill(1.0)
    plsc.subcore_barrier()

    pltpu.sync_copy(dst_hbm.at[pl.ds(wid * _K, _K)], dst_v)

    def step(j, _):
        pltpu.sync_copy(ones_v, acc.at[dst_v.at[j]], add=True)
        return 0
    lax.fori_loop(0, _K, step, 0)
    plsc.subcore_barrier()

    for t in range(_RPS // _C):
        r0 = sid * _RPS + t * _C
        pltpu.sync_copy(acc.at[pl.ds(r0, _C)], degp_hbm.at[cid].at[pl.ds(r0, _C)])


def _make_deg_call():
    return pl.kernel(
        _deg_body,
        out_type=jax.ShapeDtypeStruct((_NC, _NP, _D), _f32),
        mesh=plsc.VectorSubcoreMesh(core_axis_name="c", subcore_axis_name="s",
                                    num_cores=_NC, num_subcores=_NS),
        scratch_types=[
            pltpu.VMEM((_K, _C), jnp.int32),
            pltpu.VMEM((_C, _D), _f32),
            pltpu.VMEM_SHARED((_NP, _D), _f32),
        ],
    )


_IB = 8
_NB = _K // _IB


def _agg_body(g_hbm, src_hbm, dst_hbm, sp_hbm, srcb, dstb, rows, acc,
              sg0, sg1, ss0, ss1):
    cid = lax.axis_index("c")
    sid = lax.axis_index("s")
    wid = sid * _NC + cid

    def fill(i, _):
        def fill_l(l, _):
            rows[0, i, pl.ds(l * 16, 16)] = jnp.zeros((16,), _f32)
            return 0
        lax.fori_loop(0, _D // 16, fill_l, 0)
        return 0
    lax.fori_loop(0, _C, fill, 0)

    for t in range(_RPS // _C):
        pltpu.sync_copy(rows.at[0], acc.at[pl.ds(sid * _RPS + t * _C, _C)])
    plsc.subcore_barrier()

    sg = (sg0, sg1)
    ss = (ss0, ss1)

    def block(ib, _):
        base = wid * _K + ib * _IB
        pltpu.sync_copy(src_hbm.at[pl.ds(base, _IB)], srcb)
        pltpu.sync_copy(dst_hbm.at[pl.ds(base, _IB)], dstb)
        gathers = [None, None]
        scatters = [None, None]
        gathers[0] = pltpu.async_copy(g_hbm.at[srcb.at[0]], rows.at[0], sg[0])
        for t in range(_IB):
            b = t & 1
            if t + 1 < _IB:
                if scatters[b ^ 1] is not None:
                    scatters[b ^ 1].wait()
                gathers[b ^ 1] = pltpu.async_copy(
                    g_hbm.at[srcb.at[t + 1]], rows.at[b ^ 1], sg[b ^ 1])
            gathers[b].wait()
            scatters[b] = pltpu.async_copy(
                rows.at[b], acc.at[dstb.at[t]], ss[b], add=True)
        scatters[0].wait()
        scatters[1].wait()
        return 0
    lax.fori_loop(0, _NB, block, 0)
    plsc.subcore_barrier()

    for t in range(_RPS // _C):
        r0 = sid * _RPS + t * _C
        pltpu.sync_copy(acc.at[pl.ds(r0, _C)], sp_hbm.at[cid].at[pl.ds(r0, _C)])


def _make_agg_call():
    return pl.kernel(
        _agg_body,
        out_type=jax.ShapeDtypeStruct((_NC, _NP, _D), _f32),
        mesh=plsc.VectorSubcoreMesh(core_axis_name="c", subcore_axis_name="s",
                                    num_cores=_NC, num_subcores=_NS),
        scratch_types=[
            pltpu.VMEM((_IB, _C), jnp.int32),
            pltpu.VMEM((_IB, _C), jnp.int32),
            pltpu.VMEM((2, _C, _D), _f32),
            pltpu.VMEM_SHARED((_NP, _D), _f32),
            pltpu.SemaphoreType.DMA,
            pltpu.SemaphoreType.DMA,
            pltpu.SemaphoreType.DMA,
            pltpu.SemaphoreType.DMA,
        ],
    )



_R = 1024


def _mm_body(x_ref, w_ref, h_ref):
    h_ref[...] = jnp.dot(x_ref[...], w_ref[...], preferred_element_type=_f32)


def _scale_body(h_ref, d0_ref, d1_ref, g1_ref, dv_ref):
    deg = d0_ref[0, :, :1] + d1_ref[0, :, :1] + 1.0
    dinv = lax.rsqrt(jnp.maximum(deg, 1.0))
    dv_ref[...] = jnp.broadcast_to(dinv, (_R, _DEGW))
    g1_ref[...] = dinv * h_ref[...]


def _mid_body(s0_ref, s1_ref, g1_ref, dv_ref, b_ref, g2_ref):
    dinv = dv_ref[:, :1]
    h = jnp.maximum(dinv * (s0_ref[0] + s1_ref[0] + g1_ref[...])
                    + b_ref[...], 0.0)
    g2_ref[...] = dinv * h


def _post_body(s0_ref, s1_ref, g2_ref, dv_ref, w_ref, b_ref, mu_ref, ls_ref):
    dinv = dv_ref[:, :1]
    agg = dinv * (s0_ref[0] + s1_ref[0] + g2_ref[...])
    o = jnp.dot(agg, w_ref[...], preferred_element_type=_f32) + b_ref[...]
    mu_ref[...] = o[:, :_DOUT]
    ls_ref[...] = o[:, _DOUT:]


_row_spec = pl.BlockSpec((_R, _D), lambda i: (i, 0))
_dv_spec = pl.BlockSpec((_R, _DEGW), lambda i: (i, 0))
_w_spec = pl.BlockSpec((_D, _D), lambda i: (0, 0))
_b_spec = pl.BlockSpec((1, _D), lambda i: (0, 0))
_p0_spec = pl.BlockSpec((1, _R, _D), lambda i: (0, i, 0))
_p1_spec = pl.BlockSpec((1, _R, _D), lambda i: (1, i, 0))
_grid = (_NP // _R,)

_mm_call = pl.pallas_call(
    _mm_body, grid=_grid,
    in_specs=[_row_spec, _w_spec],
    out_specs=_row_spec,
    out_shape=jax.ShapeDtypeStruct((_NP, _D), _f32),
)

_scale_call = pl.pallas_call(
    _scale_body, grid=_grid,
    in_specs=[_row_spec, _p0_spec, _p1_spec],
    out_specs=[_row_spec, _dv_spec],
    out_shape=[jax.ShapeDtypeStruct((_NP, _D), _f32),
               jax.ShapeDtypeStruct((_NP, _DEGW), _f32)],
)

_mid_call = pl.pallas_call(
    _mid_body, grid=_grid,
    in_specs=[_p0_spec, _p1_spec, _row_spec, _dv_spec, _b_spec],
    out_specs=_row_spec,
    out_shape=jax.ShapeDtypeStruct((_NP, _D), _f32),
)

_half_spec = pl.BlockSpec((_R, _DOUT), lambda i: (i, 0))
_post_call = pl.pallas_call(
    _post_body, grid=_grid,
    in_specs=[_p0_spec, _p1_spec, _row_spec, _dv_spec,
              _w_spec, _b_spec],
    out_specs=[_half_spec, _half_spec],
    out_shape=[jax.ShapeDtypeStruct((_NP, _DOUT), _f32),
               jax.ShapeDtypeStruct((_NP, _DOUT), _f32)],
)



def kernel(x, edge_index, W1, b1, Wm, bm, Wl, bl):
    _deg_call = _make_deg_call()
    _agg_call = _make_agg_call()
    pad = _EP - _E
    fill = (_N + jnp.arange(pad, dtype=jnp.int32) % (_NP - _N)).astype(jnp.int32)
    src2 = jnp.concatenate([edge_index[0], fill]).reshape(_NW * _K, _C)
    dst2 = jnp.concatenate([edge_index[1], fill]).reshape(_NW * _K, _C)
    xp = jnp.pad(x, ((0, _NP - _N), (0, 0)))

    h1 = _mm_call(xp, W1)
    degp = _deg_call(dst2)
    g1, dv = _scale_call(h1, degp, degp)
    s1 = _agg_call(g1, src2, dst2)
    g2 = _mid_call(s1, s1, g1, dv, b1.reshape(1, _D))
    s2 = _agg_call(g2, src2, dst2)

    Wc = jnp.concatenate([Wm, Wl], axis=1)
    bc = jnp.concatenate([bm, bl]).reshape(1, _D)
    mu, ls = _post_call(s2, s2, g2, dv, Wc, bc)
    return mu[:_N], ls[:_N]

# --- scband reference (transcript-rebuilt; emitter-appended) ---
"""Pipeline reference for scband-encoder-70480413328198 (READ-ONLY COPY).

The authoritative reference and input builder live on the scoring server;
editing this copy changes nothing except your own understanding.
"""

import jax, jax.numpy as jnp
import numpy as np

N = 10000
E = 320000
D_IN = 128
D_HID = 128
D_OUT = 64


def gcn_conv(x, edge_index, W, b):
    # PyG-style GCNConv: add self-loops, symmetric normalization, scatter-add aggregation
    n = x.shape[0]
    loop = jnp.arange(n, dtype=edge_index.dtype)
    src = jnp.concatenate([edge_index[0], loop])
    dst = jnp.concatenate([edge_index[1], loop])
    h = x @ W
    deg = jnp.zeros((n,), dtype=x.dtype).at[dst].add(1.0)
    dinv = jax.lax.rsqrt(jnp.maximum(deg, 1.0))
    norm = dinv[src] * dinv[dst]
    msgs = h[src] * norm[:, None]
    out = jnp.zeros((n, h.shape[1]), dtype=x.dtype).at[dst].add(msgs)
    return out + b


def setup_inputs(seed: int = 0):
    key = jax.random.key(seed)
    ks = jax.random.split(key, 8)
    x = jax.random.normal(ks[0], (N, D_IN), dtype=jnp.float32)
    edge_index = jax.random.randint(ks[1], (2, E), 0, N, dtype=jnp.int32)
    # glorot-ish init for GCN weights
    W1 = jax.random.normal(ks[2], (D_IN, D_HID), dtype=jnp.float32) * (1.0 / np.sqrt(D_IN))
    b1 = jnp.zeros((D_HID,), dtype=jnp.float32)
    Wm = jax.random.normal(ks[3], (D_HID, D_OUT), dtype=jnp.float32) * (1.0 / np.sqrt(D_HID))
    bm = jnp.zeros((D_OUT,), dtype=jnp.float32)
    Wl = jax.random.normal(ks[4], (D_HID, D_OUT), dtype=jnp.float32) * (1.0 / np.sqrt(D_HID))
    bl = jnp.zeros((D_OUT,), dtype=jnp.float32)
    return {"x": x, "edge_index": edge_index, "W1": W1, "b1": b1, "Wm": Wm, "bm": bm, "Wl": Wl, "bl": bl}


def reference(x, edge_index, W1, b1, Wm, bm, Wl, bl):
    h = jax.nn.relu(gcn_conv(x, edge_index, W1, b1))
    mu = gcn_conv(h, edge_index, Wm, bm)
    log_std = gcn_conv(h, edge_index, Wl, bl)
    return (mu, log_std)

if __name__ == "__main__":
    import jax
    _d = setup_inputs()
    print(jax.jit(kernel)(*tuple(_d.values())))

</pallas_src>

<mosaic_0001>
#map = affine_map<(d0, d1) -> (0, 0)>
#map1 = affine_map<(d0, d1) -> (0, 0, 0)>
module attributes {stable_mosaic.version = 14 : i64} {
  func.func @_agg_body(%arg0: i32, %arg1: i32, %arg2: memref<10240x128xf32, #tpu.memory_space<hbm>>, %arg3: memref<2560x128xi32, #tpu.memory_space<hbm>>, %arg4: memref<2560x128xi32, #tpu.memory_space<hbm>>, %arg5: memref<2x10240x128xf32, #tpu.memory_space<hbm>>, %arg6: memref<8x128xi32, #tpu.memory_space<vmem>>, %arg7: memref<8x128xi32, #tpu.memory_space<vmem>>, %arg8: memref<2x128x128xf32, #tpu.memory_space<vmem>>, %arg9: memref<10240x128xf32, #tpu.memory_space<vmem_shared>>, %arg10: memref<!tpu.dma_semaphore, #tpu.memory_space<semaphore_mem>>, %arg11: memref<!tpu.dma_semaphore, #tpu.memory_space<semaphore_mem>>, %arg12: memref<!tpu.dma_semaphore, #tpu.memory_space<semaphore_mem>>, %arg13: memref<!tpu.dma_semaphore, #tpu.memory_space<semaphore_mem>>) attributes {dimension_semantics = [#tpu.dimension_semantics<core_parallel>, #tpu.dimension_semantics<subcore_parallel>], iteration_bounds = array<i64: 2, 16>, scalar_prefetch = 0 : i64, scratch_operands = 8 : i64, tpu.core_type = #tpu.core_type<sc_vector_subcore>, window_params = [{transform_indices = #map}, {transform_indices = #map}, {transform_indices = #map}, {transform_indices = #map1}]} {
    %mul3A = arith.constant 2 : i32
    %mul3A_0 = arith.muli %arg1, %mul3A : i32
    %add3A = arith.addi %mul3A_0, %arg0 : i32
    %scan3A = arith.constant 0 : i32
    %scan3A_1 = arith.constant 0 : i32
    %scan3A_2 = arith.constant 128 : i32
    %scan3A_3 = arith.addi %scan3A_1, %scan3A_2 : i32
    %scan3A_4 = arith.constant 1 : i32
    %scan3A_5 = scf.for %scan3A_59 = %scan3A_1 to %scan3A_3 step %scan3A_4 iter_args(%scan3A_60 = %scan3A) -> (i32)  : i32 {
      %scan3A_61 = arith.constant 0 : i32
      %scan3A_62 = arith.constant 0 : i32
      %scan3A_63 = arith.constant 8 : i32
      %scan3A_64 = arith.addi %scan3A_62, %scan3A_63 : i32
      %scan3A_65 = arith.constant 1 : i32
      %scan3A_66 = scf.for %scan3A_69 = %scan3A_62 to %scan3A_64 step %scan3A_65 iter_args(%scan3A_70 = %scan3A_61) -> (i32)  : i32 {
        %broadcast_in_dim3A = arith.constant 0.000000e+00 : f32
        %broadcast_in_dim3A_71 = vector.broadcast %broadcast_in_dim3A : f32 to vector<16xf32>
        %mul3A_72 = arith.constant 16 : i32
        %mul3A_73 = arith.muli %scan3A_69, %mul3A_72 : i32
        %swap3A = arith.constant 0 : i32
        %swap3A_74 = arith.index_cast %swap3A : i32 to index
        %swap3A_75 = arith.index_cast %scan3A_59 : i32 to index
        %swap3A_76 = arith.index_cast %mul3A_73 : i32 to index
        %swap3A_77 = tpu.vector_load %arg8[%swap3A_74, %swap3A_75, %swap3A_76] {strides = array<i32>} : memref<2x128x128xf32, #tpu.memory_space<vmem>>, vector<1x1x16xf32>,
        %swap3A_78 = vector.shape_cast %swap3A_77 : vector<1x1x16xf32> to vector<16xf32>
        %swap3A_79 = vector.shape_cast %broadcast_in_dim3A_71 : vector<16xf32> to vector<1x1x16xf32>
        tpu.vector_store %arg8[%swap3A_74, %swap3A_75, %swap3A_76], %swap3A_79 {strides = array<i32>} : memref<2x128x128xf32, #tpu.memory_space<vmem>>, vector<1x1x16xf32>,
        %scan3A_80 = arith.constant 0 : i32
        scf.yield %scan3A_80 : i32
      }
      %scan3A_67 = arith.constant 8 : i32
      %scan3A_68 = arith.constant 0 : i32
      scf.yield %scan3A_68 : i32
    }
    %scan3A_6 = arith.constant 128 : i32
    %mul3A_7 = arith.constant 640 : i32
    %mul3A_8 = arith.muli %arg1, %mul3A_7 : i32
    %add3A_9 = arith.constant 0 : i32
    %add3A_10 = arith.addi %mul3A_8, %add3A_9 : i32
    %run_scoped3A = arith.constant 0 : i32
    "tpu.region"() ({
      %run_scoped3A_59 = tpu.sem_alloc : memref<!tpu.dma_semaphore, #tpu.memory_space<semaphore_mem>>
      %dma_start3A = arith.constant 0 : i32
      %dma_start3A_60 = arith.constant 0 : i32
      %dma_start3A_61 = tpu.memref_slice %arg8[%run_scoped3A, %dma_start3A, %dma_start3A_60] : memref<2x128x128xf32, #tpu.memory_space<vmem>> -> memref<1x128x128xf32, #tpu.memory_space<vmem>>
      %dma_start3A_62 = tpu.memref_squeeze %dma_start3A_61 : memref<1x128x128xf32, #tpu.memory_space<vmem>> -> memref<128x128xf32, #tpu.memory_space<vmem>>
      %dma_start3A_63 = arith.constant 0 : i32
      %dma_start3A_64 = tpu.memref_slice %arg9[%add3A_10, %dma_start3A_63] : memref<10240x128xf32, #tpu.memory_space<vmem_shared>> -> memref<128x128xf32, #tpu.memory_space<vmem_shared>>
      %dma_start3A_65 = arith.constant 0 : i32
      %dma_start3A_66 = tpu.memref_slice %arg9[%add3A_10, %dma_start3A_65] : memref<10240x128xf32, #tpu.memory_space<vmem_shared>> -> memref<128x128xf32, #tpu.memory_space<vmem_shared>>
      %dma_start3A_67 = arith.constant 0 : i32
      %dma_start3A_68 = arith.constant 0 : i32
      %dma_start3A_69 = tpu.memref_slice %arg8[%run_scoped3A, %dma_start3A_67, %dma_start3A_68] : memref<2x128x128xf32, #tpu.memory_space<vmem>> -> memref<1x128x128xf32, #tpu.memory_space<vmem>>
      %dma_start3A_70 = tpu.memref_squeeze %dma_start3A_69 : memref<1x128x128xf32, #tpu.memory_space<vmem>> -> memref<128x128xf32, #tpu.memory_space<vmem>>
      tpu.enqueue_dma source(%dma_start3A_70 : memref<128x128xf32, #tpu.memory_space<vmem>>) target(%dma_start3A_66 : memref<128x128xf32, #tpu.memory_space<vmem_shared>>) target_semaphore(%run_scoped3A_59 : memref<!tpu.dma_semaphore, #tpu.memory_space<semaphore_mem>>)
      %dma_wait3A = arith.constant 0 : i32
      %dma_wait3A_71 = arith.constant 0 : i32
      %dma_wait3A_72 = tpu.memref_slice %arg8[%run_scoped3A, %dma_wait3A, %dma_wait3A_71] : memref<2x128x128xf32, #tpu.memory_space<vmem>> -> memref<1x128x128xf32, #tpu.memory_space<vmem>>
      %dma_wait3A_73 = tpu.memref_squeeze %dma_wait3A_72 : memref<1x128x128xf32, #tpu.memory_space<vmem>> -> memref<128x128xf32, #tpu.memory_space<vmem>>
      %dma_wait3A_74 = arith.constant 0 : i32
      %dma_wait3A_75 = tpu.memref_slice %arg9[%add3A_10, %dma_wait3A_74] : memref<10240x128xf32, #tpu.memory_space<vmem_shared>> -> memref<128x128xf32, #tpu.memory_space<vmem_shared>>
      %dma_wait3A_76 = arith.constant 0 : i32
      %dma_wait3A_77 = tpu.memref_slice %arg9[%add3A_10, %dma_wait3A_76] : memref<10240x128xf32, #tpu.memory_space<vmem_shared>> -> memref<128x128xf32, #tpu.memory_space<vmem_shared>>
      %dma_wait3A_78 = arith.constant 0 : i32
      %dma_wait3A_79 = arith.constant 0 : i32
      %dma_wait3A_80 = tpu.memref_slice %arg8[%run_scoped3A, %dma_wait3A_78, %dma_wait3A_79] : memref<2x128x128xf32, #tpu.memory_space<vmem>> -> memref<1x128x128xf32, #tpu.memory_space<vmem>>
      %dma_wait3A_81 = tpu.memref_squeeze %dma_wait3A_80 : memref<1x128x128xf32, #tpu.memory_space<vmem>> -> memref<128x128xf32, #tpu.memory_space<vmem>>
      tpu.wait_dma2 semaphore(%run_scoped3A_59 : memref<!tpu.dma_semaphore, #tpu.memory_space<semaphore_mem>>) src(%dma_wait3A_81 : memref<128x128xf32, #tpu.memory_space<vmem>>) dst(%dma_wait3A_77 : memref<128x128xf32, #tpu.memory_space<vmem_shared>>)
      tpu.yield
    }) : () -> ()
    %mul3A_11 = arith.constant 640 : i32
    %mul3A_12 = arith.muli %arg1, %mul3A_11 : i32
    %add3A_13 = arith.constant 128 : i32
    %add3A_14 = arith.addi %mul3A_12, %add3A_13 : i32
    %run_scoped3A_15 = arith.constant 0 : i32
    "tpu.region"() ({
      %run_scoped3A_59 = tpu.sem_alloc : memref<!tpu.dma_semaphore, #tpu.memory_space<semaphore_mem>>
      %dma_start3A = arith.constant 0 : i32
      %dma_start3A_60 = arith.constant 0 : i32
      %dma_start3A_61 = tpu.memref_slice %arg8[%run_scoped3A_15, %dma_start3A, %dma_start3A_60] : memref<2x128x128xf32, #tpu.memory_space<vmem>> -> memref<1x128x128xf32, #tpu.memory_space<vmem>>
      %dma_start3A_62 = tpu.memref_squeeze %dma_start3A_61 : memref<1x128x128xf32, #tpu.memory_space<vmem>> -> memref<128x128xf32, #tpu.memory_space<vmem>>
      %dma_start3A_63 = arith.constant 0 : i32
      %dma_start3A_64 = tpu.memref_slice %arg9[%add3A_14, %dma_start3A_63] : memref<10240x128xf32, #tpu.memory_space<vmem_shared>> -> memref<128x128xf32, #tpu.memory_space<vmem_shared>>
      %dma_start3A_65 = arith.constant 0 : i32
      %dma_start3A_66 = tpu.memref_slice %arg9[%add3A_14, %dma_start3A_65] : memref<10240x128xf32, #tpu.memory_space<vmem_shared>> -> memref<128x128xf32, #tpu.memory_space<vmem_shared>>
      %dma_start3A_67 = arith.constant 0 : i32
      %dma_start3A_68 = arith.constant 0 : i32
      %dma_start3A_69 = tpu.memref_slice %arg8[%run_scoped3A_15, %dma_start3A_67, %dma_start3A_68] : memref<2x128x128xf32, #tpu.memory_space<vmem>> -> memref<1x128x128xf32, #tpu.memory_space<vmem>>
      %dma_start3A_70 = tpu.memref_squeeze %dma_start3A_69 : memref<1x128x128xf32, #tpu.memory_space<vmem>> -> memref<128x128xf32, #tpu.memory_space<vmem>>
      tpu.enqueue_dma source(%dma_start3A_70 : memref<128x128xf32, #tpu.memory_space<vmem>>) target(%dma_start3A_66 : memref<128x128xf32, #tpu.memory_space<vmem_shared>>) target_semaphore(%run_scoped3A_59 : memref<!tpu.dma_semaphore, #tpu.memory_space<semaphore_mem>>)
      %dma_wait3A = arith.constant 0 : i32
      %dma_wait3A_71 = arith.constant 0 : i32
      %dma_wait3A_72 = tpu.memref_slice %arg8[%run_scoped3A_15, %dma_wait3A, %dma_wait3A_71] : memref<2x128x128xf32, #tpu.memory_space<vmem>> -> memref<1x128x128xf32, #tpu.memory_space<vmem>>
      %dma_wait3A_73 = tpu.memref_squeeze %dma_wait3A_72 : memref<1x128x128xf32, #tpu.memory_space<vmem>> -> memref<128x128xf32, #tpu.memory_space<vmem>>
      %dma_wait3A_74 = arith.constant 0 : i32
      %dma_wait3A_75 = tpu.memref_slice %arg9[%add3A_14, %dma_wait3A_74] : memref<10240x128xf32, #tpu.memory_space<vmem_shared>> -> memref<128x128xf32, #tpu.memory_space<vmem_shared>>
      %dma_wait3A_76 = arith.constant 0 : i32
      %dma_wait3A_77 = tpu.memref_slice %arg9[%add3A_14, %dma_wait3A_76] : memref<10240x128xf32, #tpu.memory_space<vmem_shared>> -> memref<128x128xf32, #tpu.memory_space<vmem_shared>>
      %dma_wait3A_78 = arith.constant 0 : i32
      %dma_wait3A_79 = arith.constant 0 : i32
      %dma_wait3A_80 = tpu.memref_slice %arg8[%run_scoped3A_15, %dma_wait3A_78, %dma_wait3A_79] : memref<2x128x128xf32, #tpu.memory_space<vmem>> -> memref<1x128x128xf32, #tpu.memory_space<vmem>>
      %dma_wait3A_81 = tpu.memref_squeeze %dma_wait3A_80 : memref<1x128x128xf32, #tpu.memory_space<vmem>> -> memref<128x128xf32, #tpu.memory_space<vmem>>
      tpu.wait_dma2 semaphore(%run_scoped3A_59 : memref<!tpu.dma_semaphore, #tpu.memory_space<semaphore_mem>>) src(%dma_wait3A_81 : memref<128x128xf32, #tpu.memory_space<vmem>>) dst(%dma_wait3A_77 : memref<128x128xf32, #tpu.memory_space<vmem_shared>>)
      tpu.yield
    }) : () -> ()
    %mul3A_16 = arith.constant 640 : i32
    %mul3A_17 = arith.muli %arg1, %mul3A_16 : i32
    %add3A_18 = arith.constant 256 : i32
    %add3A_19 = arith.addi %mul3A_17, %add3A_18 : i32
    %run_scoped3A_20 = arith.constant 0 : i32
    "tpu.region"() ({
      %run_scoped3A_59 = tpu.sem_alloc : memref<!tpu.dma_semaphore, #tpu.memory_space<semaphore_mem>>
      %dma_start3A = arith.constant 0 : i32
      %dma_start3A_60 = arith.constant 0 : i32
      %dma_start3A_61 = tpu.memref_slice %arg8[%run_scoped3A_20, %dma_start3A, %dma_start3A_60] : memref<2x128x128xf32, #tpu.memory_space<vmem>> -> memref<1x128x128xf32, #tpu.memory_space<vmem>>
      %dma_start3A_62 = tpu.memref_squeeze %dma_start3A_61 : memref<1x128x128xf32, #tpu.memory_space<vmem>> -> memref<128x128xf32, #tpu.memory_space<vmem>>
      %dma_start3A_63 = arith.constant 0 : i32
      %dma_start3A_64 = tpu.memref_slice %arg9[%add3A_19, %dma_start3A_63] : memref<10240x128xf32, #tpu.memory_space<vmem_shared>> -> memref<128x128xf32, #tpu.memory_space<vmem_shared>>
      %dma_start3A_65 = arith.constant 0 : i32
      %dma_start3A_66 = tpu.memref_slice %arg9[%add3A_19, %dma_start3A_65] : memref<10240x128xf32, #tpu.memory_space<vmem_shared>> -> memref<128x128xf32, #tpu.memory_space<vmem_shared>>
      %dma_start3A_67 = arith.constant 0 : i32
      %dma_start3A_68 = arith.constant 0 : i32
      %dma_start3A_69 = tpu.memref_slice %arg8[%run_scoped3A_20, %dma_start3A_67, %dma_start3A_68] : memref<2x128x128xf32, #tpu.memory_space<vmem>> -> memref<1x128x128xf32, #tpu.memory_space<vmem>>
      %dma_start3A_70 = tpu.memref_squeeze %dma_start3A_69 : memref<1x128x128xf32, #tpu.memory_space<vmem>> -> memref<128x128xf32, #tpu.memory_space<vmem>>
      tpu.enqueue_dma source(%dma_start3A_70 : memref<128x128xf32, #tpu.memory_space<vmem>>) target(%dma_start3A_66 : memref<128x128xf32, #tpu.memory_space<vmem_shared>>) target_semaphore(%run_scoped3A_59 : memref<!tpu.dma_semaphore, #tpu.memory_space<semaphore_mem>>)
      %dma_wait3A = arith.constant 0 : i32
      %dma_wait3A_71 = arith.constant 0 : i32
      %dma_wait3A_72 = tpu.memref_slice %arg8[%run_scoped3A_20, %dma_wait3A, %dma_wait3A_71] : memref<2x128x128xf32, #tpu.memory_space<vmem>> -> memref<1x128x128xf32, #tpu.memory_space<vmem>>
      %dma_wait3A_73 = tpu.memref_squeeze %dma_wait3A_72 : memref<1x128x128xf32, #tpu.memory_space<vmem>> -> memref<128x128xf32, #tpu.memory_space<vmem>>
      %dma_wait3A_74 = arith.constant 0 : i32
      %dma_wait3A_75 = tpu.memref_slice %arg9[%add3A_19, %dma_wait3A_74] : memref<10240x128xf32, #tpu.memory_space<vmem_shared>> -> memref<128x128xf32, #tpu.memory_space<vmem_shared>>
      %dma_wait3A_76 = arith.constant 0 : i32
      %dma_wait3A_77 = tpu.memref_slice %arg9[%add3A_19, %dma_wait3A_76] : memref<10240x128xf32, #tpu.memory_space<vmem_shared>> -> memref<128x128xf32, #tpu.memory_space<vmem_shared>>
      %dma_wait3A_78 = arith.constant 0 : i32
      %dma_wait3A_79 = arith.constant 0 : i32
      %dma_wait3A_80 = tpu.memref_slice %arg8[%run_scoped3A_20, %dma_wait3A_78, %dma_wait3A_79] : memref<2x128x128xf32, #tpu.memory_space<vmem>> -> memref<1x128x128xf32, #tpu.memory_space<vmem>>
      %dma_wait3A_81 = tpu.memref_squeeze %dma_wait3A_80 : memref<1x128x128xf32, #tpu.memory_space<vmem>> -> memref<128x128xf32, #tpu.memory_space<vmem>>
      tpu.wait_dma2 semaphore(%run_scoped3A_59 : memref<!tpu.dma_semaphore, #tpu.memory_space<semaphore_mem>>) src(%dma_wait3A_81 : memref<128x128xf32, #tpu.memory_space<vmem>>) dst(%dma_wait3A_77 : memref<128x128xf32, #tpu.memory_space<vmem_shared>>)
      tpu.yield
    }) : () -> ()
    %mul3A_21 = arith.constant 640 : i32
    %mul3A_22 = arith.muli %arg1, %mul3A_21 : i32
    %add3A_23 = arith.constant 384 : i32
    %add3A_24 = arith.addi %mul3A_22, %add3A_23 : i32
    %run_scoped3A_25 = arith.constant 0 : i32
    "tpu.region"() ({
      %run_scoped3A_59 = tpu.sem_alloc : memref<!tpu.dma_semaphore, #tpu.memory_space<semaphore_mem>>
      %dma_start3A = arith.constant 0 : i32
      %dma_start3A_60 = arith.constant 0 : i32
      %dma_start3A_61 = tpu.memref_slice %arg8[%run_scoped3A_25, %dma_start3A, %dma_start3A_60] : memref<2x128x128xf32, #tpu.memory_space<vmem>> -> memref<1x128x128xf32, #tpu.memory_space<vmem>>
      %dma_start3A_62 = tpu.memref_squeeze %dma_start3A_61 : memref<1x128x128xf32, #tpu.memory_space<vmem>> -> memref<128x128xf32, #tpu.memory_space<vmem>>
      %dma_start3A_63 = arith.constant 0 : i32
      %dma_start3A_64 = tpu.memref_slice %arg9[%add3A_24, %dma_start3A_63] : memref<10240x128xf32, #tpu.memory_space<vmem_shared>> -> memref<128x128xf32, #tpu.memory_space<vmem_shared>>
      %dma_start3A_65 = arith.constant 0 : i32
      %dma_start3A_66 = tpu.memref_slice %arg9[%add3A_24, %dma_start3A_65] : memref<10240x128xf32, #tpu.memory_space<vmem_shared>> -> memref<128x128xf32, #tpu.memory_space<vmem_shared>>
      %dma_start3A_67 = arith.constant 0 : i32
      %dma_start3A_68 = arith.constant 0 : i32
      %dma_start3A_69 = tpu.memref_slice %arg8[%run_scoped3A_25, %dma_start3A_67, %dma_start3A_68] : memref<2x128x128xf32, #tpu.memory_space<vmem>> -> memref<1x128x128xf32, #tpu.memory_space<vmem>>
      %dma_start3A_70 = tpu.memref_squeeze %dma_start3A_69 : memref<1x128x128xf32, #tpu.memory_space<vmem>> -> memref<128x128xf32, #tpu.memory_space<vmem>>
      tpu.enqueue_dma source(%dma_start3A_70 : memref<128x128xf32, #tpu.memory_space<vmem>>) target(%dma_start3A_66 : memref<128x128xf32, #tpu.memory_space<vmem_shared>>) target_semaphore(%run_scoped3A_59 : memref<!tpu.dma_semaphore, #tpu.memory_space<semaphore_mem>>)
      %dma_wait3A = arith.constant 0 : i32
      %dma_wait3A_71 = arith.constant 0 : i32
      %dma_wait3A_72 = tpu.memref_slice %arg8[%run_scoped3A_25, %dma_wait3A, %dma_wait3A_71] : memref<2x128x128xf32, #tpu.memory_space<vmem>> -> memref<1x128x128xf32, #tpu.memory_space<vmem>>
      %dma_wait3A_73 = tpu.memref_squeeze %dma_wait3A_72 : memref<1x128x128xf32, #tpu.memory_space<vmem>> -> memref<128x128xf32, #tpu.memory_space<vmem>>
      %dma_wait3A_74 = arith.constant 0 : i32
      %dma_wait3A_75 = tpu.memref_slice %arg9[%add3A_24, %dma_wait3A_74] : memref<10240x128xf32, #tpu.memory_space<vmem_shared>> -> memref<128x128xf32, #tpu.memory_space<vmem_shared>>
      %dma_wait3A_76 = arith.constant 0 : i32
      %dma_wait3A_77 = tpu.memref_slice %arg9[%add3A_24, %dma_wait3A_76] : memref<10240x128xf32, #tpu.memory_space<vmem_shared>> -> memref<128x128xf32, #tpu.memory_space<vmem_shared>>
      %dma_wait3A_78 = arith.constant 0 : i32
      %dma_wait3A_79 = arith.constant 0 : i32
      %dma_wait3A_80 = tpu.memref_slice %arg8[%run_scoped3A_25, %dma_wait3A_78, %dma_wait3A_79] : memref<2x128x128xf32, #tpu.memory_space<vmem>> -> memref<1x128x128xf32, #tpu.memory_space<vmem>>
      %dma_wait3A_81 = tpu.memref_squeeze %dma_wait3A_80 : memref<1x128x128xf32, #tpu.memory_space<vmem>> -> memref<128x128xf32, #tpu.memory_space<vmem>>
      tpu.wait_dma2 semaphore(%run_scoped3A_59 : memref<!tpu.dma_semaphore, #tpu.memory_space<semaphore_mem>>) src(%dma_wait3A_81 : memref<128x128xf32, #tpu.memory_space<vmem>>) dst(%dma_wait3A_77 : memref<128x128xf32, #tpu.memory_space<vmem_shared>>)
      tpu.yield
    }) : () -> ()
    %mul3A_26 = arith.constant 640 : i32
    %mul3A_27 = arith.muli %arg1, %mul3A_26 : i32
    %add3A_28 = arith.constant 512 : i32
    %add3A_29 = arith.addi %mul3A_27, %add3A_28 : i32
    %run_scoped3A_30 = arith.constant 0 : i32
    "tpu.region"() ({
      %run_scoped3A_59 = tpu.sem_alloc : memref<!tpu.dma_semaphore, #tpu.memory_space<semaphore_mem>>
      %dma_start3A = arith.constant 0 : i32
      %dma_start3A_60 = arith.constant 0 : i32
      %dma_start3A_61 = tpu.memref_slice %arg8[%run_scoped3A_30, %dma_start3A, %dma_start3A_60] : memref<2x128x128xf32, #tpu.memory_space<vmem>> -> memref<1x128x128xf32, #tpu.memory_space<vmem>>
      %dma_start3A_62 = tpu.memref_squeeze %dma_start3A_61 : memref<1x128x128xf32, #tpu.memory_space<vmem>> -> memref<128x128xf32, #tpu.memory_space<vmem>>
      %dma_start3A_63 = arith.constant 0 : i32
      %dma_start3A_64 = tpu.memref_slice %arg9[%add3A_29, %dma_start3A_63] : memref<10240x128xf32, #tpu.memory_space<vmem_shared>> -> memref<128x128xf32, #tpu.memory_space<vmem_shared>>
      %dma_start3A_65 = arith.constant 0 : i32
      %dma_start3A_66 = tpu.memref_slice %arg9[%add3A_29, %dma_start3A_65] : memref<10240x128xf32, #tpu.memory_space<vmem_shared>> -> memref<128x128xf32, #tpu.memory_space<vmem_shared>>
      %dma_start3A_67 = arith.constant 0 : i32
      %dma_start3A_68 = arith.constant 0 : i32
      %dma_start3A_69 = tpu.memref_slice %arg8[%run_scoped3A_30, %dma_start3A_67, %dma_start3A_68] : memref<2x128x128xf32, #tpu.memory_space<vmem>> -> memref<1x128x128xf32, #tpu.memory_space<vmem>>
      %dma_start3A_70 = tpu.memref_squeeze %dma_start3A_69 : memref<1x128x128xf32, #tpu.memory_space<vmem>> -> memref<128x128xf32, #tpu.memory_space<vmem>>
      tpu.enqueue_dma source(%dma_start3A_70 : memref<128x128xf32, #tpu.memory_space<vmem>>) target(%dma_start3A_66 : memref<128x128xf32, #tpu.memory_space<vmem_shared>>) target_semaphore(%run_scoped3A_59 : memref<!tpu.dma_semaphore, #tpu.memory_space<semaphore_mem>>)
      %dma_wait3A = arith.constant 0 : i32
      %dma_wait3A_71 = arith.constant 0 : i32
      %dma_wait3A_72 = tpu.memref_slice %arg8[%run_scoped3A_30, %dma_wait3A, %dma_wait3A_71] : memref<2x128x128xf32, #tpu.memory_space<vmem>> -> memref<1x128x128xf32, #tpu.memory_space<vmem>>
      %dma_wait3A_73 = tpu.memref_squeeze %dma_wait3A_72 : memref<1x128x128xf32, #tpu.memory_space<vmem>> -> memref<128x128xf32, #tpu.memory_space<vmem>>
      %dma_wait3A_74 = arith.constant 0 : i32
      %dma_wait3A_75 = tpu.memref_slice %arg9[%add3A_29, %dma_wait3A_74] : memref<10240x128xf32, #tpu.memory_space<vmem_shared>> -> memref<128x128xf32, #tpu.memory_space<vmem_shared>>
      %dma_wait3A_76 = arith.constant 0 : i32
      %dma_wait3A_77 = tpu.memref_slice %arg9[%add3A_29, %dma_wait3A_76] : memref<10240x128xf32, #tpu.memory_space<vmem_shared>> -> memref<128x128xf32, #tpu.memory_space<vmem_shared>>
      %dma_wait3A_78 = arith.constant 0 : i32
      %dma_wait3A_79 = arith.constant 0 : i32
      %dma_wait3A_80 = tpu.memref_slice %arg8[%run_scoped3A_30, %dma_wait3A_78, %dma_wait3A_79] : memref<2x128x128xf32, #tpu.memory_space<vmem>> -> memref<1x128x128xf32, #tpu.memory_space<vmem>>
      %dma_wait3A_81 = tpu.memref_squeeze %dma_wait3A_80 : memref<1x128x128xf32, #tpu.memory_space<vmem>> -> memref<128x128xf32, #tpu.memory_space<vmem>>
      tpu.wait_dma2 semaphore(%run_scoped3A_59 : memref<!tpu.dma_semaphore, #tpu.memory_space<semaphore_mem>>) src(%dma_wait3A_81 : memref<128x128xf32, #tpu.memory_space<vmem>>) dst(%dma_wait3A_77 : memref<128x128xf32, #tpu.memory_space<vmem_shared>>)
      tpu.yield
    }) : () -> ()
    %barrier3A = arith.constant 0 : index
    tpu.barrier barrier_id(%barrier3A)
    %scan3A_31 = arith.constant 0 : i32
    %scan3A_32 = arith.constant 0 : i32
    %scan3A_33 = arith.constant 10 : i32
    %scan3A_34 = arith.addi %scan3A_32, %scan3A_33 : i32
    %scan3A_35 = arith.constant 1 : i32
    %scan3A_36 = scf.for %scan3A_59 = %scan3A_32 to %scan3A_34 step %scan3A_35 iter_args(%scan3A_60 = %scan3A_31) -> (i32)  : i32 {
      %mul3A_61 = arith.constant 80 : i32
      %mul3A_62 = arith.muli %add3A, %mul3A_61 : i32
      %mul3A_63 = arith.constant 8 : i32
      %mul3A_64 = arith.muli %scan3A_59, %mul3A_63 : i32
      %add3A_65 = arith.addi %mul3A_62, %mul3A_64 : i32
      "tpu.region"() ({
        %run_scoped3A_449 = tpu.sem_alloc : memref<!tpu.dma_semaphore, #tpu.memory_space<semaphore_mem>>
        %dma_start3A_450 = arith.constant 0 : i32
        %dma_start3A_451 = tpu.memref_slice %arg3[%add3A_65, %dma_start3A_450] : memref<2560x128xi32, #tpu.memory_space<hbm>> -> memref<8x128xi32, #tpu.memory_space<hbm>>
        %dma_start3A_452 = arith.constant 0 : i32
        %dma_start3A_453 = tpu.memref_slice %arg3[%add3A_65, %dma_start3A_452] : memref<2560x128xi32, #tpu.memory_space<hbm>> -> memref<8x128xi32, #tpu.memory_space<hbm>>
        tpu.enqueue_dma source(%dma_start3A_453 : memref<8x128xi32, #tpu.memory_space<hbm>>) target(%arg6 : memref<8x128xi32, #tpu.memory_space<vmem>>) target_semaphore(%run_scoped3A_449 : memref<!tpu.dma_semaphore, #tpu.memory_space<semaphore_mem>>)
        %dma_wait3A_454 = arith.constant 0 : i32
        %dma_wait3A_455 = tpu.memref_slice %arg3[%add3A_65, %dma_wait3A_454] : memref<2560x128xi32, #tpu.memory_space<hbm>> -> memref<8x128xi32, #tpu.memory_space<hbm>>
        %dma_wait3A_456 = arith.constant 0 : i32
        %dma_wait3A_457 = tpu.memref_slice %arg3[%add3A_65, %dma_wait3A_456] : memref<2560x128xi32, #tpu.memory_space<hbm>> -> memref<8x128xi32, #tpu.memory_space<hbm>>
        tpu.wait_dma2 semaphore(%run_scoped3A_449 : memref<!tpu.dma_semaphore, #tpu.memory_space<semaphore_mem>>) src(%dma_wait3A_457 : memref<8x128xi32, #tpu.memory_space<hbm>>) dst(%arg6 : memref<8x128xi32, #tpu.memory_space<vmem>>)
        tpu.yield
      }) : () -> ()
      "tpu.region"() ({
        %run_scoped3A_449 = tpu.sem_alloc : memref<!tpu.dma_semaphore, #tpu.memory_space<semaphore_mem>>
        %dma_start3A_450 = arith.constant 0 : i32
        %dma_start3A_451 = tpu.memref_slice %arg4[%add3A_65, %dma_start3A_450] : memref<2560x128xi32, #tpu.memory_space<hbm>> -> memref<8x128xi32, #tpu.memory_space<hbm>>
        %dma_start3A_452 = arith.constant 0 : i32
        %dma_start3A_453 = tpu.memref_slice %arg4[%add3A_65, %dma_start3A_452] : memref<2560x128xi32, #tpu.memory_space<hbm>> -> memref<8x128xi32, #tpu.memory_space<hbm>>
        tpu.enqueue_dma source(%dma_start3A_453 : memref<8x128xi32, #tpu.memory_space<hbm>>) target(%arg7 : memref<8x128xi32, #tpu.memory_space<vmem>>) target_semaphore(%run_scoped3A_449 : memref<!tpu.dma_semaphore, #tpu.memory_space<semaphore_mem>>)
        %dma_wait3A_454 = arith.constant 0 : i32
        %dma_wait3A_455 = tpu.memref_slice %arg4[%add3A_65, %dma_wait3A_454] : memref<2560x128xi32, #tpu.memory_space<hbm>> -> memref<8x128xi32, #tpu.memory_space<hbm>>
        %dma_wait3A_456 = arith.constant 0 : i32
        %dma_wait3A_457 = tpu.memref_slice %arg4[%add3A_65, %dma_wait3A_456] : memref<2560x128xi32, #tpu.memory_space<hbm>> -> memref<8x128xi32, #tpu.memory_space<hbm>>
        tpu.wait_dma2 semaphore(%run_scoped3A_449 : memref<!tpu.dma_semaphore, #tpu.memory_space<semaphore_mem>>) src(%dma_wait3A_457 : memref<8x128xi32, #tpu.memory_space<hbm>>) dst(%arg7 : memref<8x128xi32, #tpu.memory_space<vmem>>)
        tpu.yield
      }) : () -> ()
      %dma_start3A = arith.constant 0 : i32
      %dma_start3A_66 = arith.constant 0 : i32
      %dma_start3A_67 = arith.constant 0 : i32
      %dma_start3A_68 = arith.constant 0 : i32
      %dma_start3A_69 = tpu.memref_slice %arg8[%dma_start3A_66, %dma_start3A_67, %dma_start3A_68] : memref<2x128x128xf32, #tpu.memory_space<vmem>> -> memref<1x128x128xf32, #tpu.memory_space<vmem>>
      %dma_start3A_70 = tpu.memref_squeeze %dma_start3A_69 : memref<1x128x128xf32, #tpu.memory_space<vmem>> -> memref<128x128xf32, #tpu.memory_space<vmem>>
      %dma_start3A_71 = arith.constant 0 : i32
      %dma_start3A_72 = tpu.memref_slice %arg6[%dma_start3A, %dma_start3A_71] : memref<8x128xi32, #tpu.memory_space<vmem>> -> memref<1x128xi32, #tpu.memory_space<vmem>>
      %dma_start3A_73 = tpu.memref_squeeze %dma_start3A_72 : memref<1x128xi32, #tpu.memory_space<vmem>> -> memref<128xi32, #tpu.memory_space<vmem>>
      %dma_start3A_74 = arith.constant 0 : i32
      %dma_start3A_75 = arith.constant 0 : i32
      %dma_start3A_76 = tpu.memref_slice %arg2[%dma_start3A_74, %dma_start3A_75] : memref<10240x128xf32, #tpu.memory_space<hbm>> -> memref<10240x128xf32, #tpu.memory_space<hbm>>
      tpu.enqueue_indirect_dma source(%dma_start3A_76 : memref<10240x128xf32, #tpu.memory_space<hbm>>) target(%dma_start3A_70 : memref<128x128xf32, #tpu.memory_space<vmem>>) offsets(%dma_start3A_73 : memref<128xi32, #tpu.memory_space<vmem>>) semaphore(%arg10 : memref<!tpu.dma_semaphore, #tpu.memory_space<semaphore_mem>>)
      %dma_start3A_77 = arith.constant 1 : i32
      %dma_start3A_78 = arith.constant 1 : i32
      %dma_start3A_79 = arith.constant 0 : i32
      %dma_start3A_80 = arith.constant 0 : i32
      %dma_start3A_81 = tpu.memref_slice %arg8[%dma_start3A_78, %dma_start3A_79, %dma_start3A_80] : memref<2x128x128xf32, #tpu.memory_space<vmem>> -> memref<1x128x128xf32, #tpu.memory_space<vmem>>
      %dma_start3A_82 = tpu.memref_squeeze %dma_start3A_81 : memref<1x128x128xf32, #tpu.memory_space<vmem>> -> memref<128x128xf32, #tpu.memory_space<vmem>>
      %dma_start3A_83 = arith.constant 0 : i32
      %dma_start3A_84 = tpu.memref_slice %arg6[%dma_start3A_77, %dma_start3A_83] : memref<8x128xi32, #tpu.memory_space<vmem>> -> memref<1x128xi32, #tpu.memory_space<vmem>>
      %dma_start3A_85 = tpu.memref_squeeze %dma_start3A_84 : memref<1x128xi32, #tpu.memory_space<vmem>> -> memref<128xi32, #tpu.memory_space<vmem>>
      %dma_start3A_86 = arith.constant 0 : i32
      %dma_start3A_87 = arith.constant 0 : i32
      %dma_start3A_88 = tpu.memref_slice %arg2[%dma_start3A_86, %dma_start3A_87] : memref<10240x128xf32, #tpu.memory_space<hbm>> -> memref<10240x128xf32, #tpu.memory_space<hbm>>
      tpu.enqueue_indirect_dma source(%dma_start3A_88 : memref<10240x128xf32, #tpu.memory_space<hbm>>) target(%dma_start3A_82 : memref<128x128xf32, #tpu.memory_space<vmem>>) offsets(%dma_start3A_85 : memref<128xi32, #tpu.memory_space<vmem>>) semaphore(%arg11 : memref<!tpu.dma_semaphore, #tpu.memory_space<semaphore_mem>>)
      %dma_wait3A = arith.constant 0 : i32
      %dma_wait3A_89 = arith.constant 0 : i32
      %dma_wait3A_90 = arith.constant 0 : i32
      %dma_wait3A_91 = arith.constant 0 : i32
      %dma_wait3A_92 = tpu.memref_slice %arg8[%dma_wait3A_89, %dma_wait3A_90, %dma_wait3A_91] : memref<2x128x128xf32, #tpu.memory_space<vmem>> -> memref<1x128x128xf32, #tpu.memory_space<vmem>>
      %dma_wait3A_93 = tpu.memref_squeeze %dma_wait3A_92 : memref<1x128x128xf32, #tpu.memory_space<vmem>> -> memref<128x128xf32, #tpu.memory_space<vmem>>
      %dma_wait3A_94 = arith.constant 0 : i32
      %dma_wait3A_95 = tpu.memref_slice %arg6[%dma_wait3A, %dma_wait3A_94] : memref<8x128xi32, #tpu.memory_space<vmem>> -> memref<1x128xi32, #tpu.memory_space<vmem>>
      %dma_wait3A_96 = tpu.memref_squeeze %dma_wait3A_95 : memref<1x128xi32, #tpu.memory_space<vmem>> -> memref<128xi32, #tpu.memory_space<vmem>>
      %dma_wait3A_97 = arith.constant 0 : i32
      %dma_wait3A_98 = arith.constant 0 : i32
      %dma_wait3A_99 = tpu.memref_slice %arg2[%dma_wait3A_97, %dma_wait3A_98] : memref<10240x128xf32, #tpu.memory_space<hbm>> -> memref<10240x128xf32, #tpu.memory_space<hbm>>
      tpu.wait_indirect_dma semaphore(%arg10 : memref<!tpu.dma_semaphore, #tpu.memory_space<semaphore_mem>>) src(%dma_wait3A_99 : memref<10240x128xf32, #tpu.memory_space<hbm>>) dst(%dma_wait3A_93 : memref<128x128xf32, #tpu.memory_space<vmem>>)
      %dma_start3A_100 = arith.constant 0 : i32
      %dma_start3A_101 = arith.constant 0 : i32
      %dma_start3A_102 = arith.constant 0 : i32
      %dma_start3A_103 = arith.constant 0 : i32
      %dma_start3A_104 = tpu.memref_slice %arg8[%dma_start3A_100, %dma_start3A_102, %dma_start3A_103] : memref<2x128x128xf32, #tpu.memory_space<vmem>> -> memref<1x128x128xf32, #tpu.memory_space<vmem>>
      %dma_start3A_105 = tpu.memref_squeeze %dma_start3A_104 : memref<1x128x128xf32, #tpu.memory_space<vmem>> -> memref<128x128xf32, #tpu.memory_space<vmem>>
      %dma_start3A_106 = arith.constant 0 : i32
      %dma_start3A_107 = tpu.memref_slice %arg7[%dma_start3A_101, %dma_start3A_106] : memref<8x128xi32, #tpu.memory_space<vmem>> -> memref<1x128xi32, #tpu.memory_space<vmem>>
      %dma_start3A_108 = tpu.memref_squeeze %dma_start3A_107 : memref<1x128xi32, #tpu.memory_space<vmem>> -> memref<128xi32, #tpu.memory_space<vmem>>
      %dma_start3A_109 = arith.constant 0 : i32
      %dma_start3A_110 = arith.constant 0 : i32
      %dma_start3A_111 = tpu.memref_slice %arg9[%dma_start3A_109, %dma_start3A_110] : memref<10240x128xf32, #tpu.memory_space<vmem_shared>> -> memref<10240x128xf32, #tpu.memory_space<vmem_shared>>
      tpu.enqueue_indirect_dma source(%dma_start3A_105 : memref<128x128xf32, #tpu.memory_space<vmem>>) target(%dma_start3A_111 : memref<10240x128xf32, #tpu.memory_space<vmem_shared>>) offsets(%dma_start3A_108 : memref<128xi32, #tpu.memory_space<vmem>>) semaphore(%arg12 : memref<!tpu.dma_semaphore, #tpu.memory_space<semaphore_mem>>) {add = true}
      %dma_wait3A_112 = arith.constant 0 : i32
      %dma_wait3A_113 = arith.constant 0 : i32
      %dma_wait3A_114 = arith.constant 0 : i32
      %dma_wait3A_115 = arith.constant 0 : i32
      %dma_wait3A_116 = tpu.memref_slice %arg8[%dma_wait3A_112, %dma_wait3A_114, %dma_wait3A_115] : memref<2x128x128xf32, #tpu.memory_space<vmem>> -> memref<1x128x128xf32, #tpu.memory_space<vmem>>
      %dma_wait3A_117 = tpu.memref_squeeze %dma_wait3A_116 : memref<1x128x128xf32, #tpu.memory_space<vmem>> -> memref<128x128xf32, #tpu.memory_space<vmem>>
      %dma_wait3A_118 = arith.constant 0 : i32
      %dma_wait3A_119 = tpu.memref_slice %arg7[%dma_wait3A_113, %dma_wait3A_118] : memref<8x128xi32, #tpu.memory_space<vmem>> -> memref<1x128xi32, #tpu.memory_space<vmem>>
      %dma_wait3A_120 = tpu.memref_squeeze %dma_wait3A_119 : memref<1x128xi32, #tpu.memory_space<vmem>> -> memref<128xi32, #tpu.memory_space<vmem>>
      %dma_wait3A_121 = arith.constant 0 : i32
      %dma_wait3A_122 = arith.constant 0 : i32
      %dma_wait3A_123 = tpu.memref_slice %arg9[%dma_wait3A_121, %dma_wait3A_122] : memref<10240x128xf32, #tpu.memory_space<vmem_shared>> -> memref<10240x128xf32, #tpu.memory_space<vmem_shared>>
      tpu.wait_indirect_dma semaphore(%arg12 : memref<!tpu.dma_semaphore, #tpu.memory_space<semaphore_mem>>) src(%dma_wait3A_117 : memref<128x128xf32, #tpu.memory_space<vmem>>) dst(%dma_wait3A_123 : memref<10240x128xf32, #tpu.memory_space<vmem_shared>>)
      %dma_start3A_124 = arith.constant 2 : i32
      %dma_start3A_125 = arith.constant 0 : i32
      %dma_start3A_126 = arith.constant 0 : i32
      %dma_start3A_127 = arith.constant 0 : i32
      %dma_start3A_128 = tpu.memref_slice %arg8[%dma_start3A_125, %dma_start3A_126, %dma_start3A_127] : memref<2x128x128xf32, #tpu.memory_space<vmem>> -> memref<1x128x128xf32, #tpu.memory_space<vmem>>
      %dma_start3A_129 = tpu.memref_squeeze %dma_start3A_128 : memref<1x128x128xf32, #tpu.memory_space<vmem>> -> memref<128x128xf32, #tpu.memory_space<vmem>>
      %dma_start3A_130 = arith.constant 0 : i32
      %dma_start3A_131 = tpu.memref_slice %arg6[%dma_start3A_124, %dma_start3A_130] : memref<8x128xi32, #tpu.memory_space<vmem>> -> memref<1x128xi32, #tpu.memory_space<vmem>>
      %dma_start3A_132 = tpu.memref_squeeze %dma_start3A_131 : memref<1x128xi32, #tpu.memory_space<vmem>> -> memref<128xi32, #tpu.memory_space<vmem>>
      %dma_start3A_133 = arith.constant 0 : i32
      %dma_start3A_134 = arith.constant 0 : i32
      %dma_start3A_135 = tpu.memref_slice %arg2[%dma_start3A_133, %dma_start3A_134] : memref<10240x128xf32, #tpu.memory_space<hbm>> -> memref<10240x128xf32, #tpu.memory_space<hbm>>
      tpu.enqueue_indirect_dma source(%dma_start3A_135 : memref<10240x128xf32, #tpu.memory_space<hbm>>) target(%dma_start3A_129 : memref<128x128xf32, #tpu.memory_space<vmem>>) offsets(%dma_start3A_132 : memref<128xi32, #tpu.memory_space<vmem>>) semaphore(%arg10 : memref<!tpu.dma_semaphore, #tpu.memory_space<semaphore_mem>>)
      %dma_wait3A_136 = arith.constant 1 : i32
      %dma_wait3A_137 = arith.constant 1 : i32
      %dma_wait3A_138 = arith.constant 0 : i32
      %dma_wait3A_139 = arith.constant 0 : i32
      %dma_wait3A_140 = tpu.memref_slice %arg8[%dma_wait3A_137, %dma_wait3A_138, %dma_wait3A_139] : memref<2x128x128xf32, #tpu.memory_space<vmem>> -> memref<1x128x128xf32, #tpu.memory_space<vmem>>
      %dma_wait3A_141 = tpu.memref_squeeze %dma_wait3A_140 : memref<1x128x128xf32, #tpu.memory_space<vmem>> -> memref<128x128xf32, #tpu.memory_space<vmem>>
      %dma_wait3A_142 = arith.constant 0 : i32
      %dma_wait3A_143 = tpu.memref_slice %arg6[%dma_wait3A_136, %dma_wait3A_142] : memref<8x128xi32, #tpu.memory_space<vmem>> -> memref<1x128xi32, #tpu.memory_space<vmem>>
      %dma_wait3A_144 = tpu.memref_squeeze %dma_wait3A_143 : memref<1x128xi32, #tpu.memory_space<vmem>> -> memref<128xi32, #tpu.memory_space<vmem>>
      %dma_wait3A_145 = arith.constant 0 : i32
      %dma_wait3A_146 = arith.constant 0 : i32
      %dma_wait3A_147 = tpu.memref_slice %arg2[%dma_wait3A_145, %dma_wait3A_146] : memref<10240x128xf32, #tpu.memory_space<hbm>> -> memref<10240x128xf32, #tpu.memory_space<hbm>>
      tpu.wait_indirect_dma semaphore(%arg11 : memref<!tpu.dma_semaphore, #tpu.memory_space<semaphore_mem>>) src(%dma_wait3A_147 : memref<10240x128xf32, #tpu.memory_space<hbm>>) dst(%dma_wait3A_141 : memref<128x128xf32, #tpu.memory_space<vmem>>)
      %dma_start3A_148 = arith.constant 1 : i32
      %dma_start3A_149 = arith.constant 1 : i32
      %dma_start3A_150 = arith.constant 0 : i32
      %dma_start3A_151 = arith.constant 0 : i32
      %dma_start3A_152 = tpu.memref_slice %arg8[%dma_start3A_148, %dma_start3A_150, %dma_start3A_151] : memref<2x128x128xf32, #tpu.memory_space<vmem>> -> memref<1x128x128xf32, #tpu.memory_space<vmem>>
      %dma_start3A_153 = tpu.memref_squeeze %dma_start3A_152 : memref<1x128x128xf32, #tpu.memory_space<vmem>> -> memref<128x128xf32, #tpu.memory_space<vmem>>
      %dma_start3A_154 = arith.constant 0 : i32
      %dma_start3A_155 = tpu.memref_slice %arg7[%dma_start3A_149, %dma_start3A_154] : memref<8x128xi32, #tpu.memory_space<vmem>> -> memref<1x128xi32, #tpu.memory_space<vmem>>
      %dma_start3A_156 = tpu.memref_squeeze %dma_start3A_155 : memref<1x128xi32, #tpu.memory_space<vmem>> -> memref<128xi32, #tpu.memory_space<vmem>>
      %dma_start3A_157 = arith.constant 0 : i32
      %dma_start3A_158 = arith.constant 0 : i32
      %dma_start3A_159 = tpu.memref_slice %arg9[%dma_start3A_157, %dma_start3A_158] : memref<10240x128xf32, #tpu.memory_space<vmem_shared>> -> memref<10240x128xf32, #tpu.memory_space<vmem_shared>>
      tpu.enqueue_indirect_dma source(%dma_start3A_153 : memref<128x128xf32, #tpu.memory_space<vmem>>) target(%dma_start3A_159 : memref<10240x128xf32, #tpu.memory_space<vmem_shared>>) offsets(%dma_start3A_156 : memref<128xi32, #tpu.memory_space<vmem>>) semaphore(%arg13 : memref<!tpu.dma_semaphore, #tpu.memory_space<semaphore_mem>>) {add = true}
      %dma_wait3A_160 = arith.constant 1 : i32
      %dma_wait3A_161 = arith.constant 1 : i32
      %dma_wait3A_162 = arith.constant 0 : i32
      %dma_wait3A_163 = arith.constant 0 : i32
      %dma_wait3A_164 = tpu.memref_slice %arg8[%dma_wait3A_160, %dma_wait3A_162, %dma_wait3A_163] : memref<2x128x128xf32, #tpu.memory_space<vmem>> -> memref<1x128x128xf32, #tpu.memory_space<vmem>>
      %dma_wait3A_165 = tpu.memref_squeeze %dma_wait3A_164 : memref<1x128x128xf32, #tpu.memory_space<vmem>> -> memref<128x128xf32, #tpu.memory_space<vmem>>
      %dma_wait3A_166 = arith.constant 0 : i32
      %dma_wait3A_167 = tpu.memref_slice %arg7[%dma_wait3A_161, %dma_wait3A_166] : memref<8x128xi32, #tpu.memory_space<vmem>> -> memref<1x128xi32, #tpu.memory_space<vmem>>
      %dma_wait3A_168 = tpu.memref_squeeze %dma_wait3A_167 : memref<1x128xi32, #tpu.memory_space<vmem>> -> memref<128xi32, #tpu.memory_space<vmem>>
      %dma_wait3A_169 = arith.constant 0 : i32
      %dma_wait3A_170 = arith.constant 0 : i32
      %dma_wait3A_171 = tpu.memref_slice %arg9[%dma_wait3A_169, %dma_wait3A_170] : memref<10240x128xf32, #tpu.memory_space<vmem_shared>> -> memref<10240x128xf32, #tpu.memory_space<vmem_shared>>
      tpu.wait_indirect_dma semaphore(%arg13 : memref<!tpu.dma_semaphore, #tpu.memory_space<semaphore_mem>>) src(%dma_wait3A_165 : memref<128x128xf32, #tpu.memory_space<vmem>>) dst(%dma_wait3A_171 : memref<10240x128xf32, #tpu.memory_space<vmem_shared>>)
      %dma_start3A_172 = arith.constant 3 : i32
      %dma_start3A_173 = arith.constant 1 : i32
      %dma_start3A_174 = arith.constant 0 : i32
      %dma_start3A_175 = arith.constant 0 : i32
      %dma_start3A_176 = tpu.memref_slice %arg8[%dma_start3A_173, %dma_start3A_174, %dma_start3A_175] : memref<2x128x128xf32, #tpu.memory_space<vmem>> -> memref<1x128x128xf32, #tpu.memory_space<vmem>>
      %dma_start3A_177 = tpu.memref_squeeze %dma_start3A_176 : memref<1x128x128xf32, #tpu.memory_space<vmem>> -> memref<128x128xf32, #tpu.memory_space<vmem>>
      %dma_start3A_178 = arith.constant 0 : i32
      %dma_start3A_179 = tpu.memref_slice %arg6[%dma_start3A_172, %dma_start3A_178] : memref<8x128xi32, #tpu.memory_space<vmem>> -> memref<1x128xi32, #tpu.memory_space<vmem>>
      %dma_start3A_180 = tpu.memref_squeeze %dma_start3A_179 : memref<1x128xi32, #tpu.memory_space<vmem>> -> memref<128xi32, #tpu.memory_space<vmem>>
      %dma_start3A_181 = arith.constant 0 : i32
      %dma_start3A_182 = arith.constant 0 : i32
      %dma_start3A_183 = tpu.memref_slice %arg2[%dma_start3A_181, %dma_start3A_182] : memref<10240x128xf32, #tpu.memory_space<hbm>> -> memref<10240x128xf32, #tpu.memory_space<hbm>>
      tpu.enqueue_indirect_dma source(%dma_start3A_183 : memref<10240x128xf32, #tpu.memory_space<hbm>>) target(%dma_start3A_177 : memref<128x128xf32, #tpu.memory_space<vmem>>) offsets(%dma_start3A_180 : memref<128xi32, #tpu.memory_space<vmem>>) semaphore(%arg11 : memref<!tpu.dma_semaphore, #tpu.memory_space<semaphore_mem>>)
      %dma_wait3A_184 = arith.constant 2 : i32
      %dma_wait3A_185 = arith.constant 0 : i32
      %dma_wait3A_186 = arith.constant 0 : i32
      %dma_wait3A_187 = arith.constant 0 : i32
      %dma_wait3A_188 = tpu.memref_slice %arg8[%dma_wait3A_185, %dma_wait3A_186, %dma_wait3A_187] : memref<2x128x128xf32, #tpu.memory_space<vmem>> -> memref<1x128x128xf32, #tpu.memory_space<vmem>>
      %dma_wait3A_189 = tpu.memref_squeeze %dma_wait3A_188 : memref<1x128x128xf32, #tpu.memory_space<vmem>> -> memref<128x128xf32, #tpu.memory_space<vmem>>
      %dma_wait3A_190 = arith.constant 0 : i32
      %dma_wait3A_191 = tpu.memref_slice %arg6[%dma_wait3A_184, %dma_wait3A_190] : memref<8x128xi32, #tpu.memory_space<vmem>> -> memref<1x128xi32, #tpu.memory_space<vmem>>
      %dma_wait3A_192 = tpu.memref_squeeze %dma_wait3A_191 : memref<1x128xi32, #tpu.memory_space<vmem>> -> memref<128xi32, #tpu.memory_space<vmem>>
      %dma_wait3A_193 = arith.constant 0 : i32
      %dma_wait3A_194 = arith.constant 0 : i32
      %dma_wait3A_195 = tpu.memref_slice %arg2[%dma_wait3A_193, %dma_wait3A_194] : memref<10240x128xf32, #tpu.memory_space<hbm>> -> memref<10240x128xf32, #tpu.memory_space<hbm>>
      tpu.wait_indirect_dma semaphore(%arg10 : memref<!tpu.dma_semaphore, #tpu.memory_space<semaphore_mem>>) src(%dma_wait3A_195 : memref<10240x128xf32, #tpu.memory_space<hbm>>) dst(%dma_wait3A_189 : memref<128x128xf32, #tpu.memory_space<vmem>>)
      %dma_start3A_196 = arith.constant 0 : i32
      %dma_start3A_197 = arith.constant 2 : i32
      %dma_start3A_198 = arith.constant 0 : i32
      %dma_start3A_199 = arith.constant 0 : i32
      %dma_start3A_200 = tpu.memref_slice %arg8[%dma_start3A_196, %dma_start3A_198, %dma_start3A_199] : memref<2x128x128xf32, #tpu.memory_space<vmem>> -> memref<1x128x128xf32, #tpu.memory_space<vmem>>
      %dma_start3A_201 = tpu.memref_squeeze %dma_start3A_200 : memref<1x128x128xf32, #tpu.memory_space<vmem>> -> memref<128x128xf32, #tpu.memory_space<vmem>>
      %dma_start3A_202 = arith.constant 0 : i32
      %dma_start3A_203 = tpu.memref_slice %arg7[%dma_start3A_197, %dma_start3A_202] : memref<8x128xi32, #tpu.memory_space<vmem>> -> memref<1x128xi32, #tpu.memory_space<vmem>>
      %dma_start3A_204 = tpu.memref_squeeze %dma_start3A_203 : memref<1x128xi32, #tpu.memory_space<vmem>> -> memref<128xi32, #tpu.memory_space<vmem>>
      %dma_start3A_205 = arith.constant 0 : i32
      %dma_start3A_206 = arith.constant 0 : i32
      %dma_start3A_207 = tpu.memref_slice %arg9[%dma_start3A_205, %dma_start3A_206] : memref<10240x128xf32, #tpu.memory_space<vmem_shared>> -> memref<10240x128xf32, #tpu.memory_space<vmem_shared>>
      tpu.enqueue_indirect_dma source(%dma_start3A_201 : memref<128x128xf32, #tpu.memory_space<vmem>>) target(%dma_start3A_207 : memref<10240x128xf32, #tpu.memory_space<vmem_shared>>) offsets(%dma_start3A_204 : memref<128xi32, #tpu.memory_space<vmem>>) semaphore(%arg12 : memref<!tpu.dma_semaphore, #tpu.memory_space<semaphore_mem>>) {add = true}
      %dma_wait3A_208 = arith.constant 0 : i32
      %dma_wait3A_209 = arith.constant 2 : i32
      %dma_wait3A_210 = arith.constant 0 : i32
      %dma_wait3A_211 = arith.constant 0 : i32
      %dma_wait3A_212 = tpu.memref_slice %arg8[%dma_wait3A_208, %dma_wait3A_210, %dma_wait3A_211] : memref<2x128x128xf32, #tpu.memory_space<vmem>> -> memref<1x128x128xf32, #tpu.memory_space<vmem>>
      %dma_wait3A_213 = tpu.memref_squeeze %dma_wait3A_212 : memref<1x128x128xf32, #tpu.memory_space<vmem>> -> memref<128x128xf32, #tpu.memory_space<vmem>>
      %dma_wait3A_214 = arith.constant 0 : i32
      %dma_wait3A_215 = tpu.memref_slice %arg7[%dma_wait3A_209, %dma_wait3A_214] : memref<8x128xi32, #tpu.memory_space<vmem>> -> memref<1x128xi32, #tpu.memory_space<vmem>>
      %dma_wait3A_216 = tpu.memref_squeeze %dma_wait3A_215 : memref<1x128xi32, #tpu.memory_space<vmem>> -> memref<128xi32, #tpu.memory_space<vmem>>
      %dma_wait3A_217 = arith.constant 0 : i32
      %dma_wait3A_218 = arith.constant 0 : i32
      %dma_wait3A_219 = tpu.memref_slice %arg9[%dma_wait3A_217, %dma_wait3A_218] : memref<10240x128xf32, #tpu.memory_space<vmem_shared>> -> memref<10240x128xf32, #tpu.memory_space<vmem_shared>>
      tpu.wait_indirect_dma semaphore(%arg12 : memref<!tpu.dma_semaphore, #tpu.memory_space<semaphore_mem>>) src(%dma_wait3A_213 : memref<128x128xf32, #tpu.memory_space<vmem>>) dst(%dma_wait3A_219 : memref<10240x128xf32, #tpu.memory_space<vmem_shared>>)
      %dma_start3A_220 = arith.constant 4 : i32
      %dma_start3A_221 = arith.constant 0 : i32
      %dma_start3A_222 = arith.constant 0 : i32
      %dma_start3A_223 = arith.constant 0 : i32
      %dma_start3A_224 = tpu.memref_slice %arg8[%dma_start3A_221, %dma_start3A_222, %dma_start3A_223] : memref<2x128x128xf32, #tpu.memory_space<vmem>> -> memref<1x128x128xf32, #tpu.memory_space<vmem>>
      %dma_start3A_225 = tpu.memref_squeeze %dma_start3A_224 : memref<1x128x128xf32, #tpu.memory_space<vmem>> -> memref<128x128xf32, #tpu.memory_space<vmem>>
      %dma_start3A_226 = arith.constant 0 : i32
      %dma_start3A_227 = tpu.memref_slice %arg6[%dma_start3A_220, %dma_start3A_226] : memref<8x128xi32, #tpu.memory_space<vmem>> -> memref<1x128xi32, #tpu.memory_space<vmem>>
      %dma_start3A_228 = tpu.memref_squeeze %dma_start3A_227 : memref<1x128xi32, #tpu.memory_space<vmem>> -> memref<128xi32, #tpu.memory_space<vmem>>
      %dma_start3A_229 = arith.constant 0 : i32
      %dma_start3A_230 = arith.constant 0 : i32
      %dma_start3A_231 = tpu.memref_slice %arg2[%dma_start3A_229, %dma_start3A_230] : memref<10240x128xf32, #tpu.memory_space<hbm>> -> memref<10240x128xf32, #tpu.memory_space<hbm>>
      tpu.enqueue_indirect_dma source(%dma_start3A_231 : memref<10240x128xf32, #tpu.memory_space<hbm>>) target(%dma_start3A_225 : memref<128x128xf32, #tpu.memory_space<vmem>>) offsets(%dma_start3A_228 : memref<128xi32, #tpu.memory_space<vmem>>) semaphore(%arg10 : memref<!tpu.dma_semaphore, #tpu.memory_space<semaphore_mem>>)
      %dma_wait3A_232 = arith.constant 3 : i32
      %dma_wait3A_233 = arith.constant 1 : i32
      %dma_wait3A_234 = arith.constant 0 : i32
      %dma_wait3A_235 = arith.constant 0 : i32
      %dma_wait3A_236 = tpu.memref_slice %arg8[%dma_wait3A_233, %dma_wait3A_234, %dma_wait3A_235] : memref<2x128x128xf32, #tpu.memory_space<vmem>> -> memref<1x128x128xf32, #tpu.memory_space<vmem>>
      %dma_wait3A_237 = tpu.memref_squeeze %dma_wait3A_236 : memref<1x128x128xf32, #tpu.memory_space<vmem>> -> memref<128x128xf32, #tpu.memory_space<vmem>>
      %dma_wait3A_238 = arith.constant 0 : i32
      %dma_wait3A_239 = tpu.memref_slice %arg6[%dma_wait3A_232, %dma_wait3A_238] : memref<8x128xi32, #tpu.memory_space<vmem>> -> memref<1x128xi32, #tpu.memory_space<vmem>>
      %dma_wait3A_240 = tpu.memref_squeeze %dma_wait3A_239 : memref<1x128xi32, #tpu.memory_space<vmem>> -> memref<128xi32, #tpu.memory_space<vmem>>
      %dma_wait3A_241 = arith.constant 0 : i32
      %dma_wait3A_242 = arith.constant 0 : i32
      %dma_wait3A_243 = tpu.memref_slice %arg2[%dma_wait3A_241, %dma_wait3A_242] : memref<10240x128xf32, #tpu.memory_space<hbm>> -> memref<10240x128xf32, #tpu.memory_space<hbm>>
      tpu.wait_indirect_dma semaphore(%arg11 : memref<!tpu.dma_semaphore, #tpu.memory_space<semaphore_mem>>) src(%dma_wait3A_243 : memref<10240x128xf32, #tpu.memory_space<hbm>>) dst(%dma_wait3A_237 : memref<128x128xf32, #tpu.memory_space<vmem>>)
      %dma_start3A_244 = arith.constant 1 : i32
      %dma_start3A_245 = arith.constant 3 : i32
      %dma_start3A_246 = arith.constant 0 : i32
      %dma_start3A_247 = arith.constant 0 : i32
      %dma_start3A_248 = tpu.memref_slice %arg8[%dma_start3A_244, %dma_start3A_246, %dma_start3A_247] : memref<2x128x128xf32, #tpu.memory_space<vmem>> -> memref<1x128x128xf32, #tpu.memory_space<vmem>>
      %dma_start3A_249 = tpu.memref_squeeze %dma_start3A_248 : memref<1x128x128xf32, #tpu.memory_space<vmem>> -> memref<128x128xf32, #tpu.memory_space<vmem>>
      %dma_start3A_250 = arith.constant 0 : i32
      %dma_start3A_251 = tpu.memref_slice %arg7[%dma_start3A_245, %dma_start3A_250] : memref<8x128xi32, #tpu.memory_space<vmem>> -> memref<1x128xi32, #tpu.memory_space<vmem>>
      %dma_start3A_252 = tpu.memref_squeeze %dma_start3A_251 : memref<1x128xi32, #tpu.memory_space<vmem>> -> memref<128xi32, #tpu.memory_space<vmem>>
      %dma_start3A_253 = arith.constant 0 : i32
      %dma_start3A_254 = arith.constant 0 : i32
      %dma_start3A_255 = tpu.memref_slice %arg9[%dma_start3A_253, %dma_start3A_254] : memref<10240x128xf32, #tpu.memory_space<vmem_shared>> -> memref<10240x128xf32, #tpu.memory_space<vmem_shared>>
      tpu.enqueue_indirect_dma source(%dma_start3A_249 : memref<128x128xf32, #tpu.memory_space<vmem>>) target(%dma_start3A_255 : memref<10240x128xf32, #tpu.memory_space<vmem_shared>>) offsets(%dma_start3A_252 : memref<128xi32, #tpu.memory_space<vmem>>) semaphore(%arg13 : memref<!tpu.dma_semaphore, #tpu.memory_space<semaphore_mem>>) {add = true}
      %dma_wait3A_256 = arith.constant 1 : i32
      %dma_wait3A_257 = arith.constant 3 : i32
      %dma_wait3A_258 = arith.constant 0 : i32
      %dma_wait3A_259 = arith.constant 0 : i32
      %dma_wait3A_260 = tpu.memref_slice %arg8[%dma_wait3A_256, %dma_wait3A_258, %dma_wait3A_259] : memref<2x128x128xf32, #tpu.memory_space<vmem>> -> memref<1x128x128xf32, #tpu.memory_space<vmem>>
      %dma_wait3A_261 = tpu.memref_squeeze %dma_wait3A_260 : memref<1x128x128xf32, #tpu.memory_space<vmem>> -> memref<128x128xf32, #tpu.memory_space<vmem>>
      %dma_wait3A_262 = arith.constant 0 : i32
      %dma_wait3A_263 = tpu.memref_slice %arg7[%dma_wait3A_257, %dma_wait3A_262] : memref<8x128xi32, #tpu.memory_space<vmem>> -> memref<1x128xi32, #tpu.memory_space<vmem>>
      %dma_wait3A_264 = tpu.memref_squeeze %dma_wait3A_263 : memref<1x128xi32, #tpu.memory_space<vmem>> -> memref<128xi32, #tpu.memory_space<vmem>>
      %dma_wait3A_265 = arith.constant 0 : i32
      %dma_wait3A_266 = arith.constant 0 : i32
      %dma_wait3A_267 = tpu.memref_slice %arg9[%dma_wait3A_265, %dma_wait3A_266] : memref<10240x128xf32, #tpu.memory_space<vmem_shared>> -> memref<10240x128xf32, #tpu.memory_space<vmem_shared>>
      tpu.wait_indirect_dma semaphore(%arg13 : memref<!tpu.dma_semaphore, #tpu.memory_space<semaphore_mem>>) src(%dma_wait3A_261 : memref<128x128xf32, #tpu.memory_space<vmem>>) dst(%dma_wait3A_267 : memref<10240x128xf32, #tpu.memory_space<vmem_shared>>)
      %dma_start3A_268 = arith.constant 5 : i32
      %dma_start3A_269 = arith.constant 1 : i32
      %dma_start3A_270 = arith.constant 0 : i32
      %dma_start3A_271 = arith.constant 0 : i32
      %dma_start3A_272 = tpu.memref_slice %arg8[%dma_start3A_269, %dma_start3A_270, %dma_start3A_271] : memref<2x128x128xf32, #tpu.memory_space<vmem>> -> memref<1x128x128xf32, #tpu.memory_space<vmem>>
      %dma_start3A_273 = tpu.memref_squeeze %dma_start3A_272 : memref<1x128x128xf32, #tpu.memory_space<vmem>> -> memref<128x128xf32, #tpu.memory_space<vmem>>
      %dma_start3A_274 = arith.constant 0 : i32
      %dma_start3A_275 = tpu.memref_slice %arg6[%dma_start3A_268, %dma_start3A_274] : memref<8x128xi32, #tpu.memory_space<vmem>> -> memref<1x128xi32, #tpu.memory_space<vmem>>
      %dma_start3A_276 = tpu.memref_squeeze %dma_start3A_275 : memref<1x128xi32, #tpu.memory_space<vmem>> -> memref<128xi32, #tpu.memory_space<vmem>>
      %dma_start3A_277 = arith.constant 0 : i32
      %dma_start3A_278 = arith.constant 0 : i32
      %dma_start3A_279 = tpu.memref_slice %arg2[%dma_start3A_277, %dma_start3A_278] : memref<10240x128xf32, #tpu.memory_space<hbm>> -> memref<10240x128xf32, #tpu.memory_space<hbm>>
      tpu.enqueue_indirect_dma source(%dma_start3A_279 : memref<10240x128xf32, #tpu.memory_space<hbm>>) target(%dma_start3A_273 : memref<128x128xf32, #tpu.memory_space<vmem>>) offsets(%dma_start3A_276 : memref<128xi32, #tpu.memory_space<vmem>>) semaphore(%arg11 : memref<!tpu.dma_semaphore, #tpu.memory_space<semaphore_mem>>)
      %dma_wait3A_280 = arith.constant 4 : i32
      %dma_wait3A_281 = arith.constant 0 : i32
      %dma_wait3A_282 = arith.constant 0 : i32
      %dma_wait3A_283 = arith.constant 0 : i32
      %dma_wait3A_284 = tpu.memref_slice %arg8[%dma_wait3A_281, %dma_wait3A_282, %dma_wait3A_283] : memref<2x128x128xf32, #tpu.memory_space<vmem>> -> memref<1x128x128xf32, #tpu.memory_space<vmem>>
      %dma_wait3A_285 = tpu.memref_squeeze %dma_wait3A_284 : memref<1x128x128xf32, #tpu.memory_space<vmem>> -> memref<128x128xf32, #tpu.memory_space<vmem>>
      %dma_wait3A_286 = arith.constant 0 : i32
      %dma_wait3A_287 = tpu.memref_slice %arg6[%dma_wait3A_280, %dma_wait3A_286] : memref<8x128xi32, #tpu.memory_space<vmem>> -> memref<1x128xi32, #tpu.memory_space<vmem>>
      %dma_wait3A_288 = tpu.memref_squeeze %dma_wait3A_287 : memref<1x128xi32, #tpu.memory_space<vmem>> -> memref<128xi32, #tpu.memory_space<vmem>>
      %dma_wait3A_289 = arith.constant 0 : i32
      %dma_wait3A_290 = arith.constant 0 : i32
      %dma_wait3A_291 = tpu.memref_slice %arg2[%dma_wait3A_289, %dma_wait3A_290] : memref<10240x128xf32, #tpu.memory_space<hbm>> -> memref<10240x128xf32, #tpu.memory_space<hbm>>
      tpu.wait_indirect_dma semaphore(%arg10 : memref<!tpu.dma_semaphore, #tpu.memory_space<semaphore_mem>>) src(%dma_wait3A_291 : memref<10240x128xf32, #tpu.memory_space<hbm>>) dst(%dma_wait3A_285 : memref<128x128xf32, #tpu.memory_space<vmem>>)
      %dma_start3A_292 = arith.constant 0 : i32
      %dma_start3A_293 = arith.constant 4 : i32
      %dma_start3A_294 = arith.constant 0 : i32
      %dma_start3A_295 = arith.constant 0 : i32
      %dma_start3A_296 = tpu.memref_slice %arg8[%dma_start3A_292, %dma_start3A_294, %dma_start3A_295] : memref<2x128x128xf32, #tpu.memory_space<vmem>> -> memref<1x128x128xf32, #tpu.memory_space<vmem>>
      %dma_start3A_297 = tpu.memref_squeeze %dma_start3A_296 : memref<1x128x128xf32, #tpu.memory_space<vmem>> -> memref<128x128xf32, #tpu.memory_space<vmem>>
      %dma_start3A_298 = arith.constant 0 : i32
      %dma_start3A_299 = tpu.memref_slice %arg7[%dma_start3A_293, %dma_start3A_298] : memref<8x128xi32, #tpu.memory_space<vmem>> -> memref<1x128xi32, #tpu.memory_space<vmem>>
      %dma_start3A_300 = tpu.memref_squeeze %dma_start3A_299 : memref<1x128xi32, #tpu.memory_space<vmem>> -> memref<128xi32, #tpu.memory_space<vmem>>
      %dma_start3A_301 = arith.constant 0 : i32
      %dma_start3A_302 = arith.constant 0 : i32
      %dma_start3A_303 = tpu.memref_slice %arg9[%dma_start3A_301, %dma_start3A_302] : memref<10240x128xf32, #tpu.memory_space<vmem_shared>> -> memref<10240x128xf32, #tpu.memory_space<vmem_shared>>
      tpu.enqueue_indirect_dma source(%dma_start3A_297 : memref<128x128xf32, #tpu.memory_space<vmem>>) target(%dma_start3A_303 : memref<10240x128xf32, #tpu.memory_space<vmem_shared>>) offsets(%dma_start3A_300 : memref<128xi32, #tpu.memory_space<vmem>>) semaphore(%arg12 : memref<!tpu.dma_semaphore, #tpu.memory_space<semaphore_mem>>) {add = true}
      %dma_wait3A_304 = arith.constant 0 : i32
      %dma_wait3A_305 = arith.constant 4 : i32
      %dma_wait3A_306 = arith.constant 0 : i32
      %dma_wait3A_307 = arith.constant 0 : i32
      %dma_wait3A_308 = tpu.memref_slice %arg8[%dma_wait3A_304, %dma_wait3A_306, %dma_wait3A_307] : memref<2x128x128xf32, #tpu.memory_space<vmem>> -> memref<1x128x128xf32, #tpu.memory_space<vmem>>
      %dma_wait3A_309 = tpu.memref_squeeze %dma_wait3A_308 : memref<1x128x128xf32, #tpu.memory_space<vmem>> -> memref<128x128xf32, #tpu.memory_space<vmem>>
      %dma_wait3A_310 = arith.constant 0 : i32
      %dma_wait3A_311 = tpu.memref_slice %arg7[%dma_wait3A_305, %dma_wait3A_310] : memref<8x128xi32, #tpu.memory_space<vmem>> -> memref<1x128xi32, #tpu.memory_space<vmem>>
      %dma_wait3A_312 = tpu.memref_squeeze %dma_wait3A_311 : memref<1x128xi32, #tpu.memory_space<vmem>> -> memref<128xi32, #tpu.memory_space<vmem>>
      %dma_wait3A_313 = arith.constant 0 : i32
      %dma_wait3A_314 = arith.constant 0 : i32
      %dma_wait3A_315 = tpu.memref_slice %arg9[%dma_wait3A_313, %dma_wait3A_314] : memref<10240x128xf32, #tpu.memory_space<vmem_shared>> -> memref<10240x128xf32, #tpu.memory_space<vmem_shared>>
      tpu.wait_indirect_dma semaphore(%arg12 : memref<!tpu.dma_semaphore, #tpu.memory_space<semaphore_mem>>) src(%dma_wait3A_309 : memref<128x128xf32, #tpu.memory_space<vmem>>) dst(%dma_wait3A_315 : memref<10240x128xf32, #tpu.memory_space<vmem_shared>>)
      %dma_start3A_316 = arith.constant 6 : i32
      %dma_start3A_317 = arith.constant 0 : i32
      %dma_start3A_318 = arith.constant 0 : i32
      %dma_start3A_319 = arith.constant 0 : i32
      %dma_start3A_320 = tpu.memref_slice %arg8[%dma_start3A_317, %dma_start3A_318, %dma_start3A_319] : memref<2x128x128xf32, #tpu.memory_space<vmem>> -> memref<1x128x128xf32, #tpu.memory_space<vmem>>
      %dma_start3A_321 = tpu.memref_squeeze %dma_start3A_320 : memref<1x128x128xf32, #tpu.memory_space<vmem>> -> memref<128x128xf32, #tpu.memory_space<vmem>>
      %dma_start3A_322 = arith.constant 0 : i32
      %dma_start3A_323 = tpu.memref_slice %arg6[%dma_start3A_316, %dma_start3A_322] : memref<8x128xi32, #tpu.memory_space<vmem>> -> memref<1x128xi32, #tpu.memory_space<vmem>>
      %dma_start3A_324 = tpu.memref_squeeze %dma_start3A_323 : memref<1x128xi32, #tpu.memory_space<vmem>> -> memref<128xi32, #tpu.memory_space<vmem>>
      %dma_start3A_325 = arith.constant 0 : i32
      %dma_start3A_326 = arith.constant 0 : i32
      %dma_start3A_327 = tpu.memref_slice %arg2[%dma_start3A_325, %dma_start3A_326] : memref<10240x128xf32, #tpu.memory_space<hbm>> -> memref<10240x128xf32, #tpu.memory_space<hbm>>
      tpu.enqueue_indirect_dma source(%dma_start3A_327 : memref<10240x128xf32, #tpu.memory_space<hbm>>) target(%dma_start3A_321 : memref<128x128xf32, #tpu.memory_space<vmem>>) offsets(%dma_start3A_324 : memref<128xi32, #tpu.memory_space<vmem>>) semaphore(%arg10 : memref<!tpu.dma_semaphore, #tpu.memory_space<semaphore_mem>>)
      %dma_wait3A_328 = arith.constant 5 : i32
      %dma_wait3A_329 = arith.constant 1 : i32
      %dma_wait3A_330 = arith.constant 0 : i32
      %dma_wait3A_331 = arith.constant 0 : i32
      %dma_wait3A_332 = tpu.memref_slice %arg8[%dma_wait3A_329, %dma_wait3A_330, %dma_wait3A_331] : memref<2x128x128xf32, #tpu.memory_space<vmem>> -> memref<1x128x128xf32, #tpu.memory_space<vmem>>
      %dma_wait3A_333 = tpu.memref_squeeze %dma_wait3A_332 : memref<1x128x128xf32, #tpu.memory_space<vmem>> -> memref<128x128xf32, #tpu.memory_space<vmem>>
      %dma_wait3A_334 = arith.constant 0 : i32
      %dma_wait3A_335 = tpu.memref_slice %arg6[%dma_wait3A_328, %dma_wait3A_334] : memref<8x128xi32, #tpu.memory_space<vmem>> -> memref<1x128xi32, #tpu.memory_space<vmem>>
      %dma_wait3A_336 = tpu.memref_squeeze %dma_wait3A_335 : memref<1x128xi32, #tpu.memory_space<vmem>> -> memref<128xi32, #tpu.memory_space<vmem>>
      %dma_wait3A_337 = arith.constant 0 : i32
      %dma_wait3A_338 = arith.constant 0 : i32
      %dma_wait3A_339 = tpu.memref_slice %arg2[%dma_wait3A_337, %dma_wait3A_338] : memref<10240x128xf32, #tpu.memory_space<hbm>> -> memref<10240x128xf32, #tpu.memory_space<hbm>>
      tpu.wait_indirect_dma semaphore(%arg11 : memref<!tpu.dma_semaphore, #tpu.memory_space<semaphore_mem>>) src(%dma_wait3A_339 : memref<10240x128xf32, #tpu.memory_space<hbm>>) dst(%dma_wait3A_333 : memref<128x128xf32, #tpu.memory_space<vmem>>)
      %dma_start3A_340 = arith.constant 1 : i32
      %dma_start3A_341 = arith.constant 5 : i32
      %dma_start3A_342 = arith.constant 0 : i32
      %dma_start3A_343 = arith.constant 0 : i32
      %dma_start3A_344 = tpu.memref_slice %arg8[%dma_start3A_340, %dma_start3A_342, %dma_start3A_343] : memref<2x128x128xf32, #tpu.memory_space<vmem>> -> memref<1x128x128xf32, #tpu.memory_space<vmem>>
      %dma_start3A_345 = tpu.memref_squeeze %dma_start3A_344 : memref<1x128x128xf32, #tpu.memory_space<vmem>> -> memref<128x128xf32, #tpu.memory_space<vmem>>
      %dma_start3A_346 = arith.constant 0 : i32
      %dma_start3A_347 = tpu.memref_slice %arg7[%dma_start3A_341, %dma_start3A_346] : memref<8x128xi32, #tpu.memory_space<vmem>> -> memref<1x128xi32, #tpu.memory_space<vmem>>
      %dma_start3A_348 = tpu.memref_squeeze %dma_start3A_347 : memref<1x128xi32, #tpu.memory_space<vmem>> -> memref<128xi32, #tpu.memory_space<vmem>>
      %dma_start3A_349 = arith.constant 0 : i32
      %dma_start3A_350 = arith.constant 0 : i32
      %dma_start3A_351 = tpu.memref_slice %arg9[%dma_start3A_349, %dma_start3A_350] : memref<10240x128xf32, #tpu.memory_space<vmem_shared>> -> memref<10240x128xf32, #tpu.memory_space<vmem_shared>>
      tpu.enqueue_indirect_dma source(%dma_start3A_345 : memref<128x128xf32, #tpu.memory_space<vmem>>) target(%dma_start3A_351 : memref<10240x128xf32, #tpu.memory_space<vmem_shared>>) offsets(%dma_start3A_348 : memref<128xi32, #tpu.memory_space<vmem>>) semaphore(%arg13 : memref<!tpu.dma_semaphore, #tpu.memory_space<semaphore_mem>>) {add = true}
      %dma_wait3A_352 = arith.constant 1 : i32
      %dma_wait3A_353 = arith.constant 5 : i32
      %dma_wait3A_354 = arith.constant 0 : i32
      %dma_wait3A_355 = arith.constant 0 : i32
      %dma_wait3A_356 = tpu.memref_slice %arg8[%dma_wait3A_352, %dma_wait3A_354, %dma_wait3A_355] : memref<2x128x128xf32, #tpu.memory_space<vmem>> -> memref<1x128x128xf32, #tpu.memory_space<vmem>>
      %dma_wait3A_357 = tpu.memref_squeeze %dma_wait3A_356 : memref<1x128x128xf32, #tpu.memory_space<vmem>> -> memref<128x128xf32, #tpu.memory_space<vmem>>
      %dma_wait3A_358 = arith.constant 0 : i32
      %dma_wait3A_359 = tpu.memref_slice %arg7[%dma_wait3A_353, %dma_wait3A_358] : memref<8x128xi32, #tpu.memory_space<vmem>> -> memref<1x128xi32, #tpu.memory_space<vmem>>
      %dma_wait3A_360 = tpu.memref_squeeze %dma_wait3A_359 : memref<1x128xi32, #tpu.memory_space<vmem>> -> memref<128xi32, #tpu.memory_space<vmem>>
      %dma_wait3A_361 = arith.constant 0 : i32
      %dma_wait3A_362 = arith.constant 0 : i32
      %dma_wait3A_363 = tpu.memref_slice %arg9[%dma_wait3A_361, %dma_wait3A_362] : memref<10240x128xf32, #tpu.memory_space<vmem_shared>> -> memref<10240x128xf32, #tpu.memory_space<vmem_shared>>
      tpu.wait_indirect_dma semaphore(%arg13 : memref<!tpu.dma_semaphore, #tpu.memory_space<semaphore_mem>>) src(%dma_wait3A_357 : memref<128x128xf32, #tpu.memory_space<vmem>>) dst(%dma_wait3A_363 : memref<10240x128xf32, #tpu.memory_space<vmem_shared>>)
      %dma_start3A_364 = arith.constant 7 : i32
      %dma_start3A_365 = arith.constant 1 : i32
      %dma_start3A_366 = arith.constant 0 : i32
      %dma_start3A_367 = arith.constant 0 : i32
      %dma_start3A_368 = tpu.memref_slice %arg8[%dma_start3A_365, %dma_start3A_366, %dma_start3A_367] : memref<2x128x128xf32, #tpu.memory_space<vmem>> -> memref<1x128x128xf32, #tpu.memory_space<vmem>>
      %dma_start3A_369 = tpu.memref_squeeze %dma_start3A_368 : memref<1x128x128xf32, #tpu.memory_space<vmem>> -> memref<128x128xf32, #tpu.memory_space<vmem>>
      %dma_start3A_370 = arith.constant 0 : i32
      %dma_start3A_371 = tpu.memref_slice %arg6[%dma_start3A_364, %dma_start3A_370] : memref<8x128xi32, #tpu.memory_space<vmem>> -> memref<1x128xi32, #tpu.memory_space<vmem>>
      %dma_start3A_372 = tpu.memref_squeeze %dma_start3A_371 : memref<1x128xi32, #tpu.memory_space<vmem>> -> memref<128xi32, #tpu.memory_space<vmem>>
      %dma_start3A_373 = arith.constant 0 : i32
      %dma_start3A_374 = arith.constant 0 : i32
      %dma_start3A_375 = tpu.memref_slice %arg2[%dma_start3A_373, %dma_start3A_374] : memref<10240x128xf32, #tpu.memory_space<hbm>> -> memref<10240x128xf32, #tpu.memory_space<hbm>>
      tpu.enqueue_indirect_dma source(%dma_start3A_375 : memref<10240x128xf32, #tpu.memory_space<hbm>>) target(%dma_start3A_369 : memref<128x128xf32, #tpu.memory_space<vmem>>) offsets(%dma_start3A_372 : memref<128xi32, #tpu.memory_space<vmem>>) semaphore(%arg11 : memref<!tpu.dma_semaphore, #tpu.memory_space<semaphore_mem>>)
      %dma_wait3A_376 = arith.constant 6 : i32
      %dma_wait3A_377 = arith.constant 0 : i32
      %dma_wait3A_378 = arith.constant 0 : i32
      %dma_wait3A_379 = arith.constant 0 : i32
      %dma_wait3A_380 = tpu.memref_slice %arg8[%dma_wait3A_377, %dma_wait3A_378, %dma_wait3A_379] : memref<2x128x128xf32, #tpu.memory_space<vmem>> -> memref<1x128x128xf32, #tpu.memory_space<vmem>>
      %dma_wait3A_381 = tpu.memref_squeeze %dma_wait3A_380 : memref<1x128x128xf32, #tpu.memory_space<vmem>> -> memref<128x128xf32, #tpu.memory_space<vmem>>
      %dma_wait3A_382 = arith.constant 0 : i32
      %dma_wait3A_383 = tpu.memref_slice %arg6[%dma_wait3A_376, %dma_wait3A_382] : memref<8x128xi32, #tpu.memory_space<vmem>> -> memref<1x128xi32, #tpu.memory_space<vmem>>
      %dma_wait3A_384 = tpu.memref_squeeze %dma_wait3A_383 : memref<1x128xi32, #tpu.memory_space<vmem>> -> memref<128xi32, #tpu.memory_space<vmem>>
      %dma_wait3A_385 = arith.constant 0 : i32
      %dma_wait3A_386 = arith.constant 0 : i32
      %dma_wait3A_387 = tpu.memref_slice %arg2[%dma_wait3A_385, %dma_wait3A_386] : memref<10240x128xf32, #tpu.memory_space<hbm>> -> memref<10240x128xf32, #tpu.memory_space<hbm>>
      tpu.wait_indirect_dma semaphore(%arg10 : memref<!tpu.dma_semaphore, #tpu.memory_space<semaphore_mem>>) src(%dma_wait3A_387 : memref<10240x128xf32, #tpu.memory_space<hbm>>) dst(%dma_wait3A_381 : memref<128x128xf32, #tpu.memory_space<vmem>>)
      %dma_start3A_388 = arith.constant 0 : i32
      %dma_start3A_389 = arith.constant 6 : i32
      %dma_start3A_390 = arith.constant 0 : i32
      %dma_start3A_391 = arith.constant 0 : i32
      %dma_start3A_392 = tpu.memref_slice %arg8[%dma_start3A_388, %dma_start3A_390, %dma_start3A_391] : memref<2x128x128xf32, #tpu.memory_space<vmem>> -> memref<1x128x128xf32, #tpu.memory_space<vmem>>
      %dma_start3A_393 = tpu.memref_squeeze %dma_start3A_392 : memref<1x128x128xf32, #tpu.memory_space<vmem>> -> memref<128x128xf32, #tpu.memory_space<vmem>>
      %dma_start3A_394 = arith.constant 0 : i32
      %dma_start3A_395 = tpu.memref_slice %arg7[%dma_start3A_389, %dma_start3A_394] : memref<8x128xi32, #tpu.memory_space<vmem>> -> memref<1x128xi32, #tpu.memory_space<vmem>>
      %dma_start3A_396 = tpu.memref_squeeze %dma_start3A_395 : memref<1x128xi32, #tpu.memory_space<vmem>> -> memref<128xi32, #tpu.memory_space<vmem>>
      %dma_start3A_397 = arith.constant 0 : i32
      %dma_start3A_398 = arith.constant 0 : i32
      %dma_start3A_399 = tpu.memref_slice %arg9[%dma_start3A_397, %dma_start3A_398] : memref<10240x128xf32, #tpu.memory_space<vmem_shared>> -> memref<10240x128xf32, #tpu.memory_space<vmem_shared>>
      tpu.enqueue_indirect_dma source(%dma_start3A_393 : memref<128x128xf32, #tpu.memory_space<vmem>>) target(%dma_start3A_399 : memref<10240x128xf32, #tpu.memory_space<vmem_shared>>) offsets(%dma_start3A_396 : memref<128xi32, #tpu.memory_space<vmem>>) semaphore(%arg12 : memref<!tpu.dma_semaphore, #tpu.memory_space<semaphore_mem>>) {add = true}
      %dma_wait3A_400 = arith.constant 7 : i32
      %dma_wait3A_401 = arith.constant 1 : i32
      %dma_wait3A_402 = arith.constant 0 : i32
      %dma_wait3A_403 = arith.constant 0 : i32
      %dma_wait3A_404 = tpu.memref_slice %arg8[%dma_wait3A_401, %dma_wait3A_402, %dma_wait3A_403] : memref<2x128x128xf32, #tpu.memory_space<vmem>> -> memref<1x128x128xf32, #tpu.memory_space<vmem>>
      %dma_wait3A_405 = tpu.memref_squeeze %dma_wait3A_404 : memref<1x128x128xf32, #tpu.memory_space<vmem>> -> memref<128x128xf32, #tpu.memory_space<vmem>>
      %dma_wait3A_406 = arith.constant 0 : i32
      %dma_wait3A_407 = tpu.memref_slice %arg6[%dma_wait3A_400, %dma_wait3A_406] : memref<8x128xi32, #tpu.memory_space<vmem>> -> memref<1x128xi32, #tpu.memory_space<vmem>>
      %dma_wait3A_408 = tpu.memref_squeeze %dma_wait3A_407 : memref<1x128xi32, #tpu.memory_space<vmem>> -> memref<128xi32, #tpu.memory_space<vmem>>
      %dma_wait3A_409 = arith.constant 0 : i32
      %dma_wait3A_410 = arith.constant 0 : i32
      %dma_wait3A_411 = tpu.memref_slice %arg2[%dma_wait3A_409, %dma_wait3A_410] : memref<10240x128xf32, #tpu.memory_space<hbm>> -> memref<10240x128xf32, #tpu.memory_space<hbm>>
      tpu.wait_indirect_dma semaphore(%arg11 : memref<!tpu.dma_semaphore, #tpu.memory_space<semaphore_mem>>) src(%dma_wait3A_411 : memref<10240x128xf32, #tpu.memory_space<hbm>>) dst(%dma_wait3A_405 : memref<128x128xf32, #tpu.memory_space<vmem>>)
      %dma_start3A_412 = arith.constant 1 : i32
      %dma_start3A_413 = arith.constant 7 : i32
      %dma_start3A_414 = arith.constant 0 : i32
      %dma_start3A_415 = arith.constant 0 : i32
      %dma_start3A_416 = tpu.memref_slice %arg8[%dma_start3A_412, %dma_start3A_414, %dma_start3A_415] : memref<2x128x128xf32, #tpu.memory_space<vmem>> -> memref<1x128x128xf32, #tpu.memory_space<vmem>>
      %dma_start3A_417 = tpu.memref_squeeze %dma_start3A_416 : memref<1x128x128xf32, #tpu.memory_space<vmem>> -> memref<128x128xf32, #tpu.memory_space<vmem>>
      %dma_start3A_418 = arith.constant 0 : i32
      %dma_start3A_419 = tpu.memref_slice %arg7[%dma_start3A_413, %dma_start3A_418] : memref<8x128xi32, #tpu.memory_space<vmem>> -> memref<1x128xi32, #tpu.memory_space<vmem>>
      %dma_start3A_420 = tpu.memref_squeeze %dma_start3A_419 : memref<1x128xi32, #tpu.memory_space<vmem>> -> memref<128xi32, #tpu.memory_space<vmem>>
      %dma_start3A_421 = arith.constant 0 : i32
      %dma_start3A_422 = arith.constant 0 : i32
      %dma_start3A_423 = tpu.memref_slice %arg9[%dma_start3A_421, %dma_start3A_422] : memref<10240x128xf32, #tpu.memory_space<vmem_shared>> -> memref<10240x128xf32, #tpu.memory_space<vmem_shared>>
      tpu.enqueue_indirect_dma source(%dma_start3A_417 : memref<128x128xf32, #tpu.memory_space<vmem>>) target(%dma_start3A_423 : memref<10240x128xf32, #tpu.memory_space<vmem_shared>>) offsets(%dma_start3A_420 : memref<128xi32, #tpu.memory_space<vmem>>) semaphore(%arg13 : memref<!tpu.dma_semaphore, #tpu.memory_space<semaphore_mem>>) {add = true}
      %dma_wait3A_424 = arith.constant 0 : i32
      %dma_wait3A_425 = arith.constant 6 : i32
      %dma_wait3A_426 = arith.constant 0 : i32
      %dma_wait3A_427 = arith.constant 0 : i32
      %dma_wait3A_428 = tpu.memref_slice %arg8[%dma_wait3A_424, %dma_wait3A_426, %dma_wait3A_427] : memref<2x128x128xf32, #tpu.memory_space<vmem>> -> memref<1x128x128xf32, #tpu.memory_space<vmem>>
      %dma_wait3A_429 = tpu.memref_squeeze %dma_wait3A_428 : memref<1x128x128xf32, #tpu.memory_space<vmem>> -> memref<128x128xf32, #tpu.memory_space<vmem>>
      %dma_wait3A_430 = arith.constant 0 : i32
      %dma_wait3A_431 = tpu.memref_slice %arg7[%dma_wait3A_425, %dma_wait3A_430] : memref<8x128xi32, #tpu.memory_space<vmem>> -> memref<1x128xi32, #tpu.memory_space<vmem>>
      %dma_wait3A_432 = tpu.memref_squeeze %dma_wait3A_431 : memref<1x128xi32, #tpu.memory_space<vmem>> -> memref<128xi32, #tpu.memory_space<vmem>>
      %dma_wait3A_433 = arith.constant 0 : i32
      %dma_wait3A_434 = arith.constant 0 : i32
      %dma_wait3A_435 = tpu.memref_slice %arg9[%dma_wait3A_433, %dma_wait3A_434] : memref<10240x128xf32, #tpu.memory_space<vmem_shared>> -> memref<10240x128xf32, #tpu.memory_space<vmem_shared>>
      tpu.wait_indirect_dma semaphore(%arg12 : memref<!tpu.dma_semaphore, #tpu.memory_space<semaphore_mem>>) src(%dma_wait3A_429 : memref<128x128xf32, #tpu.memory_space<vmem>>) dst(%dma_wait3A_435 : memref<10240x128xf32, #tpu.memory_space<vmem_shared>>)
      %dma_wait3A_436 = arith.constant 1 : i32
      %dma_wait3A_437 = arith.constant 7 : i32
      %dma_wait3A_438 = arith.constant 0 : i32
      %dma_wait3A_439 = arith.constant 0 : i32
      %dma_wait3A_440 = tpu.memref_slice %arg8[%dma_wait3A_436, %dma_wait3A_438, %dma_wait3A_439] : memref<2x128x128xf32, #tpu.memory_space<vmem>> -> memref<1x128x128xf32, #tpu.memory_space<vmem>>
      %dma_wait3A_441 = tpu.memref_squeeze %dma_wait3A_440 : memref<1x128x128xf32, #tpu.memory_space<vmem>> -> memref<128x128xf32, #tpu.memory_space<vmem>>
      %dma_wait3A_442 = arith.constant 0 : i32
      %dma_wait3A_443 = tpu.memref_slice %arg7[%dma_wait3A_437, %dma_wait3A_442] : memref<8x128xi32, #tpu.memory_space<vmem>> -> memref<1x128xi32, #tpu.memory_space<vmem>>
      %dma_wait3A_444 = tpu.memref_squeeze %dma_wait3A_443 : memref<1x128xi32, #tpu.memory_space<vmem>> -> memref<128xi32, #tpu.memory_space<vmem>>
      %dma_wait3A_445 = arith.constant 0 : i32
      %dma_wait3A_446 = arith.constant 0 : i32
      %dma_wait3A_447 = tpu.memref_slice %arg9[%dma_wait3A_445, %dma_wait3A_446] : memref<10240x128xf32, #tpu.memory_space<vmem_shared>> -> memref<10240x128xf32, #tpu.memory_space<vmem_shared>>
      tpu.wait_indirect_dma semaphore(%arg13 : memref<!tpu.dma_semaphore, #tpu.memory_space<semaphore_mem>>) src(%dma_wait3A_441 : memref<128x128xf32, #tpu.memory_space<vmem>>) dst(%dma_wait3A_447 : memref<10240x128xf32, #tpu.memory_space<vmem_shared>>)
      %scan3A_448 = arith.constant 0 : i32
      scf.yield %scan3A_448 : i32
    }
    %scan3A_37 = arith.constant 10 : i32
    %barrier3A_38 = arith.constant 0 : index
    tpu.barrier barrier_id(%barrier3A_38)
    %mul3A_39 = arith.constant 640 : i32
    %mul3A_40 = arith.muli %arg1, %mul3A_39 : i32
    %add3A_41 = arith.constant 0 : i32
    %add3A_42 = arith.addi %mul3A_40, %add3A_41 : i32
    "tpu.region"() ({
      %run_scoped3A_59 = tpu.sem_alloc : memref<!tpu.dma_semaphore, #tpu.memory_space<semaphore_mem>>
      %dma_start3A = arith.constant 0 : i32
      %dma_start3A_60 = arith.constant 0 : i32
      %dma_start3A_61 = tpu.memref_slice %arg5[%arg0, %dma_start3A, %dma_start3A_60] : memref<2x10240x128xf32, #tpu.memory_space<hbm>> -> memref<1x10240x128xf32, #tpu.memory_space<hbm>>
      %dma_start3A_62 = tpu.memref_squeeze %dma_start3A_61 : memref<1x10240x128xf32, #tpu.memory_space<hbm>> -> memref<10240x128xf32, #tpu.memory_space<hbm>>
      %dma_start3A_63 = arith.constant 0 : i32
      %dma_start3A_64 = tpu.memref_slice %dma_start3A_62[%add3A_42, %dma_start3A_63] : memref<10240x128xf32, #tpu.memory_space<hbm>> -> memref<128x128xf32, #tpu.memory_space<hbm>>
      %dma_start3A_65 = arith.constant 0 : i32
      %dma_start3A_66 = tpu.memref_slice %arg9[%add3A_42, %dma_start3A_65] : memref<10240x128xf32, #tpu.memory_space<vmem_shared>> -> memref<128x128xf32, #tpu.memory_space<vmem_shared>>
      tpu.enqueue_dma source(%dma_start3A_66 : memref<128x128xf32, #tpu.memory_space<vmem_shared>>) target(%dma_start3A_64 : memref<128x128xf32, #tpu.memory_space<hbm>>) target_semaphore(%run_scoped3A_59 : memref<!tpu.dma_semaphore, #tpu.memory_space<semaphore_mem>>)
      %dma_wait3A = arith.constant 0 : i32
      %dma_wait3A_67 = arith.constant 0 : i32
      %dma_wait3A_68 = tpu.memref_slice %arg5[%arg0, %dma_wait3A, %dma_wait3A_67] : memref<2x10240x128xf32, #tpu.memory_space<hbm>> -> memref<1x10240x128xf32, #tpu.memory_space<hbm>>
      %dma_wait3A_69 = tpu.memref_squeeze %dma_wait3A_68 : memref<1x10240x128xf32, #tpu.memory_space<hbm>> -> memref<10240x128xf32, #tpu.memory_space<hbm>>
      %dma_wait3A_70 = arith.constant 0 : i32
      %dma_wait3A_71 = tpu.memref_slice %dma_wait3A_69[%add3A_42, %dma_wait3A_70] : memref<10240x128xf32, #tpu.memory_space<hbm>> -> memref<128x128xf32, #tpu.memory_space<hbm>>
      %dma_wait3A_72 = arith.constant 0 : i32
      %dma_wait3A_73 = tpu.memref_slice %arg9[%add3A_42, %dma_wait3A_72] : memref<10240x128xf32, #tpu.memory_space<vmem_shared>> -> memref<128x128xf32, #tpu.memory_space<vmem_shared>>
      tpu.wait_dma2 semaphore(%run_scoped3A_59 : memref<!tpu.dma_semaphore, #tpu.memory_space<semaphore_mem>>) src(%dma_wait3A_73 : memref<128x128xf32, #tpu.memory_space<vmem_shared>>) dst(%dma_wait3A_71 : memref<128x128xf32, #tpu.memory_space<hbm>>)
      tpu.yield
    }) : () -> ()
    %mul3A_43 = arith.constant 640 : i32
    %mul3A_44 = arith.muli %arg1, %mul3A_43 : i32
    %add3A_45 = arith.constant 128 : i32
    %add3A_46 = arith.addi %mul3A_44, %add3A_45 : i32
    "tpu.region"() ({
      %run_scoped3A_59 = tpu.sem_alloc : memref<!tpu.dma_semaphore, #tpu.memory_space<semaphore_mem>>
      %dma_start3A = arith.constant 0 : i32
      %dma_start3A_60 = arith.constant 0 : i32
      %dma_start3A_61 = tpu.memref_slice %arg5[%arg0, %dma_start3A, %dma_start3A_60] : memref<2x10240x128xf32, #tpu.memory_space<hbm>> -> memref<1x10240x128xf32, #tpu.memory_space<hbm>>
      %dma_start3A_62 = tpu.memref_squeeze %dma_start3A_61 : memref<1x10240x128xf32, #tpu.memory_space<hbm>> -> memref<10240x128xf32, #tpu.memory_space<hbm>>
      %dma_start3A_63 = arith.constant 0 : i32
      %dma_start3A_64 = tpu.memref_slice %dma_start3A_62[%add3A_46, %dma_start3A_63] : memref<10240x128xf32, #tpu.memory_space<hbm>> -> memref<128x128xf32, #tpu.memory_space<hbm>>
      %dma_start3A_65 = arith.constant 0 : i32
      %dma_start3A_66 = tpu.memref_slice %arg9[%add3A_46, %dma_start3A_65] : memref<10240x128xf32, #tpu.memory_space<vmem_shared>> -> memref<128x128xf32, #tpu.memory_space<vmem_shared>>
      tpu.enqueue_dma source(%dma_start3A_66 : memref<128x128xf32, #tpu.memory_space<vmem_shared>>) target(%dma_start3A_64 : memref<128x128xf32, #tpu.memory_space<hbm>>) target_semaphore(%run_scoped3A_59 : memref<!tpu.dma_semaphore, #tpu.memory_space<semaphore_mem>>)
      %dma_wait3A = arith.constant 0 : i32
      %dma_wait3A_67 = arith.constant 0 : i32
      %dma_wait3A_68 = tpu.memref_slice %arg5[%arg0, %dma_wait3A, %dma_wait3A_67] : memref<2x10240x128xf32, #tpu.memory_space<hbm>> -> memref<1x10240x128xf32, #tpu.memory_space<hbm>>
      %dma_wait3A_69 = tpu.memref_squeeze %dma_wait3A_68 : memref<1x10240x128xf32, #tpu.memory_space<hbm>> -> memref<10240x128xf32, #tpu.memory_space<hbm>>
      %dma_wait3A_70 = arith.constant 0 : i32
      %dma_wait3A_71 = tpu.memref_slice %dma_wait3A_69[%add3A_46, %dma_wait3A_70] : memref<10240x128xf32, #tpu.memory_space<hbm>> -> memref<128x128xf32, #tpu.memory_space<hbm>>
      %dma_wait3A_72 = arith.constant 0 : i32
      %dma_wait3A_73 = tpu.memref_slice %arg9[%add3A_46, %dma_wait3A_72] : memref<10240x128xf32, #tpu.memory_space<vmem_shared>> -> memref<128x128xf32, #tpu.memory_space<vmem_shared>>
      tpu.wait_dma2 semaphore(%run_scoped3A_59 : memref<!tpu.dma_semaphore, #tpu.memory_space<semaphore_mem>>) src(%dma_wait3A_73 : memref<128x128xf32, #tpu.memory_space<vmem_shared>>) dst(%dma_wait3A_71 : memref<128x128xf32, #tpu.memory_space<hbm>>)
      tpu.yield
    }) : () -> ()
    %mul3A_47 = arith.constant 640 : i32
    %mul3A_48 = arith.muli %arg1, %mul3A_47 : i32
    %add3A_49 = arith.constant 256 : i32
    %add3A_50 = arith.addi %mul3A_48, %add3A_49 : i32
    "tpu.region"() ({
      %run_scoped3A_59 = tpu.sem_alloc : memref<!tpu.dma_semaphore, #tpu.memory_space<semaphore_mem>>
      %dma_start3A = arith.constant 0 : i32
      %dma_start3A_60 = arith.constant 0 : i32
      %dma_start3A_61 = tpu.memref_slice %arg5[%arg0, %dma_start3A, %dma_start3A_60] : memref<2x10240x128xf32, #tpu.memory_space<hbm>> -> memref<1x10240x128xf32, #tpu.memory_space<hbm>>
      %dma_start3A_62 = tpu.memref_squeeze %dma_start3A_61 : memref<1x10240x128xf32, #tpu.memory_space<hbm>> -> memref<10240x128xf32, #tpu.memory_space<hbm>>
      %dma_start3A_63 = arith.constant 0 : i32
      %dma_start3A_64 = tpu.memref_slice %dma_start3A_62[%add3A_50, %dma_start3A_63] : memref<10240x128xf32, #tpu.memory_space<hbm>> -> memref<128x128xf32, #tpu.memory_space<hbm>>
      %dma_start3A_65 = arith.constant 0 : i32
      %dma_start3A_66 = tpu.memref_slice %arg9[%add3A_50, %dma_start3A_65] : memref<10240x128xf32, #tpu.memory_space<vmem_shared>> -> memref<128x128xf32, #tpu.memory_space<vmem_shared>>
      tpu.enqueue_dma source(%dma_start3A_66 : memref<128x128xf32, #tpu.memory_space<vmem_shared>>) target(%dma_start3A_64 : memref<128x128xf32, #tpu.memory_space<hbm>>) target_semaphore(%run_scoped3A_59 : memref<!tpu.dma_semaphore, #tpu.memory_space<semaphore_mem>>)
      %dma_wait3A = arith.constant 0 : i32
      %dma_wait3A_67 = arith.constant 0 : i32
      %dma_wait3A_68 = tpu.memref_slice %arg5[%arg0, %dma_wait3A, %dma_wait3A_67] : memref<2x10240x128xf32, #tpu.memory_space<hbm>> -> memref<1x10240x128xf32, #tpu.memory_space<hbm>>
      %dma_wait3A_69 = tpu.memref_squeeze %dma_wait3A_68 : memref<1x10240x128xf32, #tpu.memory_space<hbm>> -> memref<10240x128xf32, #tpu.memory_space<hbm>>
      %dma_wait3A_70 = arith.constant 0 : i32
      %dma_wait3A_71 = tpu.memref_slice %dma_wait3A_69[%add3A_50, %dma_wait3A_70] : memref<10240x128xf32, #tpu.memory_space<hbm>> -> memref<128x128xf32, #tpu.memory_space<hbm>>
      %dma_wait3A_72 = arith.constant 0 : i32
      %dma_wait3A_73 = tpu.memref_slice %arg9[%add3A_50, %dma_wait3A_72] : memref<10240x128xf32, #tpu.memory_space<vmem_shared>> -> memref<128x128xf32, #tpu.memory_space<vmem_shared>>
      tpu.wait_dma2 semaphore(%run_scoped3A_59 : memref<!tpu.dma_semaphore, #tpu.memory_space<semaphore_mem>>) src(%dma_wait3A_73 : memref<128x128xf32, #tpu.memory_space<vmem_shared>>) dst(%dma_wait3A_71 : memref<128x128xf32, #tpu.memory_space<hbm>>)
      tpu.yield
    }) : () -> ()
    %mul3A_51 = arith.constant 640 : i32
    %mul3A_52 = arith.muli %arg1, %mul3A_51 : i32
    %add3A_53 = arith.constant 384 : i32
    %add3A_54 = arith.addi %mul3A_52, %add3A_53 : i32
    "tpu.region"() ({
      %run_scoped3A_59 = tpu.sem_alloc : memref<!tpu.dma_semaphore, #tpu.memory_space<semaphore_mem>>
      %dma_start3A = arith.constant 0 : i32
      %dma_start3A_60 = arith.constant 0 : i32
      %dma_start3A_61 = tpu.memref_slice %arg5[%arg0, %dma_start3A, %dma_start3A_60] : memref<2x10240x128xf32, #tpu.memory_space<hbm>> -> memref<1x10240x128xf32, #tpu.memory_space<hbm>>
      %dma_start3A_62 = tpu.memref_squeeze %dma_start3A_61 : memref<1x10240x128xf32, #tpu.memory_space<hbm>> -> memref<10240x128xf32, #tpu.memory_space<hbm>>
      %dma_start3A_63 = arith.constant 0 : i32
      %dma_start3A_64 = tpu.memref_slice %dma_start3A_62[%add3A_54, %dma_start3A_63] : memref<10240x128xf32, #tpu.memory_space<hbm>> -> memref<128x128xf32, #tpu.memory_space<hbm>>
      %dma_start3A_65 = arith.constant 0 : i32
      %dma_start3A_66 = tpu.memref_slice %arg9[%add3A_54, %dma_start3A_65] : memref<10240x128xf32, #tpu.memory_space<vmem_shared>> -> memref<128x128xf32, #tpu.memory_space<vmem_shared>>
      tpu.enqueue_dma source(%dma_start3A_66 : memref<128x128xf32, #tpu.memory_space<vmem_shared>>) target(%dma_start3A_64 : memref<128x128xf32, #tpu.memory_space<hbm>>) target_semaphore(%run_scoped3A_59 : memref<!tpu.dma_semaphore, #tpu.memory_space<semaphore_mem>>)
      %dma_wait3A = arith.constant 0 : i32
      %dma_wait3A_67 = arith.constant 0 : i32
      %dma_wait3A_68 = tpu.memref_slice %arg5[%arg0, %dma_wait3A, %dma_wait3A_67] : memref<2x10240x128xf32, #tpu.memory_space<hbm>> -> memref<1x10240x128xf32, #tpu.memory_space<hbm>>
      %dma_wait3A_69 = tpu.memref_squeeze %dma_wait3A_68 : memref<1x10240x128xf32, #tpu.memory_space<hbm>> -> memref<10240x128xf32, #tpu.memory_space<hbm>>
      %dma_wait3A_70 = arith.constant 0 : i32
      %dma_wait3A_71 = tpu.memref_slice %dma_wait3A_69[%add3A_54, %dma_wait3A_70] : memref<10240x128xf32, #tpu.memory_space<hbm>> -> memref<128x128xf32, #tpu.memory_space<hbm>>
      %dma_wait3A_72 = arith.constant 0 : i32
      %dma_wait3A_73 = tpu.memref_slice %arg9[%add3A_54, %dma_wait3A_72] : memref<10240x128xf32, #tpu.memory_space<vmem_shared>> -> memref<128x128xf32, #tpu.memory_space<vmem_shared>>
      tpu.wait_dma2 semaphore(%run_scoped3A_59 : memref<!tpu.dma_semaphore, #tpu.memory_space<semaphore_mem>>) src(%dma_wait3A_73 : memref<128x128xf32, #tpu.memory_space<vmem_shared>>) dst(%dma_wait3A_71 : memref<128x128xf32, #tpu.memory_space<hbm>>)
      tpu.yield
    }) : () -> ()
    %mul3A_55 = arith.constant 640 : i32
    %mul3A_56 = arith.muli %arg1, %mul3A_55 : i32
    %add3A_57 = arith.constant 512 : i32
    %add3A_58 = arith.addi %mul3A_56, %add3A_57 : i32
    "tpu.region"() ({
      %run_scoped3A_59 = tpu.sem_alloc : memref<!tpu.dma_semaphore, #tpu.memory_space<semaphore_mem>>
      %dma_start3A = arith.constant 0 : i32
      %dma_start3A_60 = arith.constant 0 : i32
      %dma_start3A_61 = tpu.memref_slice %arg5[%arg0, %dma_start3A, %dma_start3A_60] : memref<2x10240x128xf32, #tpu.memory_space<hbm>> -> memref<1x10240x128xf32, #tpu.memory_space<hbm>>
      %dma_start3A_62 = tpu.memref_squeeze %dma_start3A_61 : memref<1x10240x128xf32, #tpu.memory_space<hbm>> -> memref<10240x128xf32, #tpu.memory_space<hbm>>
      %dma_start3A_63 = arith.constant 0 : i32
      %dma_start3A_64 = tpu.memref_slice %dma_start3A_62[%add3A_58, %dma_start3A_63] : memref<10240x128xf32, #tpu.memory_space<hbm>> -> memref<128x128xf32, #tpu.memory_space<hbm>>
      %dma_start3A_65 = arith.constant 0 : i32
      %dma_start3A_66 = tpu.memref_slice %arg9[%add3A_58, %dma_start3A_65] : memref<10240x128xf32, #tpu.memory_space<vmem_shared>> -> memref<128x128xf32, #tpu.memory_space<vmem_shared>>
      tpu.enqueue_dma source(%dma_start3A_66 : memref<128x128xf32, #tpu.memory_space<vmem_shared>>) target(%dma_start3A_64 : memref<128x128xf32, #tpu.memory_space<hbm>>) target_semaphore(%run_scoped3A_59 : memref<!tpu.dma_semaphore, #tpu.memory_space<semaphore_mem>>)
      %dma_wait3A = arith.constant 0 : i32
      %dma_wait3A_67 = arith.constant 0 : i32
      %dma_wait3A_68 = tpu.memref_slice %arg5[%arg0, %dma_wait3A, %dma_wait3A_67] : memref<2x10240x128xf32, #tpu.memory_space<hbm>> -> memref<1x10240x128xf32, #tpu.memory_space<hbm>>
      %dma_wait3A_69 = tpu.memref_squeeze %dma_wait3A_68 : memref<1x10240x128xf32, #tpu.memory_space<hbm>> -> memref<10240x128xf32, #tpu.memory_space<hbm>>
      %dma_wait3A_70 = arith.constant 0 : i32
      %dma_wait3A_71 = tpu.memref_slice %dma_wait3A_69[%add3A_58, %dma_wait3A_70] : memref<10240x128xf32, #tpu.memory_space<hbm>> -> memref<128x128xf32, #tpu.memory_space<hbm>>
      %dma_wait3A_72 = arith.constant 0 : i32
      %dma_wait3A_73 = tpu.memref_slice %arg9[%add3A_58, %dma_wait3A_72] : memref<10240x128xf32, #tpu.memory_space<vmem_shared>> -> memref<128x128xf32, #tpu.memory_space<vmem_shared>>
      tpu.wait_dma2 semaphore(%run_scoped3A_59 : memref<!tpu.dma_semaphore, #tpu.memory_space<semaphore_mem>>) src(%dma_wait3A_73 : memref<128x128xf32, #tpu.memory_space<vmem_shared>>) dst(%dma_wait3A_71 : memref<128x128xf32, #tpu.memory_space<hbm>>)
      tpu.yield
    }) : () -> ()
    return
  }
}

#map = affine_map<(d0, d1) -> (0, 0)>
#map1 = affine_map<(d0, d1) -> (0, 0, 0)>
module attributes {stable_mosaic.version = 14 : i64} {
  func.func @_agg_body(%arg0: i32, %arg1: i32, %arg2: memref<10240x128xf32, #tpu.memory_space<hbm>>, %arg3: memref<2560x128xi32, #tpu.memory_space<hbm>>, %arg4: memref<2560x128xi32, #tpu.memory_space<hbm>>, %arg5: memref<2x10240x128xf32, #tpu.memory_space<hbm>>, %arg6: memref<8x128xi32, #tpu.memory_space<vmem>>, %arg7: memref<8x128xi32, #tpu.memory_space<vmem>>, %arg8: memref<2x128x128xf32, #tpu.memory_space<vmem>>, %arg9: memref<10240x128xf32, #tpu.memory_space<vmem_shared>>, %arg10: memref<!tpu.dma_semaphore, #tpu.memory_space<semaphore_mem>>, %arg11: memref<!tpu.dma_semaphore, #tpu.memory_space<semaphore_mem>>, %arg12: memref<!tpu.dma_semaphore, #tpu.memory_space<semaphore_mem>>, %arg13: memref<!tpu.dma_semaphore, #tpu.memory_space<semaphore_mem>>) attributes {dimension_semantics = [#tpu.dimension_semantics<core_parallel>, #tpu.dimension_semantics<subcore_parallel>], iteration_bounds = array<i64: 2, 16>, scalar_prefetch = 0 : i64, scratch_operands = 8 : i64, tpu.core_type = #tpu.core_type<sc_vector_subcore>, window_params = [{transform_indices = #map}, {transform_indices = #map}, {transform_indices = #map}, {transform_indices = #map1}]} {
    %mul3A = arith.constant 2 : i32
    %mul3A_0 = arith.muli %arg1, %mul3A : i32
    %add3A = arith.addi %mul3A_0, %arg0 : i32
    %scan3A = arith.constant 0 : i32
    %scan3A_1 = arith.constant 0 : i32
    %scan3A_2 = arith.constant 128 : i32
    %scan3A_3 = arith.addi %scan3A_1, %scan3A_2 : i32
    %scan3A_4 = arith.constant 1 : i32
    %scan3A_5 = scf.for %scan3A_59 = %scan3A_1 to %scan3A_3 step %scan3A_4 iter_args(%scan3A_60 = %scan3A) -> (i32)  : i32 {
      %scan3A_61 = arith.constant 0 : i32
      %scan3A_62 = arith.constant 0 : i32
      %scan3A_63 = arith.constant 8 : i32
      %scan3A_64 = arith.addi %scan3A_62, %scan3A_63 : i32
      %scan3A_65 = arith.constant 1 : i32
      %scan3A_66 = scf.for %scan3A_69 = %scan3A_62 to %scan3A_64 step %scan3A_65 iter_args(%scan3A_70 = %scan3A_61) -> (i32)  : i32 {
        %broadcast_in_dim3A = arith.constant 0.000000e+00 : f32
        %broadcast_in_dim3A_71 = vector.broadcast %broadcast_in_dim3A : f32 to vector<16xf32>
        %mul3A_72 = arith.constant 16 : i32
        %mul3A_73 = arith.muli %scan3A_69, %mul3A_72 : i32
        %swap3A = arith.constant 0 : i32
        %swap3A_74 = arith.index_cast %swap3A : i32 to index
        %swap3A_75 = arith.index_cast %scan3A_59 : i32 to index
        %swap3A_76 = arith.index_cast %mul3A_73 : i32 to index
        %swap3A_77 = tpu.vector_load %arg8[%swap3A_74, %swap3A_75, %swap3A_76] {strides = array<i32>} : memref<2x128x128xf32, #tpu.memory_space<vmem>>, vector<1x1x16xf32>,
        %swap3A_78 = vector.shape_cast %swap3A_77 : vector<1x1x16xf32> to vector<16xf32>
        %swap3A_79 = vector.shape_cast %broadcast_in_dim3A_71 : vector<16xf32> to vector<1x1x16xf32>
        tpu.vector_store %arg8[%swap3A_74, %swap3A_75, %swap3A_76], %swap3A_79 {strides = array<i32>} : memref<2x128x128xf32, #tpu.memory_space<vmem>>, vector<1x1x16xf32>,
        %scan3A_80 = arith.constant 0 : i32
        scf.yield %scan3A_80 : i32
      }
      %scan3A_67 = arith.constant 8 : i32
      %scan3A_68 = arith.constant 0 : i32
      scf.yield %scan3A_68 : i32
    }
    %scan3A_6 = arith.constant 128 : i32
    %mul3A_7 = arith.constant 640 : i32
    %mul3A_8 = arith.muli %arg1, %mul3A_7 : i32
    %add3A_9 = arith.constant 0 : i32
    %add3A_10 = arith.addi %mul3A_8, %add3A_9 : i32
    %run_scoped3A = arith.constant 0 : i32
    "tpu.region"() ({
      %run_scoped3A_59 = tpu.sem_alloc : memref<!tpu.dma_semaphore, #tpu.memory_space<semaphore_mem>>
      %dma_start3A = arith.constant 0 : i32
      %dma_start3A_60 = arith.constant 0 : i32
      %dma_start3A_61 = tpu.memref_slice %arg8[%run_scoped3A, %dma_start3A, %dma_start3A_60] : memref<2x128x128xf32, #tpu.memory_space<vmem>> -> memref<1x128x128xf32, #tpu.memory_space<vmem>>
      %dma_start3A_62 = tpu.memref_squeeze %dma_start3A_61 : memref<1x128x128xf32, #tpu.memory_space<vmem>> -> memref<128x128xf32, #tpu.memory_space<vmem>>
      %dma_start3A_63 = arith.constant 0 : i32
      %dma_start3A_64 = tpu.memref_slice %arg9[%add3A_10, %dma_start3A_63] : memref<10240x128xf32, #tpu.memory_space<vmem_shared>> -> memref<128x128xf32, #tpu.memory_space<vmem_shared>>
      %dma_start3A_65 = arith.constant 0 : i32
      %dma_start3A_66 = tpu.memref_slice %arg9[%add3A_10, %dma_start3A_65] : memref<10240x128xf32, #tpu.memory_space<vmem_shared>> -> memref<128x128xf32, #tpu.memory_space<vmem_shared>>
      %dma_start3A_67 = arith.constant 0 : i32
      %dma_start3A_68 = arith.constant 0 : i32
      %dma_start3A_69 = tpu.memref_slice %arg8[%run_scoped3A, %dma_start3A_67, %dma_start3A_68] : memref<2x128x128xf32, #tpu.memory_space<vmem>> -> memref<1x128x128xf32, #tpu.memory_space<vmem>>
      %dma_start3A_70 = tpu.memref_squeeze %dma_start3A_69 : memref<1x128x128xf32, #tpu.memory_space<vmem>> -> memref<128x128xf32, #tpu.memory_space<vmem>>
      tpu.enqueue_dma source(%dma_start3A_70 : memref<128x128xf32, #tpu.memory_space<vmem>>) target(%dma_start3A_66 : memref<128x128xf32, #tpu.memory_space<vmem_shared>>) target_semaphore(%run_scoped3A_59 : memref<!tpu.dma_semaphore, #tpu.memory_space<semaphore_mem>>)
      %dma_wait3A = arith.constant 0 : i32
      %dma_wait3A_71 = arith.constant 0 : i32
      %dma_wait3A_72 = tpu.memref_slice %arg8[%run_scoped3A, %dma_wait3A, %dma_wait3A_71] : memref<2x128x128xf32, #tpu.memory_space<vmem>> -> memref<1x128x128xf32, #tpu.memory_space<vmem>>
      %dma_wait3A_73 = tpu.memref_squeeze %dma_wait3A_72 : memref<1x128x128xf32, #tpu.memory_space<vmem>> -> memref<128x128xf32, #tpu.memory_space<vmem>>
      %dma_wait3A_74 = arith.constant 0 : i32
      %dma_wait3A_75 = tpu.memref_slice %arg9[%add3A_10, %dma_wait3A_74] : memref<10240x128xf32, #tpu.memory_space<vmem_shared>> -> memref<128x128xf32, #tpu.memory_space<vmem_shared>>
      %dma_wait3A_76 = arith.constant 0 : i32
      %dma_wait3A_77 = tpu.memref_slice %arg9[%add3A_10, %dma_wait3A_76] : memref<10240x128xf32, #tpu.memory_space<vmem_shared>> -> memref<128x128xf32, #tpu.memory_space<vmem_shared>>
      %dma_wait3A_78 = arith.constant 0 : i32
      %dma_wait3A_79 = arith.constant 0 : i32
      %dma_wait3A_80 = tpu.memref_slice %arg8[%run_scoped3A, %dma_wait3A_78, %dma_wait3A_79] : memref<2x128x128xf32, #tpu.memory_space<vmem>> -> memref<1x128x128xf32, #tpu.memory_space<vmem>>
      %dma_wait3A_81 = tpu.memref_squeeze %dma_wait3A_80 : memref<1x128x128xf32, #tpu.memory_space<vmem>> -> memref<128x128xf32, #tpu.memory_space<vmem>>
      tpu.wait_dma2 semaphore(%run_scoped3A_59 : memref<!tpu.dma_semaphore, #tpu.memory_space<semaphore_mem>>) src(%dma_wait3A_81 : memref<128x128xf32, #tpu.memory_space<vmem>>) dst(%dma_wait3A_77 : memref<128x128xf32, #tpu.memory_space<vmem_shared>>)
      tpu.yield
    }) : () -> ()
    %mul3A_11 = arith.constant 640 : i32
    %mul3A_12 = arith.muli %arg1, %mul3A_11 : i32
    %add3A_13 = arith.constant 128 : i32
    %add3A_14 = arith.addi %mul3A_12, %add3A_13 : i32
    %run_scoped3A_15 = arith.constant 0 : i32
    "tpu.region"() ({
      %run_scoped3A_59 = tpu.sem_alloc : memref<!tpu.dma_semaphore, #tpu.memory_space<semaphore_mem>>
      %dma_start3A = arith.constant 0 : i32
      %dma_start3A_60 = arith.constant 0 : i32
      %dma_start3A_61 = tpu.memref_slice %arg8[%run_scoped3A_15, %dma_start3A, %dma_start3A_60] : memref<2x128x128xf32, #tpu.memory_space<vmem>> -> memref<1x128x128xf32, #tpu.memory_space<vmem>>
      %dma_start3A_62 = tpu.memref_squeeze %dma_start3A_61 : memref<1x128x128xf32, #tpu.memory_space<vmem>> -> memref<128x128xf32, #tpu.memory_space<vmem>>
      %dma_start3A_63 = arith.constant 0 : i32
      %dma_start3A_64 = tpu.memref_slice %arg9[%add3A_14, %dma_start3A_63] : memref<10240x128xf32, #tpu.memory_space<vmem_shared>> -> memref<128x128xf32, #tpu.memory_space<vmem_shared>>
      %dma_start3A_65 = arith.constant 0 : i32
      %dma_start3A_66 = tpu.memref_slice %arg9[%add3A_14, %dma_start3A_65] : memref<10240x128xf32, #tpu.memory_space<vmem_shared>> -> memref<128x128xf32, #tpu.memory_space<vmem_shared>>
      %dma_start3A_67 = arith.constant 0 : i32
      %dma_start3A_68 = arith.constant 0 : i32
      %dma_start3A_69 = tpu.memref_slice %arg8[%run_scoped3A_15, %dma_start3A_67, %dma_start3A_68] : memref<2x128x128xf32, #tpu.memory_space<vmem>> -> memref<1x128x128xf32, #tpu.memory_space<vmem>>
      %dma_start3A_70 = tpu.memref_squeeze %dma_start3A_69 : memref<1x128x128xf32, #tpu.memory_space<vmem>> -> memref<128x128xf32, #tpu.memory_space<vmem>>
      tpu.enqueue_dma source(%dma_start3A_70 : memref<128x128xf32, #tpu.memory_space<vmem>>) target(%dma_start3A_66 : memref<128x128xf32, #tpu.memory_space<vmem_shared>>) target_semaphore(%run_scoped3A_59 : memref<!tpu.dma_semaphore, #tpu.memory_space<semaphore_mem>>)
      %dma_wait3A = arith.constant 0 : i32
      %dma_wait3A_71 = arith.constant 0 : i32
      %dma_wait3A_72 = tpu.memref_slice %arg8[%run_scoped3A_15, %dma_wait3A, %dma_wait3A_71] : memref<2x128x128xf32, #tpu.memory_space<vmem>> -> memref<1x128x128xf32, #tpu.memory_space<vmem>>
      %dma_wait3A_73 = tpu.memref_squeeze %dma_wait3A_72 : memref<1x128x128xf32, #tpu.memory_space<vmem>> -> memref<128x128xf32, #tpu.memory_space<vmem>>
      %dma_wait3A_74 = arith.constant 0 : i32
      %dma_wait3A_75 = tpu.memref_slice %arg9[%add3A_14, %dma_wait3A_74] : memref<10240x128xf32, #tpu.memory_space<vmem_shared>> -> memref<128x128xf32, #tpu.memory_space<vmem_shared>>
      %dma_wait3A_76 = arith.constant 0 : i32
      %dma_wait3A_77 = tpu.memref_slice %arg9[%add3A_14, %dma_wait3A_76] : memref<10240x128xf32, #tpu.memory_space<vmem_shared>> -> memref<128x128xf32, #tpu.memory_space<vmem_shared>>
      %dma_wait3A_78 = arith.constant 0 : i32
      %dma_wait3A_79 = arith.constant 0 : i32
      %dma_wait3A_80 = tpu.memref_slice %arg8[%run_scoped3A_15, %dma_wait3A_78, %dma_wait3A_79] : memref<2x128x128xf32, #tpu.memory_space<vmem>> -> memref<1x128x128xf32, #tpu.memory_space<vmem>>
      %dma_wait3A_81 = tpu.memref_squeeze %dma_wait3A_80 : memref<1x128x128xf32, #tpu.memory_space<vmem>> -> memref<128x128xf32, #tpu.memory_space<vmem>>
      tpu.wait_dma2 semaphore(%run_scoped3A_59 : memref<!tpu.dma_semaphore, #tpu.memory_space<semaphore_mem>>) src(%dma_wait3A_81 : memref<128x128xf32, #tpu.memory_space<vmem>>) dst(%dma_wait3A_77 : memref<128x128xf32, #tpu.memory_space<vmem_shared>>)
      tpu.yield
    }) : () -> ()
    %mul3A_16 = arith.constant 640 : i32
    %mul3A_17 = arith.muli %arg1, %mul3A_16 : i32
    %add3A_18 = arith.constant 256 : i32
    %add3A_19 = arith.addi %mul3A_17, %add3A_18 : i32
    %run_scoped3A_20 = arith.constant 0 : i32
    "tpu.region"() ({
      %run_scoped3A_59 = tpu.sem_alloc : memref<!tpu.dma_semaphore, #tpu.memory_space<semaphore_mem>>
      %dma_start3A = arith.constant 0 : i32
      %dma_start3A_60 = arith.constant 0 : i32
      %dma_start3A_61 = tpu.memref_slice %arg8[%run_scoped3A_20, %dma_start3A, %dma_start3A_60] : memref<2x128x128xf32, #tpu.memory_space<vmem>> -> memref<1x128x128xf32, #tpu.memory_space<vmem>>
      %dma_start3A_62 = tpu.memref_squeeze %dma_start3A_61 : memref<1x128x128xf32, #tpu.memory_space<vmem>> -> memref<128x128xf32, #tpu.memory_space<vmem>>
      %dma_start3A_63 = arith.constant 0 : i32
      %dma_start3A_64 = tpu.memref_slice %arg9[%add3A_19, %dma_start3A_63] : memref<10240x128xf32, #tpu.memory_space<vmem_shared>> -> memref<128x128xf32, #tpu.memory_space<vmem_shared>>
      %dma_start3A_65 = arith.constant 0 : i32
      %dma_start3A_66 = tpu.memref_slice %arg9[%add3A_19, %dma_start3A_65] : memref<10240x128xf32, #tpu.memory_space<vmem_shared>> -> memref<128x128xf32, #tpu.memory_space<vmem_shared>>
      %dma_start3A_67 = arith.constant 0 : i32
      %dma_start3A_68 = arith.constant 0 : i32
      %dma_start3A_69 = tpu.memref_slice %arg8[%run_scoped3A_20, %dma_start3A_67, %dma_start3A_68] : memref<2x128x128xf32, #tpu.memory_space<vmem>> -> memref<1x128x128xf32, #tpu.memory_space<vmem>>
      %dma_start3A_70 = tpu.memref_squeeze %dma_start3A_69 : memref<1x128x128xf32, #tpu.memory_space<vmem>> -> memref<128x128xf32, #tpu.memory_space<vmem>>
      tpu.enqueue_dma source(%dma_start3A_70 : memref<128x128xf32, #tpu.memory_space<vmem>>) target(%dma_start3A_66 : memref<128x128xf32, #tpu.memory_space<vmem_shared>>) target_semaphore(%run_scoped3A_59 : memref<!tpu.dma_semaphore, #tpu.memory_space<semaphore_mem>>)
      %dma_wait3A = arith.constant 0 : i32
      %dma_wait3A_71 = arith.constant 0 : i32
      %dma_wait3A_72 = tpu.memref_slice %arg8[%run_scoped3A_20, %dma_wait3A, %dma_wait3A_71] : memref<2x128x128xf32, #tpu.memory_space<vmem>> -> memref<1x128x128xf32, #tpu.memory_space<vmem>>
      %dma_wait3A_73 = tpu.memref_squeeze %dma_wait3A_72 : memref<1x128x128xf32, #tpu.memory_space<vmem>> -> memref<128x128xf32, #tpu.memory_space<vmem>>
      %dma_wait3A_74 = arith.constant 0 : i32
      %dma_wait3A_75 = tpu.memref_slice %arg9[%add3A_19, %dma_wait3A_74] : memref<10240x128xf32, #tpu.memory_space<vmem_shared>> -> memref<128x128xf32, #tpu.memory_space<vmem_shared>>
      %dma_wait3A_76 = arith.constant 0 : i32
      %dma_wait3A_77 = tpu.memref_slice %arg9[%add3A_19, %dma_wait3A_76] : memref<10240x128xf32, #tpu.memory_space<vmem_shared>> -> memref<128x128xf32, #tpu.memory_space<vmem_shared>>
      %dma_wait3A_78 = arith.constant 0 : i32
      %dma_wait3A_79 = arith.constant 0 : i32
      %dma_wait3A_80 = tpu.memref_slice %arg8[%run_scoped3A_20, %dma_wait3A_78, %dma_wait3A_79] : memref<2x128x128xf32, #tpu.memory_space<vmem>> -> memref<1x128x128xf32, #tpu.memory_space<vmem>>
      %dma_wait3A_81 = tpu.memref_squeeze %dma_wait3A_80 : memref<1x128x128xf32, #tpu.memory_space<vmem>> -> memref<128x128xf32, #tpu.memory_space<vmem>>
      tpu.wait_dma2 semaphore(%run_scoped3A_59 : memref<!tpu.dma_semaphore, #tpu.memory_space<semaphore_mem>>) src(%dma_wait3A_81 : memref<128x128xf32, #tpu.memory_space<vmem>>) dst(%dma_wait3A_77 : memref<128x128xf32, #tpu.memory_space<vmem_shared>>)
      tpu.yield
    }) : () -> ()
    %mul3A_21 = arith.constant 640 : i32
    %mul3A_22 = arith.muli %arg1, %mul3A_21 : i32
    %add3A_23 = arith.constant 384 : i32
    %add3A_24 = arith.addi %mul3A_22, %add3A_23 : i32
    %run_scoped3A_25 = arith.constant 0 : i32
    "tpu.region"() ({
      %run_scoped3A_59 = tpu.sem_alloc : memref<!tpu.dma_semaphore, #tpu.memory_space<semaphore_mem>>
      %dma_start3A = arith.constant 0 : i32
      %dma_start3A_60 = arith.constant 0 : i32
      %dma_start3A_61 = tpu.memref_slice %arg8[%run_scoped3A_25, %dma_start3A, %dma_start3A_60] : memref<2x128x128xf32, #tpu.memory_space<vmem>> -> memref<1x128x128xf32, #tpu.memory_space<vmem>>
      %dma_start3A_62 = tpu.memref_squeeze %dma_start3A_61 : memref<1x128x128xf32, #tpu.memory_space<vmem>> -> memref<128x128xf32, #tpu.memory_space<vmem>>
      %dma_start3A_63 = arith.constant 0 : i32
      %dma_start3A_64 = tpu.memref_slice %arg9[%add3A_24, %dma_start3A_63] : memref<10240x128xf32, #tpu.memory_space<vmem_shared>> -> memref<128x128xf32, #tpu.memory_space<vmem_shared>>
      %dma_start3A_65 = arith.constant 0 : i32
      %dma_start3A_66 = tpu.memref_slice %arg9[%add3A_24, %dma_start3A_65] : memref<10240x128xf32, #tpu.memory_space<vmem_shared>> -> memref<128x128xf32, #tpu.memory_space<vmem_shared>>
      %dma_start3A_67 = arith.constant 0 : i32
      %dma_start3A_68 = arith.constant 0 : i32
      %dma_start3A_69 = tpu.memref_slice %arg8[%run_scoped3A_25, %dma_start3A_67, %dma_start3A_68] : memref<2x128x128xf32, #tpu.memory_space<vmem>> -> memref<1x128x128xf32, #tpu.memory_space<vmem>>
      %dma_start3A_70 = tpu.memref_squeeze %dma_start3A_69 : memref<1x128x128xf32, #tpu.memory_space<vmem>> -> memref<128x128xf32, #tpu.memory_space<vmem>>
      tpu.enqueue_dma source(%dma_start3A_70 : memref<128x128xf32, #tpu.memory_space<vmem>>) target(%dma_start3A_66 : memref<128x128xf32, #tpu.memory_space<vmem_shared>>) target_semaphore(%run_scoped3A_59 : memref<!tpu.dma_semaphore, #tpu.memory_space<semaphore_mem>>)
      %dma_wait3A = arith.constant 0 : i32
      %dma_wait3A_71 = arith.constant 0 : i32
      %dma_wait3A_72 = tpu.memref_slice %arg8[%run_scoped3A_25, %dma_wait3A, %dma_wait3A_71] : memref<2x128x128xf32, #tpu.memory_space<vmem>> -> memref<1x128x128xf32, #tpu.memory_space<vmem>>
      %dma_wait3A_73 = tpu.memref_squeeze %dma_wait3A_72 : memref<1x128x128xf32, #tpu.memory_space<vmem>> -> memref<128x128xf32, #tpu.memory_space<vmem>>
      %dma_wait3A_74 = arith.constant 0 : i32
      %dma_wait3A_75 = tpu.memref_slice %arg9[%add3A_24, %dma_wait3A_74] : memref<10240x128xf32, #tpu.memory_space<vmem_shared>> -> memref<128x128xf32, #tpu.memory_space<vmem_shared>>
      %dma_wait3A_76 = arith.constant 0 : i32
      %dma_wait3A_77 = tpu.memref_slice %arg9[%add3A_24, %dma_wait3A_76] : memref<10240x128xf32, #tpu.memory_space<vmem_shared>> -> memref<128x128xf32, #tpu.memory_space<vmem_shared>>
      %dma_wait3A_78 = arith.constant 0 : i32
      %dma_wait3A_79 = arith.constant 0 : i32
      %dma_wait3A_80 = tpu.memref_slice %arg8[%run_scoped3A_25, %dma_wait3A_78, %dma_wait3A_79] : memref<2x128x128xf32, #tpu.memory_space<vmem>> -> memref<1x128x128xf32, #tpu.memory_space<vmem>>
      %dma_wait3A_81 = tpu.memref_squeeze %dma_wait3A_80 : memref<1x128x128xf32, #tpu.memory_space<vmem>> -> memref<128x128xf32, #tpu.memory_space<vmem>>
      tpu.wait_dma2 semaphore(%run_scoped3A_59 : memref<!tpu.dma_semaphore, #tpu.memory_space<semaphore_mem>>) src(%dma_wait3A_81 : memref<128x128xf32, #tpu.memory_space<vmem>>) dst(%dma_wait3A_77 : memref<128x128xf32, #tpu.memory_space<vmem_shared>>)
      tpu.yield
    }) : () -> ()
    %mul3A_26 = arith.constant 640 : i32
    %mul3A_27 = arith.muli %arg1, %mul3A_26 : i32
    %add3A_28 = arith.constant 512 : i32
    %add3A_29 = arith.addi %mul3A_27, %add3A_28 : i32
    %run_scoped3A_30 = arith.constant 0 : i32
    "tpu.region"() ({
      %run_scoped3A_59 = tpu.sem_alloc : memref<!tpu.dma_semaphore, #tpu.memory_space<semaphore_mem>>
      %dma_start3A = arith.constant 0 : i32
      %dma_start3A_60 = arith.constant 0 : i32
      %dma_start3A_61 = tpu.memref_slice %arg8[%run_scoped3A_30, %dma_start3A, %dma_start3A_60] : memref<2x128x128xf32, #tpu.memory_space<vmem>> -> memref<1x128x128xf32, #tpu.memory_space<vmem>>
      %dma_start3A_62 = tpu.memref_squeeze %dma_start3A_61 : memref<1x128x128xf32, #tpu.memory_space<vmem>> -> memref<128x128xf32, #tpu.memory_space<vmem>>
      %dma_start3A_63 = arith.constant 0 : i32
      %dma_start3A_64 = tpu.memref_slice %arg9[%add3A_29, %dma_start3A_63] : memref<10240x128xf32, #tpu.memory_space<vmem_shared>> -> memref<128x128xf32, #tpu.memory_space<vmem_shared>>
      %dma_start3A_65 = arith.constant 0 : i32
      %dma_start3A_66 = tpu.memref_slice %arg9[%add3A_29, %dma_start3A_65] : memref<10240x128xf32, #tpu.memory_space<vmem_shared>> -> memref<128x128xf32, #tpu.memory_space<vmem_shared>>
      %dma_start3A_67 = arith.constant 0 : i32
      %dma_start3A_68 = arith.constant 0 : i32
      %dma_start3A_69 = tpu.memref_slice %arg8[%run_scoped3A_30, %dma_start3A_67, %dma_start3A_68] : memref<2x128x128xf32, #tpu.memory_space<vmem>> -> memref<1x128x128xf32, #tpu.memory_space<vmem>>
      %dma_start3A_70 = tpu.memref_squeeze %dma_start3A_69 : memref<1x128x128xf32, #tpu.memory_space<vmem>> -> memref<128x128xf32, #tpu.memory_space<vmem>>
      tpu.enqueue_dma source(%dma_start3A_70 : memref<128x128xf32, #tpu.memory_space<vmem>>) target(%dma_start3A_66 : memref<128x128xf32, #tpu.memory_space<vmem_shared>>) target_semaphore(%run_scoped3A_59 : memref<!tpu.dma_semaphore, #tpu.memory_space<semaphore_mem>>)
      %dma_wait3A = arith.constant 0 : i32
      %dma_wait3A_71 = arith.constant 0 : i32
      %dma_wait3A_72 = tpu.memref_slice %arg8[%run_scoped3A_30, %dma_wait3A, %dma_wait3A_71] : memref<2x128x128xf32, #tpu.memory_space<vmem>> -> memref<1x128x128xf32, #tpu.memory_space<vmem>>
      %dma_wait3A_73 = tpu.memref_squeeze %dma_wait3A_72 : memref<1x128x128xf32, #tpu.memory_space<vmem>> -> memref<128x128xf32, #tpu.memory_space<vmem>>
      %dma_wait3A_74 = arith.constant 0 : i32
      %dma_wait3A_75 = tpu.memref_slice %arg9[%add3A_29, %dma_wait3A_74] : memref<10240x128xf32, #tpu.memory_space<vmem_shared>> -> memref<128x128xf32, #tpu.memory_space<vmem_shared>>
      %dma_wait3A_76 = arith.constant 0 : i32
      %dma_wait3A_77 = tpu.memref_slice %arg9[%add3A_29, %dma_wait3A_76] : memref<10240x128xf32, #tpu.memory_space<vmem_shared>> -> memref<128x128xf32, #tpu.memory_space<vmem_shared>>
      %dma_wait3A_78 = arith.constant 0 : i32
      %dma_wait3A_79 = arith.constant 0 : i32
      %dma_wait3A_80 = tpu.memref_slice %arg8[%run_scoped3A_30, %dma_wait3A_78, %dma_wait3A_79] : memref<2x128x128xf32, #tpu.memory_space<vmem>> -> memref<1x128x128xf32, #tpu.memory_space<vmem>>
      %dma_wait3A_81 = tpu.memref_squeeze %dma_wait3A_80 : memref<1x128x128xf32, #tpu.memory_space<vmem>> -> memref<128x128xf32, #tpu.memory_space<vmem>>
      tpu.wait_dma2 semaphore(%run_scoped3A_59 : memref<!tpu.dma_semaphore, #tpu.memory_space<semaphore_mem>>) src(%dma_wait3A_81 : memref<128x128xf32, #tpu.memory_space<vmem>>) dst(%dma_wait3A_77 : memref<128x128xf32, #tpu.memory_space<vmem_shared>>)
      tpu.yield
    }) : () -> ()
    %barrier3A = arith.constant 0 : index
    tpu.barrier barrier_id(%barrier3A)
    %scan3A_31 = arith.constant 0 : i32
    %scan3A_32 = arith.constant 0 : i32
    %scan3A_33 = arith.constant 10 : i32
    %scan3A_34 = arith.addi %scan3A_32, %scan3A_33 : i32
    %scan3A_35 = arith.constant 1 : i32
    %scan3A_36 = scf.for %scan3A_59 = %scan3A_32 to %scan3A_34 step %scan3A_35 iter_args(%scan3A_60 = %scan3A_31) -> (i32)  : i32 {
      %mul3A_61 = arith.constant 80 : i32
      %mul3A_62 = arith.muli %add3A, %mul3A_61 : i32
      %mul3A_63 = arith.constant 8 : i32
      %mul3A_64 = arith.muli %scan3A_59, %mul3A_63 : i32
      %add3A_65 = arith.addi %mul3A_62, %mul3A_64 : i32
      "tpu.region"() ({
        %run_scoped3A_449 = tpu.sem_alloc : memref<!tpu.dma_semaphore, #tpu.memory_space<semaphore_mem>>
        %dma_start3A_450 = arith.constant 0 : i32
        %dma_start3A_451 = tpu.memref_slice %arg3[%add3A_65, %dma_start3A_450] : memref<2560x128xi32, #tpu.memory_space<hbm>> -> memref<8x128xi32, #tpu.memory_space<hbm>>
        %dma_start3A_452 = arith.constant 0 : i32
        %dma_start3A_453 = tpu.memref_slice %arg3[%add3A_65, %dma_start3A_452] : memref<2560x128xi32, #tpu.memory_space<hbm>> -> memref<8x128xi32, #tpu.memory_space<hbm>>
        tpu.enqueue_dma source(%dma_start3A_453 : memref<8x128xi32, #tpu.memory_space<hbm>>) target(%arg6 : memref<8x128xi32, #tpu.memory_space<vmem>>) target_semaphore(%run_scoped3A_449 : memref<!tpu.dma_semaphore, #tpu.memory_space<semaphore_mem>>)
        %dma_wait3A_454 = arith.constant 0 : i32
        %dma_wait3A_455 = tpu.memref_slice %arg3[%add3A_65, %dma_wait3A_454] : memref<2560x128xi32, #tpu.memory_space<hbm>> -> memref<8x128xi32, #tpu.memory_space<hbm>>
        %dma_wait3A_456 = arith.constant 0 : i32
        %dma_wait3A_457 = tpu.memref_slice %arg3[%add3A_65, %dma_wait3A_456] : memref<2560x128xi32, #tpu.memory_space<hbm>> -> memref<8x128xi32, #tpu.memory_space<hbm>>
        tpu.wait_dma2 semaphore(%run_scoped3A_449 : memref<!tpu.dma_semaphore, #tpu.memory_space<semaphore_mem>>) src(%dma_wait3A_457 : memref<8x128xi32, #tpu.memory_space<hbm>>) dst(%arg6 : memref<8x128xi32, #tpu.memory_space<vmem>>)
        tpu.yield
      }) : () -> ()
      "tpu.region"() ({
        %run_scoped3A_449 = tpu.sem_alloc : memref<!tpu.dma_semaphore, #tpu.memory_space<semaphore_mem>>
        %dma_start3A_450 = arith.constant 0 : i32
        %dma_start3A_451 = tpu.memref_slice %arg4[%add3A_65, %dma_start3A_450] : memref<2560x128xi32, #tpu.memory_space<hbm>> -> memref<8x128xi32, #tpu.memory_space<hbm>>
        %dma_start3A_452 = arith.constant 0 : i32
        %dma_start3A_453 = tpu.memref_slice %arg4[%add3A_65, %dma_start3A_452] : memref<2560x128xi32, #tpu.memory_space<hbm>> -> memref<8x128xi32, #tpu.memory_space<hbm>>
        tpu.enqueue_dma source(%dma_start3A_453 : memref<8x128xi32, #tpu.memory_space<hbm>>) target(%arg7 : memref<8x128xi32, #tpu.memory_space<vmem>>) target_semaphore(%run_scoped3A_449 : memref<!tpu.dma_semaphore, #tpu.memory_space<semaphore_mem>>)
        %dma_wait3A_454 = arith.constant 0 : i32
        %dma_wait3A_455 = tpu.memref_slice %arg4[%add3A_65, %dma_wait3A_454] : memref<2560x128xi32, #tpu.memory_space<hbm>> -> memref<8x128xi32, #tpu.memory_space<hbm>>
        %dma_wait3A_456 = arith.constant 0 : i32
        %dma_wait3A_457 = tpu.memref_slice %arg4[%add3A_65, %dma_wait3A_456] : memref<2560x128xi32, #tpu.memory_space<hbm>> -> memref<8x128xi32, #tpu.memory_space<hbm>>
        tpu.wait_dma2 semaphore(%run_scoped3A_449 : memref<!tpu.dma_semaphore, #tpu.memory_space<semaphore_mem>>) src(%dma_wait3A_457 : memref<8x128xi32, #tpu.memory_space<hbm>>) dst(%arg7 : memref<8x128xi32, #tpu.memory_space<vmem>>)
        tpu.yield
      }) : () -> ()
      %dma_start3A = arith.constant 0 : i32
      %dma_start3A_66 = arith.constant 0 : i32
      %dma_start3A_67 = arith.constant 0 : i32
      %dma_start3A_68 = arith.constant 0 : i32
      %dma_start3A_69 = tpu.memref_slice %arg8[%dma_start3A_66, %dma_start3A_67, %dma_start3A_68] : memref<2x128x128xf32, #tpu.memory_space<vmem>> -> memref<1x128x128xf32, #tpu.memory_space<vmem>>
      %dma_start3A_70 = tpu.memref_squeeze %dma_start3A_69 : memref<1x128x128xf32, #tpu.memory_space<vmem>> -> memref<128x128xf32, #tpu.memory_space<vmem>>
      %dma_start3A_71 = arith.constant 0 : i32
      %dma_start3A_72 = tpu.memref_slice %arg6[%dma_start3A, %dma_start3A_71] : memref<8x128xi32, #tpu.memory_space<vmem>> -> memref<1x128xi32, #tpu.memory_space<vmem>>
      %dma_start3A_73 = tpu.memref_squeeze %dma_start3A_72 : memref<1x128xi32, #tpu.memory_space<vmem>> -> memref<128xi32, #tpu.memory_space<vmem>>
      %dma_start3A_74 = arith.constant 0 : i32
      %dma_start3A_75 = arith.constant 0 : i32
      %dma_start3A_76 = tpu.memref_slice %arg2[%dma_start3A_74, %dma_start3A_75] : memref<10240x128xf32, #tpu.memory_space<hbm>> -> memref<10240x128xf32, #tpu.memory_space<hbm>>
      tpu.enqueue_indirect_dma source(%dma_start3A_76 : memref<10240x128xf32, #tpu.memory_space<hbm>>) target(%dma_start3A_70 : memref<128x128xf32, #tpu.memory_space<vmem>>) offsets(%dma_start3A_73 : memref<128xi32, #tpu.memory_space<vmem>>) semaphore(%arg10 : memref<!tpu.dma_semaphore, #tpu.memory_space<semaphore_mem>>)
      %dma_start3A_77 = arith.constant 1 : i32
      %dma_start3A_78 = arith.constant 1 : i32
      %dma_start3A_79 = arith.constant 0 : i32
      %dma_start3A_80 = arith.constant 0 : i32
      %dma_start3A_81 = tpu.memref_slice %arg8[%dma_start3A_78, %dma_start3A_79, %dma_start3A_80] : memref<2x128x128xf32, #tpu.memory_space<vmem>> -> memref<1x128x128xf32, #tpu.memory_space<vmem>>
      %dma_start3A_82 = tpu.memref_squeeze %dma_start3A_81 : memref<1x128x128xf32, #tpu.memory_space<vmem>> -> memref<128x128xf32, #tpu.memory_space<vmem>>
      %dma_start3A_83 = arith.constant 0 : i32
      %dma_start3A_84 = tpu.memref_slice %arg6[%dma_start3A_77, %dma_start3A_83] : memref<8x128xi32, #tpu.memory_space<vmem>> -> memref<1x128xi32, #tpu.memory_space<vmem>>
      %dma_start3A_85 = tpu.memref_squeeze %dma_start3A_84 : memref<1x128xi32, #tpu.memory_space<vmem>> -> memref<128xi32, #tpu.memory_space<vmem>>
      %dma_start3A_86 = arith.constant 0 : i32
      %dma_start3A_87 = arith.constant 0 : i32
      %dma_start3A_88 = tpu.memref_slice %arg2[%dma_start3A_86, %dma_start3A_87] : memref<10240x128xf32, #tpu.memory_space<hbm>> -> memref<10240x128xf32, #tpu.memory_space<hbm>>
      tpu.enqueue_indirect_dma source(%dma_start3A_88 : memref<10240x128xf32, #tpu.memory_space<hbm>>) target(%dma_start3A_82 : memref<128x128xf32, #tpu.memory_space<vmem>>) offsets(%dma_start3A_85 : memref<128xi32, #tpu.memory_space<vmem>>) semaphore(%arg11 : memref<!tpu.dma_semaphore, #tpu.memory_space<semaphore_mem>>)
      %dma_wait3A = arith.constant 0 : i32
      %dma_wait3A_89 = arith.constant 0 : i32
      %dma_wait3A_90 = arith.constant 0 : i32
      %dma_wait3A_91 = arith.constant 0 : i32
      %dma_wait3A_92 = tpu.memref_slice %arg8[%dma_wait3A_89, %dma_wait3A_90, %dma_wait3A_91] : memref<2x128x128xf32, #tpu.memory_space<vmem>> -> memref<1x128x128xf32, #tpu.memory_space<vmem>>
      %dma_wait3A_93 = tpu.memref_squeeze %dma_wait3A_92 : memref<1x128x128xf32, #tpu.memory_space<vmem>> -> memref<128x128xf32, #tpu.memory_space<vmem>>
      %dma_wait3A_94 = arith.constant 0 : i32
      %dma_wait3A_95 = tpu.memref_slice %arg6[%dma_wait3A, %dma_wait3A_94] : memref<8x128xi32, #tpu.memory_space<vmem>> -> memref<1x128xi32, #tpu.memory_space<vmem>>
      %dma_wait3A_96 = tpu.memref_squeeze %dma_wait3A_95 : memref<1x128xi32, #tpu.memory_space<vmem>> -> memref<128xi32, #tpu.memory_space<vmem>>
      %dma_wait3A_97 = arith.constant 0 : i32
      %dma_wait3A_98 = arith.constant 0 : i32
      %dma_wait3A_99 = tpu.memref_slice %arg2[%dma_wait3A_97, %dma_wait3A_98] : memref<10240x128xf32, #tpu.memory_space<hbm>> -> memref<10240x128xf32, #tpu.memory_space<hbm>>
      tpu.wait_indirect_dma semaphore(%arg10 : memref<!tpu.dma_semaphore, #tpu.memory_space<semaphore_mem>>) src(%dma_wait3A_99 : memref<10240x128xf32, #tpu.memory_space<hbm>>) dst(%dma_wait3A_93 : memref<128x128xf32, #tpu.memory_space<vmem>>)
      %dma_start3A_100 = arith.constant 0 : i32
      %dma_start3A_101 = arith.constant 0 : i32
      %dma_start3A_102 = arith.constant 0 : i32
      %dma_start3A_103 = arith.constant 0 : i32
      %dma_start3A_104 = tpu.memref_slice %arg8[%dma_start3A_100, %dma_start3A_102, %dma_start3A_103] : memref<2x128x128xf32, #tpu.memory_space<vmem>> -> memref<1x128x128xf32, #tpu.memory_space<vmem>>
      %dma_start3A_105 = tpu.memref_squeeze %dma_start3A_104 : memref<1x128x128xf32, #tpu.memory_space<vmem>> -> memref<128x128xf32, #tpu.memory_space<vmem>>
      %dma_start3A_106 = arith.constant 0 : i32
      %dma_start3A_107 = tpu.memref_slice %arg7[%dma_start3A_101, %dma_start3A_106] : memref<8x128xi32, #tpu.memory_space<vmem>> -> memref<1x128xi32, #tpu.memory_space<vmem>>
      %dma_start3A_108 = tpu.memref_squeeze %dma_start3A_107 : memref<1x128xi32, #tpu.memory_space<vmem>> -> memref<128xi32, #tpu.memory_space<vmem>>
      %dma_start3A_109 = arith.constant 0 : i32
      %dma_start3A_110 = arith.constant 0 : i32
      %dma_start3A_111 = tpu.memref_slice %arg9[%dma_start3A_109, %dma_start3A_110] : memref<10240x128xf32, #tpu.memory_space<vmem_shared>> -> memref<10240x128xf32, #tpu.memory_space<vmem_shared>>
      tpu.enqueue_indirect_dma source(%dma_start3A_105 : memref<128x128xf32, #tpu.memory_space<vmem>>) target(%dma_start3A_111 : memref<10240x128xf32, #tpu.memory_space<vmem_shared>>) offsets(%dma_start3A_108 : memref<128xi32, #tpu.memory_space<vmem>>) semaphore(%arg12 : memref<!tpu.dma_semaphore, #tpu.memory_space<semaphore_mem>>) {add = true}
      %dma_wait3A_112 = arith.constant 0 : i32
      %dma_wait3A_113 = arith.constant 0 : i32
      %dma_wait3A_114 = arith.constant 0 : i32
      %dma_wait3A_115 = arith.constant 0 : i32
      %dma_wait3A_116 = tpu.memref_slice %arg8[%dma_wait3A_112, %dma_wait3A_114, %dma_wait3A_115] : memref<2x128x128xf32, #tpu.memory_space<vmem>> -> memref<1x128x128xf32, #tpu.memory_space<vmem>>
      %dma_wait3A_117 = tpu.memref_squeeze %dma_wait3A_116 : memref<1x128x128xf32, #tpu.memory_space<vmem>> -> memref<128x128xf32, #tpu.memory_space<vmem>>
      %dma_wait3A_118 = arith.constant 0 : i32
      %dma_wait3A_119 = tpu.memref_slice %arg7[%dma_wait3A_113, %dma_wait3A_118] : memref<8x128xi32, #tpu.memory_space<vmem>> -> memref<1x128xi32, #tpu.memory_space<vmem>>
      %dma_wait3A_120 = tpu.memref_squeeze %dma_wait3A_119 : memref<1x128xi32, #tpu.memory_space<vmem>> -> memref<128xi32, #tpu.memory_space<vmem>>
      %dma_wait3A_121 = arith.constant 0 : i32
      %dma_wait3A_122 = arith.constant 0 : i32
      %dma_wait3A_123 = tpu.memref_slice %arg9[%dma_wait3A_121, %dma_wait3A_122] : memref<10240x128xf32, #tpu.memory_space<vmem_shared>> -> memref<10240x128xf32, #tpu.memory_space<vmem_shared>>
      tpu.wait_indirect_dma semaphore(%arg12 : memref<!tpu.dma_semaphore, #tpu.memory_space<semaphore_mem>>) src(%dma_wait3A_117 : memref<128x128xf32, #tpu.memory_space<vmem>>) dst(%dma_wait3A_123 : memref<10240x128xf32, #tpu.memory_space<vmem_shared>>)
      %dma_start3A_124 = arith.constant 2 : i32
      %dma_start3A_125 = arith.constant 0 : i32
      %dma_start3A_126 = arith.constant 0 : i32
      %dma_start3A_127 = arith.constant 0 : i32
      %dma_start3A_128 = tpu.memref_slice %arg8[%dma_start3A_125, %dma_start3A_126, %dma_start3A_127] : memref<2x128x128xf32, #tpu.memory_space<vmem>> -> memref<1x128x128xf32, #tpu.memory_space<vmem>>
      %dma_start3A_129 = tpu.memref_squeeze %dma_start3A_128 : memref<1x128x128xf32, #tpu.memory_space<vmem>> -> memref<128x128xf32, #tpu.memory_space<vmem>>
      %dma_start3A_130 = arith.constant 0 : i32
      %dma_start3A_131 = tpu.memref_slice %arg6[%dma_start3A_124, %dma_start3A_130] : memref<8x128xi32, #tpu.memory_space<vmem>> -> memref<1x128xi32, #tpu.memory_space<vmem>>
      %dma_start3A_132 = tpu.memref_squeeze %dma_start3A_131 : memref<1x128xi32, #tpu.memory_space<vmem>> -> memref<128xi32, #tpu.memory_space<vmem>>
      %dma_start3A_133 = arith.constant 0 : i32
      %dma_start3A_134 = arith.constant 0 : i32
      %dma_start3A_135 = tpu.memref_slice %arg2[%dma_start3A_133, %dma_start3A_134] : memref<10240x128xf32, #tpu.memory_space<hbm>> -> memref<10240x128xf32, #tpu.memory_space<hbm>>
      tpu.enqueue_indirect_dma source(%dma_start3A_135 : memref<10240x128xf32, #tpu.memory_space<hbm>>) target(%dma_start3A_129 : memref<128x128xf32, #tpu.memory_space<vmem>>) offsets(%dma_start3A_132 : memref<128xi32, #tpu.memory_space<vmem>>) semaphore(%arg10 : memref<!tpu.dma_semaphore, #tpu.memory_space<semaphore_mem>>)
      %dma_wait3A_136 = arith.constant 1 : i32
      %dma_wait3A_137 = arith.constant 1 : i32
      %dma_wait3A_138 = arith.constant 0 : i32
      %dma_wait3A_139 = arith.constant 0 : i32
      %dma_wait3A_140 = tpu.memref_slice %arg8[%dma_wait3A_137, %dma_wait3A_138, %dma_wait3A_139] : memref<2x128x128xf32, #tpu.memory_space<vmem>> -> memref<1x128x128xf32, #tpu.memory_space<vmem>>
      %dma_wait3A_141 = tpu.memref_squeeze %dma_wait3A_140 : memref<1x128x128xf32, #tpu.memory_space<vmem>> -> memref<128x128xf32, #tpu.memory_space<vmem>>
      %dma_wait3A_142 = arith.constant 0 : i32
      %dma_wait3A_143 = tpu.memref_slice %arg6[%dma_wait3A_136, %dma_wait3A_142] : memref<8x128xi32, #tpu.memory_space<vmem>> -> memref<1x128xi32, #tpu.memory_space<vmem>>
      %dma_wait3A_144 = tpu.memref_squeeze %dma_wait3A_143 : memref<1x128xi32, #tpu.memory_space<vmem>> -> memref<128xi32, #tpu.memory_space<vmem>>
      %dma_wait3A_145 = arith.constant 0 : i32
      %dma_wait3A_146 = arith.constant 0 : i32
      %dma_wait3A_147 = tpu.memref_slice %arg2[%dma_wait3A_145, %dma_wait3A_146] : memref<10240x128xf32, #tpu.memory_space<hbm>> -> memref<10240x128xf32, #tpu.memory_space<hbm>>
      tpu.wait_indirect_dma semaphore(%arg11 : memref<!tpu.dma_semaphore, #tpu.memory_space<semaphore_mem>>) src(%dma_wait3A_147 : memref<10240x128xf32, #tpu.memory_space<hbm>>) dst(%dma_wait3A_141 : memref<128x128xf32, #tpu.memory_space<vmem>>)
      %dma_start3A_148 = arith.constant 1 : i32
      %dma_start3A_149 = arith.constant 1 : i32
      %dma_start3A_150 = arith.constant 0 : i32
      %dma_start3A_151 = arith.constant 0 : i32
      %dma_start3A_152 = tpu.memref_slice %arg8[%dma_start3A_148, %dma_start3A_150, %dma_start3A_151] : memref<2x128x128xf32, #tpu.memory_space<vmem>> -> memref<1x128x128xf32, #tpu.memory_space<vmem>>
      %dma_start3A_153 = tpu.memref_squeeze %dma_start3A_152 : memref<1x128x128xf32, #tpu.memory_space<vmem>> -> memref<128x128xf32, #tpu.memory_space<vmem>>
      %dma_start3A_154 = arith.constant 0 : i32
      %dma_start3A_155 = tpu.memref_slice %arg7[%dma_start3A_149, %dma_start3A_154] : memref<8x128xi32, #tpu.memory_space<vmem>> -> memref<1x128xi32, #tpu.memory_space<vmem>>
      %dma_start3A_156 = tpu.memref_squeeze %dma_start3A_155 : memref<1x128xi32, #tpu.memory_space<vmem>> -> memref<128xi32, #tpu.memory_space<vmem>>
      %dma_start3A_157 = arith.constant 0 : i32
      %dma_start3A_158 = arith.constant 0 : i32
      %dma_start3A_159 = tpu.memref_slice %arg9[%dma_start3A_157, %dma_start3A_158] : memref<10240x128xf32, #tpu.memory_space<vmem_shared>> -> memref<10240x128xf32, #tpu.memory_space<vmem_shared>>
      tpu.enqueue_indirect_dma source(%dma_start3A_153 : memref<128x128xf32, #tpu.memory_space<vmem>>) target(%dma_start3A_159 : memref<10240x128xf32, #tpu.memory_space<vmem_shared>>) offsets(%dma_start3A_156 : memref<128xi32, #tpu.memory_space<vmem>>) semaphore(%arg13 : memref<!tpu.dma_semaphore, #tpu.memory_space<semaphore_mem>>) {add = true}
      %dma_wait3A_160 = arith.constant 1 : i32
      %dma_wait3A_161 = arith.constant 1 : i32
      %dma_wait3A_162 = arith.constant 0 : i32
      %dma_wait3A_163 = arith.constant 0 : i32
      %dma_wait3A_164 = tpu.memref_slice %arg8[%dma_wait3A_160, %dma_wait3A_162, %dma_wait3A_163] : memref<2x128x128xf32, #tpu.memory_space<vmem>> -> memref<1x128x128xf32, #tpu.memory_space<vmem>>
      %dma_wait3A_165 = tpu.memref_squeeze %dma_wait3A_164 : memref<1x128x128xf32, #tpu.memory_space<vmem>> -> memref<128x128xf32, #tpu.memory_space<vmem>>
      %dma_wait3A_166 = arith.constant 0 : i32
      %dma_wait3A_167 = tpu.memref_slice %arg7[%dma_wait3A_161, %dma_wait3A_166] : memref<8x128xi32, #tpu.memory_space<vmem>> -> memref<1x128xi32, #tpu.memory_space<vmem>>
      %dma_wait3A_168 = tpu.memref_squeeze %dma_wait3A_167 : memref<1x128xi32, #tpu.memory_space<vmem>> -> memref<128xi32, #tpu.memory_space<vmem>>
      %dma_wait3A_169 = arith.constant 0 : i32
      %dma_wait3A_170 = arith.constant 0 : i32
      %dma_wait3A_171 = tpu.memref_slice %arg9[%dma_wait3A_169, %dma_wait3A_170] : memref<10240x128xf32, #tpu.memory_space<vmem_shared>> -> memref<10240x128xf32, #tpu.memory_space<vmem_shared>>
      tpu.wait_indirect_dma semaphore(%arg13 : memref<!tpu.dma_semaphore, #tpu.memory_space<semaphore_mem>>) src(%dma_wait3A_165 : memref<128x128xf32, #tpu.memory_space<vmem>>) dst(%dma_wait3A_171 : memref<10240x128xf32, #tpu.memory_space<vmem_shared>>)
      %dma_start3A_172 = arith.constant 3 : i32
      %dma_start3A_173 = arith.constant 1 : i32
      %dma_start3A_174 = arith.constant 0 : i32
      %dma_start3A_175 = arith.constant 0 : i32
      %dma_start3A_176 = tpu.memref_slice %arg8[%dma_start3A_173, %dma_start3A_174, %dma_start3A_175] : memref<2x128x128xf32, #tpu.memory_space<vmem>> -> memref<1x128x128xf32, #tpu.memory_space<vmem>>
      %dma_start3A_177 = tpu.memref_squeeze %dma_start3A_176 : memref<1x128x128xf32, #tpu.memory_space<vmem>> -> memref<128x128xf32, #tpu.memory_space<vmem>>
      %dma_start3A_178 = arith.constant 0 : i32
      %dma_start3A_179 = tpu.memref_slice %arg6[%dma_start3A_172, %dma_start3A_178] : memref<8x128xi32, #tpu.memory_space<vmem>> -> memref<1x128xi32, #tpu.memory_space<vmem>>
      %dma_start3A_180 = tpu.memref_squeeze %dma_start3A_179 : memref<1x128xi32, #tpu.memory_space<vmem>> -> memref<128xi32, #tpu.memory_space<vmem>>
      %dma_start3A_181 = arith.constant 0 : i32
      %dma_start3A_182 = arith.constant 0 : i32
      %dma_start3A_183 = tpu.memref_slice %arg2[%dma_start3A_181, %dma_start3A_182] : memref<10240x128xf32, #tpu.memory_space<hbm>> -> memref<10240x128xf32, #tpu.memory_space<hbm>>
      tpu.enqueue_indirect_dma source(%dma_start3A_183 : memref<10240x128xf32, #tpu.memory_space<hbm>>) target(%dma_start3A_177 : memref<128x128xf32, #tpu.memory_space<vmem>>) offsets(%dma_start3A_180 : memref<128xi32, #tpu.memory_space<vmem>>) semaphore(%arg11 : memref<!tpu.dma_semaphore, #tpu.memory_space<semaphore_mem>>)
      %dma_wait3A_184 = arith.constant 2 : i32
      %dma_wait3A_185 = arith.constant 0 : i32
      %dma_wait3A_186 = arith.constant 0 : i32
      %dma_wait3A_187 = arith.constant 0 : i32
      %dma_wait3A_188 = tpu.memref_slice %arg8[%dma_wait3A_185, %dma_wait3A_186, %dma_wait3A_187] : memref<2x128x128xf32, #tpu.memory_space<vmem>> -> memref<1x128x128xf32, #tpu.memory_space<vmem>>
      %dma_wait3A_189 = tpu.memref_squeeze %dma_wait3A_188 : memref<1x128x128xf32, #tpu.memory_space<vmem>> -> memref<128x128xf32, #tpu.memory_space<vmem>>
      %dma_wait3A_190 = arith.constant 0 : i32
      %dma_wait3A_191 = tpu.memref_slice %arg6[%dma_wait3A_184, %dma_wait3A_190] : memref<8x128xi32, #tpu.memory_space<vmem>> -> memref<1x128xi32, #tpu.memory_space<vmem>>
      %dma_wait3A_192 = tpu.memref_squeeze %dma_wait3A_191 : memref<1x128xi32, #tpu.memory_space<vmem>> -> memref<128xi32, #tpu.memory_space<vmem>>
      %dma_wait3A_193 = arith.constant 0 : i32
      %dma_wait3A_194 = arith.constant 0 : i32
      %dma_wait3A_195 = tpu.memref_slice %arg2[%dma_wait3A_193, %dma_wait3A_194] : memref<10240x128xf32, #tpu.memory_space<hbm>> -> memref<10240x128xf32, #tpu.memory_space<hbm>>
      tpu.wait_indirect_dma semaphore(%arg10 : memref<!tpu.dma_semaphore, #tpu.memory_space<semaphore_mem>>) src(%dma_wait3A_195 : memref<10240x128xf32, #tpu.memory_space<hbm>>) dst(%dma_wait3A_189 : memref<128x128xf32, #tpu.memory_space<vmem>>)
      %dma_start3A_196 = arith.constant 0 : i32
      %dma_start3A_197 = arith.constant 2 : i32
      %dma_start3A_198 = arith.constant 0 : i32
      %dma_start3A_199 = arith.constant 0 : i32
      %dma_start3A_200 = tpu.memref_slice %arg8[%dma_start3A_196, %dma_start3A_198, %dma_start3A_199] : memref<2x128x128xf32, #tpu.memory_space<vmem>> -> memref<1x128x128xf32, #tpu.memory_space<vmem>>
      %dma_start3A_201 = tpu.memref_squeeze %dma_start3A_200 : memref<1x128x128xf32, #tpu.memory_space<vmem>> -> memref<128x128xf32, #tpu.memory_space<vmem>>
      %dma_start3A_202 = arith.constant 0 : i32
      %dma_start3A_203 = tpu.memref_slice %arg7[%dma_start3A_197, %dma_start3A_202] : memref<8x128xi32, #tpu.memory_space<vmem>> -> memref<1x128xi32, #tpu.memory_space<vmem>>
      %dma_start3A_204 = tpu.memref_squeeze %dma_start3A_203 : memref<1x128xi32, #tpu.memory_space<vmem>> -> memref<128xi32, #tpu.memory_space<vmem>>
      %dma_start3A_205 = arith.constant 0 : i32
      %dma_start3A_206 = arith.constant 0 : i32
      %dma_start3A_207 = tpu.memref_slice %arg9[%dma_start3A_205, %dma_start3A_206] : memref<10240x128xf32, #tpu.memory_space<vmem_shared>> -> memref<10240x128xf32, #tpu.memory_space<vmem_shared>>
      tpu.enqueue_indirect_dma source(%dma_start3A_201 : memref<128x128xf32, #tpu.memory_space<vmem>>) target(%dma_start3A_207 : memref<10240x128xf32, #tpu.memory_space<vmem_shared>>) offsets(%dma_start3A_204 : memref<128xi32, #tpu.memory_space<vmem>>) semaphore(%arg12 : memref<!tpu.dma_semaphore, #tpu.memory_space<semaphore_mem>>) {add = true}
      %dma_wait3A_208 = arith.constant 0 : i32
      %dma_wait3A_209 = arith.constant 2 : i32
      %dma_wait3A_210 = arith.constant 0 : i32
      %dma_wait3A_211 = arith.constant 0 : i32
      %dma_wait3A_212 = tpu.memref_slice %arg8[%dma_wait3A_208, %dma_wait3A_210, %dma_wait3A_211] : memref<2x128x128xf32, #tpu.memory_space<vmem>> -> memref<1x128x128xf32, #tpu.memory_space<vmem>>
      %dma_wait3A_213 = tpu.memref_squeeze %dma_wait3A_212 : memref<1x128x128xf32, #tpu.memory_space<vmem>> -> memref<128x128xf32, #tpu.memory_space<vmem>>
      %dma_wait3A_214 = arith.constant 0 : i32
      %dma_wait3A_215 = tpu.memref_slice %arg7[%dma_wait3A_209, %dma_wait3A_214] : memref<8x128xi32, #tpu.memory_space<vmem>> -> memref<1x128xi32, #tpu.memory_space<vmem>>
      %dma_wait3A_216 = tpu.memref_squeeze %dma_wait3A_215 : memref<1x128xi32, #tpu.memory_space<vmem>> -> memref<128xi32, #tpu.memory_space<vmem>>
      %dma_wait3A_217 = arith.constant 0 : i32
      %dma_wait3A_218 = arith.constant 0 : i32
      %dma_wait3A_219 = tpu.memref_slice %arg9[%dma_wait3A_217, %dma_wait3A_218] : memref<10240x128xf32, #tpu.memory_space<vmem_shared>> -> memref<10240x128xf32, #tpu.memory_space<vmem_shared>>
      tpu.wait_indirect_dma semaphore(%arg12 : memref<!tpu.dma_semaphore, #tpu.memory_space<semaphore_mem>>) src(%dma_wait3A_213 : memref<128x128xf32, #tpu.memory_space<vmem>>) dst(%dma_wait3A_219 : memref<10240x128xf32, #tpu.memory_space<vmem_shared>>)
      %dma_start3A_220 = arith.constant 4 : i32
      %dma_start3A_221 = arith.constant 0 : i32
      %dma_start3A_222 = arith.constant 0 : i32
      %dma_start3A_223 = arith.constant 0 : i32
      %dma_start3A_224 = tpu.memref_slice %arg8[%dma_start3A_221, %dma_start3A_222, %dma_start3A_223] : memref<2x128x128xf32, #tpu.memory_space<vmem>> -> memref<1x128x128xf32, #tpu.memory_space<vmem>>
      %dma_start3A_225 = tpu.memref_squeeze %dma_start3A_224 : memref<1x128x128xf32, #tpu.memory_space<vmem>> -> memref<128x128xf32, #tpu.memory_space<vmem>>
      %dma_start3A_226 = arith.constant 0 : i32
      %dma_start3A_227 = tpu.memref_slice %arg6[%dma_start3A_220, %dma_start3A_226] : memref<8x128xi32, #tpu.memory_space<vmem>> -> memref<1x128xi32, #tpu.memory_space<vmem>>
      %dma_start3A_228 = tpu.memref_squeeze %dma_start3A_227 : memref<1x128xi32, #tpu.memory_space<vmem>> -> memref<128xi32, #tpu.memory_space<vmem>>
      %dma_start3A_229 = arith.constant 0 : i32
      %dma_start3A_230 = arith.constant 0 : i32
      %dma_start3A_231 = tpu.memref_slice %arg2[%dma_start3A_229, %dma_start3A_230] : memref<10240x128xf32, #tpu.memory_space<hbm>> -> memref<10240x128xf32, #tpu.memory_space<hbm>>
      tpu.enqueue_indirect_dma source(%dma_start3A_231 : memref<10240x128xf32, #tpu.memory_space<hbm>>) target(%dma_start3A_225 : memref<128x128xf32, #tpu.memory_space<vmem>>) offsets(%dma_start3A_228 : memref<128xi32, #tpu.memory_space<vmem>>) semaphore(%arg10 : memref<!tpu.dma_semaphore, #tpu.memory_space<semaphore_mem>>)
      %dma_wait3A_232 = arith.constant 3 : i32
      %dma_wait3A_233 = arith.constant 1 : i32
      %dma_wait3A_234 = arith.constant 0 : i32
      %dma_wait3A_235 = arith.constant 0 : i32
      %dma_wait3A_236 = tpu.memref_slice %arg8[%dma_wait3A_233, %dma_wait3A_234, %dma_wait3A_235] : memref<2x128x128xf32, #tpu.memory_space<vmem>> -> memref<1x128x128xf32, #tpu.memory_space<vmem>>
      %dma_wait3A_237 = tpu.memref_squeeze %dma_wait3A_236 : memref<1x128x128xf32, #tpu.memory_space<vmem>> -> memref<128x128xf32, #tpu.memory_space<vmem>>
      %dma_wait3A_238 = arith.constant 0 : i32
      %dma_wait3A_239 = tpu.memref_slice %arg6[%dma_wait3A_232, %dma_wait3A_238] : memref<8x128xi32, #tpu.memory_space<vmem>> -> memref<1x128xi32, #tpu.memory_space<vmem>>
      %dma_wait3A_240 = tpu.memref_squeeze %dma_wait3A_239 : memref<1x128xi32, #tpu.memory_space<vmem>> -> memref<128xi32, #tpu.memory_space<vmem>>
      %dma_wait3A_241 = arith.constant 0 : i32
      %dma_wait3A_242 = arith.constant 0 : i32
      %dma_wait3A_243 = tpu.memref_slice %arg2[%dma_wait3A_241, %dma_wait3A_242] : memref<10240x128xf32, #tpu.memory_space<hbm>> -> memref<10240x128xf32, #tpu.memory_space<hbm>>
      tpu.wait_indirect_dma semaphore(%arg11 : memref<!tpu.dma_semaphore, #tpu.memory_space<semaphore_mem>>) src(%dma_wait3A_243 : memref<10240x128xf32, #tpu.memory_space<hbm>>) dst(%dma_wait3A_237 : memref<128x128xf32, #tpu.memory_space<vmem>>)
      %dma_start3A_244 = arith.constant 1 : i32
      %dma_start3A_245 = arith.constant 3 : i32
      %dma_start3A_246 = arith.constant 0 : i32
      %dma_start3A_247 = arith.constant 0 : i32
      %dma_start3A_248 = tpu.memref_slice %arg8[%dma_start3A_244, %dma_start3A_246, %dma_start3A_247] : memref<2x128x128xf32, #tpu.memory_space<vmem>> -> memref<1x128x128xf32, #tpu.memory_space<vmem>>
      %dma_start3A_249 = tpu.memref_squeeze %dma_start3A_248 : memref<1x128x128xf32, #tpu.memory_space<vmem>> -> memref<128x128xf32, #tpu.memory_space<vmem>>
      %dma_start3A_250 = arith.constant 0 : i32
      %dma_start3A_251 = tpu.memref_slice %arg7[%dma_start3A_245, %dma_start3A_250] : memref<8x128xi32, #tpu.memory_space<vmem>> -> memref<1x128xi32, #tpu.memory_space<vmem>>
      %dma_start3A_252 = tpu.memref_squeeze %dma_start3A_251 : memref<1x128xi32, #tpu.memory_space<vmem>> -> memref<128xi32, #tpu.memory_space<vmem>>
      %dma_start3A_253 = arith.constant 0 : i32
      %dma_start3A_254 = arith.constant 0 : i32
      %dma_start3A_255 = tpu.memref_slice %arg9[%dma_start3A_253, %dma_start3A_254] : memref<10240x128xf32, #tpu.memory_space<vmem_shared>> -> memref<10240x128xf32, #tpu.memory_space<vmem_shared>>
      tpu.enqueue_indirect_dma source(%dma_start3A_249 : memref<128x128xf32, #tpu.memory_space<vmem>>) target(%dma_start3A_255 : memref<10240x128xf32, #tpu.memory_space<vmem_shared>>) offsets(%dma_start3A_252 : memref<128xi32, #tpu.memory_space<vmem>>) semaphore(%arg13 : memref<!tpu.dma_semaphore, #tpu.memory_space<semaphore_mem>>) {add = true}
      %dma_wait3A_256 = arith.constant 1 : i32
      %dma_wait3A_257 = arith.constant 3 : i32
      %dma_wait3A_258 = arith.constant 0 : i32
      %dma_wait3A_259 = arith.constant 0 : i32
      %dma_wait3A_260 = tpu.memref_slice %arg8[%dma_wait3A_256, %dma_wait3A_258, %dma_wait3A_259] : memref<2x128x128xf32, #tpu.memory_space<vmem>> -> memref<1x128x128xf32, #tpu.memory_space<vmem>>
      %dma_wait3A_261 = tpu.memref_squeeze %dma_wait3A_260 : memref<1x128x128xf32, #tpu.memory_space<vmem>> -> memref<128x128xf32, #tpu.memory_space<vmem>>
      %dma_wait3A_262 = arith.constant 0 : i32
      %dma_wait3A_263 = tpu.memref_slice %arg7[%dma_wait3A_257, %dma_wait3A_262] : memref<8x128xi32, #tpu.memory_space<vmem>> -> memref<1x128xi32, #tpu.memory_space<vmem>>
      %dma_wait3A_264 = tpu.memref_squeeze %dma_wait3A_263 : memref<1x128xi32, #tpu.memory_space<vmem>> -> memref<128xi32, #tpu.memory_space<vmem>>
      %dma_wait3A_265 = arith.constant 0 : i32
      %dma_wait3A_266 = arith.constant 0 : i32
      %dma_wait3A_267 = tpu.memref_slice %arg9[%dma_wait3A_265, %dma_wait3A_266] : memref<10240x128xf32, #tpu.memory_space<vmem_shared>> -> memref<10240x128xf32, #tpu.memory_space<vmem_shared>>
      tpu.wait_indirect_dma semaphore(%arg13 : memref<!tpu.dma_semaphore, #tpu.memory_space<semaphore_mem>>) src(%dma_wait3A_261 : memref<128x128xf32, #tpu.memory_space<vmem>>) dst(%dma_wait3A_267 : memref<10240x128xf32, #tpu.memory_space<vmem_shared>>)
      %dma_start3A_268 = arith.constant 5 : i32
      %dma_start3A_269 = arith.constant 1 : i32
      %dma_start3A_270 = arith.constant 0 : i32
      %dma_start3A_271 = arith.constant 0 : i32
      %dma_start3A_272 = tpu.memref_slice %arg8[%dma_start3A_269, %dma_start3A_270, %dma_start3A_271] : memref<2x128x128xf32, #tpu.memory_space<vmem>> -> memref<1x128x128xf32, #tpu.memory_space<vmem>>
      %dma_start3A_273 = tpu.memref_squeeze %dma_start3A_272 : memref<1x128x128xf32, #tpu.memory_space<vmem>> -> memref<128x128xf32, #tpu.memory_space<vmem>>
      %dma_start3A_274 = arith.constant 0 : i32
      %dma_start3A_275 = tpu.memref_slice %arg6[%dma_start3A_268, %dma_start3A_274] : memref<8x128xi32, #tpu.memory_space<vmem>> -> memref<1x128xi32, #tpu.memory_space<vmem>>
      %dma_start3A_276 = tpu.memref_squeeze %dma_start3A_275 : memref<1x128xi32, #tpu.memory_space<vmem>> -> memref<128xi32, #tpu.memory_space<vmem>>
      %dma_start3A_277 = arith.constant 0 : i32
      %dma_start3A_278 = arith.constant 0 : i32
      %dma_start3A_279 = tpu.memref_slice %arg2[%dma_start3A_277, %dma_start3A_278] : memref<10240x128xf32, #tpu.memory_space<hbm>> -> memref<10240x128xf32, #tpu.memory_space<hbm>>
      tpu.enqueue_indirect_dma source(%dma_start3A_279 : memref<10240x128xf32, #tpu.memory_space<hbm>>) target(%dma_start3A_273 : memref<128x128xf32, #tpu.memory_space<vmem>>) offsets(%dma_start3A_276 : memref<128xi32, #tpu.memory_space<vmem>>) semaphore(%arg11 : memref<!tpu.dma_semaphore, #tpu.memory_space<semaphore_mem>>)
      %dma_wait3A_280 = arith.constant 4 : i32
      %dma_wait3A_281 = arith.constant 0 : i32
      %dma_wait3A_282 = arith.constant 0 : i32
      %dma_wait3A_283 = arith.constant 0 : i32
      %dma_wait3A_284 = tpu.memref_slice %arg8[%dma_wait3A_281, %dma_wait3A_282, %dma_wait3A_283] : memref<2x128x128xf32, #tpu.memory_space<vmem>> -> memref<1x128x128xf32, #tpu.memory_space<vmem>>
      %dma_wait3A_285 = tpu.memref_squeeze %dma_wait3A_284 : memref<1x128x128xf32, #tpu.memory_space<vmem>> -> memref<128x128xf32, #tpu.memory_space<vmem>>
      %dma_wait3A_286 = arith.constant 0 : i32
      %dma_wait3A_287 = tpu.memref_slice %arg6[%dma_wait3A_280, %dma_wait3A_286] : memref<8x128xi32, #tpu.memory_space<vmem>> -> memref<1x128xi32, #tpu.memory_space<vmem>>
      %dma_wait3A_288 = tpu.memref_squeeze %dma_wait3A_287 : memref<1x128xi32, #tpu.memory_space<vmem>> -> memref<128xi32, #tpu.memory_space<vmem>>
      %dma_wait3A_289 = arith.constant 0 : i32
      %dma_wait3A_290 = arith.constant 0 : i32
      %dma_wait3A_291 = tpu.memref_slice %arg2[%dma_wait3A_289, %dma_wait3A_290] : memref<10240x128xf32, #tpu.memory_space<hbm>> -> memref<10240x128xf32, #tpu.memory_space<hbm>>
      tpu.wait_indirect_dma semaphore(%arg10 : memref<!tpu.dma_semaphore, #tpu.memory_space<semaphore_mem>>) src(%dma_wait3A_291 : memref<10240x128xf32, #tpu.memory_space<hbm>>) dst(%dma_wait3A_285 : memref<128x128xf32, #tpu.memory_space<vmem>>)
      %dma_start3A_292 = arith.constant 0 : i32
      %dma_start3A_293 = arith.constant 4 : i32
      %dma_start3A_294 = arith.constant 0 : i32
      %dma_start3A_295 = arith.constant 0 : i32
      %dma_start3A_296 = tpu.memref_slice %arg8[%dma_start3A_292, %dma_start3A_294, %dma_start3A_295] : memref<2x128x128xf32, #tpu.memory_space<vmem>> -> memref<1x128x128xf32, #tpu.memory_space<vmem>>
      %dma_start3A_297 = tpu.memref_squeeze %dma_start3A_296 : memref<1x128x128xf32, #tpu.memory_space<vmem>> -> memref<128x128xf32, #tpu.memory_space<vmem>>
      %dma_start3A_298 = arith.constant 0 : i32
      %dma_start3A_299 = tpu.memref_slice %arg7[%dma_start3A_293, %dma_start3A_298] : memref<8x128xi32, #tpu.memory_space<vmem>> -> memref<1x128xi32, #tpu.memory_space<vmem>>
      %dma_start3A_300 = tpu.memref_squeeze %dma_start3A_299 : memref<1x128xi32, #tpu.memory_space<vmem>> -> memref<128xi32, #tpu.memory_space<vmem>>
      %dma_start3A_301 = arith.constant 0 : i32
      %dma_start3A_302 = arith.constant 0 : i32
      %dma_start3A_303 = tpu.memref_slice %arg9[%dma_start3A_301, %dma_start3A_302] : memref<10240x128xf32, #tpu.memory_space<vmem_shared>> -> memref<10240x128xf32, #tpu.memory_space<vmem_shared>>
      tpu.enqueue_indirect_dma source(%dma_start3A_297 : memref<128x128xf32, #tpu.memory_space<vmem>>) target(%dma_start3A_303 : memref<10240x128xf32, #tpu.memory_space<vmem_shared>>) offsets(%dma_start3A_300 : memref<128xi32, #tpu.memory_space<vmem>>) semaphore(%arg12 : memref<!tpu.dma_semaphore, #tpu.memory_space<semaphore_mem>>) {add = true}
      %dma_wait3A_304 = arith.constant 0 : i32
      %dma_wait3A_305 = arith.constant 4 : i32
      %dma_wait3A_306 = arith.constant 0 : i32
      %dma_wait3A_307 = arith.constant 0 : i32
      %dma_wait3A_308 = tpu.memref_slice %arg8[%dma_wait3A_304, %dma_wait3A_306, %dma_wait3A_307] : memref<2x128x128xf32, #tpu.memory_space<vmem>> -> memref<1x128x128xf32, #tpu.memory_space<vmem>>
      %dma_wait3A_309 = tpu.memref_squeeze %dma_wait3A_308 : memref<1x128x128xf32, #tpu.memory_space<vmem>> -> memref<128x128xf32, #tpu.memory_space<vmem>>
      %dma_wait3A_310 = arith.constant 0 : i32
      %dma_wait3A_311 = tpu.memref_slice %arg7[%dma_wait3A_305, %dma_wait3A_310] : memref<8x128xi32, #tpu.memory_space<vmem>> -> memref<1x128xi32, #tpu.memory_space<vmem>>
      %dma_wait3A_312 = tpu.memref_squeeze %dma_wait3A_311 : memref<1x128xi32, #tpu.memory_space<vmem>> -> memref<128xi32, #tpu.memory_space<vmem>>
      %dma_wait3A_313 = arith.constant 0 : i32
      %dma_wait3A_314 = arith.constant 0 : i32
      %dma_wait3A_315 = tpu.memref_slice %arg9[%dma_wait3A_313, %dma_wait3A_314] : memref<10240x128xf32, #tpu.memory_space<vmem_shared>> -> memref<10240x128xf32, #tpu.memory_space<vmem_shared>>
      tpu.wait_indirect_dma semaphore(%arg12 : memref<!tpu.dma_semaphore, #tpu.memory_space<semaphore_mem>>) src(%dma_wait3A_309 : memref<128x128xf32, #tpu.memory_space<vmem>>) dst(%dma_wait3A_315 : memref<10240x128xf32, #tpu.memory_space<vmem_shared>>)
      %dma_start3A_316 = arith.constant 6 : i32
      %dma_start3A_317 = arith.constant 0 : i32
      %dma_start3A_318 = arith.constant 0 : i32
      %dma_start3A_319 = arith.constant 0 : i32
      %dma_start3A_320 = tpu.memref_slice %arg8[%dma_start3A_317, %dma_start3A_318, %dma_start3A_319] : memref<2x128x128xf32, #tpu.memory_space<vmem>> -> memref<1x128x128xf32, #tpu.memory_space<vmem>>
      %dma_start3A_321 = tpu.memref_squeeze %dma_start3A_320 : memref<1x128x128xf32, #tpu.memory_space<vmem>> -> memref<128x128xf32, #tpu.memory_space<vmem>>
      %dma_start3A_322 = arith.constant 0 : i32
      %dma_start3A_323 = tpu.memref_slice %arg6[%dma_start3A_316, %dma_start3A_322] : memref<8x128xi32, #tpu.memory_space<vmem>> -> memref<1x128xi32, #tpu.memory_space<vmem>>
      %dma_start3A_324 = tpu.memref_squeeze %dma_start3A_323 : memref<1x128xi32, #tpu.memory_space<vmem>> -> memref<128xi32, #tpu.memory_space<vmem>>
      %dma_start3A_325 = arith.constant 0 : i32
      %dma_start3A_326 = arith.constant 0 : i32
      %dma_start3A_327 = tpu.memref_slice %arg2[%dma_start3A_325, %dma_start3A_326] : memref<10240x128xf32, #tpu.memory_space<hbm>> -> memref<10240x128xf32, #tpu.memory_space<hbm>>
      tpu.enqueue_indirect_dma source(%dma_start3A_327 : memref<10240x128xf32, #tpu.memory_space<hbm>>) target(%dma_start3A_321 : memref<128x128xf32, #tpu.memory_space<vmem>>) offsets(%dma_start3A_324 : memref<128xi32, #tpu.memory_space<vmem>>) semaphore(%arg10 : memref<!tpu.dma_semaphore, #tpu.memory_space<semaphore_mem>>)
      %dma_wait3A_328 = arith.constant 5 : i32
      %dma_wait3A_329 = arith.constant 1 : i32
      %dma_wait3A_330 = arith.constant 0 : i32
      %dma_wait3A_331 = arith.constant 0 : i32
      %dma_wait3A_332 = tpu.memref_slice %arg8[%dma_wait3A_329, %dma_wait3A_330, %dma_wait3A_331] : memref<2x128x128xf32, #tpu.memory_space<vmem>> -> memref<1x128x128xf32, #tpu.memory_space<vmem>>
      %dma_wait3A_333 = tpu.memref_squeeze %dma_wait3A_332 : memref<1x128x128xf32, #tpu.memory_space<vmem>> -> memref<128x128xf32, #tpu.memory_space<vmem>>
      %dma_wait3A_334 = arith.constant 0 : i32
      %dma_wait3A_335 = tpu.memref_slice %arg6[%dma_wait3A_328, %dma_wait3A_334] : memref<8x128xi32, #tpu.memory_space<vmem>> -> memref<1x128xi32, #tpu.memory_space<vmem>>
      %dma_wait3A_336 = tpu.memref_squeeze %dma_wait3A_335 : memref<1x128xi32, #tpu.memory_space<vmem>> -> memref<128xi32, #tpu.memory_space<vmem>>
      %dma_wait3A_337 = arith.constant 0 : i32
      %dma_wait3A_338 = arith.constant 0 : i32
      %dma_wait3A_339 = tpu.memref_slice %arg2[%dma_wait3A_337, %dma_wait3A_338] : memref<10240x128xf32, #tpu.memory_space<hbm>> -> memref<10240x128xf32, #tpu.memory_space<hbm>>
      tpu.wait_indirect_dma semaphore(%arg11 : memref<!tpu.dma_semaphore, #tpu.memory_space<semaphore_mem>>) src(%dma_wait3A_339 : memref<10240x128xf32, #tpu.memory_space<hbm>>) dst(%dma_wait3A_333 : memref<128x128xf32, #tpu.memory_space<vmem>>)
      %dma_start3A_340 = arith.constant 1 : i32
      %dma_start3A_341 = arith.constant 5 : i32
      %dma_start3A_342 = arith.constant 0 : i32
      %dma_start3A_343 = arith.constant 0 : i32
      %dma_start3A_344 = tpu.memref_slice %arg8[%dma_start3A_340, %dma_start3A_342, %dma_start3A_343] : memref<2x128x128xf32, #tpu.memory_space<vmem>> -> memref<1x128x128xf32, #tpu.memory_space<vmem>>
      %dma_start3A_345 = tpu.memref_squeeze %dma_start3A_344 : memref<1x128x128xf32, #tpu.memory_space<vmem>> -> memref<128x128xf32, #tpu.memory_space<vmem>>
      %dma_start3A_346 = arith.constant 0 : i32
      %dma_start3A_347 = tpu.memref_slice %arg7[%dma_start3A_341, %dma_start3A_346] : memref<8x128xi32, #tpu.memory_space<vmem>> -> memref<1x128xi32, #tpu.memory_space<vmem>>
      %dma_start3A_348 = tpu.memref_squeeze %dma_start3A_347 : memref<1x128xi32, #tpu.memory_space<vmem>> -> memref<128xi32, #tpu.memory_space<vmem>>
      %dma_start3A_349 = arith.constant 0 : i32
      %dma_start3A_350 = arith.constant 0 : i32
      %dma_start3A_351 = tpu.memref_slice %arg9[%dma_start3A_349, %dma_start3A_350] : memref<10240x128xf32, #tpu.memory_space<vmem_shared>> -> memref<10240x128xf32, #tpu.memory_space<vmem_shared>>
      tpu.enqueue_indirect_dma source(%dma_start3A_345 : memref<128x128xf32, #tpu.memory_space<vmem>>) target(%dma_start3A_351 : memref<10240x128xf32, #tpu.memory_space<vmem_shared>>) offsets(%dma_start3A_348 : memref<128xi32, #tpu.memory_space<vmem>>) semaphore(%arg13 : memref<!tpu.dma_semaphore, #tpu.memory_space<semaphore_mem>>) {add = true}
      %dma_wait3A_352 = arith.constant 1 : i32
      %dma_wait3A_353 = arith.constant 5 : i32
      %dma_wait3A_354 = arith.constant 0 : i32
      %dma_wait3A_355 = arith.constant 0 : i32
      %dma_wait3A_356 = tpu.memref_slice %arg8[%dma_wait3A_352, %dma_wait3A_354, %dma_wait3A_355] : memref<2x128x128xf32, #tpu.memory_space<vmem>> -> memref<1x128x128xf32, #tpu.memory_space<vmem>>
      %dma_wait3A_357 = tpu.memref_squeeze %dma_wait3A_356 : memref<1x128x128xf32, #tpu.memory_space<vmem>> -> memref<128x128xf32, #tpu.memory_space<vmem>>
      %dma_wait3A_358 = arith.constant 0 : i32
      %dma_wait3A_359 = tpu.memref_slice %arg7[%dma_wait3A_353, %dma_wait3A_358] : memref<8x128xi32, #tpu.memory_space<vmem>> -> memref<1x128xi32, #tpu.memory_space<vmem>>
      %dma_wait3A_360 = tpu.memref_squeeze %dma_wait3A_359 : memref<1x128xi32, #tpu.memory_space<vmem>> -> memref<128xi32, #tpu.memory_space<vmem>>
      %dma_wait3A_361 = arith.constant 0 : i32
      %dma_wait3A_362 = arith.constant 0 : i32
      %dma_wait3A_363 = tpu.memref_slice %arg9[%dma_wait3A_361, %dma_wait3A_362] : memref<10240x128xf32, #tpu.memory_space<vmem_shared>> -> memref<10240x128xf32, #tpu.memory_space<vmem_shared>>
      tpu.wait_indirect_dma semaphore(%arg13 : memref<!tpu.dma_semaphore, #tpu.memory_space<semaphore_mem>>) src(%dma_wait3A_357 : memref<128x128xf32, #tpu.memory_space<vmem>>) dst(%dma_wait3A_363 : memref<10240x128xf32, #tpu.memory_space<vmem_shared>>)
      %dma_start3A_364 = arith.constant 7 : i32
      %dma_start3A_365 = arith.constant 1 : i32
      %dma_start3A_366 = arith.constant 0 : i32
      %dma_start3A_367 = arith.constant 0 : i32
      %dma_start3A_368 = tpu.memref_slice %arg8[%dma_start3A_365, %dma_start3A_366, %dma_start3A_367] : memref<2x128x128xf32, #tpu.memory_space<vmem>> -> memref<1x128x128xf32, #tpu.memory_space<vmem>>
      %dma_start3A_369 = tpu.memref_squeeze %dma_start3A_368 : memref<1x128x128xf32, #tpu.memory_space<vmem>> -> memref<128x128xf32, #tpu.memory_space<vmem>>
      %dma_start3A_370 = arith.constant 0 : i32
      %dma_start3A_371 = tpu.memref_slice %arg6[%dma_start3A_364, %dma_start3A_370] : memref<8x128xi32, #tpu.memory_space<vmem>> -> memref<1x128xi32, #tpu.memory_space<vmem>>
      %dma_start3A_372 = tpu.memref_squeeze %dma_start3A_371 : memref<1x128xi32, #tpu.memory_space<vmem>> -> memref<128xi32, #tpu.memory_space<vmem>>
      %dma_start3A_373 = arith.constant 0 : i32
      %dma_start3A_374 = arith.constant 0 : i32
      %dma_start3A_375 = tpu.memref_slice %arg2[%dma_start3A_373, %dma_start3A_374] : memref<10240x128xf32, #tpu.memory_space<hbm>> -> memref<10240x128xf32, #tpu.memory_space<hbm>>
      tpu.enqueue_indirect_dma source(%dma_start3A_375 : memref<10240x128xf32, #tpu.memory_space<hbm>>) target(%dma_start3A_369 : memref<128x128xf32, #tpu.memory_space<vmem>>) offsets(%dma_start3A_372 : memref<128xi32, #tpu.memory_space<vmem>>) semaphore(%arg11 : memref<!tpu.dma_semaphore, #tpu.memory_space<semaphore_mem>>)
      %dma_wait3A_376 = arith.constant 6 : i32
      %dma_wait3A_377 = arith.constant 0 : i32
      %dma_wait3A_378 = arith.constant 0 : i32
      %dma_wait3A_379 = arith.constant 0 : i32
      %dma_wait3A_380 = tpu.memref_slice %arg8[%dma_wait3A_377, %dma_wait3A_378, %dma_wait3A_379] : memref<2x128x128xf32, #tpu.memory_space<vmem>> -> memref<1x128x128xf32, #tpu.memory_space<vmem>>
      %dma_wait3A_381 = tpu.memref_squeeze %dma_wait3A_380 : memref<1x128x128xf32, #tpu.memory_space<vmem>> -> memref<128x128xf32, #tpu.memory_space<vmem>>
      %dma_wait3A_382 = arith.constant 0 : i32
      %dma_wait3A_383 = tpu.memref_slice %arg6[%dma_wait3A_376, %dma_wait3A_382] : memref<8x128xi32, #tpu.memory_space<vmem>> -> memref<1x128xi32, #tpu.memory_space<vmem>>
      %dma_wait3A_384 = tpu.memref_squeeze %dma_wait3A_383 : memref<1x128xi32, #tpu.memory_space<vmem>> -> memref<128xi32, #tpu.memory_space<vmem>>
      %dma_wait3A_385 = arith.constant 0 : i32
      %dma_wait3A_386 = arith.constant 0 : i32
      %dma_wait3A_387 = tpu.memref_slice %arg2[%dma_wait3A_385, %dma_wait3A_386] : memref<10240x128xf32, #tpu.memory_space<hbm>> -> memref<10240x128xf32, #tpu.memory_space<hbm>>
      tpu.wait_indirect_dma semaphore(%arg10 : memref<!tpu.dma_semaphore, #tpu.memory_space<semaphore_mem>>) src(%dma_wait3A_387 : memref<10240x128xf32, #tpu.memory_space<hbm>>) dst(%dma_wait3A_381 : memref<128x128xf32, #tpu.memory_space<vmem>>)
      %dma_start3A_388 = arith.constant 0 : i32
      %dma_start3A_389 = arith.constant 6 : i32
      %dma_start3A_390 = arith.constant 0 : i32
      %dma_start3A_391 = arith.constant 0 : i32
      %dma_start3A_392 = tpu.memref_slice %arg8[%dma_start3A_388, %dma_start3A_390, %dma_start3A_391] : memref<2x128x128xf32, #tpu.memory_space<vmem>> -> memref<1x128x128xf32, #tpu.memory_space<vmem>>
      %dma_start3A_393 = tpu.memref_squeeze %dma_start3A_392 : memref<1x128x128xf32, #tpu.memory_space<vmem>> -> memref<128x128xf32, #tpu.memory_space<vmem>>
      %dma_start3A_394 = arith.constant 0 : i32
      %dma_start3A_395 = tpu.memref_slice %arg7[%dma_start3A_389, %dma_start3A_394] : memref<8x128xi32, #tpu.memory_space<vmem>> -> memref<1x128xi32, #tpu.memory_space<vmem>>
      %dma_start3A_396 = tpu.memref_squeeze %dma_start3A_395 : memref<1x128xi32, #tpu.memory_space<vmem>> -> memref<128xi32, #tpu.memory_space<vmem>>
      %dma_start3A_397 = arith.constant 0 : i32
      %dma_start3A_398 = arith.constant 0 : i32
      %dma_start3A_399 = tpu.memref_slice %arg9[%dma_start3A_397, %dma_start3A_398] : memref<10240x128xf32, #tpu.memory_space<vmem_shared>> -> memref<10240x128xf32, #tpu.memory_space<vmem_shared>>
      tpu.enqueue_indirect_dma source(%dma_start3A_393 : memref<128x128xf32, #tpu.memory_space<vmem>>) target(%dma_start3A_399 : memref<10240x128xf32, #tpu.memory_space<vmem_shared>>) offsets(%dma_start3A_396 : memref<128xi32, #tpu.memory_space<vmem>>) semaphore(%arg12 : memref<!tpu.dma_semaphore, #tpu.memory_space<semaphore_mem>>) {add = true}
      %dma_wait3A_400 = arith.constant 7 : i32
      %dma_wait3A_401 = arith.constant 1 : i32
      %dma_wait3A_402 = arith.constant 0 : i32
      %dma_wait3A_403 = arith.constant 0 : i32
      %dma_wait3A_404 = tpu.memref_slice %arg8[%dma_wait3A_401, %dma_wait3A_402, %dma_wait3A_403] : memref<2x128x128xf32, #tpu.memory_space<vmem>> -> memref<1x128x128xf32, #tpu.memory_space<vmem>>
      %dma_wait3A_405 = tpu.memref_squeeze %dma_wait3A_404 : memref<1x128x128xf32, #tpu.memory_space<vmem>> -> memref<128x128xf32, #tpu.memory_space<vmem>>
      %dma_wait3A_406 = arith.constant 0 : i32
      %dma_wait3A_407 = tpu.memref_slice %arg6[%dma_wait3A_400, %dma_wait3A_406] : memref<8x128xi32, #tpu.memory_space<vmem>> -> memref<1x128xi32, #tpu.memory_space<vmem>>
      %dma_wait3A_408 = tpu.memref_squeeze %dma_wait3A_407 : memref<1x128xi32, #tpu.memory_space<vmem>> -> memref<128xi32, #tpu.memory_space<vmem>>
      %dma_wait3A_409 = arith.constant 0 : i32
      %dma_wait3A_410 = arith.constant 0 : i32
      %dma_wait3A_411 = tpu.memref_slice %arg2[%dma_wait3A_409, %dma_wait3A_410] : memref<10240x128xf32, #tpu.memory_space<hbm>> -> memref<10240x128xf32, #tpu.memory_space<hbm>>
      tpu.wait_indirect_dma semaphore(%arg11 : memref<!tpu.dma_semaphore, #tpu.memory_space<semaphore_mem>>) src(%dma_wait3A_411 : memref<10240x128xf32, #tpu.memory_space<hbm>>) dst(%dma_wait3A_405 : memref<128x128xf32, #tpu.memory_space<vmem>>)
      %dma_start3A_412 = arith.constant 1 : i32
      %dma_start3A_413 = arith.constant 7 : i32
      %dma_start3A_414 = arith.constant 0 : i32
      %dma_start3A_415 = arith.constant 0 : i32
      %dma_start3A_416 = tpu.memref_slice %arg8[%dma_start3A_412, %dma_start3A_414, %dma_start3A_415] : memref<2x128x128xf32, #tpu.memory_space<vmem>> -> memref<1x128x128xf32, #tpu.memory_space<vmem>>
      %dma_start3A_417 = tpu.memref_squeeze %dma_start3A_416 : memref<1x128x128xf32, #tpu.memory_space<vmem>> -> memref<128x128xf32, #tpu.memory_space<vmem>>
      %dma_start3A_418 = arith.constant 0 : i32
      %dma_start3A_419 = tpu.memref_slice %arg7[%dma_start3A_413, %dma_start3A_418] : memref<8x128xi32, #tpu.memory_space<vmem>> -> memref<1x128xi32, #tpu.memory_space<vmem>>
      %dma_start3A_420 = tpu.memref_squeeze %dma_start3A_419 : memref<1x128xi32, #tpu.memory_space<vmem>> -> memref<128xi32, #tpu.memory_space<vmem>>
      %dma_start3A_421 = arith.constant 0 : i32
      %dma_start3A_422 = arith.constant 0 : i32
      %dma_start3A_423 = tpu.memref_slice %arg9[%dma_start3A_421, %dma_start3A_422] : memref<10240x128xf32, #tpu.memory_space<vmem_shared>> -> memref<10240x128xf32, #tpu.memory_space<vmem_shared>>
      tpu.enqueue_indirect_dma source(%dma_start3A_417 : memref<128x128xf32, #tpu.memory_space<vmem>>) target(%dma_start3A_423 : memref<10240x128xf32, #tpu.memory_space<vmem_shared>>) offsets(%dma_start3A_420 : memref<128xi32, #tpu.memory_space<vmem>>) semaphore(%arg13 : memref<!tpu.dma_semaphore, #tpu.memory_space<semaphore_mem>>) {add = true}
      %dma_wait3A_424 = arith.constant 0 : i32
      %dma_wait3A_425 = arith.constant 6 : i32
      %dma_wait3A_426 = arith.constant 0 : i32
      %dma_wait3A_427 = arith.constant 0 : i32
      %dma_wait3A_428 = tpu.memref_slice %arg8[%dma_wait3A_424, %dma_wait3A_426, %dma_wait3A_427] : memref<2x128x128xf32, #tpu.memory_space<vmem>> -> memref<1x128x128xf32, #tpu.memory_space<vmem>>
      %dma_wait3A_429 = tpu.memref_squeeze %dma_wait3A_428 : memref<1x128x128xf32, #tpu.memory_space<vmem>> -> memref<128x128xf32, #tpu.memory_space<vmem>>
      %dma_wait3A_430 = arith.constant 0 : i32
      %dma_wait3A_431 = tpu.memref_slice %arg7[%dma_wait3A_425, %dma_wait3A_430] : memref<8x128xi32, #tpu.memory_space<vmem>> -> memref<1x128xi32, #tpu.memory_space<vmem>>
      %dma_wait3A_432 = tpu.memref_squeeze %dma_wait3A_431 : memref<1x128xi32, #tpu.memory_space<vmem>> -> memref<128xi32, #tpu.memory_space<vmem>>
      %dma_wait3A_433 = arith.constant 0 : i32
      %dma_wait3A_434 = arith.constant 0 : i32
      %dma_wait3A_435 = tpu.memref_slice %arg9[%dma_wait3A_433, %dma_wait3A_434] : memref<10240x128xf32, #tpu.memory_space<vmem_shared>> -> memref<10240x128xf32, #tpu.memory_space<vmem_shared>>
      tpu.wait_indirect_dma semaphore(%arg12 : memref<!tpu.dma_semaphore, #tpu.memory_space<semaphore_mem>>) src(%dma_wait3A_429 : memref<128x128xf32, #tpu.memory_space<vmem>>) dst(%dma_wait3A_435 : memref<10240x128xf32, #tpu.memory_space<vmem_shared>>)
      %dma_wait3A_436 = arith.constant 1 : i32
      %dma_wait3A_437 = arith.constant 7 : i32
      %dma_wait3A_438 = arith.constant 0 : i32
      %dma_wait3A_439 = arith.constant 0 : i32
      %dma_wait3A_440 = tpu.memref_slice %arg8[%dma_wait3A_436, %dma_wait3A_438, %dma_wait3A_439] : memref<2x128x128xf32, #tpu.memory_space<vmem>> -> memref<1x128x128xf32, #tpu.memory_space<vmem>>
      %dma_wait3A_441 = tpu.memref_squeeze %dma_wait3A_440 : memref<1x128x128xf32, #tpu.memory_space<vmem>> -> memref<128x128xf32, #tpu.memory_space<vmem>>
      %dma_wait3A_442 = arith.constant 0 : i32
      %dma_wait3A_443 = tpu.memref_slice %arg7[%dma_wait3A_437, %dma_wait3A_442] : memref<8x128xi32, #tpu.memory_space<vmem>> -> memref<1x128xi32, #tpu.memory_space<vmem>>
      %dma_wait3A_444 = tpu.memref_squeeze %dma_wait3A_443 : memref<1x128xi32, #tpu.memory_space<vmem>> -> memref<128xi32, #tpu.memory_space<vmem>>
      %dma_wait3A_445 = arith.constant 0 : i32
      %dma_wait3A_446 = arith.constant 0 : i32
      %dma_wait3A_447 = tpu.memref_slice %arg9[%dma_wait3A_445, %dma_wait3A_446] : memref<10240x128xf32, #tpu.memory_space<vmem_shared>> -> memref<10240x128xf32, #tpu.memory_space<vmem_shared>>
      tpu.wait_indirect_dma semaphore(%arg13 : memref<!tpu.dma_semaphore, #tpu.memory_space<semaphore_mem>>) src(%dma_wait3A_441 : memref<128x128xf32, #tpu.memory_space<vmem>>) dst(%dma_wait3A_447 : memref<10240x128xf32, #tpu.memory_space<vmem_shared>>)
      %scan3A_448 = arith.constant 0 : i32
      scf.yield %scan3A_448 : i32
    }
    %scan3A_37 = arith.constant 10 : i32
    %barrier3A_38 = arith.constant 0 : index
    tpu.barrier barrier_id(%barrier3A_38)
    %mul3A_39 = arith.constant 640 : i32
    %mul3A_40 = arith.muli %arg1, %mul3A_39 : i32
    %add3A_41 = arith.constant 0 : i32
    %add3A_42 = arith.addi %mul3A_40, %add3A_41 : i32
    "tpu.region"() ({
      %run_scoped3A_59 = tpu.sem_alloc : memref<!tpu.dma_semaphore, #tpu.memory_space<semaphore_mem>>
      %dma_start3A = arith.constant 0 : i32
      %dma_start3A_60 = arith.constant 0 : i32
      %dma_start3A_61 = tpu.memref_slice %arg5[%arg0, %dma_start3A, %dma_start3A_60] : memref<2x10240x128xf32, #tpu.memory_space<hbm>> -> memref<1x10240x128xf32, #tpu.memory_space<hbm>>
      %dma_start3A_62 = tpu.memref_squeeze %dma_start3A_61 : memref<1x10240x128xf32, #tpu.memory_space<hbm>> -> memref<10240x128xf32, #tpu.memory_space<hbm>>
      %dma_start3A_63 = arith.constant 0 : i32
      %dma_start3A_64 = tpu.memref_slice %dma_start3A_62[%add3A_42, %dma_start3A_63] : memref<10240x128xf32, #tpu.memory_space<hbm>> -> memref<128x128xf32, #tpu.memory_space<hbm>>
      %dma_start3A_65 = arith.constant 0 : i32
      %dma_start3A_66 = tpu.memref_slice %arg9[%add3A_42, %dma_start3A_65] : memref<10240x128xf32, #tpu.memory_space<vmem_shared>> -> memref<128x128xf32, #tpu.memory_space<vmem_shared>>
      tpu.enqueue_dma source(%dma_start3A_66 : memref<128x128xf32, #tpu.memory_space<vmem_shared>>) target(%dma_start3A_64 : memref<128x128xf32, #tpu.memory_space<hbm>>) target_semaphore(%run_scoped3A_59 : memref<!tpu.dma_semaphore, #tpu.memory_space<semaphore_mem>>)
      %dma_wait3A = arith.constant 0 : i32
      %dma_wait3A_67 = arith.constant 0 : i32
      %dma_wait3A_68 = tpu.memref_slice %arg5[%arg0, %dma_wait3A, %dma_wait3A_67] : memref<2x10240x128xf32, #tpu.memory_space<hbm>> -> memref<1x10240x128xf32, #tpu.memory_space<hbm>>
      %dma_wait3A_69 = tpu.memref_squeeze %dma_wait3A_68 : memref<1x10240x128xf32, #tpu.memory_space<hbm>> -> memref<10240x128xf32, #tpu.memory_space<hbm>>
      %dma_wait3A_70 = arith.constant 0 : i32
      %dma_wait3A_71 = tpu.memref_slice %dma_wait3A_69[%add3A_42, %dma_wait3A_70] : memref<10240x128xf32, #tpu.memory_space<hbm>> -> memref<128x128xf32, #tpu.memory_space<hbm>>
      %dma_wait3A_72 = arith.constant 0 : i32
      %dma_wait3A_73 = tpu.memref_slice %arg9[%add3A_42, %dma_wait3A_72] : memref<10240x128xf32, #tpu.memory_space<vmem_shared>> -> memref<128x128xf32, #tpu.memory_space<vmem_shared>>
      tpu.wait_dma2 semaphore(%run_scoped3A_59 : memref<!tpu.dma_semaphore, #tpu.memory_space<semaphore_mem>>) src(%dma_wait3A_73 : memref<128x128xf32, #tpu.memory_space<vmem_shared>>) dst(%dma_wait3A_71 : memref<128x128xf32, #tpu.memory_space<hbm>>)
      tpu.yield
    }) : () -> ()
    %mul3A_43 = arith.constant 640 : i32
    %mul3A_44 = arith.muli %arg1, %mul3A_43 : i32
    %add3A_45 = arith.constant 128 : i32
    %add3A_46 = arith.addi %mul3A_44, %add3A_45 : i32
    "tpu.region"() ({
      %run_scoped3A_59 = tpu.sem_alloc : memref<!tpu.dma_semaphore, #tpu.memory_space<semaphore_mem>>
      %dma_start3A = arith.constant 0 : i32
      %dma_start3A_60 = arith.constant 0 : i32
      %dma_start3A_61 = tpu.memref_slice %arg5[%arg0, %dma_start3A, %dma_start3A_60] : memref<2x10240x128xf32, #tpu.memory_space<hbm>> -> memref<1x10240x128xf32, #tpu.memory_space<hbm>>
      %dma_start3A_62 = tpu.memref_squeeze %dma_start3A_61 : memref<1x10240x128xf32, #tpu.memory_space<hbm>> -> memref<10240x128xf32, #tpu.memory_space<hbm>>
      %dma_start3A_63 = arith.constant 0 : i32
      %dma_start3A_64 = tpu.memref_slice %dma_start3A_62[%add3A_46, %dma_start3A_63] : memref<10240x128xf32, #tpu.memory_space<hbm>> -> memref<128x128xf32, #tpu.memory_space<hbm>>
      %dma_start3A_65 = arith.constant 0 : i32
      %dma_start3A_66 = tpu.memref_slice %arg9[%add3A_46, %dma_start3A_65] : memref<10240x128xf32, #tpu.memory_space<vmem_shared>> -> memref<128x128xf32, #tpu.memory_space<vmem_shared>>
      tpu.enqueue_dma source(%dma_start3A_66 : memref<128x128xf32, #tpu.memory_space<vmem_shared>>) target(%dma_start3A_64 : memref<128x128xf32, #tpu.memory_space<hbm>>) target_semaphore(%run_scoped3A_59 : memref<!tpu.dma_semaphore, #tpu.memory_space<semaphore_mem>>)
      %dma_wait3A = arith.constant 0 : i32
      %dma_wait3A_67 = arith.constant 0 : i32
      %dma_wait3A_68 = tpu.memref_slice %arg5[%arg0, %dma_wait3A, %dma_wait3A_67] : memref<2x10240x128xf32, #tpu.memory_space<hbm>> -> memref<1x10240x128xf32, #tpu.memory_space<hbm>>
      %dma_wait3A_69 = tpu.memref_squeeze %dma_wait3A_68 : memref<1x10240x128xf32, #tpu.memory_space<hbm>> -> memref<10240x128xf32, #tpu.memory_space<hbm>>
      %dma_wait3A_70 = arith.constant 0 : i32
      %dma_wait3A_71 = tpu.memref_slice %dma_wait3A_69[%add3A_46, %dma_wait3A_70] : memref<10240x128xf32, #tpu.memory_space<hbm>> -> memref<128x128xf32, #tpu.memory_space<hbm>>
      %dma_wait3A_72 = arith.constant 0 : i32
      %dma_wait3A_73 = tpu.memref_slice %arg9[%add3A_46, %dma_wait3A_72] : memref<10240x128xf32, #tpu.memory_space<vmem_shared>> -> memref<128x128xf32, #tpu.memory_space<vmem_shared>>
      tpu.wait_dma2 semaphore(%run_scoped3A_59 : memref<!tpu.dma_semaphore, #tpu.memory_space<semaphore_mem>>) src(%dma_wait3A_73 : memref<128x128xf32, #tpu.memory_space<vmem_shared>>) dst(%dma_wait3A_71 : memref<128x128xf32, #tpu.memory_space<hbm>>)
      tpu.yield
    }) : () -> ()
    %mul3A_47 = arith.constant 640 : i32
    %mul3A_48 = arith.muli %arg1, %mul3A_47 : i32
    %add3A_49 = arith.constant 256 : i32
    %add3A_50 = arith.addi %mul3A_48, %add3A_49 : i32
    "tpu.region"() ({
      %run_scoped3A_59 = tpu.sem_alloc : memref<!tpu.dma_semaphore, #tpu.memory_space<semaphore_mem>>
      %dma_start3A = arith.constant 0 : i32
      %dma_start3A_60 = arith.constant 0 : i32
      %dma_start3A_61 = tpu.memref_slice %arg5[%arg0, %dma_start3A, %dma_start3A_60] : memref<2x10240x128xf32, #tpu.memory_space<hbm>> -> memref<1x10240x128xf32, #tpu.memory_space<hbm>>
      %dma_start3A_62 = tpu.memref_squeeze %dma_start3A_61 : memref<1x10240x128xf32, #tpu.memory_space<hbm>> -> memref<10240x128xf32, #tpu.memory_space<hbm>>
      %dma_start3A_63 = arith.constant 0 : i32
      %dma_start3A_64 = tpu.memref_slice %dma_start3A_62[%add3A_50, %dma_start3A_63] : memref<10240x128xf32, #tpu.memory_space<hbm>> -> memref<128x128xf32, #tpu.memory_space<hbm>>
      %dma_start3A_65 = arith.constant 0 : i32
      %dma_start3A_66 = tpu.memref_slice %arg9[%add3A_50, %dma_start3A_65] : memref<10240x128xf32, #tpu.memory_space<vmem_shared>> -> memref<128x128xf32, #tpu.memory_space<vmem_shared>>
      tpu.enqueue_dma source(%dma_start3A_66 : memref<128x128xf32, #tpu.memory_space<vmem_shared>>) target(%dma_start3A_64 : memref<128x128xf32, #tpu.memory_space<hbm>>) target_semaphore(%run_scoped3A_59 : memref<!tpu.dma_semaphore, #tpu.memory_space<semaphore_mem>>)
      %dma_wait3A = arith.constant 0 : i32
      %dma_wait3A_67 = arith.constant 0 : i32
      %dma_wait3A_68 = tpu.memref_slice %arg5[%arg0, %dma_wait3A, %dma_wait3A_67] : memref<2x10240x128xf32, #tpu.memory_space<hbm>> -> memref<1x10240x128xf32, #tpu.memory_space<hbm>>
      %dma_wait3A_69 = tpu.memref_squeeze %dma_wait3A_68 : memref<1x10240x128xf32, #tpu.memory_space<hbm>> -> memref<10240x128xf32, #tpu.memory_space<hbm>>
      %dma_wait3A_70 = arith.constant 0 : i32
      %dma_wait3A_71 = tpu.memref_slice %dma_wait3A_69[%add3A_50, %dma_wait3A_70] : memref<10240x128xf32, #tpu.memory_space<hbm>> -> memref<128x128xf32, #tpu.memory_space<hbm>>
      %dma_wait3A_72 = arith.constant 0 : i32
      %dma_wait3A_73 = tpu.memref_slice %arg9[%add3A_50, %dma_wait3A_72] : memref<10240x128xf32, #tpu.memory_space<vmem_shared>> -> memref<128x128xf32, #tpu.memory_space<vmem_shared>>
      tpu.wait_dma2 semaphore(%run_scoped3A_59 : memref<!tpu.dma_semaphore, #tpu.memory_space<semaphore_mem>>) src(%dma_wait3A_73 : memref<128x128xf32, #tpu.memory_space<vmem_shared>>) dst(%dma_wait3A_71 : memref<128x128xf32, #tpu.memory_space<hbm>>)
      tpu.yield
    }) : () -> ()
    %mul3A_51 = arith.constant 640 : i32
    %mul3A_52 = arith.muli %arg1, %mul3A_51 : i32
    %add3A_53 = arith.constant 384 : i32
    %add3A_54 = arith.addi %mul3A_52, %add3A_53 : i32
    "tpu.region"() ({
      %run_scoped3A_59 = tpu.sem_alloc : memref<!tpu.dma_semaphore, #tpu.memory_space<semaphore_mem>>
      %dma_start3A = arith.constant 0 : i32
      %dma_start3A_60 = arith.constant 0 : i32
      %dma_start3A_61 = tpu.memref_slice %arg5[%arg0, %dma_start3A, %dma_start3A_60] : memref<2x10240x128xf32, #tpu.memory_space<hbm>> -> memref<1x10240x128xf32, #tpu.memory_space<hbm>>
      %dma_start3A_62 = tpu.memref_squeeze %dma_start3A_61 : memref<1x10240x128xf32, #tpu.memory_space<hbm>> -> memref<10240x128xf32, #tpu.memory_space<hbm>>
      %dma_start3A_63 = arith.constant 0 : i32
      %dma_start3A_64 = tpu.memref_slice %dma_start3A_62[%add3A_54, %dma_start3A_63] : memref<10240x128xf32, #tpu.memory_space<hbm>> -> memref<128x128xf32, #tpu.memory_space<hbm>>
      %dma_start3A_65 = arith.constant 0 : i32
      %dma_start3A_66 = tpu.memref_slice %arg9[%add3A_54, %dma_start3A_65] : memref<10240x128xf32, #tpu.memory_space<vmem_shared>> -> memref<128x128xf32, #tpu.memory_space<vmem_shared>>
      tpu.enqueue_dma source(%dma_start3A_66 : memref<128x128xf32, #tpu.memory_space<vmem_shared>>) target(%dma_start3A_64 : memref<128x128xf32, #tpu.memory_space<hbm>>) target_semaphore(%run_scoped3A_59 : memref<!tpu.dma_semaphore, #tpu.memory_space<semaphore_mem>>)
      %dma_wait3A = arith.constant 0 : i32
      %dma_wait3A_67 = arith.constant 0 : i32
      %dma_wait3A_68 = tpu.memref_slice %arg5[%arg0, %dma_wait3A, %dma_wait3A_67] : memref<2x10240x128xf32, #tpu.memory_space<hbm>> -> memref<1x10240x128xf32, #tpu.memory_space<hbm>>
      %dma_wait3A_69 = tpu.memref_squeeze %dma_wait3A_68 : memref<1x10240x128xf32, #tpu.memory_space<hbm>> -> memref<10240x128xf32, #tpu.memory_space<hbm>>
      %dma_wait3A_70 = arith.constant 0 : i32
      %dma_wait3A_71 = tpu.memref_slice %dma_wait3A_69[%add3A_54, %dma_wait3A_70] : memref<10240x128xf32, #tpu.memory_space<hbm>> -> memref<128x128xf32, #tpu.memory_space<hbm>>
      %dma_wait3A_72 = arith.constant 0 : i32
      %dma_wait3A_73 = tpu.memref_slice %arg9[%add3A_54, %dma_wait3A_72] : memref<10240x128xf32, #tpu.memory_space<vmem_shared>> -> memref<128x128xf32, #tpu.memory_space<vmem_shared>>
      tpu.wait_dma2 semaphore(%run_scoped3A_59 : memref<!tpu.dma_semaphore, #tpu.memory_space<semaphore_mem>>) src(%dma_wait3A_73 : memref<128x128xf32, #tpu.memory_space<vmem_shared>>) dst(%dma_wait3A_71 : memref<128x128xf32, #tpu.memory_space<hbm>>)
      tpu.yield
    }) : () -> ()
    %mul3A_55 = arith.constant 640 : i32
    %mul3A_56 = arith.muli %arg1, %mul3A_55 : i32
    %add3A_57 = arith.constant 512 : i32
    %add3A_58 = arith.addi %mul3A_56, %add3A_57 : i32
    "tpu.region"() ({
      %run_scoped3A_59 = tpu.sem_alloc : memref<!tpu.dma_semaphore, #tpu.memory_space<semaphore_mem>>
      %dma_start3A = arith.constant 0 : i32
      %dma_start3A_60 = arith.constant 0 : i32
      %dma_start3A_61 = tpu.memref_slice %arg5[%arg0, %dma_start3A, %dma_start3A_60] : memref<2x10240x128xf32, #tpu.memory_space<hbm>> -> memref<1x10240x128xf32, #tpu.memory_space<hbm>>
      %dma_start3A_62 = tpu.memref_squeeze %dma_start3A_61 : memref<1x10240x128xf32, #tpu.memory_space<hbm>> -> memref<10240x128xf32, #tpu.memory_space<hbm>>
      %dma_start3A_63 = arith.constant 0 : i32
      %dma_start3A_64 = tpu.memref_slice %dma_start3A_62[%add3A_58, %dma_start3A_63] : memref<10240x128xf32, #tpu.memory_space<hbm>> -> memref<128x128xf32, #tpu.memory_space<hbm>>
      %dma_start3A_65 = arith.constant 0 : i32
      %dma_start3A_66 = tpu.memref_slice %arg9[%add3A_58, %dma_start3A_65] : memref<10240x128xf32, #tpu.memory_space<vmem_shared>> -> memref<128x128xf32, #tpu.memory_space<vmem_shared>>
      tpu.enqueue_dma source(%dma_start3A_66 : memref<128x128xf32, #tpu.memory_space<vmem_shared>>) target(%dma_start3A_64 : memref<128x128xf32, #tpu.memory_space<hbm>>) target_semaphore(%run_scoped3A_59 : memref<!tpu.dma_semaphore, #tpu.memory_space<semaphore_mem>>)
      %dma_wait3A = arith.constant 0 : i32
      %dma_wait3A_67 = arith.constant 0 : i32
      %dma_wait3A_68 = tpu.memref_slice %arg5[%arg0, %dma_wait3A, %dma_wait3A_67] : memref<2x10240x128xf32, #tpu.memory_space<hbm>> -> memref<1x10240x128xf32, #tpu.memory_space<hbm>>
      %dma_wait3A_69 = tpu.memref_squeeze %dma_wait3A_68 : memref<1x10240x128xf32, #tpu.memory_space<hbm>> -> memref<10240x128xf32, #tpu.memory_space<hbm>>
      %dma_wait3A_70 = arith.constant 0 : i32
      %dma_wait3A_71 = tpu.memref_slice %dma_wait3A_69[%add3A_58, %dma_wait3A_70] : memref<10240x128xf32, #tpu.memory_space<hbm>> -> memref<128x128xf32, #tpu.memory_space<hbm>>
      %dma_wait3A_72 = arith.constant 0 : i32
      %dma_wait3A_73 = tpu.memref_slice %arg9[%add3A_58, %dma_wait3A_72] : memref<10240x128xf32, #tpu.memory_space<vmem_shared>> -> memref<128x128xf32, #tpu.memory_space<vmem_shared>>
      tpu.wait_dma2 semaphore(%run_scoped3A_59 : memref<!tpu.dma_semaphore, #tpu.memory_space<semaphore_mem>>) src(%dma_wait3A_73 : memref<128x128xf32, #tpu.memory_space<vmem_shared>>) dst(%dma_wait3A_71 : memref<128x128xf32, #tpu.memory_space<hbm>>)
      tpu.yield
    }) : () -> ()
    return
  }
}

#map = affine_map<(d0, d1) -> (0, 0)>
#map1 = affine_map<(d0, d1) -> (0, 0, 0)>
module attributes {stable_mosaic.version = 14 : i64} {
  func.func @_deg_body(%arg0: i32, %arg1: i32, %arg2: memref<2560x128xi32, #tpu.memory_space<hbm>>, %arg3: memref<2x10240x128xf32, #tpu.memory_space<hbm>>, %arg4: memref<80x128xi32, #tpu.memory_space<vmem>>, %arg5: memref<128x128xf32, #tpu.memory_space<vmem>>, %arg6: memref<10240x128xf32, #tpu.memory_space<vmem_shared>>) attributes {dimension_semantics = [#tpu.dimension_semantics<core_parallel>, #tpu.dimension_semantics<subcore_parallel>], iteration_bounds = array<i64: 2, 16>, scalar_prefetch = 0 : i64, scratch_operands = 3 : i64, tpu.core_type = #tpu.core_type<sc_vector_subcore>, window_params = [{transform_indices = #map}, {transform_indices = #map1}]} {
    %mul3A = arith.constant 2 : i32
    %mul3A_0 = arith.muli %arg1, %mul3A : i32
    %add3A = arith.addi %mul3A_0, %arg0 : i32
    %scan3A = arith.constant 0 : i32
    %scan3A_1 = arith.constant 0 : i32
    %scan3A_2 = arith.constant 128 : i32
    %scan3A_3 = arith.addi %scan3A_1, %scan3A_2 : i32
    %scan3A_4 = arith.constant 1 : i32
    %scan3A_5 = scf.for %scan3A_64 = %scan3A_1 to %scan3A_3 step %scan3A_4 iter_args(%scan3A_65 = %scan3A) -> (i32)  : i32 {
      %scan3A_66 = arith.constant 0 : i32
      %scan3A_67 = arith.constant 0 : i32
      %scan3A_68 = arith.constant 8 : i32
      %scan3A_69 = arith.addi %scan3A_67, %scan3A_68 : i32
      %scan3A_70 = arith.constant 1 : i32
      %scan3A_71 = scf.for %scan3A_74 = %scan3A_67 to %scan3A_69 step %scan3A_70 iter_args(%scan3A_75 = %scan3A_66) -> (i32)  : i32 {
        %broadcast_in_dim3A = arith.constant 0.000000e+00 : f32
        %broadcast_in_dim3A_76 = vector.broadcast %broadcast_in_dim3A : f32 to vector<16xf32>
        %mul3A_77 = arith.constant 16 : i32
        %mul3A_78 = arith.muli %scan3A_74, %mul3A_77 : i32
        %swap3A = arith.index_cast %scan3A_64 : i32 to index
        %swap3A_79 = arith.index_cast %mul3A_78 : i32 to index
        %swap3A_80 = tpu.vector_load %arg5[%swap3A, %swap3A_79] {strides = array<i32>} : memref<128x128xf32, #tpu.memory_space<vmem>>, vector<1x16xf32>,
        %swap3A_81 = vector.shape_cast %swap3A_80 : vector<1x16xf32> to vector<16xf32>
        %swap3A_82 = vector.shape_cast %broadcast_in_dim3A_76 : vector<16xf32> to vector<1x16xf32>
        tpu.vector_store %arg5[%swap3A, %swap3A_79], %swap3A_82 {strides = array<i32>} : memref<128x128xf32, #tpu.memory_space<vmem>>, vector<1x16xf32>,
        %scan3A_83 = arith.constant 0 : i32
        scf.yield %scan3A_83 : i32
      }
      %scan3A_72 = arith.constant 8 : i32
      %scan3A_73 = arith.constant 0 : i32
      scf.yield %scan3A_73 : i32
    }
    %scan3A_6 = arith.constant 128 : i32
    %mul3A_7 = arith.constant 640 : i32
    %mul3A_8 = arith.muli %arg1, %mul3A_7 : i32
    %add3A_9 = arith.constant 0 : i32
    %add3A_10 = arith.addi %mul3A_8, %add3A_9 : i32
    "tpu.region"() ({
      %run_scoped3A = tpu.sem_alloc : memref<!tpu.dma_semaphore, #tpu.memory_space<semaphore_mem>>
      %dma_start3A = arith.constant 0 : i32
      %dma_start3A_64 = tpu.memref_slice %arg6[%add3A_10, %dma_start3A] : memref<10240x128xf32, #tpu.memory_space<vmem_shared>> -> memref<128x128xf32, #tpu.memory_space<vmem_shared>>
      %dma_start3A_65 = arith.constant 0 : i32
      %dma_start3A_66 = tpu.memref_slice %arg6[%add3A_10, %dma_start3A_65] : memref<10240x128xf32, #tpu.memory_space<vmem_shared>> -> memref<128x128xf32, #tpu.memory_space<vmem_shared>>
      tpu.enqueue_dma source(%arg5 : memref<128x128xf32, #tpu.memory_space<vmem>>) target(%dma_start3A_66 : memref<128x128xf32, #tpu.memory_space<vmem_shared>>) target_semaphore(%run_scoped3A : memref<!tpu.dma_semaphore, #tpu.memory_space<semaphore_mem>>)
      %dma_wait3A = arith.constant 0 : i32
      %dma_wait3A_67 = tpu.memref_slice %arg6[%add3A_10, %dma_wait3A] : memref<10240x128xf32, #tpu.memory_space<vmem_shared>> -> memref<128x128xf32, #tpu.memory_space<vmem_shared>>
      %dma_wait3A_68 = arith.constant 0 : i32
      %dma_wait3A_69 = tpu.memref_slice %arg6[%add3A_10, %dma_wait3A_68] : memref<10240x128xf32, #tpu.memory_space<vmem_shared>> -> memref<128x128xf32, #tpu.memory_space<vmem_shared>>
      tpu.wait_dma2 semaphore(%run_scoped3A : memref<!tpu.dma_semaphore, #tpu.memory_space<semaphore_mem>>) src(%arg5 : memref<128x128xf32, #tpu.memory_space<vmem>>) dst(%dma_wait3A_69 : memref<128x128xf32, #tpu.memory_space<vmem_shared>>)
      tpu.yield
    }) : () -> ()
    %mul3A_11 = arith.constant 640 : i32
    %mul3A_12 = arith.muli %arg1, %mul3A_11 : i32
    %add3A_13 = arith.constant 128 : i32
    %add3A_14 = arith.addi %mul3A_12, %add3A_13 : i32
    "tpu.region"() ({
      %run_scoped3A = tpu.sem_alloc : memref<!tpu.dma_semaphore, #tpu.memory_space<semaphore_mem>>
      %dma_start3A = arith.constant 0 : i32
      %dma_start3A_64 = tpu.memref_slice %arg6[%add3A_14, %dma_start3A] : memref<10240x128xf32, #tpu.memory_space<vmem_shared>> -> memref<128x128xf32, #tpu.memory_space<vmem_shared>>
      %dma_start3A_65 = arith.constant 0 : i32
      %dma_start3A_66 = tpu.memref_slice %arg6[%add3A_14, %dma_start3A_65] : memref<10240x128xf32, #tpu.memory_space<vmem_shared>> -> memref<128x128xf32, #tpu.memory_space<vmem_shared>>
      tpu.enqueue_dma source(%arg5 : memref<128x128xf32, #tpu.memory_space<vmem>>) target(%dma_start3A_66 : memref<128x128xf32, #tpu.memory_space<vmem_shared>>) target_semaphore(%run_scoped3A : memref<!tpu.dma_semaphore, #tpu.memory_space<semaphore_mem>>)
      %dma_wait3A = arith.constant 0 : i32
      %dma_wait3A_67 = tpu.memref_slice %arg6[%add3A_14, %dma_wait3A] : memref<10240x128xf32, #tpu.memory_space<vmem_shared>> -> memref<128x128xf32, #tpu.memory_space<vmem_shared>>
      %dma_wait3A_68 = arith.constant 0 : i32
      %dma_wait3A_69 = tpu.memref_slice %arg6[%add3A_14, %dma_wait3A_68] : memref<10240x128xf32, #tpu.memory_space<vmem_shared>> -> memref<128x128xf32, #tpu.memory_space<vmem_shared>>
      tpu.wait_dma2 semaphore(%run_scoped3A : memref<!tpu.dma_semaphore, #tpu.memory_space<semaphore_mem>>) src(%arg5 : memref<128x128xf32, #tpu.memory_space<vmem>>) dst(%dma_wait3A_69 : memref<128x128xf32, #tpu.memory_space<vmem_shared>>)
      tpu.yield
    }) : () -> ()
    %mul3A_15 = arith.constant 640 : i32
    %mul3A_16 = arith.muli %arg1, %mul3A_15 : i32
    %add3A_17 = arith.constant 256 : i32
    %add3A_18 = arith.addi %mul3A_16, %add3A_17 : i32
    "tpu.region"() ({
      %run_scoped3A = tpu.sem_alloc : memref<!tpu.dma_semaphore, #tpu.memory_space<semaphore_mem>>
      %dma_start3A = arith.constant 0 : i32
      %dma_start3A_64 = tpu.memref_slice %arg6[%add3A_18, %dma_start3A] : memref<10240x128xf32, #tpu.memory_space<vmem_shared>> -> memref<128x128xf32, #tpu.memory_space<vmem_shared>>
      %dma_start3A_65 = arith.constant 0 : i32
      %dma_start3A_66 = tpu.memref_slice %arg6[%add3A_18, %dma_start3A_65] : memref<10240x128xf32, #tpu.memory_space<vmem_shared>> -> memref<128x128xf32, #tpu.memory_space<vmem_shared>>
      tpu.enqueue_dma source(%arg5 : memref<128x128xf32, #tpu.memory_space<vmem>>) target(%dma_start3A_66 : memref<128x128xf32, #tpu.memory_space<vmem_shared>>) target_semaphore(%run_scoped3A : memref<!tpu.dma_semaphore, #tpu.memory_space<semaphore_mem>>)
      %dma_wait3A = arith.constant 0 : i32
      %dma_wait3A_67 = tpu.memref_slice %arg6[%add3A_18, %dma_wait3A] : memref<10240x128xf32, #tpu.memory_space<vmem_shared>> -> memref<128x128xf32, #tpu.memory_space<vmem_shared>>
      %dma_wait3A_68 = arith.constant 0 : i32
      %dma_wait3A_69 = tpu.memref_slice %arg6[%add3A_18, %dma_wait3A_68] : memref<10240x128xf32, #tpu.memory_space<vmem_shared>> -> memref<128x128xf32, #tpu.memory_space<vmem_shared>>
      tpu.wait_dma2 semaphore(%run_scoped3A : memref<!tpu.dma_semaphore, #tpu.memory_space<semaphore_mem>>) src(%arg5 : memref<128x128xf32, #tpu.memory_space<vmem>>) dst(%dma_wait3A_69 : memref<128x128xf32, #tpu.memory_space<vmem_shared>>)
      tpu.yield
    }) : () -> ()
    %mul3A_19 = arith.constant 640 : i32
    %mul3A_20 = arith.muli %arg1, %mul3A_19 : i32
    %add3A_21 = arith.constant 384 : i32
    %add3A_22 = arith.addi %mul3A_20, %add3A_21 : i32
    "tpu.region"() ({
      %run_scoped3A = tpu.sem_alloc : memref<!tpu.dma_semaphore, #tpu.memory_space<semaphore_mem>>
      %dma_start3A = arith.constant 0 : i32
      %dma_start3A_64 = tpu.memref_slice %arg6[%add3A_22, %dma_start3A] : memref<10240x128xf32, #tpu.memory_space<vmem_shared>> -> memref<128x128xf32, #tpu.memory_space<vmem_shared>>
      %dma_start3A_65 = arith.constant 0 : i32
      %dma_start3A_66 = tpu.memref_slice %arg6[%add3A_22, %dma_start3A_65] : memref<10240x128xf32, #tpu.memory_space<vmem_shared>> -> memref<128x128xf32, #tpu.memory_space<vmem_shared>>
      tpu.enqueue_dma source(%arg5 : memref<128x128xf32, #tpu.memory_space<vmem>>) target(%dma_start3A_66 : memref<128x128xf32, #tpu.memory_space<vmem_shared>>) target_semaphore(%run_scoped3A : memref<!tpu.dma_semaphore, #tpu.memory_space<semaphore_mem>>)
      %dma_wait3A = arith.constant 0 : i32
      %dma_wait3A_67 = tpu.memref_slice %arg6[%add3A_22, %dma_wait3A] : memref<10240x128xf32, #tpu.memory_space<vmem_shared>> -> memref<128x128xf32, #tpu.memory_space<vmem_shared>>
      %dma_wait3A_68 = arith.constant 0 : i32
      %dma_wait3A_69 = tpu.memref_slice %arg6[%add3A_22, %dma_wait3A_68] : memref<10240x128xf32, #tpu.memory_space<vmem_shared>> -> memref<128x128xf32, #tpu.memory_space<vmem_shared>>
      tpu.wait_dma2 semaphore(%run_scoped3A : memref<!tpu.dma_semaphore, #tpu.memory_space<semaphore_mem>>) src(%arg5 : memref<128x128xf32, #tpu.memory_space<vmem>>) dst(%dma_wait3A_69 : memref<128x128xf32, #tpu.memory_space<vmem_shared>>)
      tpu.yield
    }) : () -> ()
    %mul3A_23 = arith.constant 640 : i32
    %mul3A_24 = arith.muli %arg1, %mul3A_23 : i32
    %add3A_25 = arith.constant 512 : i32
    %add3A_26 = arith.addi %mul3A_24, %add3A_25 : i32
    "tpu.region"() ({
      %run_scoped3A = tpu.sem_alloc : memref<!tpu.dma_semaphore, #tpu.memory_space<semaphore_mem>>
      %dma_start3A = arith.constant 0 : i32
      %dma_start3A_64 = tpu.memref_slice %arg6[%add3A_26, %dma_start3A] : memref<10240x128xf32, #tpu.memory_space<vmem_shared>> -> memref<128x128xf32, #tpu.memory_space<vmem_shared>>
      %dma_start3A_65 = arith.constant 0 : i32
      %dma_start3A_66 = tpu.memref_slice %arg6[%add3A_26, %dma_start3A_65] : memref<10240x128xf32, #tpu.memory_space<vmem_shared>> -> memref<128x128xf32, #tpu.memory_space<vmem_shared>>
      tpu.enqueue_dma source(%arg5 : memref<128x128xf32, #tpu.memory_space<vmem>>) target(%dma_start3A_66 : memref<128x128xf32, #tpu.memory_space<vmem_shared>>) target_semaphore(%run_scoped3A : memref<!tpu.dma_semaphore, #tpu.memory_space<semaphore_mem>>)
      %dma_wait3A = arith.constant 0 : i32
      %dma_wait3A_67 = tpu.memref_slice %arg6[%add3A_26, %dma_wait3A] : memref<10240x128xf32, #tpu.memory_space<vmem_shared>> -> memref<128x128xf32, #tpu.memory_space<vmem_shared>>
      %dma_wait3A_68 = arith.constant 0 : i32
      %dma_wait3A_69 = tpu.memref_slice %arg6[%add3A_26, %dma_wait3A_68] : memref<10240x128xf32, #tpu.memory_space<vmem_shared>> -> memref<128x128xf32, #tpu.memory_space<vmem_shared>>
      tpu.wait_dma2 semaphore(%run_scoped3A : memref<!tpu.dma_semaphore, #tpu.memory_space<semaphore_mem>>) src(%arg5 : memref<128x128xf32, #tpu.memory_space<vmem>>) dst(%dma_wait3A_69 : memref<128x128xf32, #tpu.memory_space<vmem_shared>>)
      tpu.yield
    }) : () -> ()
    %scan3A_27 = arith.constant 0 : i32
    %scan3A_28 = arith.constant 0 : i32
    %scan3A_29 = arith.constant 128 : i32
    %scan3A_30 = arith.addi %scan3A_28, %scan3A_29 : i32
    %scan3A_31 = arith.constant 1 : i32
    %scan3A_32 = scf.for %scan3A_64 = %scan3A_28 to %scan3A_30 step %scan3A_31 iter_args(%scan3A_65 = %scan3A_27) -> (i32)  : i32 {
      %scan3A_66 = arith.constant 0 : i32
      %scan3A_67 = arith.constant 0 : i32
      %scan3A_68 = arith.constant 8 : i32
      %scan3A_69 = arith.addi %scan3A_67, %scan3A_68 : i32
      %scan3A_70 = arith.constant 1 : i32
      %scan3A_71 = scf.for %scan3A_74 = %scan3A_67 to %scan3A_69 step %scan3A_70 iter_args(%scan3A_75 = %scan3A_66) -> (i32)  : i32 {
        %broadcast_in_dim3A = arith.constant 1.000000e+00 : f32
        %broadcast_in_dim3A_76 = vector.broadcast %broadcast_in_dim3A : f32 to vector<16xf32>
        %mul3A_77 = arith.constant 16 : i32
        %mul3A_78 = arith.muli %scan3A_74, %mul3A_77 : i32
        %swap3A = arith.index_cast %scan3A_64 : i32 to index
        %swap3A_79 = arith.index_cast %mul3A_78 : i32 to index
        %swap3A_80 = tpu.vector_load %arg5[%swap3A, %swap3A_79] {strides = array<i32>} : memref<128x128xf32, #tpu.memory_space<vmem>>, vector<1x16xf32>,
        %swap3A_81 = vector.shape_cast %swap3A_80 : vector<1x16xf32> to vector<16xf32>
        %swap3A_82 = vector.shape_cast %broadcast_in_dim3A_76 : vector<16xf32> to vector<1x16xf32>
        tpu.vector_store %arg5[%swap3A, %swap3A_79], %swap3A_82 {strides = array<i32>} : memref<128x128xf32, #tpu.memory_space<vmem>>, vector<1x16xf32>,
        %scan3A_83 = arith.constant 0 : i32
        scf.yield %scan3A_83 : i32
      }
      %scan3A_72 = arith.constant 8 : i32
      %scan3A_73 = arith.constant 0 : i32
      scf.yield %scan3A_73 : i32
    }
    %scan3A_33 = arith.constant 128 : i32
    %barrier3A = arith.constant 0 : index
    tpu.barrier barrier_id(%barrier3A)
    %mul3A_34 = arith.constant 80 : i32
    %mul3A_35 = arith.muli %add3A, %mul3A_34 : i32
    "tpu.region"() ({
      %run_scoped3A = tpu.sem_alloc : memref<!tpu.dma_semaphore, #tpu.memory_space<semaphore_mem>>
      %dma_start3A = arith.constant 0 : i32
      %dma_start3A_64 = tpu.memref_slice %arg2[%mul3A_35, %dma_start3A] : memref<2560x128xi32, #tpu.memory_space<hbm>> -> memref<80x128xi32, #tpu.memory_space<hbm>>
      %dma_start3A_65 = arith.constant 0 : i32
      %dma_start3A_66 = tpu.memref_slice %arg2[%mul3A_35, %dma_start3A_65] : memref<2560x128xi32, #tpu.memory_space<hbm>> -> memref<80x128xi32, #tpu.memory_space<hbm>>
      tpu.enqueue_dma source(%dma_start3A_66 : memref<80x128xi32, #tpu.memory_space<hbm>>) target(%arg4 : memref<80x128xi32, #tpu.memory_space<vmem>>) target_semaphore(%run_scoped3A : memref<!tpu.dma_semaphore, #tpu.memory_space<semaphore_mem>>)
      %dma_wait3A = arith.constant 0 : i32
      %dma_wait3A_67 = tpu.memref_slice %arg2[%mul3A_35, %dma_wait3A] : memref<2560x128xi32, #tpu.memory_space<hbm>> -> memref<80x128xi32, #tpu.memory_space<hbm>>
      %dma_wait3A_68 = arith.constant 0 : i32
      %dma_wait3A_69 = tpu.memref_slice %arg2[%mul3A_35, %dma_wait3A_68] : memref<2560x128xi32, #tpu.memory_space<hbm>> -> memref<80x128xi32, #tpu.memory_space<hbm>>
      tpu.wait_dma2 semaphore(%run_scoped3A : memref<!tpu.dma_semaphore, #tpu.memory_space<semaphore_mem>>) src(%dma_wait3A_69 : memref<80x128xi32, #tpu.memory_space<hbm>>) dst(%arg4 : memref<80x128xi32, #tpu.memory_space<vmem>>)
      tpu.yield
    }) : () -> ()
    %scan3A_36 = arith.constant 0 : i32
    %scan3A_37 = arith.constant 0 : i32
    %scan3A_38 = arith.constant 80 : i32
    %scan3A_39 = arith.addi %scan3A_37, %scan3A_38 : i32
    %scan3A_40 = arith.constant 1 : i32
    %scan3A_41 = scf.for %scan3A_64 = %scan3A_37 to %scan3A_39 step %scan3A_40 iter_args(%scan3A_65 = %scan3A_36) -> (i32)  : i32 {
      "tpu.region"() ({
        %run_scoped3A = tpu.sem_alloc : memref<!tpu.dma_semaphore, #tpu.memory_space<semaphore_mem>>
        %dma_start3A = arith.constant 0 : i32
        %dma_start3A_67 = tpu.memref_slice %arg4[%scan3A_64, %dma_start3A] : memref<80x128xi32, #tpu.memory_space<vmem>> -> memref<1x128xi32, #tpu.memory_space<vmem>>
        %dma_start3A_68 = tpu.memref_squeeze %dma_start3A_67 : memref<1x128xi32, #tpu.memory_space<vmem>> -> memref<128xi32, #tpu.memory_space<vmem>>
        %dma_start3A_69 = arith.constant 0 : i32
        %dma_start3A_70 = arith.constant 0 : i32
        %dma_start3A_71 = tpu.memref_slice %arg6[%dma_start3A_69, %dma_start3A_70] : memref<10240x128xf32, #tpu.memory_space<vmem_shared>> -> memref<10240x128xf32, #tpu.memory_space<vmem_shared>>
        tpu.enqueue_indirect_dma source(%arg5 : memref<128x128xf32, #tpu.memory_space<vmem>>) target(%dma_start3A_71 : memref<10240x128xf32, #tpu.memory_space<vmem_shared>>) offsets(%dma_start3A_68 : memref<128xi32, #tpu.memory_space<vmem>>) semaphore(%run_scoped3A : memref<!tpu.dma_semaphore, #tpu.memory_space<semaphore_mem>>) {add = true}
        %dma_wait3A = arith.constant 0 : i32
        %dma_wait3A_72 = tpu.memref_slice %arg4[%scan3A_64, %dma_wait3A] : memref<80x128xi32, #tpu.memory_space<vmem>> -> memref<1x128xi32, #tpu.memory_space<vmem>>
        %dma_wait3A_73 = tpu.memref_squeeze %dma_wait3A_72 : memref<1x128xi32, #tpu.memory_space<vmem>> -> memref<128xi32, #tpu.memory_space<vmem>>
        %dma_wait3A_74 = arith.constant 0 : i32
        %dma_wait3A_75 = arith.constant 0 : i32
        %dma_wait3A_76 = tpu.memref_slice %arg6[%dma_wait3A_74, %dma_wait3A_75] : memref<10240x128xf32, #tpu.memory_space<vmem_shared>> -> memref<10240x128xf32, #tpu.memory_space<vmem_shared>>
        tpu.wait_indirect_dma semaphore(%run_scoped3A : memref<!tpu.dma_semaphore, #tpu.memory_space<semaphore_mem>>) src(%arg5 : memref<128x128xf32, #tpu.memory_space<vmem>>) dst(%dma_wait3A_76 : memref<10240x128xf32, #tpu.memory_space<vmem_shared>>)
        tpu.yield
      }) : () -> ()
      %scan3A_66 = arith.constant 0 : i32
      scf.yield %scan3A_66 : i32
    }
    %scan3A_42 = arith.constant 80 : i32
    %barrier3A_43 = arith.constant 0 : index
    tpu.barrier barrier_id(%barrier3A_43)
    %mul3A_44 = arith.constant 640 : i32
    %mul3A_45 = arith.muli %arg1, %mul3A_44 : i32
    %add3A_46 = arith.constant 0 : i32
    %add3A_47 = arith.addi %mul3A_45, %add3A_46 : i32
    "tpu.region"() ({
      %run_scoped3A = tpu.sem_alloc : memref<!tpu.dma_semaphore, #tpu.memory_space<semaphore_mem>>
      %dma_start3A = arith.constant 0 : i32
      %dma_start3A_64 = arith.constant 0 : i32
      %dma_start3A_65 = tpu.memref_slice %arg3[%arg0, %dma_start3A, %dma_start3A_64] : memref<2x10240x128xf32, #tpu.memory_space<hbm>> -> memref<1x10240x128xf32, #tpu.memory_space<hbm>>
      %dma_start3A_66 = tpu.memref_squeeze %dma_start3A_65 : memref<1x10240x128xf32, #tpu.memory_space<hbm>> -> memref<10240x128xf32, #tpu.memory_space<hbm>>
      %dma_start3A_67 = arith.constant 0 : i32
      %dma_start3A_68 = tpu.memref_slice %dma_start3A_66[%add3A_47, %dma_start3A_67] : memref<10240x128xf32, #tpu.memory_space<hbm>> -> memref<128x128xf32, #tpu.memory_space<hbm>>
      %dma_start3A_69 = arith.constant 0 : i32
      %dma_start3A_70 = tpu.memref_slice %arg6[%add3A_47, %dma_start3A_69] : memref<10240x128xf32, #tpu.memory_space<vmem_shared>> -> memref<128x128xf32, #tpu.memory_space<vmem_shared>>
      tpu.enqueue_dma source(%dma_start3A_70 : memref<128x128xf32, #tpu.memory_space<vmem_shared>>) target(%dma_start3A_68 : memref<128x128xf32, #tpu.memory_space<hbm>>) target_semaphore(%run_scoped3A : memref<!tpu.dma_semaphore, #tpu.memory_space<semaphore_mem>>)
      %dma_wait3A = arith.constant 0 : i32
      %dma_wait3A_71 = arith.constant 0 : i32
      %dma_wait3A_72 = tpu.memref_slice %arg3[%arg0, %dma_wait3A, %dma_wait3A_71] : memref<2x10240x128xf32, #tpu.memory_space<hbm>> -> memref<1x10240x128xf32, #tpu.memory_space<hbm>>
      %dma_wait3A_73 = tpu.memref_squeeze %dma_wait3A_72 : memref<1x10240x128xf32, #tpu.memory_space<hbm>> -> memref<10240x128xf32, #tpu.memory_space<hbm>>
      %dma_wait3A_74 = arith.constant 0 : i32
      %dma_wait3A_75 = tpu.memref_slice %dma_wait3A_73[%add3A_47, %dma_wait3A_74] : memref<10240x128xf32, #tpu.memory_space<hbm>> -> memref<128x128xf32, #tpu.memory_space<hbm>>
      %dma_wait3A_76 = arith.constant 0 : i32
      %dma_wait3A_77 = tpu.memref_slice %arg6[%add3A_47, %dma_wait3A_76] : memref<10240x128xf32, #tpu.memory_space<vmem_shared>> -> memref<128x128xf32, #tpu.memory_space<vmem_shared>>
      tpu.wait_dma2 semaphore(%run_scoped3A : memref<!tpu.dma_semaphore, #tpu.memory_space<semaphore_mem>>) src(%dma_wait3A_77 : memref<128x128xf32, #tpu.memory_space<vmem_shared>>) dst(%dma_wait3A_75 : memref<128x128xf32, #tpu.memory_space<hbm>>)
      tpu.yield
    }) : () -> ()
    %mul3A_48 = arith.constant 640 : i32
    %mul3A_49 = arith.muli %arg1, %mul3A_48 : i32
    %add3A_50 = arith.constant 128 : i32
    %add3A_51 = arith.addi %mul3A_49, %add3A_50 : i32
    "tpu.region"() ({
      %run_scoped3A = tpu.sem_alloc : memref<!tpu.dma_semaphore, #tpu.memory_space<semaphore_mem>>
      %dma_start3A = arith.constant 0 : i32
      %dma_start3A_64 = arith.constant 0 : i32
      %dma_start3A_65 = tpu.memref_slice %arg3[%arg0, %dma_start3A, %dma_start3A_64] : memref<2x10240x128xf32, #tpu.memory_space<hbm>> -> memref<1x10240x128xf32, #tpu.memory_space<hbm>>
      %dma_start3A_66 = tpu.memref_squeeze %dma_start3A_65 : memref<1x10240x128xf32, #tpu.memory_space<hbm>> -> memref<10240x128xf32, #tpu.memory_space<hbm>>
      %dma_start3A_67 = arith.constant 0 : i32
      %dma_start3A_68 = tpu.memref_slice %dma_start3A_66[%add3A_51, %dma_start3A_67] : memref<10240x128xf32, #tpu.memory_space<hbm>> -> memref<128x128xf32, #tpu.memory_space<hbm>>
      %dma_start3A_69 = arith.constant 0 : i32
      %dma_start3A_70 = tpu.memref_slice %arg6[%add3A_51, %dma_start3A_69] : memref<10240x128xf32, #tpu.memory_space<vmem_shared>> -> memref<128x128xf32, #tpu.memory_space<vmem_shared>>
      tpu.enqueue_dma source(%dma_start3A_70 : memref<128x128xf32, #tpu.memory_space<vmem_shared>>) target(%dma_start3A_68 : memref<128x128xf32, #tpu.memory_space<hbm>>) target_semaphore(%run_scoped3A : memref<!tpu.dma_semaphore, #tpu.memory_space<semaphore_mem>>)
      %dma_wait3A = arith.constant 0 : i32
      %dma_wait3A_71 = arith.constant 0 : i32
      %dma_wait3A_72 = tpu.memref_slice %arg3[%arg0, %dma_wait3A, %dma_wait3A_71] : memref<2x10240x128xf32, #tpu.memory_space<hbm>> -> memref<1x10240x128xf32, #tpu.memory_space<hbm>>
      %dma_wait3A_73 = tpu.memref_squeeze %dma_wait3A_72 : memref<1x10240x128xf32, #tpu.memory_space<hbm>> -> memref<10240x128xf32, #tpu.memory_space<hbm>>
      %dma_wait3A_74 = arith.constant 0 : i32
      %dma_wait3A_75 = tpu.memref_slice %dma_wait3A_73[%add3A_51, %dma_wait3A_74] : memref<10240x128xf32, #tpu.memory_space<hbm>> -> memref<128x128xf32, #tpu.memory_space<hbm>>
      %dma_wait3A_76 = arith.constant 0 : i32
      %dma_wait3A_77 = tpu.memref_slice %arg6[%add3A_51, %dma_wait3A_76] : memref<10240x128xf32, #tpu.memory_space<vmem_shared>> -> memref<128x128xf32, #tpu.memory_space<vmem_shared>>
      tpu.wait_dma2 semaphore(%run_scoped3A : memref<!tpu.dma_semaphore, #tpu.memory_space<semaphore_mem>>) src(%dma_wait3A_77 : memref<128x128xf32, #tpu.memory_space<vmem_shared>>) dst(%dma_wait3A_75 : memref<128x128xf32, #tpu.memory_space<hbm>>)
      tpu.yield
    }) : () -> ()
    %mul3A_52 = arith.constant 640 : i32
    %mul3A_53 = arith.muli %arg1, %mul3A_52 : i32
    %add3A_54 = arith.constant 256 : i32
    %add3A_55 = arith.addi %mul3A_53, %add3A_54 : i32
    "tpu.region"() ({
      %run_scoped3A = tpu.sem_alloc : memref<!tpu.dma_semaphore, #tpu.memory_space<semaphore_mem>>
      %dma_start3A = arith.constant 0 : i32
      %dma_start3A_64 = arith.constant 0 : i32
      %dma_start3A_65 = tpu.memref_slice %arg3[%arg0, %dma_start3A, %dma_start3A_64] : memref<2x10240x128xf32, #tpu.memory_space<hbm>> -> memref<1x10240x128xf32, #tpu.memory_space<hbm>>
      %dma_start3A_66 = tpu.memref_squeeze %dma_start3A_65 : memref<1x10240x128xf32, #tpu.memory_space<hbm>> -> memref<10240x128xf32, #tpu.memory_space<hbm>>
      %dma_start3A_67 = arith.constant 0 : i32
      %dma_start3A_68 = tpu.memref_slice %dma_start3A_66[%add3A_55, %dma_start3A_67] : memref<10240x128xf32, #tpu.memory_space<hbm>> -> memref<128x128xf32, #tpu.memory_space<hbm>>
      %dma_start3A_69 = arith.constant 0 : i32
      %dma_start3A_70 = tpu.memref_slice %arg6[%add3A_55, %dma_start3A_69] : memref<10240x128xf32, #tpu.memory_space<vmem_shared>> -> memref<128x128xf32, #tpu.memory_space<vmem_shared>>
      tpu.enqueue_dma source(%dma_start3A_70 : memref<128x128xf32, #tpu.memory_space<vmem_shared>>) target(%dma_start3A_68 : memref<128x128xf32, #tpu.memory_space<hbm>>) target_semaphore(%run_scoped3A : memref<!tpu.dma_semaphore, #tpu.memory_space<semaphore_mem>>)
      %dma_wait3A = arith.constant 0 : i32
      %dma_wait3A_71 = arith.constant 0 : i32
      %dma_wait3A_72 = tpu.memref_slice %arg3[%arg0, %dma_wait3A, %dma_wait3A_71] : memref<2x10240x128xf32, #tpu.memory_space<hbm>> -> memref<1x10240x128xf32, #tpu.memory_space<hbm>>
      %dma_wait3A_73 = tpu.memref_squeeze %dma_wait3A_72 : memref<1x10240x128xf32, #tpu.memory_space<hbm>> -> memref<10240x128xf32, #tpu.memory_space<hbm>>
      %dma_wait3A_74 = arith.constant 0 : i32
      %dma_wait3A_75 = tpu.memref_slice %dma_wait3A_73[%add3A_55, %dma_wait3A_74] : memref<10240x128xf32, #tpu.memory_space<hbm>> -> memref<128x128xf32, #tpu.memory_space<hbm>>
      %dma_wait3A_76 = arith.constant 0 : i32
      %dma_wait3A_77 = tpu.memref_slice %arg6[%add3A_55, %dma_wait3A_76] : memref<10240x128xf32, #tpu.memory_space<vmem_shared>> -> memref<128x128xf32, #tpu.memory_space<vmem_shared>>
      tpu.wait_dma2 semaphore(%run_scoped3A : memref<!tpu.dma_semaphore, #tpu.memory_space<semaphore_mem>>) src(%dma_wait3A_77 : memref<128x128xf32, #tpu.memory_space<vmem_shared>>) dst(%dma_wait3A_75 : memref<128x128xf32, #tpu.memory_space<hbm>>)
      tpu.yield
    }) : () -> ()
    %mul3A_56 = arith.constant 640 : i32
    %mul3A_57 = arith.muli %arg1, %mul3A_56 : i32
    %add3A_58 = arith.constant 384 : i32
    %add3A_59 = arith.addi %mul3A_57, %add3A_58 : i32
    "tpu.region"() ({
      %run_scoped3A = tpu.sem_alloc : memref<!tpu.dma_semaphore, #tpu.memory_space<semaphore_mem>>
      %dma_start3A = arith.constant 0 : i32
      %dma_start3A_64 = arith.constant 0 : i32
      %dma_start3A_65 = tpu.memref_slice %arg3[%arg0, %dma_start3A, %dma_start3A_64] : memref<2x10240x128xf32, #tpu.memory_space<hbm>> -> memref<1x10240x128xf32, #tpu.memory_space<hbm>>
      %dma_start3A_66 = tpu.memref_squeeze %dma_start3A_65 : memref<1x10240x128xf32, #tpu.memory_space<hbm>> -> memref<10240x128xf32, #tpu.memory_space<hbm>>
      %dma_start3A_67 = arith.constant 0 : i32
      %dma_start3A_68 = tpu.memref_slice %dma_start3A_66[%add3A_59, %dma_start3A_67] : memref<10240x128xf32, #tpu.memory_space<hbm>> -> memref<128x128xf32, #tpu.memory_space<hbm>>
      %dma_start3A_69 = arith.constant 0 : i32
      %dma_start3A_70 = tpu.memref_slice %arg6[%add3A_59, %dma_start3A_69] : memref<10240x128xf32, #tpu.memory_space<vmem_shared>> -> memref<128x128xf32, #tpu.memory_space<vmem_shared>>
      tpu.enqueue_dma source(%dma_start3A_70 : memref<128x128xf32, #tpu.memory_space<vmem_shared>>) target(%dma_start3A_68 : memref<128x128xf32, #tpu.memory_space<hbm>>) target_semaphore(%run_scoped3A : memref<!tpu.dma_semaphore, #tpu.memory_space<semaphore_mem>>)
      %dma_wait3A = arith.constant 0 : i32
      %dma_wait3A_71 = arith.constant 0 : i32
      %dma_wait3A_72 = tpu.memref_slice %arg3[%arg0, %dma_wait3A, %dma_wait3A_71] : memref<2x10240x128xf32, #tpu.memory_space<hbm>> -> memref<1x10240x128xf32, #tpu.memory_space<hbm>>
      %dma_wait3A_73 = tpu.memref_squeeze %dma_wait3A_72 : memref<1x10240x128xf32, #tpu.memory_space<hbm>> -> memref<10240x128xf32, #tpu.memory_space<hbm>>
      %dma_wait3A_74 = arith.constant 0 : i32
      %dma_wait3A_75 = tpu.memref_slice %dma_wait3A_73[%add3A_59, %dma_wait3A_74] : memref<10240x128xf32, #tpu.memory_space<hbm>> -> memref<128x128xf32, #tpu.memory_space<hbm>>
      %dma_wait3A_76 = arith.constant 0 : i32
      %dma_wait3A_77 = tpu.memref_slice %arg6[%add3A_59, %dma_wait3A_76] : memref<10240x128xf32, #tpu.memory_space<vmem_shared>> -> memref<128x128xf32, #tpu.memory_space<vmem_shared>>
      tpu.wait_dma2 semaphore(%run_scoped3A : memref<!tpu.dma_semaphore, #tpu.memory_space<semaphore_mem>>) src(%dma_wait3A_77 : memref<128x128xf32, #tpu.memory_space<vmem_shared>>) dst(%dma_wait3A_75 : memref<128x128xf32, #tpu.memory_space<hbm>>)
      tpu.yield
    }) : () -> ()
    %mul3A_60 = arith.constant 640 : i32
    %mul3A_61 = arith.muli %arg1, %mul3A_60 : i32
    %add3A_62 = arith.constant 512 : i32
    %add3A_63 = arith.addi %mul3A_61, %add3A_62 : i32
    "tpu.region"() ({
      %run_scoped3A = tpu.sem_alloc : memref<!tpu.dma_semaphore, #tpu.memory_space<semaphore_mem>>
      %dma_start3A = arith.constant 0 : i32
      %dma_start3A_64 = arith.constant 0 : i32
      %dma_start3A_65 = tpu.memref_slice %arg3[%arg0, %dma_start3A, %dma_start3A_64] : memref<2x10240x128xf32, #tpu.memory_space<hbm>> -> memref<1x10240x128xf32, #tpu.memory_space<hbm>>
      %dma_start3A_66 = tpu.memref_squeeze %dma_start3A_65 : memref<1x10240x128xf32, #tpu.memory_space<hbm>> -> memref<10240x128xf32, #tpu.memory_space<hbm>>
      %dma_start3A_67 = arith.constant 0 : i32
      %dma_start3A_68 = tpu.memref_slice %dma_start3A_66[%add3A_63, %dma_start3A_67] : memref<10240x128xf32, #tpu.memory_space<hbm>> -> memref<128x128xf32, #tpu.memory_space<hbm>>
      %dma_start3A_69 = arith.constant 0 : i32
      %dma_start3A_70 = tpu.memref_slice %arg6[%add3A_63, %dma_start3A_69] : memref<10240x128xf32, #tpu.memory_space<vmem_shared>> -> memref<128x128xf32, #tpu.memory_space<vmem_shared>>
      tpu.enqueue_dma source(%dma_start3A_70 : memref<128x128xf32, #tpu.memory_space<vmem_shared>>) target(%dma_start3A_68 : memref<128x128xf32, #tpu.memory_space<hbm>>) target_semaphore(%run_scoped3A : memref<!tpu.dma_semaphore, #tpu.memory_space<semaphore_mem>>)
      %dma_wait3A = arith.constant 0 : i32
      %dma_wait3A_71 = arith.constant 0 : i32
      %dma_wait3A_72 = tpu.memref_slice %arg3[%arg0, %dma_wait3A, %dma_wait3A_71] : memref<2x10240x128xf32, #tpu.memory_space<hbm>> -> memref<1x10240x128xf32, #tpu.memory_space<hbm>>
      %dma_wait3A_73 = tpu.memref_squeeze %dma_wait3A_72 : memref<1x10240x128xf32, #tpu.memory_space<hbm>> -> memref<10240x128xf32, #tpu.memory_space<hbm>>
      %dma_wait3A_74 = arith.constant 0 : i32
      %dma_wait3A_75 = tpu.memref_slice %dma_wait3A_73[%add3A_63, %dma_wait3A_74] : memref<10240x128xf32, #tpu.memory_space<hbm>> -> memref<128x128xf32, #tpu.memory_space<hbm>>
      %dma_wait3A_76 = arith.constant 0 : i32
      %dma_wait3A_77 = tpu.memref_slice %arg6[%add3A_63, %dma_wait3A_76] : memref<10240x128xf32, #tpu.memory_space<vmem_shared>> -> memref<128x128xf32, #tpu.memory_space<vmem_shared>>
      tpu.wait_dma2 semaphore(%run_scoped3A : memref<!tpu.dma_semaphore, #tpu.memory_space<semaphore_mem>>) src(%dma_wait3A_77 : memref<128x128xf32, #tpu.memory_space<vmem_shared>>) dst(%dma_wait3A_75 : memref<128x128xf32, #tpu.memory_space<hbm>>)
      tpu.yield
    }) : () -> ()
    return
  }
}

module attributes {stable_mosaic.version = 14 : i64} {
  func.func @_mm_body(%arg0: i32, %arg1: memref<1024x128xf32, #tpu.memory_space<vmem>>, %arg2: memref<128x128xf32, #tpu.memory_space<vmem>>, %arg3: memref<1024x128xf32, #tpu.memory_space<vmem>>) attributes {dimension_semantics = [#tpu.dimension_semantics<arbitrary>], iteration_bounds = array<i64: 10>, scalar_prefetch = 0 : i64, scratch_operands = 0 : i64, tpu.core_type = #tpu.core_type<tc>, window_params = [{transform_indices = @transform_0, window_bounds = array<i64: 1024, 128>}, {pipeline_mode = #tpu.pipeline_mode<synchronous>, transform_indices = @transform_1, window_bounds = array<i64: 128, 128>}, {transform_indices = @transform_2, window_bounds = array<i64: 1024, 128>}]} {
    %get3A = arith.constant 0 : index
    %get3A_0 = arith.constant 0 : index
    %get3A_1 = vector.load %arg1[%get3A, %get3A_0] : memref<1024x128xf32, #tpu.memory_space<vmem>>, vector<1024x128xf32>
    %get3A_2 = arith.constant 0 : index
    %get3A_3 = arith.constant 0 : index
    %get3A_4 = vector.load %arg2[%get3A_2, %get3A_3] : memref<128x128xf32, #tpu.memory_space<vmem>>, vector<128x128xf32>
    %dot_general3A = arith.constant dense<0.000000e+00> : vector<1024x128xf32>
    %dot_general3A_5 = tpu.matmul %get3A_1, %get3A_4, %dot_general3A {dimension_numbers = #tpu.dot_dimension_numbers<[1], [0], [0], [1], [0, 0, 1, 1], [], []>, transpose_lhs_hint = false} : vector<1024x128xf32>, vector<128x128xf32>, vector<1024x128xf32> -> vector<1024x128xf32>
    %swap3A = arith.constant 0 : index
    %swap3A_6 = arith.constant 0 : index
    %swap3A_7 = vector.load %arg3[%swap3A, %swap3A_6] : memref<1024x128xf32, #tpu.memory_space<vmem>>, vector<1024x128xf32>
    tpu.vector_store %arg3[%swap3A, %swap3A_6], %dot_general3A_5 {strides = array<i32>} : memref<1024x128xf32, #tpu.memory_space<vmem>>, vector<1024x128xf32>,
    return
  }
  func.func @transform_0(%arg0: i32) -> (i32, i32) {
    %c0_i32 = arith.constant 0 : i32
    %c0_i32_0 = arith.constant 0 : i32
    return %arg0, %c0_i32 : i32, i32
  }
  func.func @transform_1(%arg0: i32) -> (i32, i32) {
    %c0_i32 = arith.constant 0 : i32
    %c0_i32_0 = arith.constant 0 : i32
    %c0_i32_1 = arith.constant 0 : i32
    return %c0_i32, %c0_i32_0 : i32, i32
  }
  func.func @transform_2(%arg0: i32) -> (i32, i32) {
    %c0_i32 = arith.constant 0 : i32
    %c0_i32_0 = arith.constant 0 : i32
    return %arg0, %c0_i32 : i32, i32
  }
}

module attributes {stable_mosaic.version = 14 : i64} {
  func.func @_scale_body(%arg0: i32, %arg1: memref<1024x128xf32, #tpu.memory_space<vmem>>, %arg2: memref<1x1024x128xf32, #tpu.memory_space<vmem>>, %arg3: memref<1x1024x128xf32, #tpu.memory_space<vmem>>, %arg4: memref<1024x128xf32, #tpu.memory_space<vmem>>, %arg5: memref<1024x16xf32, #tpu.memory_space<vmem>>) attributes {dimension_semantics = [#tpu.dimension_semantics<arbitrary>], iteration_bounds = array<i64: 10>, scalar_prefetch = 0 : i64, scratch_operands = 0 : i64, tpu.core_type = #tpu.core_type<tc>, window_params = [{transform_indices = @transform_0, window_bounds = array<i64: 1024, 128>}, {transform_indices = @transform_1, window_bounds = array<i64: 1, 1024, 128>}, {transform_indices = @transform_2, window_bounds = array<i64: 1, 1024, 128>}, {transform_indices = @transform_3, window_bounds = array<i64: 1024, 128>}, {transform_indices = @transform_4, window_bounds = array<i64: 1024, 16>}]} {
    %get3A = arith.constant 0 : index
    %get3A_0 = arith.constant 0 : index
    %get3A_1 = arith.constant 0 : index
    %get3A_2 = vector.load %arg2[%get3A, %get3A_0, %get3A_1] : memref<1x1024x128xf32, #tpu.memory_space<vmem>>, vector<1x1024x1xf32>
    %get3A_3 = vector.shape_cast %get3A_2 : vector<1x1024x1xf32> to vector<1024x1xf32>
    %get3A_4 = arith.constant 0 : index
    %get3A_5 = arith.constant 0 : index
    %get3A_6 = arith.constant 0 : index
    %get3A_7 = vector.load %arg3[%get3A_4, %get3A_5, %get3A_6] : memref<1x1024x128xf32, #tpu.memory_space<vmem>>, vector<1x1024x1xf32>
    %get3A_8 = vector.shape_cast %get3A_7 : vector<1x1024x1xf32> to vector<1024x1xf32>
    %add3A = arith.addf %get3A_3, %get3A_8 : vector<1024x1xf32>
    %add3A_9 = arith.constant 1.000000e+00 : f32
    %add3A_10 = vector.broadcast %add3A_9 : f32 to vector<1024x1xf32>
    %add3A_11 = arith.addf %add3A, %add3A_10 : vector<1024x1xf32>
    %max3A = arith.constant 1.000000e+00 : f32
    %max3A_12 = vector.broadcast %max3A : f32 to vector<1024x1xf32>
    %max3A_13 = arith.maximumf %add3A_11, %max3A_12 : vector<1024x1xf32>
    %rsqrt3A = math.rsqrt %max3A_13 : vector<1024x1xf32>
    %broadcast_in_dim3A = vector.shape_cast %rsqrt3A : vector<1024x1xf32> to vector<1024x1xf32>
    %broadcast_in_dim3A_14 = vector.broadcast %broadcast_in_dim3A : vector<1024x1xf32> to vector<1024x16xf32>
    %swap3A = arith.constant 0 : index
    %swap3A_15 = arith.constant 0 : index
    %swap3A_16 = vector.load %arg5[%swap3A, %swap3A_15] : memref<1024x16xf32, #tpu.memory_space<vmem>>, vector<1024x16xf32>
    tpu.vector_store %arg5[%swap3A, %swap3A_15], %broadcast_in_dim3A_14 {strides = array<i32>} : memref<1024x16xf32, #tpu.memory_space<vmem>>, vector<1024x16xf32>,
    %get3A_17 = arith.constant 0 : index
    %get3A_18 = arith.constant 0 : index
    %get3A_19 = vector.load %arg1[%get3A_17, %get3A_18] : memref<1024x128xf32, #tpu.memory_space<vmem>>, vector<1024x128xf32>
    %mul3A = vector.broadcast %rsqrt3A : vector<1024x1xf32> to vector<1024x128xf32>
    %mul3A_20 = arith.mulf %mul3A, %get3A_19 : vector<1024x128xf32>
    %swap3A_21 = arith.constant 0 : index
    %swap3A_22 = arith.constant 0 : index
    %swap3A_23 = vector.load %arg4[%swap3A_21, %swap3A_22] : memref<1024x128xf32, #tpu.memory_space<vmem>>, vector<1024x128xf32>
    tpu.vector_store %arg4[%swap3A_21, %swap3A_22], %mul3A_20 {strides = array<i32>} : memref<1024x128xf32, #tpu.memory_space<vmem>>, vector<1024x128xf32>,
    return
  }
  func.func @transform_0(%arg0: i32) -> (i32, i32) {
    %c0_i32 = arith.constant 0 : i32
    %c0_i32_0 = arith.constant 0 : i32
    return %arg0, %c0_i32 : i32, i32
  }
  func.func @transform_1(%arg0: i32) -> (i32, i32, i32) {
    %c0_i32 = arith.constant 0 : i32
    %c0_i32_0 = arith.constant 0 : i32
    %c0_i32_1 = arith.constant 0 : i32
    return %c0_i32, %arg0, %c0_i32_0 : i32, i32, i32
  }
  func.func @transform_2(%arg0: i32) -> (i32, i32, i32) {
    %c1_i32 = arith.constant 1 : i32
    %c0_i32 = arith.constant 0 : i32
    %c0_i32_0 = arith.constant 0 : i32
    return %c1_i32, %arg0, %c0_i32 : i32, i32, i32
  }
  func.func @transform_3(%arg0: i32) -> (i32, i32) {
    %c0_i32 = arith.constant 0 : i32
    %c0_i32_0 = arith.constant 0 : i32
    return %arg0, %c0_i32 : i32, i32
  }
  func.func @transform_4(%arg0: i32) -> (i32, i32) {
    %c0_i32 = arith.constant 0 : i32
    %c0_i32_0 = arith.constant 0 : i32
    return %arg0, %c0_i32 : i32, i32
  }
}

module attributes {stable_mosaic.version = 14 : i64} {
  func.func @_mid_body(%arg0: i32, %arg1: memref<1x1024x128xf32, #tpu.memory_space<vmem>>, %arg2: memref<1x1024x128xf32, #tpu.memory_space<vmem>>, %arg3: memref<1024x128xf32, #tpu.memory_space<vmem>>, %arg4: memref<1024x16xf32, #tpu.memory_space<vmem>>, %arg5: memref<1x128xf32, #tpu.memory_space<vmem>>, %arg6: memref<1024x128xf32, #tpu.memory_space<vmem>>) attributes {dimension_semantics = [#tpu.dimension_semantics<arbitrary>], iteration_bounds = array<i64: 10>, scalar_prefetch = 0 : i64, scratch_operands = 0 : i64, tpu.core_type = #tpu.core_type<tc>, window_params = [{transform_indices = @transform_0, window_bounds = array<i64: 1, 1024, 128>}, {transform_indices = @transform_1, window_bounds = array<i64: 1, 1024, 128>}, {transform_indices = @transform_2, window_bounds = array<i64: 1024, 128>}, {transform_indices = @transform_3, window_bounds = array<i64: 1024, 16>}, {pipeline_mode = #tpu.pipeline_mode<synchronous>, transform_indices = @transform_4, window_bounds = array<i64: 1, 128>}, {transform_indices = @transform_5, window_bounds = array<i64: 1024, 128>}]} {
    %get3A = arith.constant 0 : index
    %get3A_0 = arith.constant 0 : index
    %get3A_1 = vector.load %arg4[%get3A, %get3A_0] : memref<1024x16xf32, #tpu.memory_space<vmem>>, vector<1024x1xf32>
    %get3A_2 = arith.constant 0 : index
    %get3A_3 = arith.constant 0 : index
    %get3A_4 = arith.constant 0 : index
    %get3A_5 = vector.load %arg1[%get3A_2, %get3A_3, %get3A_4] : memref<1x1024x128xf32, #tpu.memory_space<vmem>>, vector<1x1024x128xf32>
    %get3A_6 = vector.shape_cast %get3A_5 : vector<1x1024x128xf32> to vector<1024x128xf32>
    %get3A_7 = arith.constant 0 : index
    %get3A_8 = arith.constant 0 : index
    %get3A_9 = arith.constant 0 : index
    %get3A_10 = vector.load %arg2[%get3A_7, %get3A_8, %get3A_9] : memref<1x1024x128xf32, #tpu.memory_space<vmem>>, vector<1x1024x128xf32>
    %get3A_11 = vector.shape_cast %get3A_10 : vector<1x1024x128xf32> to vector<1024x128xf32>
    %add3A = arith.addf %get3A_6, %get3A_11 : vector<1024x128xf32>
    %get3A_12 = arith.constant 0 : index
    %get3A_13 = arith.constant 0 : index
    %get3A_14 = vector.load %arg3[%get3A_12, %get3A_13] : memref<1024x128xf32, #tpu.memory_space<vmem>>, vector<1024x128xf32>
    %add3A_15 = arith.addf %add3A, %get3A_14 : vector<1024x128xf32>
    %mul3A = vector.broadcast %get3A_1 : vector<1024x1xf32> to vector<1024x128xf32>
    %mul3A_16 = arith.mulf %mul3A, %add3A_15 : vector<1024x128xf32>
    %get3A_17 = arith.constant 0 : index
    %get3A_18 = arith.constant 0 : index
    %get3A_19 = vector.load %arg5[%get3A_17, %get3A_18] : memref<1x128xf32, #tpu.memory_space<vmem>>, vector<1x128xf32>
    %add3A_20 = vector.broadcast %get3A_19 : vector<1x128xf32> to vector<1024x128xf32>
    %add3A_21 = arith.addf %mul3A_16, %add3A_20 : vector<1024x128xf32>
    %max3A = arith.constant 0.000000e+00 : f32
    %max3A_22 = vector.broadcast %max3A : f32 to vector<1024x128xf32>
    %max3A_23 = arith.maximumf %add3A_21, %max3A_22 : vector<1024x128xf32>
    %mul3A_24 = vector.broadcast %get3A_1 : vector<1024x1xf32> to vector<1024x128xf32>
    %mul3A_25 = arith.mulf %mul3A_24, %max3A_23 : vector<1024x128xf32>
    %swap3A = arith.constant 0 : index
    %swap3A_26 = arith.constant 0 : index
    %swap3A_27 = vector.load %arg6[%swap3A, %swap3A_26] : memref<1024x128xf32, #tpu.memory_space<vmem>>, vector<1024x128xf32>
    tpu.vector_store %arg6[%swap3A, %swap3A_26], %mul3A_25 {strides = array<i32>} : memref<1024x128xf32, #tpu.memory_space<vmem>>, vector<1024x128xf32>,
    return
  }
  func.func @transform_0(%arg0: i32) -> (i32, i32, i32) {
    %c0_i32 = arith.constant 0 : i32
    %c0_i32_0 = arith.constant 0 : i32
    %c0_i32_1 = arith.constant 0 : i32
    return %c0_i32, %arg0, %c0_i32_0 : i32, i32, i32
  }
  func.func @transform_1(%arg0: i32) -> (i32, i32, i32) {
    %c1_i32 = arith.constant 1 : i32
    %c0_i32 = arith.constant 0 : i32
    %c0_i32_0 = arith.constant 0 : i32
    return %c1_i32, %arg0, %c0_i32 : i32, i32, i32
  }
  func.func @transform_2(%arg0: i32) -> (i32, i32) {
    %c0_i32 = arith.constant 0 : i32
    %c0_i32_0 = arith.constant 0 : i32
    return %arg0, %c0_i32 : i32, i32
  }
  func.func @transform_3(%arg0: i32) -> (i32, i32) {
    %c0_i32 = arith.constant 0 : i32
    %c0_i32_0 = arith.constant 0 : i32
    return %arg0, %c0_i32 : i32, i32
  }
  func.func @transform_4(%arg0: i32) -> (i32, i32) {
    %c0_i32 = arith.constant 0 : i32
    %c0_i32_0 = arith.constant 0 : i32
    %c0_i32_1 = arith.constant 0 : i32
    return %c0_i32, %c0_i32_0 : i32, i32
  }
  func.func @transform_5(%arg0: i32) -> (i32, i32) {
    %c0_i32 = arith.constant 0 : i32
    %c0_i32_0 = arith.constant 0 : i32
    return %arg0, %c0_i32 : i32, i32
  }
}

module attributes {stable_mosaic.version = 14 : i64} {
  func.func @_post_body(%arg0: i32, %arg1: memref<1x1024x128xf32, #tpu.memory_space<vmem>>, %arg2: memref<1x1024x128xf32, #tpu.memory_space<vmem>>, %arg3: memref<1024x128xf32, #tpu.memory_space<vmem>>, %arg4: memref<1024x16xf32, #tpu.memory_space<vmem>>, %arg5: memref<128x128xf32, #tpu.memory_space<vmem>>, %arg6: memref<1x128xf32, #tpu.memory_space<vmem>>, %arg7: memref<1024x64xf32, #tpu.memory_space<vmem>>, %arg8: memref<1024x64xf32, #tpu.memory_space<vmem>>) attributes {dimension_semantics = [#tpu.dimension_semantics<arbitrary>], iteration_bounds = array<i64: 10>, scalar_prefetch = 0 : i64, scratch_operands = 0 : i64, tpu.core_type = #tpu.core_type<tc>, window_params = [{transform_indices = @transform_0, window_bounds = array<i64: 1, 1024, 128>}, {transform_indices = @transform_1, window_bounds = array<i64: 1, 1024, 128>}, {transform_indices = @transform_2, window_bounds = array<i64: 1024, 128>}, {transform_indices = @transform_3, window_bounds = array<i64: 1024, 16>}, {pipeline_mode = #tpu.pipeline_mode<synchronous>, transform_indices = @transform_4, window_bounds = array<i64: 128, 128>}, {pipeline_mode = #tpu.pipeline_mode<synchronous>, transform_indices = @transform_5, window_bounds = array<i64: 1, 128>}, {transform_indices = @transform_6, window_bounds = array<i64: 1024, 64>}, {transform_indices = @transform_7, window_bounds = array<i64: 1024, 64>}]} {
    %get3A = arith.constant 0 : index
    %get3A_0 = arith.constant 0 : index
    %get3A_1 = vector.load %arg4[%get3A, %get3A_0] : memref<1024x16xf32, #tpu.memory_space<vmem>>, vector<1024x1xf32>
    %get3A_2 = arith.constant 0 : index
    %get3A_3 = arith.constant 0 : index
    %get3A_4 = arith.constant 0 : index
    %get3A_5 = vector.load %arg1[%get3A_2, %get3A_3, %get3A_4] : memref<1x1024x128xf32, #tpu.memory_space<vmem>>, vector<1x1024x128xf32>
    %get3A_6 = vector.shape_cast %get3A_5 : vector<1x1024x128xf32> to vector<1024x128xf32>
    %get3A_7 = arith.constant 0 : index
    %get3A_8 = arith.constant 0 : index
    %get3A_9 = arith.constant 0 : index
    %get3A_10 = vector.load %arg2[%get3A_7, %get3A_8, %get3A_9] : memref<1x1024x128xf32, #tpu.memory_space<vmem>>, vector<1x1024x128xf32>
    %get3A_11 = vector.shape_cast %get3A_10 : vector<1x1024x128xf32> to vector<1024x128xf32>
    %add3A = arith.addf %get3A_6, %get3A_11 : vector<1024x128xf32>
    %get3A_12 = arith.constant 0 : index
    %get3A_13 = arith.constant 0 : index
    %get3A_14 = vector.load %arg3[%get3A_12, %get3A_13] : memref<1024x128xf32, #tpu.memory_space<vmem>>, vector<1024x128xf32>
    %add3A_15 = arith.addf %add3A, %get3A_14 : vector<1024x128xf32>
    %mul3A = vector.broadcast %get3A_1 : vector<1024x1xf32> to vector<1024x128xf32>
    %mul3A_16 = arith.mulf %mul3A, %add3A_15 : vector<1024x128xf32>
    %get3A_17 = arith.constant 0 : index
    %get3A_18 = arith.constant 0 : index
    %get3A_19 = vector.load %arg5[%get3A_17, %get3A_18] : memref<128x128xf32, #tpu.memory_space<vmem>>, vector<128x128xf32>
    %dot_general3A = arith.constant dense<0.000000e+00> : vector<1024x128xf32>
    %dot_general3A_20 = tpu.matmul %mul3A_16, %get3A_19, %dot_general3A {dimension_numbers = #tpu.dot_dimension_numbers<[1], [0], [0], [1], [0, 0, 1, 1], [], []>, transpose_lhs_hint = false} : vector<1024x128xf32>, vector<128x128xf32>, vector<1024x128xf32> -> vector<1024x128xf32>
    %get3A_21 = arith.constant 0 : index
    %get3A_22 = arith.constant 0 : index
    %get3A_23 = vector.load %arg6[%get3A_21, %get3A_22] : memref<1x128xf32, #tpu.memory_space<vmem>>, vector<1x128xf32>
    %add3A_24 = vector.broadcast %get3A_23 : vector<1x128xf32> to vector<1024x128xf32>
    %add3A_25 = arith.addf %dot_general3A_20, %add3A_24 : vector<1024x128xf32>
    %slice3A = vector.extract_strided_slice %add3A_25 {offsets = [0, 0], sizes = [1024, 64], strides = [1, 1]} : vector<1024x128xf32> to vector<1024x64xf32>
    %swap3A = arith.constant 0 : index
    %swap3A_26 = arith.constant 0 : index
    %swap3A_27 = vector.load %arg7[%swap3A, %swap3A_26] : memref<1024x64xf32, #tpu.memory_space<vmem>>, vector<1024x64xf32>
    tpu.vector_store %arg7[%swap3A, %swap3A_26], %slice3A {strides = array<i32>} : memref<1024x64xf32, #tpu.memory_space<vmem>>, vector<1024x64xf32>,
    %slice3A_28 = vector.extract_strided_slice %add3A_25 {offsets = [0, 64], sizes = [1024, 64], strides = [1, 1]} : vector<1024x128xf32> to vector<1024x64xf32>
    %swap3A_29 = arith.constant 0 : index
    %swap3A_30 = arith.constant 0 : index
    %swap3A_31 = vector.load %arg8[%swap3A_29, %swap3A_30] : memref<1024x64xf32, #tpu.memory_space<vmem>>, vector<1024x64xf32>
    tpu.vector_store %arg8[%swap3A_29, %swap3A_30], %slice3A_28 {strides = array<i32>} : memref<1024x64xf32, #tpu.memory_space<vmem>>, vector<1024x64xf32>,
    return
  }
  func.func @transform_0(%arg0: i32) -> (i32, i32, i32) {
    %c0_i32 = arith.constant 0 : i32
    %c0_i32_0 = arith.constant 0 : i32
    %c0_i32_1 = arith.constant 0 : i32
    return %c0_i32, %arg0, %c0_i32_0 : i32, i32, i32
  }
  func.func @transform_1(%arg0: i32) -> (i32, i32, i32) {
    %c1_i32 = arith.constant 1 : i32
    %c0_i32 = arith.constant 0 : i32
    %c0_i32_0 = arith.constant 0 : i32
    return %c1_i32, %arg0, %c0_i32 : i32, i32, i32
  }
  func.func @transform_2(%arg0: i32) -> (i32, i32) {
    %c0_i32 = arith.constant 0 : i32
    %c0_i32_0 = arith.constant 0 : i32
    return %arg0, %c0_i32 : i32, i32
  }
  func.func @transform_3(%arg0: i32) -> (i32, i32) {
    %c0_i32 = arith.constant 0 : i32
    %c0_i32_0 = arith.constant 0 : i32
    return %arg0, %c0_i32 : i32, i32
  }
  func.func @transform_4(%arg0: i32) -> (i32, i32) {
    %c0_i32 = arith.constant 0 : i32
    %c0_i32_0 = arith.constant 0 : i32
    %c0_i32_1 = arith.constant 0 : i32
    return %c0_i32, %c0_i32_0 : i32, i32
  }
  func.func @transform_5(%arg0: i32) -> (i32, i32) {
    %c0_i32 = arith.constant 0 : i32
    %c0_i32_0 = arith.constant 0 : i32
    %c0_i32_1 = arith.constant 0 : i32
    return %c0_i32, %c0_i32_0 : i32, i32
  }
  func.func @transform_6(%arg0: i32) -> (i32, i32) {
    %c0_i32 = arith.constant 0 : i32
    %c0_i32_0 = arith.constant 0 : i32
    return %arg0, %c0_i32 : i32, i32
  }
  func.func @transform_7(%arg0: i32) -> (i32, i32) {
    %c0_i32 = arith.constant 0 : i32
    %c0_i32_0 = arith.constant 0 : i32
    return %arg0, %c0_i32 : i32, i32
  }
}

</mosaic_0001>

<sc_bundles>
// kernel: kernel.12.cloned.1.call-start
scs
__scs_entry_jumppad:
0x0: {  	(pc) =	sbr.rel $0x88, $3  }
0x1: {  	(tag) =	ssettag $0x0;
	lr =	simm.s32 $0x1  }
0x2: {  	[smem:$0x3F99] =	sst lr;
	_ =	strace $0xD0000000  }
0x3: {  	_ = 	snop  }
0x4: {  	_ = 	snop  }
0x5: {  	_ = 	snop  }
0x6: {  	_ = 	snop  }
0x7: {  	_ = 	snop  }
__scs_overlays_trampoline_lowered:
0x8: {  	[smem:$0x3FA8] =	sst s0  }
0x9: {  	[smem:$0x3FA9] =	sst s1  }
0xa: {  	[smem:$0x3FAA] =	sst s2  }
0xb: {  	[smem:$0x3FAB] =	sst s3  }
0xc: {  	[smem:$0x3FAC] =	sst s4  }
0xd: {  	[smem:$0x3FAD] =	sst s5  }
0xe: {  	[smem:$0x3FAE] =	sst s6  }
0xf: {  	[smem:$0x3FAF] =	sst s7  }
0x10: {  	[smem:$0x3FB0] =	sst s8  }
0x11: {  	[smem:$0x3FB1] =	sst s9;
	s0 =	simm.s32 @!p0 $0x0  }
0x12: {  	s1 =	sld [smem:$0x3F97];
	s0 =	simm.s32 @p0 $0x1  }
0x13: {  	[smem:$0x3FB2] =	sst s0;
	s0 =	simm.s32 @!p1 $0x0  }
0x14: {  	s2 =	sld [smem:$0x3F96];
	s0 =	simm.s32 @p1 $0x1  }
0x15: {  	[smem:$0x3FB3] =	sst s0;
	s0 =	simm.s32 @!p2 $0x0  }
0x16: {  	s3 =	sld [smem:$0x3FDB];
	s0 =	simm.s32 @p2 $0x1  }
0x17: {  	s4 =	simm.s32 $0x1BF5;
	[smem:$0x3FB5] =	sst s0  }
0x18: {  	s0 =	sld [smem:$0x3F98];
	_ =	swait.ge [sflag:s4], $0x0  }
0x19: {  	s7 =	sld [smem:$0x3F99]  }
0x1a: {  	s8 =	sadd.s32 $0xFFFFE003, lr  }
0x1b: {  	s9 =	sadd.s32 $0xFFFFFEF7, lr;
	s5 =	simm.s32 $0xFFFFFFFF;
	p2 =	slt.u32 s8, $0xFFFFF086  }
0x1c: {  	p1 =	slt.u32 s9, $0xF7A;
	s5 =	simm.s32 @!p2 $0x0  }
0x1d: {  	s5 =	simm.s32 @p1 $0x1;
	p0 =	seq.s32 s7, s2  }
0x1e: {  	s7 =	smul.u32 @!p0 $0xF7A, s2;
	p2 =	seq.s32 @!p0 s5, $0x0  }
0x1f: {  	s9 =	smul.u32 $0xF7A, s1;
	s8 =	simm.s32 @!p0 $0x1BF5;
	p2 =	por !p2, p0  }
0x20: {  	[sflag:s8] =	ssyncset.s32 @!p0 $0xFFFFF086;
	s6 =	sadd.s32 @!p0 s3, s7;
	s7 =	simm.s32 @!p0 $0x108  }
0x21: {  	s3 =	sadd.s32 s3, s9;
	s6 =	sadd.s32 @!p0 $0x88, s6;
	s7 =	simm.s32 @p2 $0x1082  }
0x22: {  	[simem:s7], [sflag:s8] =	dma.local @!p0 [hbm:s6], $0xF7A  }
0x23: {  	s9 =	sor.u32 $0xD0000000, s2;
	s6 =	simm.s32 $0x108;
	_ =	swait.ge @!p0 [sflag:s8], $0x0  }
0x24: {  	s3 =	sadd.s32 $0x88, s3;
	s6 =	simm.s32 @!p1 $0x1082;
	[sflag:s4] =	ssyncset.s32 $0xFFFFF086  }
0x25: {  	[simem:s6], [sflag:s4] =	dma.local [hbm:s3], $0xF7A  }
0x26: {  	[smem:$0x3F99] =	sst s1;
	(tag) =	ssettag s2;
	_ =	strace s9  }
0x27: {  	s1 =	sld [smem:$0x3FA9]  }
0x28: {  	s2 =	sld [smem:$0x3FAA]  }
0x29: {  	s4 =	sld [smem:$0x3FAC]  }
0x2a: {  	p0 =	seq.s32 s5, $0x0;
	s5 =	sld [smem:$0x3FAD]  }
0x2b: {  	s6 =	sld [smem:$0x3FAE]  }
0x2c: {  	s7 =	sld [smem:$0x3FAF]  }
0x2d: {  	s3 =	simm.s32 $0x108;
	s8 =	sld [smem:$0x3FB0]  }
0x2e: {  	s3 =	simm.s32 @!p0 $0x1082;
	s9 =	sld [smem:$0x3FB1]  }
0x2f: {  	lr =	sadd.s32 s0, s3;
	s0 =	sld [smem:$0x3FA8]  }
0x30: {  	s3 =	sld [smem:$0x3FAB]  }
0x31: {  	[smem:$0x3FB4] =	sst s10  }
0x32: {  	s10 =	sld [smem:$0x3FB2];
	_ =	sdelay $0x3  }
0x33: {  	p0 =	seq.s32 s10, $0x1;
	s10 =	sld [smem:$0x3FB4];
	_ =	sdelay $0x3  }
0x34: {  	[smem:$0x3FB4] =	sst s10  }
0x35: {  	s10 =	sld [smem:$0x3FB3];
	_ =	sdelay $0x3  }
0x36: {  	p1 =	seq.s32 s10, $0x1;
	s10 =	sld [smem:$0x3FB4];
	_ =	sdelay $0x3  }
0x37: {  	[smem:$0x3FB4] =	sst s10  }
0x38: {  	s10 =	sld [smem:$0x3FB5]  }
0x39: {  	_ = 	snop;
	(pc) =	sbr.ind lr, $3  }
0x3a: {  	_ = 	snop  }
0x3b: {  	_ = 	snop  }
0x3c: {  	p2 =	seq.s32 s10, $0x1;
	s10 =	sld [smem:$0x3FB4]  }
0x3d: {  	_ =	shalt  }
0x3e: {  	_ =	shalt  }
0x3f: {  	_ =	shalt  }
0x40: {  	_ =	shalt  }
0x41: {  	_ =	shalt  }
0x42: {  	_ =	shalt  }
0x43: {  	_ =	shalt  }
0x44: {  	_ =	shalt  }
0x45: {  	_ =	shalt  }
0x46: {  	_ =	shalt  }
0x47: {  	_ =	shalt  }
0x48: {  	_ =	shalt  }
0x49: {  	_ =	shalt  }
0x4a: {  	_ =	shalt  }
0x4b: {  	_ =	shalt  }
0x4c: {  	_ =	shalt  }
0x4d: {  	_ =	shalt  }
0x4e: {  	_ =	shalt  }
0x4f: {  	_ =	shalt  }
0x50: {  	_ =	shalt  }
0x51: {  	_ =	shalt  }
0x52: {  	_ =	shalt  }
0x53: {  	_ =	shalt  }
0x54: {  	_ =	shalt  }
0x55: {  	_ =	shalt  }
0x56: {  	_ =	shalt  }
0x57: {  	_ =	shalt  }
0x58: {  	_ =	shalt  }
0x59: {  	_ =	shalt  }
0x5a: {  	_ =	shalt  }
0x5b: {  	_ =	shalt  }
0x5c: {  	_ =	shalt  }
0x5d: {  	_ =	shalt  }
0x5e: {  	_ =	shalt  }
0x5f: {  	_ =	shalt  }
0x60: {  	_ =	shalt  }
0x61: {  	_ =	shalt  }
0x62: {  	_ =	shalt  }
0x63: {  	_ =	shalt  }
0x64: {  	_ =	shalt  }
0x65: {  	_ =	shalt  }
0x66: {  	_ =	shalt  }
0x67: {  	_ =	shalt  }
0x68: {  	_ =	shalt  }
0x69: {  	_ =	shalt  }
0x6a: {  	_ =	shalt  }
0x6b: {  	_ =	shalt  }
0x6c: {  	_ =	shalt  }
0x6d: {  	_ =	shalt  }
0x6e: {  	_ =	shalt  }
0x6f: {  	_ =	shalt  }
0x70: {  	_ =	shalt  }
0x71: {  	_ =	shalt  }
0x72: {  	_ =	shalt  }
0x73: {  	_ =	shalt  }
0x74: {  	_ =	shalt  }
0x75: {  	_ =	shalt  }
0x76: {  	_ =	shalt  }
0x77: {  	_ =	shalt  }
0x78: {  	_ =	shalt  }
0x79: {  	_ =	shalt  }
0x7a: {  	_ =	shalt  }
0x7b: {  	_ =	shalt  }
0x7c: {  	_ =	shalt  }
0x7d: {  	_ =	shalt  }
0x7e: {  	_ =	shalt  }
0x7f: {  	_ =	shalt  }
0x80: {  	_ =	shalt  }
0x81: {  	_ =	shalt  }
0x82: {  	_ =	shalt  }
0x83: {  	_ =	shalt  }
0x84: {  	_ =	shalt  }
0x85: {  	_ =	shalt  }
0x86: {  	_ =	shalt  }
0x87: {  	_ =	shalt  }
.Lfunc_end0:
.L_simem_size_0:
called_computation.1_lowered:
.L_overlay_start_0:
0x88: {  	s2 =	sld [smem:$0x3FD9]  }
0x89: {  	s3 =	sld [smem:$0x3FFE];
	_ =	sdelay $0x1  }
0x8a: {  	s1 =	srdreg.scid  }
0x8b: {  	s0 =	sand.u32 $0x1, s1  }
0x8c: {  	s14 =	sshll.u32 s0, $0xA;
	s2 =	sadd.s32 s3, s2  }
0x8d: {  	s2 =	sadd.s32 s2, s14  }
0x8e: {  	[smem:$0x3FC0] =	sst s2  }
0x8f: {  	_ = 	snop  }
0x90: {  	s2 =	sld [smem:$0x3FD0];
	_ =	sdelay $0x2  }
0x91: {  	s15 =	simm.s32 $0xA;
	s4 =	simm.s32 $0x10  }
0x92: {  	[smem:s4], [sflag:s15] =	dma.local [hbm:s2], $0x1  }
0x93: {  	_ =	swait.eq [sflag:s15], $0x1  }
0x94: {  	[sflag:s15] =	ssyncset.done $0x0  }
0x95: {  	s16 =	sld [smem:$0x10];
	[sflag:s15] =	ssyncadd.s32 $0xFFFFFFFF  }
0x96: {  	s17 =	sld [smem:$0x11];
	(tm) =	ssettm $0x1  }
0x97: {  	s18 =	sld [smem:$0x3FFB];
	_ =	sdelay $0x3  }
0x98: {  	_ =	strace s18  }
0x99: {  	s4 =	sld [smem:$0x3FFC];
	_ =	sdelay $0x3  }
0x9a: {  	_ =	strace s4  }
0x9b: {  	s4 =	sld [smem:$0x3FFD];
	_ =	sdelay $0x3  }
0x9c: {  	_ =	strace s4  }
0x9d: {  	_ =	strace $0x8FFFFFFF  }
0x9e: {  	s19 =	sld [smem:$0x3FDB];
	_ =	sdelay $0x1  }
0x9f: {  	s5 =	simm.s32 $_scs_section_size  }
0xa0: {  	s6 =	simm.s32 $_size__tile_overlayer_lowered;
	s7 =	simm.s32 $_tile_overlayer_lowered  }
0xa1: {  	s22 =	simm.s32 $0x1BFF;
	s21 =	sshll.u32 s7, $0x1;
	s4 =	sadd.s32 s5, s19  }
0xa2: {  	s8 =	simm.s32 $0x0;
	s20 =	sshll.u32 s6, $0x1;
	s6 =	sadd.s32 s21, s4  }
0xa3: {  	[timem:s8], [sflag:s22] =	dma.local [hbm:s6], s20  }
0xa4: {  	_ =	swait.ge [sflag:s22], s20  }
0xa5: {  	s5 =	ssub.s32 $0x0, s20;
	[sflag:s22] =	ssyncset.done $0x0  }
0xa6: {  	[sflag:s22] =	ssyncadd.s32 s5;
	_ =	sdelay $0x1  }
0xa7: {  	s23 =	simm.s32 $0x1B8B  }
0xa8: {  	_ =	swait.ge [sflag:s23], $0x1  }
0xa9: {  	[sflag:s23] =	ssyncset.done $0x0  }
0xaa: {  	s25 =	simm.s32 $0x1B8E;
	s24 =	sld [smem:$0x3FFE];
	[sflag:s23] =	ssyncadd.s32 $0xFFFFFFFF  }
0xab: {  	s26 =	simm.s32 $execute0_lowered;
	[smem:$0x3FD2] =	sst s25  }
0xac: {  	s6 =	sshll.u32 s26, $0x1;
	_ =	strace $0x80000049;
	[dreg:$0x1] =	wrdreg $0xFFFFFFFF  }
0xad: {  	s28 =	simm.s32 $_size_execute0_lowered;
	s4 =	sadd.s32 s4, s6;
	[dreg:$0x0] =	wrdreg $0x0  }
0xae: {  	s6 =	sshll.u32 s28, $0x1;
	[dreg:$0x2] =	wrdreg s4  }
0xaf: {  	[dreg:$0x3] =	wrdreg s6  }
0xb0: {  	[dreg:$0x4] =	wrdreg $0xC0  }
0xb1: {  	_ =	task [dreg:s8], $0x5FFFF  }
0xb2: {  	[dreg:$0x1] =	wrdreg $0xFFFFFFFF  }
0xb3: {  	[dreg:$0x0] =	wrdreg $0x60  }
0xb4: {  	[dreg:$0x2] =	wrdreg s24  }
0xb5: {  	[dreg:$0x3] =	wrdreg s17  }
0xb6: {  	[dreg:$0x4] =	wrdreg s16  }
0xb7: {  	[dreg:$0x5] =	wrdreg $0x88000  }
0xb8: {  	[dreg:$0x6] =	wrdreg $0x9  }
0xb9: {  	_ =	task.clear_ibuf [dreg:s8], $0x7FFFF;
	_ =	strace $0x90000049  }
0xba: {  	s29 =	simm.s32 $0x9;
	_ =	strace $0x8000004B  }
0xbb: {  	_ =	swait.ge [sflag:s29], $0x1  }
0xbc: {  	[sflag:s29] =	ssyncadd.s32 $0xFFFFFFFF  }
0xbd: {  	_ =	strace $0x9000004B  }
0xbe: {  	_ =	sfence  }
0xbf: {  	s30 =	sld [smem:$0x0];
	_ =	sdelay $0x2  }
0xc0: {  	s31 =	sshll.u32 s1, $0xD;
	s1 =	sshrl.u32 s1, $0x2  }
0xc1: {  	s3 =	sand.u32 $0x4000, s31;
	s1 =	sadd.s32 s1, s30  }
0xc2: {  	s0 =	sor.u32 s3, s0;
	s1 =	sshll.u32 s1, $0x11  }
0xc3: {  	s0 =	sor.u32 s1, s0  }
0xc4: {  	s0 =	sadd.s32 $0x8F2B, s0  }
0xc5: {  	[sflag:s0] =	ssyncadd.remote.s32 $0x1  }
0xc6: {  	_ =	sfence.sel $0xFFFF  }
0xc7: {  	[dreg:$0x0] =	wrdreg $0xFFFFFFFF;
	(pc) =	sbr.abs _section_cstart, $3  }
0xc8: {  	[dreg:$0x1] =	wrdreg $0xFFFFFFFF  }
0xc9: {  	_ =	task.clear_ibuf [dreg:s8], $0x2FFFF;
	_ =	strace $0x9FFFFFFF  }
0xca: {  	(tm) =	ssettm $0x7FFFFFFF  }
0xcb: {  	_ =	shalt  }
tec
execute0_lowered:
.L_overlay_start_1:
0x0: {  	(tag) =	ssettag $0x1  }
0x1: {  	s0 =	rddreg [dreg:$0x0]  }
0x2: {  	s2 =	rddreg [dreg:$0x1]  }
0x3: {  	s5 =	rddreg [dreg:$0x2]  }
0x4: {  	s1 =	rddreg [dreg:$0x3]  }
0x5: {  	s3 =	srdreg.scid;
	s13 =	stileid.u32;
	s14 =	simm.s32 $0x400  }
0x6: {  	s15 =	simm.s32 $0x80;
	s28 =	simm.s32 $0x4;
	s29 =	simm.s32 $0x180  }
0x7: {  	s30 =	simm.s32 $0x500;
	s31 =	simm.s32 $0x200;
	s8 =	smul.u32 $0x280, s13  }
0x8: {  	s6 =	sand.u32 $0x1, s3;
	s3 =	simm.s32 $0x0;
	s10 =	smul.u32 $0x50000, s13  }
0x9: {  	s4 =	sadd.s32 $0x2C00, s0;
	s7 =	smul.u32 $0x28000, s6;
	[smem:$0x7FF] =	sst s3  }
0xa: {  	s9 =	ssub.s32 $0x2, s6;
	s6 =	smul.u32 $0x500, s6;
	_ =	strace $0x8000004A  }
0xb: {  	s16 =	sshrl.u32 s9, $0x1;
	s17 =	sshrl.u32 s10, $0x2;
	s18 =	sadd.s32 $0x80, s8  }
0xc: {  	s11 =	sadd.s32 $0x100, s8;
	s12 =	sadd.s32 $0x180, s8;
	s8 =	sadd.s32 $0x200, s8  }
0xd: {  	s0 =	sadd.s32 s7, s0;
	s7 =	ssub.s32 s9, s16;
	s9 =	sadd.s32 s17, s1  }
0xe: {  	s19 =	sshll.u32 s18, $0x7;
	s20 =	sshll.u32 s11, $0x7;
	s21 =	sshll.u32 s12, $0x7  }
0xf: {  	s22 =	sshll.u32 s8, $0x7;
	s10 =	sshll.u32 s18, $0x4;
	s8 =	sshll.u32 s8, $0x4  }
0x10: {  	s16 =	simm.s32 $0x4800;
	s17 =	simm.s32 $0x1;
	s18 =	simm.s32 $0x3  }
0x11: {  	[dreg:$0x6] =	wrdreg s9;
	s9 =	sadd.s32 s19, s1;
	s0 =	sadd.s32 $0x2AC00, s0  }
0x12: {  	s7 =	smax.u32 s7, $0x1;
	s19 =	simm.s32 $0x100;
	[dreg:$0x7] =	wrdreg s9  }
0x13: {  	s9 =	sadd.s32 s20, s1;
	s20 =	smul.u32 $0x2800, s13;
	[dreg:$0xb] =	wrdreg s7  }
0x14: {  	s13 =	smul.u32 $0xA00, s13;
	s24 =	sadd.s32 s10, s0;
	[dreg:$0x8] =	wrdreg s9  }
0x15: {  	s10 =	simm.s32 $0x600;
	s9 =	sadd.s32 s21, s1;
	[dreg:$0xd] =	wrdreg s24  }
0x16: {  	s21 =	sshll.u32 s11, $0x4;
	s24 =	simm.s32 $0x780;
	[dreg:$0x9] =	wrdreg s9  }
0x17: {  	s9 =	sadd.s32 s22, s1;
	s22 =	sshll.u32 s12, $0x4;
	s5 =	sadd.s32 s13, s5  }
0x18: {  	s2 =	sadd.s32 s13, s2;
	s12 =	simm.s32 $0x800;
	s13 =	simm.s32 $0x5  }
0x19: {  	s23 =	sadd.s32 s20, s0;
	s25 =	sadd.s32 s21, s0;
	s20 =	simm.s32 $0x300  }
0x1a: {  	s21 =	simm.s32 $0x680;
	s5 =	sadd.s32 s6, s5;
	[dreg:$0xc] =	wrdreg s23  }
0x1b: {  	s11 =	sadd.s32 s6, s2;
	[dreg:$0xe] =	wrdreg s25;
	s26 =	sadd.s32 s22, s0  }
0x1c: {  	s0 =	sadd.s32 s8, s0;
	s25 =	simm.s32 $0x2;
	[dreg:$0xa] =	wrdreg s9  }
0x1d: {  	s2 =	simm.s32 $0x280;
	s22 =	simm.s32 $0x380;
	[dreg:$0x5] =	wrdreg s5  }
0x1e: {  	s23 =	simm.s32 $0x700;
	s6 =	simm.s32 $0x0;
	[dreg:$0xf] =	wrdreg s26  }
0x1f: {  	v0 =	vimm.f32 $0.0e+00;
	[dreg:$0x10] =	wrdreg s0;
	s26 =	simm.s32 $0x480;
	s0 =	simm.s32 $0x580  }
.LBB2_1:
0x20: {  	[dreg:$0x11] =	wrdreg s6;
	s6 =	simm.s32 $0x0;
	s7 =	simm.s32 $0x200  }
.LBB2_2:
0x21: {  	p0 =	sne.s32 s7, $0xFE00;
	[tilespmem:s6+$0x870] =	vst v0  }
0x22: {  	[tilespmem:s6+$0x800] =	vst v0  }
0x23: {  	[tilespmem:s6+$0x810] =	vst v0  }
.Ltmp0:
0x24: {  	[tilespmem:s6+$0x820] =	vst v0;
	(pc) =	sbr.rel @p0 .LBB2_2-.Ltmp0, $4  }
0x25: {  	[tilespmem:s6+$0x830] =	vst v0  }
0x26: {  	[tilespmem:s6+$0x840] =	vst v0  }
0x27: {  	[tilespmem:s6+$0x850] =	vst v0  }
0x28: {  	[tilespmem:s6+$0x860] =	vst v0;
	s6 =	sshra.s32 s7, $0x2;
	s7 =	sadd.s32 $0x200, s7  }
0x29: {  	[tilespmem:s6+$0x870] =	vst v0  }
0x2a: {  	[tilespmem:s6+$0x800] =	vst v0  }
0x2b: {  	[tilespmem:s6+$0x810] =	vst v0  }
0x2c: {  	[tilespmem:s6+$0x820] =	vst v0  }
0x2d: {  	[tilespmem:s6+$0x830] =	vst v0  }
0x2e: {  	[tilespmem:s6+$0x840] =	vst v0  }
0x2f: {  	[tilespmem:s6+$0x850] =	vst v0  }
0x30: {  	[tilespmem:s6+$0x860] =	vst v0;
	s5 =	rddreg [dreg:$0x6]  }
0x31: {  	[spmem:s5] =	stream.linear.scatter [tilespmem:s12], [sflag:$0x5], $0x4000, $0x38;
	[tilespmem:$0x1C800] =	vst v63  }
0x32: {  	_ =	swait.ge [sflag:s13], $0x4000  }
0x33: {  	[sflag:s13] =	ssyncset.done $0x0  }
0x34: {  	s8 =	rddreg [dreg:$0x7];
	[sflag:s13] =	ssyncadd.s32 $0xFFFFC000  }
0x35: {  	[spmem:s8] =	stream.linear.scatter [tilespmem:s12], [sflag:$0x5], $0x4000, $0x38;
	[tilespmem:$0x1C800] =	vst v63  }
0x36: {  	_ =	swait.ge [sflag:s13], $0x4000  }
0x37: {  	[sflag:s13] =	ssyncset.done $0x0  }
0x38: {  	s6 =	rddreg [dreg:$0x8];
	[sflag:s13] =	ssyncadd.s32 $0xFFFFC000  }
0x39: {  	[spmem:s6] =	stream.linear.scatter [tilespmem:s12], [sflag:$0x5], $0x4000, $0x38;
	[tilespmem:$0x1C800] =	vst v63  }
0x3a: {  	_ =	swait.ge [sflag:s13], $0x4000  }
0x3b: {  	[sflag:s13] =	ssyncset.done $0x0  }
0x3c: {  	s7 =	rddreg [dreg:$0x9];
	[sflag:s13] =	ssyncadd.s32 $0xFFFFC000  }
0x3d: {  	[spmem:s7] =	stream.linear.scatter [tilespmem:s12], [sflag:$0x5], $0x4000, $0x38;
	[tilespmem:$0x1C800] =	vst v63  }
0x3e: {  	_ =	swait.ge [sflag:s13], $0x4000  }
0x3f: {  	[sflag:s13] =	ssyncset.done $0x0  }
0x40: {  	[sflag:s13] =	ssyncadd.s32 $0xFFFFC000  }
0x41: {  	[spmem:s9] =	stream.linear.scatter [tilespmem:s12], [sflag:$0x5], $0x4000, $0x38;
	[tilespmem:$0x1C800] =	vst v63  }
0x42: {  	_ =	swait.ge [sflag:s13], $0x4000  }
0x43: {  	[sflag:s13] =	ssyncset.done $0x0  }
0x44: {  	[sflag:s13] =	ssyncadd.s32 $0xFFFFC000  }
0x45: {  	s8 =	sadd.s32 $0x0, s11;
	[bflag:$0x0] =	sbarrier.arrive $0xFFFF  }
0x46: {  	[tilespmem:s3], [sflag:$0x5] =	stream.linear.gather [hbm4b:s8+s3], $0x400, $0x38;
	[tilespmem:$0x1C800] =	vst v63  }
0x47: {  	_ =	swait.ge [sflag:s13], $0x400  }
0x48: {  	s9 =	rddreg [dreg:$0x5];
	[sflag:s13] =	ssyncset.done $0x0  }
0x49: {  	[sflag:s13] =	ssyncadd.s32 $0xFFFFFC00;
	s6 =	sadd.s32 $0x0, s9  }
0x4a: {  	[tilespmem:s14], [sflag:$0x5] =	stream.linear.gather [hbm4b:s6+s3], $0x400, $0x38;
	[tilespmem:$0x1C800] =	vst v63  }
0x4b: {  	_ =	swait.ge [sflag:s13], $0x400  }
0x4c: {  	[sflag:s13] =	ssyncset.done $0x0  }
0x4d: {  	[sflag:s13] =	ssyncadd.s32 $0xFFFFFC00  }
0x4e: {  	[tilespmem:s12], [sflag:$0x1] =	stream.indirect.gather [hbm4b:s4+s15], $0x80, s3, s15, $0xb8;
	[tilespmem:$0x1C800] =	vst v63  }
0x4f: {  	_ = 	snop  }
0x50: {  	[tilespmem:s16], [sflag:$0x2] =	stream.indirect.gather [hbm4b:s4+s15], $0x80, s15, s15, $0xb8;
	[tilespmem:$0x1C800] =	vst v63  }
0x51: {  	_ =	swait.ge [sflag:s17], $0x4000  }
0x52: {  	[sflag:s17] =	ssyncset.done $0x0  }
0x53: {  	[sflag:s17] =	ssyncadd.s32 $0xFFFFC000  }
0x54: {  	[spmem:s1] =	stream.indirect.scatter.add.f32 [tilespmem:s12], [sflag:$0x3], $0x80, s14, s15, $0xb8;
	[tilespmem:$0x1C800] =	vst v63  }
0x55: {  	_ =	swait.ge [sflag:s18], $0x4000  }
0x56: {  	[sflag:s18] =	ssyncset.done $0x0  }
0x57: {  	[sflag:s18] =	ssyncadd.s32 $0xFFFFC000  }
0x58: {  	[tilespmem:s12], [sflag:$0x1] =	stream.indirect.gather [hbm4b:s4+s15], $0x80, s19, s15, $0xb8;
	[tilespmem:$0x1C800] =	vst v63  }
0x59: {  	_ =	swait.ge [sflag:s25], $0x4000  }
0x5a: {  	[sflag:s25] =	ssyncset.done $0x0  }
0x5b: {  	[sflag:s25] =	ssyncadd.s32 $0xFFFFC000  }
0x5c: {  	[spmem:s1] =	stream.indirect.scatter.add.f32 [tilespmem:s16], [sflag:$0x4], $0x80, s26, s15, $0xb8;
	[tilespmem:$0x1C800] =	vst v63  }
0x5d: {  	_ =	swait.ge [sflag:s28], $0x4000  }
0x5e: {  	[sflag:s28] =	ssyncset.done $0x0  }
0x5f: {  	[sflag:s28] =	ssyncadd.s32 $0xFFFFC000  }
0x60: {  	[tilespmem:s16], [sflag:$0x2] =	stream.indirect.gather [hbm4b:s4+s15], $0x80, s29, s15, $0xb8;
	[tilespmem:$0x1C800] =	vst v63  }
0x61: {  	_ =	swait.ge [sflag:s17], $0x4000  }
0x62: {  	[sflag:s17] =	ssyncset.done $0x0  }
0x63: {  	[sflag:s17] =	ssyncadd.s32 $0xFFFFC000  }
0x64: {  	[spmem:s1] =	stream.indirect.scatter.add.f32 [tilespmem:s12], [sflag:$0x3], $0x80, s30, s15, $0xb8;
	[tilespmem:$0x1C800] =	vst v63  }
0x65: {  	_ =	swait.ge [sflag:s18], $0x4000  }
0x66: {  	[sflag:s18] =	ssyncset.done $0x0  }
0x67: {  	[sflag:s18] =	ssyncadd.s32 $0xFFFFC000  }
0x68: {  	[tilespmem:s12], [sflag:$0x1] =	stream.indirect.gather [hbm4b:s4+s15], $0x80, s31, s15, $0xb8;
	[tilespmem:$0x1C800] =	vst v63  }
0x69: {  	_ =	swait.ge [sflag:s25], $0x4000  }
0x6a: {  	[sflag:s25] =	ssyncset.done $0x0  }
0x6b: {  	[sflag:s25] =	ssyncadd.s32 $0xFFFFC000  }
0x6c: {  	[spmem:s1] =	stream.indirect.scatter.add.f32 [tilespmem:s16], [sflag:$0x4], $0x80, s0, s15, $0xb8;
	[tilespmem:$0x1C800] =	vst v63  }
0x6d: {  	_ =	swait.ge [sflag:s28], $0x4000  }
0x6e: {  	[sflag:s28] =	ssyncset.done $0x0  }
0x6f: {  	[sflag:s28] =	ssyncadd.s32 $0xFFFFC000  }
0x70: {  	[tilespmem:s16], [sflag:$0x2] =	stream.indirect.gather [hbm4b:s4+s15], $0x80, s2, s15, $0xb8;
	[tilespmem:$0x1C800] =	vst v63  }
0x71: {  	_ =	swait.ge [sflag:s17], $0x4000  }
0x72: {  	[sflag:s17] =	ssyncset.done $0x0  }
0x73: {  	[sflag:s17] =	ssyncadd.s32 $0xFFFFC000  }
0x74: {  	[spmem:s1] =	stream.indirect.scatter.add.f32 [tilespmem:s12], [sflag:$0x3], $0x80, s10, s15, $0xb8;
	[tilespmem:$0x1C800] =	vst v63  }
0x75: {  	_ =	swait.ge [sflag:s18], $0x4000  }
0x76: {  	[sflag:s18] =	ssyncset.done $0x0  }
0x77: {  	[sflag:s18] =	ssyncadd.s32 $0xFFFFC000  }
0x78: {  	[tilespmem:s12], [sflag:$0x1] =	stream.indirect.gather [hbm4b:s4+s15], $0x80, s20, s15, $0xb8;
	[tilespmem:$0x1C800] =	vst v63  }
0x79: {  	_ =	swait.ge [sflag:s25], $0x4000  }
0x7a: {  	[sflag:s25] =	ssyncset.done $0x0  }
0x7b: {  	[sflag:s25] =	ssyncadd.s32 $0xFFFFC000  }
0x7c: {  	[spmem:s1] =	stream.indirect.scatter.add.f32 [tilespmem:s16], [sflag:$0x4], $0x80, s21, s15, $0xb8;
	[tilespmem:$0x1C800] =	vst v63  }
0x7d: {  	_ =	swait.ge [sflag:s28], $0x4000  }
0x7e: {  	[sflag:s28] =	ssyncset.done $0x0  }
0x7f: {  	[sflag:s28] =	ssyncadd.s32 $0xFFFFC000  }
0x80: {  	[tilespmem:s16], [sflag:$0x2] =	stream.indirect.gather [hbm4b:s4+s15], $0x80, s22, s15, $0xb8;
	[tilespmem:$0x1C800] =	vst v63  }
0x81: {  	_ =	swait.ge [sflag:s17], $0x4000  }
0x82: {  	[sflag:s17] =	ssyncset.done $0x0  }
0x83: {  	[sflag:s17] =	ssyncadd.s32 $0xFFFFC000  }
0x84: {  	[spmem:s1] =	stream.indirect.scatter.add.f32 [tilespmem:s12], [sflag:$0x3], $0x80, s23, s15, $0xb8;
	[tilespmem:$0x1C800] =	vst v63  }
0x85: {  	_ =	swait.ge [sflag:s25], $0x4000  }
0x86: {  	[sflag:s25] =	ssyncset.done $0x0  }
0x87: {  	[sflag:s25] =	ssyncadd.s32 $0xFFFFC000  }
0x88: {  	[spmem:s1] =	stream.indirect.scatter.add.f32 [tilespmem:s16], [sflag:$0x4], $0x80, s24, s15, $0xb8;
	[tilespmem:$0x1C800] =	vst v63  }
0x89: {  	_ =	swait.ge [sflag:s18], $0x4000  }
0x8a: {  	[sflag:s18] =	ssyncset.done $0x0  }
0x8b: {  	[sflag:s18] =	ssyncadd.s32 $0xFFFFC000  }
0x8c: {  	_ =	swait.ge [sflag:s28], $0x4000  }
0x8d: {  	s7 =	simm.s32 $0x100;
	s6 =	simm.s32 $0x80;
	[sflag:s28] =	ssyncset.done $0x0  }
.LBB2_4:
0x8e: {  	s9 =	sadd.s32 s6, s11;
	[sflag:s28] =	ssyncadd.s32 $0xFFFFC000  }
0x8f: {  	[tilespmem:s3], [sflag:$0x5] =	stream.linear.gather [hbm4b:s9+s3], $0x400, $0x38;
	[tilespmem:$0x1C800] =	vst v63  }
0x90: {  	s5 =	smov.u32 s7;
	_ =	swait.ge [sflag:s13], $0x400  }
0x91: {  	s8 =	sadd.s32 $0x80, s7;
	s9 =	rddreg [dreg:$0x5];
	[sflag:s13] =	ssyncset.done $0x0  }
0x92: {  	p0 =	sne.s32 s7, $0x480;
	[sflag:s13] =	ssyncadd.s32 $0xFFFFFC00;
	s7 =	sadd.s32 s6, s9  }
0x93: {  	[tilespmem:s14], [sflag:$0x5] =	stream.linear.gather [hbm4b:s7+s3], $0x400, $0x38;
	[tilespmem:$0x1C800] =	vst v63  }
0x94: {  	_ =	swait.ge [sflag:s13], $0x400  }
0x95: {  	[sflag:s13] =	ssyncset.done $0x0  }
0x96: {  	[sflag:s13] =	ssyncadd.s32 $0xFFFFFC00  }
0x97: {  	[tilespmem:s12], [sflag:$0x1] =	stream.indirect.gather [hbm4b:s4+s15], $0x80, s3, s15, $0xb8;
	[tilespmem:$0x1C800] =	vst v63  }
0x98: {  	_ = 	snop  }
0x99: {  	[tilespmem:s16], [sflag:$0x2] =	stream.indirect.gather [hbm4b:s4+s15], $0x80, s15, s15, $0xb8;
	[tilespmem:$0x1C800] =	vst v63  }
0x9a: {  	_ =	swait.ge [sflag:s17], $0x4000  }
0x9b: {  	[sflag:s17] =	ssyncset.done $0x0  }
0x9c: {  	[sflag:s17] =	ssyncadd.s32 $0xFFFFC000  }
0x9d: {  	[spmem:s1] =	stream.indirect.scatter.add.f32 [tilespmem:s12], [sflag:$0x3], $0x80, s14, s15, $0xb8;
	[tilespmem:$0x1C800] =	vst v63  }
0x9e: {  	_ =	swait.ge [sflag:s18], $0x4000  }
0x9f: {  	[sflag:s18] =	ssyncset.done $0x0  }
0xa0: {  	[sflag:s18] =	ssyncadd.s32 $0xFFFFC000  }
0xa1: {  	[tilespmem:s12], [sflag:$0x1] =	stream.indirect.gather [hbm4b:s4+s15], $0x80, s19, s15, $0xb8;
	[tilespmem:$0x1C800] =	vst v63  }
0xa2: {  	_ =	swait.ge [sflag:s25], $0x4000  }
0xa3: {  	[sflag:s25] =	ssyncset.done $0x0  }
0xa4: {  	[sflag:s25] =	ssyncadd.s32 $0xFFFFC000  }
0xa5: {  	[spmem:s1] =	stream.indirect.scatter.add.f32 [tilespmem:s16], [sflag:$0x4], $0x80, s26, s15, $0xb8;
	[tilespmem:$0x1C800] =	vst v63  }
0xa6: {  	_ =	swait.ge [sflag:s28], $0x4000  }
0xa7: {  	[sflag:s28] =	ssyncset.done $0x0  }
0xa8: {  	[sflag:s28] =	ssyncadd.s32 $0xFFFFC000  }
0xa9: {  	[tilespmem:s16], [sflag:$0x2] =	stream.indirect.gather [hbm4b:s4+s15], $0x80, s29, s15, $0xb8;
	[tilespmem:$0x1C800] =	vst v63  }
0xaa: {  	_ =	swait.ge [sflag:s17], $0x4000  }
0xab: {  	[sflag:s17] =	ssyncset.done $0x0  }
0xac: {  	[sflag:s17] =	ssyncadd.s32 $0xFFFFC000  }
0xad: {  	[spmem:s1] =	stream.indirect.scatter.add.f32 [tilespmem:s12], [sflag:$0x3], $0x80, s30, s15, $0xb8;
	[tilespmem:$0x1C800] =	vst v63  }
0xae: {  	_ =	swait.ge [sflag:s18], $0x4000  }
0xaf: {  	[sflag:s18] =	ssyncset.done $0x0  }
0xb0: {  	[sflag:s18] =	ssyncadd.s32 $0xFFFFC000  }
0xb1: {  	[tilespmem:s12], [sflag:$0x1] =	stream.indirect.gather [hbm4b:s4+s15], $0x80, s31, s15, $0xb8;
	[tilespmem:$0x1C800] =	vst v63  }
0xb2: {  	_ =	swait.ge [sflag:s25], $0x4000  }
0xb3: {  	[sflag:s25] =	ssyncset.done $0x0  }
0xb4: {  	[sflag:s25] =	ssyncadd.s32 $0xFFFFC000  }
0xb5: {  	[spmem:s1] =	stream.indirect.scatter.add.f32 [tilespmem:s16], [sflag:$0x4], $0x80, s0, s15, $0xb8;
	[tilespmem:$0x1C800] =	vst v63  }
0xb6: {  	_ =	swait.ge [sflag:s28], $0x4000  }
0xb7: {  	[sflag:s28] =	ssyncset.done $0x0  }
0xb8: {  	[sflag:s28] =	ssyncadd.s32 $0xFFFFC000  }
0xb9: {  	[tilespmem:s16], [sflag:$0x2] =	stream.indirect.gather [hbm4b:s4+s15], $0x80, s2, s15, $0xb8;
	[tilespmem:$0x1C800] =	vst v63  }
0xba: {  	_ =	swait.ge [sflag:s17], $0x4000  }
0xbb: {  	[sflag:s17] =	ssyncset.done $0x0  }
0xbc: {  	[sflag:s17] =	ssyncadd.s32 $0xFFFFC000  }
0xbd: {  	[spmem:s1] =	stream.indirect.scatter.add.f32 [tilespmem:s12], [sflag:$0x3], $0x80, s10, s15, $0xb8;
	[tilespmem:$0x1C800] =	vst v63  }
0xbe: {  	_ =	swait.ge [sflag:s18], $0x4000  }
0xbf: {  	[sflag:s18] =	ssyncset.done $0x0  }
0xc0: {  	[sflag:s18] =	ssyncadd.s32 $0xFFFFC000  }
0xc1: {  	[tilespmem:s12], [sflag:$0x1] =	stream.indirect.gather [hbm4b:s4+s15], $0x80, s20, s15, $0xb8;
	[tilespmem:$0x1C800] =	vst v63  }
0xc2: {  	_ =	swait.ge [sflag:s25], $0x4000  }
0xc3: {  	[sflag:s25] =	ssyncset.done $0x0  }
0xc4: {  	[sflag:s25] =	ssyncadd.s32 $0xFFFFC000  }
0xc5: {  	[spmem:s1] =	stream.indirect.scatter.add.f32 [tilespmem:s16], [sflag:$0x4], $0x80, s21, s15, $0xb8;
	[tilespmem:$0x1C800] =	vst v63  }
0xc6: {  	_ =	swait.ge [sflag:s28], $0x4000  }
0xc7: {  	[sflag:s28] =	ssyncset.done $0x0  }
0xc8: {  	[sflag:s28] =	ssyncadd.s32 $0xFFFFC000  }
0xc9: {  	[tilespmem:s16], [sflag:$0x2] =	stream.indirect.gather [hbm4b:s4+s15], $0x80, s22, s15, $0xb8;
	[tilespmem:$0x1C800] =	vst v63  }
0xca: {  	_ =	swait.ge [sflag:s17], $0x4000  }
0xcb: {  	[sflag:s17] =	ssyncset.done $0x0  }
0xcc: {  	[sflag:s17] =	ssyncadd.s32 $0xFFFFC000  }
0xcd: {  	[spmem:s1] =	stream.indirect.scatter.add.f32 [tilespmem:s12], [sflag:$0x3], $0x80, s23, s15, $0xb8;
	[tilespmem:$0x1C800] =	vst v63  }
0xce: {  	_ =	swait.ge [sflag:s25], $0x4000  }
0xcf: {  	[sflag:s25] =	ssyncset.done $0x0  }
0xd0: {  	[sflag:s25] =	ssyncadd.s32 $0xFFFFC000  }
0xd1: {  	[spmem:s1] =	stream.indirect.scatter.add.f32 [tilespmem:s16], [sflag:$0x4], $0x80, s24, s15, $0xb8;
	[tilespmem:$0x1C800] =	vst v63  }
.Ltmp1:
0xd2: {  	_ =	swait.ge [sflag:s18], $0x4000;
	(pc) =	sbr.rel @p0 .LBB2_4-.Ltmp1, $4  }
0xd3: {  	[sflag:s18] =	ssyncset.done $0x0  }
0xd4: {  	[sflag:s18] =	ssyncadd.s32 $0xFFFFC000  }
0xd5: {  	_ =	swait.ge [sflag:s28], $0x4000  }
0xd6: {  	s6 =	smov.u32 s5;
	s7 =	smov.u32 s8;
	[sflag:s28] =	ssyncset.done $0x0  }
0xd7: {  	s5 =	sadd.s32 s6, s11;
	[sflag:s28] =	ssyncadd.s32 $0xFFFFC000  }
0xd8: {  	[tilespmem:s3], [sflag:$0x5] =	stream.linear.gather [hbm4b:s5+s3], $0x400, $0x38;
	[tilespmem:$0x1C800] =	vst v63  }
0xd9: {  	_ =	swait.ge [sflag:s13], $0x400  }
0xda: {  	s9 =	rddreg [dreg:$0x5];
	[sflag:s13] =	ssyncset.done $0x0  }
0xdb: {  	[sflag:s13] =	ssyncadd.s32 $0xFFFFFC00;
	s5 =	sadd.s32 s6, s9  }
0xdc: {  	[tilespmem:s14], [sflag:$0x5] =	stream.linear.gather [hbm4b:s5+s3], $0x400, $0x38;
	[tilespmem:$0x1C800] =	vst v63  }
0xdd: {  	_ =	swait.ge [sflag:s13], $0x400  }
0xde: {  	[sflag:s13] =	ssyncset.done $0x0  }
0xdf: {  	[sflag:s13] =	ssyncadd.s32 $0xFFFFFC00  }
0xe0: {  	[tilespmem:s12], [sflag:$0x1] =	stream.indirect.gather [hbm4b:s4+s15], $0x80, s3, s15, $0xb8;
	[tilespmem:$0x1C800] =	vst v63  }
0xe1: {  	_ = 	snop  }
0xe2: {  	[tilespmem:s16], [sflag:$0x2] =	stream.indirect.gather [hbm4b:s4+s15], $0x80, s15, s15, $0xb8;
	[tilespmem:$0x1C800] =	vst v63  }
0xe3: {  	_ =	swait.ge [sflag:s17], $0x4000  }
0xe4: {  	[sflag:s17] =	ssyncset.done $0x0  }
0xe5: {  	[sflag:s17] =	ssyncadd.s32 $0xFFFFC000  }
0xe6: {  	[spmem:s1] =	stream.indirect.scatter.add.f32 [tilespmem:s12], [sflag:$0x3], $0x80, s14, s15, $0xb8;
	[tilespmem:$0x1C800] =	vst v63  }
0xe7: {  	_ =	swait.ge [sflag:s18], $0x4000  }
0xe8: {  	[sflag:s18] =	ssyncset.done $0x0  }
0xe9: {  	[sflag:s18] =	ssyncadd.s32 $0xFFFFC000  }
0xea: {  	[tilespmem:s12], [sflag:$0x1] =	stream.indirect.gather [hbm4b:s4+s15], $0x80, s19, s15, $0xb8;
	[tilespmem:$0x1C800] =	vst v63  }
0xeb: {  	_ =	swait.ge [sflag:s25], $0x4000  }
0xec: {  	[sflag:s25] =	ssyncset.done $0x0  }
0xed: {  	[sflag:s25] =	ssyncadd.s32 $0xFFFFC000  }
0xee: {  	[spmem:s1] =	stream.indirect.scatter.add.f32 [tilespmem:s16], [sflag:$0x4], $0x80, s26, s15, $0xb8;
	[tilespmem:$0x1C800] =	vst v63  }
0xef: {  	_ =	swait.ge [sflag:s28], $0x4000  }
0xf0: {  	[sflag:s28] =	ssyncset.done $0x0  }
0xf1: {  	[sflag:s28] =	ssyncadd.s32 $0xFFFFC000  }
0xf2: {  	[tilespmem:s16], [sflag:$0x2] =	stream.indirect.gather [hbm4b:s4+s15], $0x80, s29, s15, $0xb8;
	[tilespmem:$0x1C800] =	vst v63  }
0xf3: {  	_ =	swait.ge [sflag:s17], $0x4000  }
0xf4: {  	[sflag:s17] =	ssyncset.done $0x0  }
0xf5: {  	[sflag:s17] =	ssyncadd.s32 $0xFFFFC000  }
0xf6: {  	[spmem:s1] =	stream.indirect.scatter.add.f32 [tilespmem:s12], [sflag:$0x3], $0x80, s30, s15, $0xb8;
	[tilespmem:$0x1C800] =	vst v63  }
0xf7: {  	_ =	swait.ge [sflag:s18], $0x4000  }
0xf8: {  	[sflag:s18] =	ssyncset.done $0x0  }
0xf9: {  	[sflag:s18] =	ssyncadd.s32 $0xFFFFC000  }
0xfa: {  	[tilespmem:s12], [sflag:$0x1] =	stream.indirect.gather [hbm4b:s4+s15], $0x80, s31, s15, $0xb8;
	[tilespmem:$0x1C800] =	vst v63  }
0xfb: {  	_ =	swait.ge [sflag:s25], $0x4000  }
0xfc: {  	[sflag:s25] =	ssyncset.done $0x0  }
0xfd: {  	[sflag:s25] =	ssyncadd.s32 $0xFFFFC000  }
0xfe: {  	[spmem:s1] =	stream.indirect.scatter.add.f32 [tilespmem:s16], [sflag:$0x4], $0x80, s0, s15, $0xb8;
	[tilespmem:$0x1C800] =	vst v63  }
0xff: {  	_ =	swait.ge [sflag:s28], $0x4000  }
0x100: {  	[sflag:s28] =	ssyncset.done $0x0  }
0x101: {  	[sflag:s28] =	ssyncadd.s32 $0xFFFFC000  }
0x102: {  	[tilespmem:s16], [sflag:$0x2] =	stream.indirect.gather [hbm4b:s4+s15], $0x80, s2, s15, $0xb8;
	[tilespmem:$0x1C800] =	vst v63  }
0x103: {  	_ =	swait.ge [sflag:s17], $0x4000  }
0x104: {  	[sflag:s17] =	ssyncset.done $0x0  }
0x105: {  	[sflag:s17] =	ssyncadd.s32 $0xFFFFC000  }
0x106: {  	[spmem:s1] =	stream.indirect.scatter.add.f32 [tilespmem:s12], [sflag:$0x3], $0x80, s10, s15, $0xb8;
	[tilespmem:$0x1C800] =	vst v63  }
0x107: {  	_ =	swait.ge [sflag:s18], $0x4000  }
0x108: {  	[sflag:s18] =	ssyncset.done $0x0  }
0x109: {  	[sflag:s18] =	ssyncadd.s32 $0xFFFFC000  }
0x10a: {  	[tilespmem:s12], [sflag:$0x1] =	stream.indirect.gather [hbm4b:s4+s15], $0x80, s20, s15, $0xb8;
	[tilespmem:$0x1C800] =	vst v63  }
0x10b: {  	_ =	swait.ge [sflag:s25], $0x4000  }
0x10c: {  	[sflag:s25] =	ssyncset.done $0x0  }
0x10d: {  	[sflag:s25] =	ssyncadd.s32 $0xFFFFC000  }
0x10e: {  	[spmem:s1] =	stream.indirect.scatter.add.f32 [tilespmem:s16], [sflag:$0x4], $0x80, s21, s15, $0xb8;
	[tilespmem:$0x1C800] =	vst v63  }
0x10f: {  	_ =	swait.ge [sflag:s28], $0x4000  }
0x110: {  	[sflag:s28] =	ssyncset.done $0x0  }
0x111: {  	[sflag:s28] =	ssyncadd.s32 $0xFFFFC000  }
0x112: {  	[tilespmem:s16], [sflag:$0x2] =	stream.indirect.gather [hbm4b:s4+s15], $0x80, s22, s15, $0xb8;
	[tilespmem:$0x1C800] =	vst v63  }
0x113: {  	_ =	swait.ge [sflag:s17], $0x4000  }
0x114: {  	[sflag:s17] =	ssyncset.done $0x0  }
0x115: {  	[sflag:s17] =	ssyncadd.s32 $0xFFFFC000  }
0x116: {  	[spmem:s1] =	stream.indirect.scatter.add.f32 [tilespmem:s12], [sflag:$0x3], $0x80, s23, s15, $0xb8;
	[tilespmem:$0x1C800] =	vst v63  }
0x117: {  	_ =	swait.ge [sflag:s25], $0x4000  }
0x118: {  	[sflag:s25] =	ssyncset.done $0x0  }
0x119: {  	[sflag:s25] =	ssyncadd.s32 $0xFFFFC000  }
0x11a: {  	[spmem:s1] =	stream.indirect.scatter.add.f32 [tilespmem:s16], [sflag:$0x4], $0x80, s24, s15, $0xb8;
	[tilespmem:$0x1C800] =	vst v63  }
0x11b: {  	_ =	swait.ge [sflag:s18], $0x4000  }
0x11c: {  	[sflag:s18] =	ssyncset.done $0x0  }
0x11d: {  	[sflag:s18] =	ssyncadd.s32 $0xFFFFC000  }
0x11e: {  	_ =	swait.ge [sflag:s28], $0x4000  }
0x11f: {  	[sflag:s28] =	ssyncset.done $0x0  }
0x120: {  	[sflag:s28] =	ssyncadd.s32 $0xFFFFC000  }
0x121: {  	s6 =	stileid.u32;
	[bflag:$0x0] =	sbarrier.arrive $0xFFFF  }
0x122: {  	s5 =	sshll.u32 s6, $0x6;
	s7 =	rddreg [dreg:$0x6]  }
0x123: {  	s5 =	sor.u32 $0x1C05, s5;
	s6 =	sshrl.u32 s7, $0x3;
	s7 =	rddreg [dreg:$0xc]  }
0x124: {  	[hbm:s7], [sflag:s5] =	dma.local [spmem:s6], $0x800  }
0x125: {  	_ =	swait.ge [sflag:s13], $0x800  }
0x126: {  	[sflag:s13] =	ssyncset.done $0x0;
	s8 =	rddreg [dreg:$0x7]  }
0x127: {  	s9 =	rddreg [dreg:$0xd];
	[sflag:s13] =	ssyncadd.s32 $0xFFFFF800;
	s6 =	sshrl.u32 s8, $0x3  }
0x128: {  	[hbm:s9], [sflag:s5] =	dma.local [spmem:s6], $0x800  }
0x129: {  	_ =	swait.ge [sflag:s13], $0x800  }
0x12a: {  	[sflag:s13] =	ssyncset.done $0x0;
	s8 =	rddreg [dreg:$0x8]  }
0x12b: {  	s9 =	rddreg [dreg:$0xe];
	[sflag:s13] =	ssyncadd.s32 $0xFFFFF800;
	s6 =	sshrl.u32 s8, $0x3  }
0x12c: {  	[hbm:s9], [sflag:s5] =	dma.local [spmem:s6], $0x800  }
0x12d: {  	_ =	swait.ge [sflag:s13], $0x800  }
0x12e: {  	[sflag:s13] =	ssyncset.done $0x0;
	s8 =	rddreg [dreg:$0x9]  }
0x12f: {  	s9 =	rddreg [dreg:$0xf];
	[sflag:s13] =	ssyncadd.s32 $0xFFFFF800;
	s6 =	sshrl.u32 s8, $0x3  }
0x130: {  	[hbm:s9], [sflag:s5] =	dma.local [spmem:s6], $0x800  }
0x131: {  	_ =	swait.ge [sflag:s13], $0x800  }
0x132: {  	[sflag:s13] =	ssyncset.done $0x0;
	s9 =	rddreg [dreg:$0xa]  }
0x133: {  	s8 =	rddreg [dreg:$0x10];
	[sflag:s13] =	ssyncadd.s32 $0xFFFFF800;
	s7 =	sshrl.u32 s9, $0x3  }
0x134: {  	[hbm:s8], [sflag:s5] =	dma.local [spmem:s7], $0x800  }
0x135: {  	_ =	swait.ge [sflag:s13], $0x800  }
0x136: {  	s7 =	rddreg [dreg:$0x11]  }
0x137: {  	s8 =	rddreg [dreg:$0xb];
	s6 =	sadd.s32 $0x1, s7  }
0x138: {  	p0 =	sne.s32 s6, s8  }
.Ltmp2:
0x139: {  	_ = 	snop;
	(pc) =	sbr.rel @p0 .LBB2_1-.Ltmp2, $3  }
0x13a: {  	_ =	sdelay $0x1  }
0x13b: {  	[sflag:s13] =	ssyncset.done $0x0  }
0x13c: {  	[sflag:s13] =	ssyncadd.s32 $0xFFFFF800  }
0x13d: {  	_ =	sfence.sel $0x180000  }
0x13e: {  	[bflag:$0x0] =	sbarrier.arrive $0xFFFF  }
0x13f: {  	_ =	strace $0x9000004A  }
0x140: {  	s0 =	stileid.u32;
	[bflag:$0x2] =	sbarrier.arrive $0xFFFF  }
0x141: {  	p0 =	sne.s32 s0, $0x0;
	s0 =	rddreg [dreg:$0x4]  }
0x142: {  	s0 =	sadd.s32 @!p0 $0x100000, s0  }
0x143: {  	[sflag:s0] =	ssyncadd.tile.s32 @!p0 $0x1;
	_ =	shalt  }
.Lfunc_end2:
_tile_overlayer_lowered:
.L_overlay_start_2:
0x144: {  	(tag) =	ssettag $0x2  }
0x145: {  	s0 =	rddreg [dreg:$0x0];
	s2 =	stileid.u32  }
0x146: {  	s1 =	rddreg [dreg:$0x1];
	p0 =	sne.s32 s2, $0x0  }
0x147: {  	s3 =	rddreg [dreg:$0x2];
	[bflag:$0x3] =	sbarrier.arrive $0xFFFF;
	s2 =	simm.s32 @!p0 $0x1C05  }
0x148: {  	[timem:s3], [sflag:s2] =	dma.local @!p0 [hbm:s0], s1  }
0x149: {  	s0 =	simm.s32 @!p0 $0x5  }
0x14a: {  	_ =	swait.ge @!p0 [sflag:s0], s1  }
0x14b: {  	s1 =	ssub.s32 @!p0 $0x0, s1;
	[sflag:s0] =	ssyncset.done @!p0 $0x0  }
0x14c: {  	[sflag:s0] =	ssyncadd.s32 @!p0 s1  }
0x14d: {  	[bflag:$0x3] =	sbarrier.arrive $0xFFFF  }
0x14e: {  	_ =	shalt  }

// kernel: kernel.15.cloned.1.call-start
scs
__scs_entry_jumppad:
0x0: {  	(pc) =	sbr.rel $0x88, $3  }
0x1: {  	(tag) =	ssettag $0x0;
	lr =	simm.s32 $0x1  }
0x2: {  	[smem:$0x3F99] =	sst lr;
	_ =	strace $0xD0000000  }
0x3: {  	_ = 	snop  }
0x4: {  	_ = 	snop  }
0x5: {  	_ = 	snop  }
0x6: {  	_ = 	snop  }
0x7: {  	_ = 	snop  }
__scs_overlays_trampoline_lowered:
0x8: {  	[smem:$0x3FA8] =	sst s0  }
0x9: {  	[smem:$0x3FA9] =	sst s1  }
0xa: {  	[smem:$0x3FAA] =	sst s2  }
0xb: {  	[smem:$0x3FAB] =	sst s3  }
0xc: {  	[smem:$0x3FAC] =	sst s4  }
0xd: {  	[smem:$0x3FAD] =	sst s5  }
0xe: {  	[smem:$0x3FAE] =	sst s6  }
0xf: {  	[smem:$0x3FAF] =	sst s7  }
0x10: {  	[smem:$0x3FB0] =	sst s8  }
0x11: {  	[smem:$0x3FB1] =	sst s9;
	s0 =	simm.s32 @!p0 $0x0  }
0x12: {  	s1 =	sld [smem:$0x3F97];
	s0 =	simm.s32 @p0 $0x1  }
0x13: {  	[smem:$0x3FB2] =	sst s0;
	s0 =	simm.s32 @!p1 $0x0  }
0x14: {  	s2 =	sld [smem:$0x3F96];
	s0 =	simm.s32 @p1 $0x1  }
0x15: {  	[smem:$0x3FB3] =	sst s0;
	s0 =	simm.s32 @!p2 $0x0  }
0x16: {  	s3 =	sld [smem:$0x3FDB];
	s0 =	simm.s32 @p2 $0x1  }
0x17: {  	s4 =	simm.s32 $0x1BF5;
	[smem:$0x3FB5] =	sst s0  }
0x18: {  	s0 =	sld [smem:$0x3F98];
	_ =	swait.ge [sflag:s4], $0x0  }
0x19: {  	s7 =	sld [smem:$0x3F99]  }
0x1a: {  	s8 =	sadd.s32 $0xFFFFE003, lr  }
0x1b: {  	s9 =	sadd.s32 $0xFFFFFEF7, lr;
	s5 =	simm.s32 $0xFFFFFFFF;
	p2 =	slt.u32 s8, $0xFFFFF086  }
0x1c: {  	p1 =	slt.u32 s9, $0xF7A;
	s5 =	simm.s32 @!p2 $0x0  }
0x1d: {  	s5 =	simm.s32 @p1 $0x1;
	p0 =	seq.s32 s7, s2  }
0x1e: {  	s7 =	smul.u32 @!p0 $0xF7A, s2;
	p2 =	seq.s32 @!p0 s5, $0x0  }
0x1f: {  	s9 =	smul.u32 $0xF7A, s1;
	s8 =	simm.s32 @!p0 $0x1BF5;
	p2 =	por !p2, p0  }
0x20: {  	[sflag:s8] =	ssyncset.s32 @!p0 $0xFFFFF086;
	s6 =	sadd.s32 @!p0 s3, s7;
	s7 =	simm.s32 @!p0 $0x108  }
0x21: {  	s3 =	sadd.s32 s3, s9;
	s6 =	sadd.s32 @!p0 $0x88, s6;
	s7 =	simm.s32 @p2 $0x1082  }
0x22: {  	[simem:s7], [sflag:s8] =	dma.local @!p0 [hbm:s6], $0xF7A  }
0x23: {  	s9 =	sor.u32 $0xD0000000, s2;
	s6 =	simm.s32 $0x108;
	_ =	swait.ge @!p0 [sflag:s8], $0x0  }
0x24: {  	s3 =	sadd.s32 $0x88, s3;
	s6 =	simm.s32 @!p1 $0x1082;
	[sflag:s4] =	ssyncset.s32 $0xFFFFF086  }
0x25: {  	[simem:s6], [sflag:s4] =	dma.local [hbm:s3], $0xF7A  }
0x26: {  	[smem:$0x3F99] =	sst s1;
	(tag) =	ssettag s2;
	_ =	strace s9  }
0x27: {  	s1 =	sld [smem:$0x3FA9]  }
0x28: {  	s2 =	sld [smem:$0x3FAA]  }
0x29: {  	s4 =	sld [smem:$0x3FAC]  }
0x2a: {  	p0 =	seq.s32 s5, $0x0;
	s5 =	sld [smem:$0x3FAD]  }
0x2b: {  	s6 =	sld [smem:$0x3FAE]  }
0x2c: {  	s7 =	sld [smem:$0x3FAF]  }
0x2d: {  	s3 =	simm.s32 $0x108;
	s8 =	sld [smem:$0x3FB0]  }
0x2e: {  	s3 =	simm.s32 @!p0 $0x1082;
	s9 =	sld [smem:$0x3FB1]  }
0x2f: {  	lr =	sadd.s32 s0, s3;
	s0 =	sld [smem:$0x3FA8]  }
0x30: {  	s3 =	sld [smem:$0x3FAB]  }
0x31: {  	[smem:$0x3FB4] =	sst s10  }
0x32: {  	s10 =	sld [smem:$0x3FB2];
	_ =	sdelay $0x3  }
0x33: {  	p0 =	seq.s32 s10, $0x1;
	s10 =	sld [smem:$0x3FB4];
	_ =	sdelay $0x3  }
0x34: {  	[smem:$0x3FB4] =	sst s10  }
0x35: {  	s10 =	sld [smem:$0x3FB3];
	_ =	sdelay $0x3  }
0x36: {  	p1 =	seq.s32 s10, $0x1;
	s10 =	sld [smem:$0x3FB4];
	_ =	sdelay $0x3  }
0x37: {  	[smem:$0x3FB4] =	sst s10  }
0x38: {  	s10 =	sld [smem:$0x3FB5]  }
0x39: {  	_ = 	snop;
	(pc) =	sbr.ind lr, $3  }
0x3a: {  	_ = 	snop  }
0x3b: {  	_ = 	snop  }
0x3c: {  	p2 =	seq.s32 s10, $0x1;
	s10 =	sld [smem:$0x3FB4]  }
0x3d: {  	_ =	shalt  }
0x3e: {  	_ =	shalt  }
0x3f: {  	_ =	shalt  }
0x40: {  	_ =	shalt  }
0x41: {  	_ =	shalt  }
0x42: {  	_ =	shalt  }
0x43: {  	_ =	shalt  }
0x44: {  	_ =	shalt  }
0x45: {  	_ =	shalt  }
0x46: {  	_ =	shalt  }
0x47: {  	_ =	shalt  }
0x48: {  	_ =	shalt  }
0x49: {  	_ =	shalt  }
0x4a: {  	_ =	shalt  }
0x4b: {  	_ =	shalt  }
0x4c: {  	_ =	shalt  }
0x4d: {  	_ =	shalt  }
0x4e: {  	_ =	shalt  }
0x4f: {  	_ =	shalt  }
0x50: {  	_ =	shalt  }
0x51: {  	_ =	shalt  }
0x52: {  	_ =	shalt  }
0x53: {  	_ =	shalt  }
0x54: {  	_ =	shalt  }
0x55: {  	_ =	shalt  }
0x56: {  	_ =	shalt  }
0x57: {  	_ =	shalt  }
0x58: {  	_ =	shalt  }
0x59: {  	_ =	shalt  }
0x5a: {  	_ =	shalt  }
0x5b: {  	_ =	shalt  }
0x5c: {  	_ =	shalt  }
0x5d: {  	_ =	shalt  }
0x5e: {  	_ =	shalt  }
0x5f: {  	_ =	shalt  }
0x60: {  	_ =	shalt  }
0x61: {  	_ =	shalt  }
0x62: {  	_ =	shalt  }
0x63: {  	_ =	shalt  }
0x64: {  	_ =	shalt  }
0x65: {  	_ =	shalt  }
0x66: {  	_ =	shalt  }
0x67: {  	_ =	shalt  }
0x68: {  	_ =	shalt  }
0x69: {  	_ =	shalt  }
0x6a: {  	_ =	shalt  }
0x6b: {  	_ =	shalt  }
0x6c: {  	_ =	shalt  }
0x6d: {  	_ =	shalt  }
0x6e: {  	_ =	shalt  }
0x6f: {  	_ =	shalt  }
0x70: {  	_ =	shalt  }
0x71: {  	_ =	shalt  }
0x72: {  	_ =	shalt  }
0x73: {  	_ =	shalt  }
0x74: {  	_ =	shalt  }
0x75: {  	_ =	shalt  }
0x76: {  	_ =	shalt  }
0x77: {  	_ =	shalt  }
0x78: {  	_ =	shalt  }
0x79: {  	_ =	shalt  }
0x7a: {  	_ =	shalt  }
0x7b: {  	_ =	shalt  }
0x7c: {  	_ =	shalt  }
0x7d: {  	_ =	shalt  }
0x7e: {  	_ =	shalt  }
0x7f: {  	_ =	shalt  }
0x80: {  	_ =	shalt  }
0x81: {  	_ =	shalt  }
0x82: {  	_ =	shalt  }
0x83: {  	_ =	shalt  }
0x84: {  	_ =	shalt  }
0x85: {  	_ =	shalt  }
0x86: {  	_ =	shalt  }
0x87: {  	_ =	shalt  }
.Lfunc_end0:
.L_simem_size_0:
called_computation.2_lowered:
.L_overlay_start_0:
0x88: {  	s2 =	sld [smem:$0x3FD9]  }
0x89: {  	s3 =	sld [smem:$0x3FFE];
	_ =	sdelay $0x1  }
0x8a: {  	s1 =	srdreg.scid  }
0x8b: {  	s0 =	sand.u32 $0x1, s1  }
0x8c: {  	s14 =	sshll.u32 s0, $0xA;
	s2 =	sadd.s32 s3, s2  }
0x8d: {  	s2 =	sadd.s32 s2, s14  }
0x8e: {  	[smem:$0x3FC0] =	sst s2  }
0x8f: {  	_ = 	snop  }
0x90: {  	s2 =	sld [smem:$0x3FD0];
	_ =	sdelay $0x2  }
0x91: {  	s15 =	simm.s32 $0xA;
	s4 =	simm.s32 $0x10  }
0x92: {  	[smem:s4], [sflag:s15] =	dma.local [hbm:s2], $0x1  }
0x93: {  	_ =	swait.eq [sflag:s15], $0x1  }
0x94: {  	[sflag:s15] =	ssyncset.done $0x0  }
0x95: {  	s16 =	sld [smem:$0x10];
	[sflag:s15] =	ssyncadd.s32 $0xFFFFFFFF  }
0x96: {  	s17 =	sld [smem:$0x11];
	(tm) =	ssettm $0x1  }
0x97: {  	s18 =	sld [smem:$0x3FFB];
	_ =	sdelay $0x3  }
0x98: {  	_ =	strace s18  }
0x99: {  	s4 =	sld [smem:$0x3FFC];
	_ =	sdelay $0x3  }
0x9a: {  	_ =	strace s4  }
0x9b: {  	s4 =	sld [smem:$0x3FFD];
	_ =	sdelay $0x3  }
0x9c: {  	_ =	strace s4  }
0x9d: {  	_ =	strace $0x8FFFFFFF  }
0x9e: {  	s19 =	sld [smem:$0x3FDB];
	_ =	sdelay $0x1  }
0x9f: {  	s5 =	simm.s32 $_scs_section_size  }
0xa0: {  	s6 =	simm.s32 $_size__tile_overlayer_lowered;
	s7 =	simm.s32 $_tile_overlayer_lowered  }
0xa1: {  	s22 =	simm.s32 $0x1BFF;
	s21 =	sshll.u32 s7, $0x1;
	s4 =	sadd.s32 s5, s19  }
0xa2: {  	s8 =	simm.s32 $0x0;
	s20 =	sshll.u32 s6, $0x1;
	s6 =	sadd.s32 s21, s4  }
0xa3: {  	[timem:s8], [sflag:s22] =	dma.local [hbm:s6], s20  }
0xa4: {  	_ =	swait.ge [sflag:s22], s20  }
0xa5: {  	s5 =	ssub.s32 $0x0, s20;
	[sflag:s22] =	ssyncset.done $0x0  }
0xa6: {  	[sflag:s22] =	ssyncadd.s32 s5;
	_ =	sdelay $0x1  }
0xa7: {  	s23 =	simm.s32 $0x1B8B  }
0xa8: {  	_ =	swait.ge [sflag:s23], $0x1  }
0xa9: {  	[sflag:s23] =	ssyncset.done $0x0  }
0xaa: {  	s25 =	simm.s32 $0x1B8E;
	s24 =	sld [smem:$0x3FFE];
	[sflag:s23] =	ssyncadd.s32 $0xFFFFFFFF  }
0xab: {  	s26 =	simm.s32 $execute0_lowered;
	[smem:$0x3FD2] =	sst s25  }
0xac: {  	s6 =	sshll.u32 s26, $0x1;
	_ =	strace $0x8000004C;
	[dreg:$0x1] =	wrdreg $0xFFFFFFFF  }
0xad: {  	s28 =	simm.s32 $_size_execute0_lowered;
	s4 =	sadd.s32 s4, s6;
	[dreg:$0x0] =	wrdreg $0x0  }
0xae: {  	s6 =	sshll.u32 s28, $0x1;
	[dreg:$0x2] =	wrdreg s4  }
0xaf: {  	[dreg:$0x3] =	wrdreg s6  }
0xb0: {  	[dreg:$0x4] =	wrdreg $0xC0  }
0xb1: {  	_ =	task [dreg:s8], $0x5FFFF  }
0xb2: {  	[dreg:$0x1] =	wrdreg $0xFFFFFFFF  }
0xb3: {  	[dreg:$0x0] =	wrdreg $0x60  }
0xb4: {  	[dreg:$0x2] =	wrdreg s24  }
0xb5: {  	[dreg:$0x3] =	wrdreg s17  }
0xb6: {  	[dreg:$0x4] =	wrdreg s16  }
0xb7: {  	[dreg:$0x5] =	wrdreg $0x88000  }
0xb8: {  	[dreg:$0x6] =	wrdreg $0x9  }
0xb9: {  	_ =	task.clear_ibuf [dreg:s8], $0x7FFFF;
	_ =	strace $0x9000004C  }
0xba: {  	s29 =	simm.s32 $0x9;
	_ =	strace $0x8000004E  }
0xbb: {  	_ =	swait.ge [sflag:s29], $0x1  }
0xbc: {  	[sflag:s29] =	ssyncadd.s32 $0xFFFFFFFF  }
0xbd: {  	_ =	strace $0x9000004E  }
0xbe: {  	_ =	sfence  }
0xbf: {  	s30 =	sld [smem:$0x0];
	_ =	sdelay $0x2  }
0xc0: {  	s31 =	sshll.u32 s1, $0xD;
	s1 =	sshrl.u32 s1, $0x2  }
0xc1: {  	s3 =	sand.u32 $0x4000, s31;
	s1 =	sadd.s32 s1, s30  }
0xc2: {  	s0 =	sor.u32 s3, s0;
	s1 =	sshll.u32 s1, $0x11  }
0xc3: {  	s0 =	sor.u32 s1, s0  }
0xc4: {  	s0 =	sadd.s32 $0x8F2B, s0  }
0xc5: {  	[sflag:s0] =	ssyncadd.remote.s32 $0x1  }
0xc6: {  	_ =	sfence.sel $0xFFFF  }
0xc7: {  	[dreg:$0x0] =	wrdreg $0xFFFFFFFF;
	(pc) =	sbr.abs _section_cstart, $3  }
0xc8: {  	[dreg:$0x1] =	wrdreg $0xFFFFFFFF  }
0xc9: {  	_ =	task.clear_ibuf [dreg:s8], $0x2FFFF;
	_ =	strace $0x9FFFFFFF  }
0xca: {  	(tm) =	ssettm $0x7FFFFFFF  }
0xcb: {  	_ =	shalt  }
tec
execute0_lowered:
.L_overlay_start_1:
0x0: {  	(tag) =	ssettag $0x1  }
0x1: {  	s0 =	rddreg [dreg:$0x0]  }
0x2: {  	s2 =	rddreg [dreg:$0x1]  }
0x3: {  	s5 =	rddreg [dreg:$0x2]  }
0x4: {  	s1 =	rddreg [dreg:$0x3]  }
0x5: {  	s3 =	srdreg.scid;
	s13 =	stileid.u32;
	s14 =	simm.s32 $0x400  }
0x6: {  	s15 =	simm.s32 $0x80;
	s28 =	simm.s32 $0x4;
	s29 =	simm.s32 $0x180  }
0x7: {  	s30 =	simm.s32 $0x500;
	s31 =	simm.s32 $0x200;
	s8 =	smul.u32 $0x280, s13  }
0x8: {  	s6 =	sand.u32 $0x1, s3;
	s3 =	simm.s32 $0x0;
	s10 =	smul.u32 $0x50000, s13  }
0x9: {  	s4 =	sadd.s32 $0x2C00, s0;
	s7 =	smul.u32 $0x28000, s6;
	[smem:$0x7FF] =	sst s3  }
0xa: {  	s9 =	ssub.s32 $0x2, s6;
	s6 =	smul.u32 $0x500, s6;
	_ =	strace $0x8000004D  }
0xb: {  	s16 =	sshrl.u32 s9, $0x1;
	s17 =	sshrl.u32 s10, $0x2;
	s18 =	sadd.s32 $0x80, s8  }
0xc: {  	s11 =	sadd.s32 $0x100, s8;
	s12 =	sadd.s32 $0x180, s8;
	s8 =	sadd.s32 $0x200, s8  }
0xd: {  	s0 =	sadd.s32 s7, s0;
	s7 =	ssub.s32 s9, s16;
	s9 =	sadd.s32 s17, s1  }
0xe: {  	s19 =	sshll.u32 s18, $0x7;
	s20 =	sshll.u32 s11, $0x7;
	s21 =	sshll.u32 s12, $0x7  }
0xf: {  	s22 =	sshll.u32 s8, $0x7;
	s10 =	sshll.u32 s18, $0x4;
	s8 =	sshll.u32 s8, $0x4  }
0x10: {  	s16 =	simm.s32 $0x4800;
	s17 =	simm.s32 $0x1;
	s18 =	simm.s32 $0x3  }
0x11: {  	[dreg:$0x6] =	wrdreg s9;
	s9 =	sadd.s32 s19, s1;
	s0 =	sadd.s32 $0x2AC00, s0  }
0x12: {  	s7 =	smax.u32 s7, $0x1;
	s19 =	simm.s32 $0x100;
	[dreg:$0x7] =	wrdreg s9  }
0x13: {  	s9 =	sadd.s32 s20, s1;
	s20 =	smul.u32 $0x2800, s13;
	[dreg:$0xb] =	wrdreg s7  }
0x14: {  	s13 =	smul.u32 $0xA00, s13;
	s24 =	sadd.s32 s10, s0;
	[dreg:$0x8] =	wrdreg s9  }
0x15: {  	s10 =	simm.s32 $0x600;
	s9 =	sadd.s32 s21, s1;
	[dreg:$0xd] =	wrdreg s24  }
0x16: {  	s21 =	sshll.u32 s11, $0x4;
	s24 =	simm.s32 $0x780;
	[dreg:$0x9] =	wrdreg s9  }
0x17: {  	s9 =	sadd.s32 s22, s1;
	s22 =	sshll.u32 s12, $0x4;
	s5 =	sadd.s32 s13, s5  }
0x18: {  	s2 =	sadd.s32 s13, s2;
	s12 =	simm.s32 $0x800;
	s13 =	simm.s32 $0x5  }
0x19: {  	s23 =	sadd.s32 s20, s0;
	s25 =	sadd.s32 s21, s0;
	s20 =	simm.s32 $0x300  }
0x1a: {  	s21 =	simm.s32 $0x680;
	s5 =	sadd.s32 s6, s5;
	[dreg:$0xc] =	wrdreg s23  }
0x1b: {  	s11 =	sadd.s32 s6, s2;
	[dreg:$0xe] =	wrdreg s25;
	s26 =	sadd.s32 s22, s0  }
0x1c: {  	s0 =	sadd.s32 s8, s0;
	s25 =	simm.s32 $0x2;
	[dreg:$0xa] =	wrdreg s9  }
0x1d: {  	s2 =	simm.s32 $0x280;
	s22 =	simm.s32 $0x380;
	[dreg:$0x5] =	wrdreg s5  }
0x1e: {  	s23 =	simm.s32 $0x700;
	s6 =	simm.s32 $0x0;
	[dreg:$0xf] =	wrdreg s26  }
0x1f: {  	v0 =	vimm.f32 $0.0e+00;
	[dreg:$0x10] =	wrdreg s0;
	s26 =	simm.s32 $0x480;
	s0 =	simm.s32 $0x580  }
.LBB2_1:
0x20: {  	[dreg:$0x11] =	wrdreg s6;
	s6 =	simm.s32 $0x0;
	s7 =	simm.s32 $0x200  }
.LBB2_2:
0x21: {  	p0 =	sne.s32 s7, $0xFE00;
	[tilespmem:s6+$0x870] =	vst v0  }
0x22: {  	[tilespmem:s6+$0x800] =	vst v0  }
0x23: {  	[tilespmem:s6+$0x810] =	vst v0  }
.Ltmp0:
0x24: {  	[tilespmem:s6+$0x820] =	vst v0;
	(pc) =	sbr.rel @p0 .LBB2_2-.Ltmp0, $4  }
0x25: {  	[tilespmem:s6+$0x830] =	vst v0  }
0x26: {  	[tilespmem:s6+$0x840] =	vst v0  }
0x27: {  	[tilespmem:s6+$0x850] =	vst v0  }
0x28: {  	[tilespmem:s6+$0x860] =	vst v0;
	s6 =	sshra.s32 s7, $0x2;
	s7 =	sadd.s32 $0x200, s7  }
0x29: {  	[tilespmem:s6+$0x870] =	vst v0  }
0x2a: {  	[tilespmem:s6+$0x800] =	vst v0  }
0x2b: {  	[tilespmem:s6+$0x810] =	vst v0  }
0x2c: {  	[tilespmem:s6+$0x820] =	vst v0  }
0x2d: {  	[tilespmem:s6+$0x830] =	vst v0  }
0x2e: {  	[tilespmem:s6+$0x840] =	vst v0  }
0x2f: {  	[tilespmem:s6+$0x850] =	vst v0  }
0x30: {  	[tilespmem:s6+$0x860] =	vst v0;
	s5 =	rddreg [dreg:$0x6]  }
0x31: {  	[spmem:s5] =	stream.linear.scatter [tilespmem:s12], [sflag:$0x5], $0x4000, $0x38;
	[tilespmem:$0x1C800] =	vst v63  }
0x32: {  	_ =	swait.ge [sflag:s13], $0x4000  }
0x33: {  	[sflag:s13] =	ssyncset.done $0x0  }
0x34: {  	s8 =	rddreg [dreg:$0x7];
	[sflag:s13] =	ssyncadd.s32 $0xFFFFC000  }
0x35: {  	[spmem:s8] =	stream.linear.scatter [tilespmem:s12], [sflag:$0x5], $0x4000, $0x38;
	[tilespmem:$0x1C800] =	vst v63  }
0x36: {  	_ =	swait.ge [sflag:s13], $0x4000  }
0x37: {  	[sflag:s13] =	ssyncset.done $0x0  }
0x38: {  	s6 =	rddreg [dreg:$0x8];
	[sflag:s13] =	ssyncadd.s32 $0xFFFFC000  }
0x39: {  	[spmem:s6] =	stream.linear.scatter [tilespmem:s12], [sflag:$0x5], $0x4000, $0x38;
	[tilespmem:$0x1C800] =	vst v63  }
0x3a: {  	_ =	swait.ge [sflag:s13], $0x4000  }
0x3b: {  	[sflag:s13] =	ssyncset.done $0x0  }
0x3c: {  	s7 =	rddreg [dreg:$0x9];
	[sflag:s13] =	ssyncadd.s32 $0xFFFFC000  }
0x3d: {  	[spmem:s7] =	stream.linear.scatter [tilespmem:s12], [sflag:$0x5], $0x4000, $0x38;
	[tilespmem:$0x1C800] =	vst v63  }
0x3e: {  	_ =	swait.ge [sflag:s13], $0x4000  }
0x3f: {  	[sflag:s13] =	ssyncset.done $0x0  }
0x40: {  	[sflag:s13] =	ssyncadd.s32 $0xFFFFC000  }
0x41: {  	[spmem:s9] =	stream.linear.scatter [tilespmem:s12], [sflag:$0x5], $0x4000, $0x38;
	[tilespmem:$0x1C800] =	vst v63  }
0x42: {  	_ =	swait.ge [sflag:s13], $0x4000  }
0x43: {  	[sflag:s13] =	ssyncset.done $0x0  }
0x44: {  	[sflag:s13] =	ssyncadd.s32 $0xFFFFC000  }
0x45: {  	s8 =	sadd.s32 $0x0, s11;
	[bflag:$0x0] =	sbarrier.arrive $0xFFFF  }
0x46: {  	[tilespmem:s3], [sflag:$0x5] =	stream.linear.gather [hbm4b:s8+s3], $0x400, $0x38;
	[tilespmem:$0x1C800] =	vst v63  }
0x47: {  	_ =	swait.ge [sflag:s13], $0x400  }
0x48: {  	s9 =	rddreg [dreg:$0x5];
	[sflag:s13] =	ssyncset.done $0x0  }
0x49: {  	[sflag:s13] =	ssyncadd.s32 $0xFFFFFC00;
	s6 =	sadd.s32 $0x0, s9  }
0x4a: {  	[tilespmem:s14], [sflag:$0x5] =	stream.linear.gather [hbm4b:s6+s3], $0x400, $0x38;
	[tilespmem:$0x1C800] =	vst v63  }
0x4b: {  	_ =	swait.ge [sflag:s13], $0x400  }
0x4c: {  	[sflag:s13] =	ssyncset.done $0x0  }
0x4d: {  	[sflag:s13] =	ssyncadd.s32 $0xFFFFFC00  }
0x4e: {  	[tilespmem:s12], [sflag:$0x1] =	stream.indirect.gather [hbm4b:s4+s15], $0x80, s3, s15, $0xb8;
	[tilespmem:$0x1C800] =	vst v63  }
0x4f: {  	_ = 	snop  }
0x50: {  	[tilespmem:s16], [sflag:$0x2] =	stream.indirect.gather [hbm4b:s4+s15], $0x80, s15, s15, $0xb8;
	[tilespmem:$0x1C800] =	vst v63  }
0x51: {  	_ =	swait.ge [sflag:s17], $0x4000  }
0x52: {  	[sflag:s17] =	ssyncset.done $0x0  }
0x53: {  	[sflag:s17] =	ssyncadd.s32 $0xFFFFC000  }
0x54: {  	[spmem:s1] =	stream.indirect.scatter.add.f32 [tilespmem:s12], [sflag:$0x3], $0x80, s14, s15, $0xb8;
	[tilespmem:$0x1C800] =	vst v63  }
0x55: {  	_ =	swait.ge [sflag:s18], $0x4000  }
0x56: {  	[sflag:s18] =	ssyncset.done $0x0  }
0x57: {  	[sflag:s18] =	ssyncadd.s32 $0xFFFFC000  }
0x58: {  	[tilespmem:s12], [sflag:$0x1] =	stream.indirect.gather [hbm4b:s4+s15], $0x80, s19, s15, $0xb8;
	[tilespmem:$0x1C800] =	vst v63  }
0x59: {  	_ =	swait.ge [sflag:s25], $0x4000  }
0x5a: {  	[sflag:s25] =	ssyncset.done $0x0  }
0x5b: {  	[sflag:s25] =	ssyncadd.s32 $0xFFFFC000  }
0x5c: {  	[spmem:s1] =	stream.indirect.scatter.add.f32 [tilespmem:s16], [sflag:$0x4], $0x80, s26, s15, $0xb8;
	[tilespmem:$0x1C800] =	vst v63  }
0x5d: {  	_ =	swait.ge [sflag:s28], $0x4000  }
0x5e: {  	[sflag:s28] =	ssyncset.done $0x0  }
0x5f: {  	[sflag:s28] =	ssyncadd.s32 $0xFFFFC000  }
0x60: {  	[tilespmem:s16], [sflag:$0x2] =	stream.indirect.gather [hbm4b:s4+s15], $0x80, s29, s15, $0xb8;
	[tilespmem:$0x1C800] =	vst v63  }
0x61: {  	_ =	swait.ge [sflag:s17], $0x4000  }
0x62: {  	[sflag:s17] =	ssyncset.done $0x0  }
0x63: {  	[sflag:s17] =	ssyncadd.s32 $0xFFFFC000  }
0x64: {  	[spmem:s1] =	stream.indirect.scatter.add.f32 [tilespmem:s12], [sflag:$0x3], $0x80, s30, s15, $0xb8;
	[tilespmem:$0x1C800] =	vst v63  }
0x65: {  	_ =	swait.ge [sflag:s18], $0x4000  }
0x66: {  	[sflag:s18] =	ssyncset.done $0x0  }
0x67: {  	[sflag:s18] =	ssyncadd.s32 $0xFFFFC000  }
0x68: {  	[tilespmem:s12], [sflag:$0x1] =	stream.indirect.gather [hbm4b:s4+s15], $0x80, s31, s15, $0xb8;
	[tilespmem:$0x1C800] =	vst v63  }
0x69: {  	_ =	swait.ge [sflag:s25], $0x4000  }
0x6a: {  	[sflag:s25] =	ssyncset.done $0x0  }
0x6b: {  	[sflag:s25] =	ssyncadd.s32 $0xFFFFC000  }
0x6c: {  	[spmem:s1] =	stream.indirect.scatter.add.f32 [tilespmem:s16], [sflag:$0x4], $0x80, s0, s15, $0xb8;
	[tilespmem:$0x1C800] =	vst v63  }
0x6d: {  	_ =	swait.ge [sflag:s28], $0x4000  }
0x6e: {  	[sflag:s28] =	ssyncset.done $0x0  }
0x6f: {  	[sflag:s28] =	ssyncadd.s32 $0xFFFFC000  }
0x70: {  	[tilespmem:s16], [sflag:$0x2] =	stream.indirect.gather [hbm4b:s4+s15], $0x80, s2, s15, $0xb8;
	[tilespmem:$0x1C800] =	vst v63  }
0x71: {  	_ =	swait.ge [sflag:s17], $0x4000  }
0x72: {  	[sflag:s17] =	ssyncset.done $0x0  }
0x73: {  	[sflag:s17] =	ssyncadd.s32 $0xFFFFC000  }
0x74: {  	[spmem:s1] =	stream.indirect.scatter.add.f32 [tilespmem:s12], [sflag:$0x3], $0x80, s10, s15, $0xb8;
	[tilespmem:$0x1C800] =	vst v63  }
0x75: {  	_ =	swait.ge [sflag:s18], $0x4000  }
0x76: {  	[sflag:s18] =	ssyncset.done $0x0  }
0x77: {  	[sflag:s18] =	ssyncadd.s32 $0xFFFFC000  }
0x78: {  	[tilespmem:s12], [sflag:$0x1] =	stream.indirect.gather [hbm4b:s4+s15], $0x80, s20, s15, $0xb8;
	[tilespmem:$0x1C800] =	vst v63  }
0x79: {  	_ =	swait.ge [sflag:s25], $0x4000  }
0x7a: {  	[sflag:s25] =	ssyncset.done $0x0  }
0x7b: {  	[sflag:s25] =	ssyncadd.s32 $0xFFFFC000  }
0x7c: {  	[spmem:s1] =	stream.indirect.scatter.add.f32 [tilespmem:s16], [sflag:$0x4], $0x80, s21, s15, $0xb8;
	[tilespmem:$0x1C800] =	vst v63  }
0x7d: {  	_ =	swait.ge [sflag:s28], $0x4000  }
0x7e: {  	[sflag:s28] =	ssyncset.done $0x0  }
0x7f: {  	[sflag:s28] =	ssyncadd.s32 $0xFFFFC000  }
0x80: {  	[tilespmem:s16], [sflag:$0x2] =	stream.indirect.gather [hbm4b:s4+s15], $0x80, s22, s15, $0xb8;
	[tilespmem:$0x1C800] =	vst v63  }
0x81: {  	_ =	swait.ge [sflag:s17], $0x4000  }
0x82: {  	[sflag:s17] =	ssyncset.done $0x0  }
0x83: {  	[sflag:s17] =	ssyncadd.s32 $0xFFFFC000  }
0x84: {  	[spmem:s1] =	stream.indirect.scatter.add.f32 [tilespmem:s12], [sflag:$0x3], $0x80, s23, s15, $0xb8;
	[tilespmem:$0x1C800] =	vst v63  }
0x85: {  	_ =	swait.ge [sflag:s25], $0x4000  }
0x86: {  	[sflag:s25] =	ssyncset.done $0x0  }
0x87: {  	[sflag:s25] =	ssyncadd.s32 $0xFFFFC000  }
0x88: {  	[spmem:s1] =	stream.indirect.scatter.add.f32 [tilespmem:s16], [sflag:$0x4], $0x80, s24, s15, $0xb8;
	[tilespmem:$0x1C800] =	vst v63  }
0x89: {  	_ =	swait.ge [sflag:s18], $0x4000  }
0x8a: {  	[sflag:s18] =	ssyncset.done $0x0  }
0x8b: {  	[sflag:s18] =	ssyncadd.s32 $0xFFFFC000  }
0x8c: {  	_ =	swait.ge [sflag:s28], $0x4000  }
0x8d: {  	s7 =	simm.s32 $0x100;
	s6 =	simm.s32 $0x80;
	[sflag:s28] =	ssyncset.done $0x0  }
.LBB2_4:
0x8e: {  	s9 =	sadd.s32 s6, s11;
	[sflag:s28] =	ssyncadd.s32 $0xFFFFC000  }
0x8f: {  	[tilespmem:s3], [sflag:$0x5] =	stream.linear.gather [hbm4b:s9+s3], $0x400, $0x38;
	[tilespmem:$0x1C800] =	vst v63  }
0x90: {  	s5 =	smov.u32 s7;
	_ =	swait.ge [sflag:s13], $0x400  }
0x91: {  	s8 =	sadd.s32 $0x80, s7;
	s9 =	rddreg [dreg:$0x5];
	[sflag:s13] =	ssyncset.done $0x0  }
0x92: {  	p0 =	sne.s32 s7, $0x480;
	[sflag:s13] =	ssyncadd.s32 $0xFFFFFC00;
	s7 =	sadd.s32 s6, s9  }
0x93: {  	[tilespmem:s14], [sflag:$0x5] =	stream.linear.gather [hbm4b:s7+s3], $0x400, $0x38;
	[tilespmem:$0x1C800] =	vst v63  }
0x94: {  	_ =	swait.ge [sflag:s13], $0x400  }
0x95: {  	[sflag:s13] =	ssyncset.done $0x0  }
0x96: {  	[sflag:s13] =	ssyncadd.s32 $0xFFFFFC00  }
0x97: {  	[tilespmem:s12], [sflag:$0x1] =	stream.indirect.gather [hbm4b:s4+s15], $0x80, s3, s15, $0xb8;
	[tilespmem:$0x1C800] =	vst v63  }
0x98: {  	_ = 	snop  }
0x99: {  	[tilespmem:s16], [sflag:$0x2] =	stream.indirect.gather [hbm4b:s4+s15], $0x80, s15, s15, $0xb8;
	[tilespmem:$0x1C800] =	vst v63  }
0x9a: {  	_ =	swait.ge [sflag:s17], $0x4000  }
0x9b: {  	[sflag:s17] =	ssyncset.done $0x0  }
0x9c: {  	[sflag:s17] =	ssyncadd.s32 $0xFFFFC000  }
0x9d: {  	[spmem:s1] =	stream.indirect.scatter.add.f32 [tilespmem:s12], [sflag:$0x3], $0x80, s14, s15, $0xb8;
	[tilespmem:$0x1C800] =	vst v63  }
0x9e: {  	_ =	swait.ge [sflag:s18], $0x4000  }
0x9f: {  	[sflag:s18] =	ssyncset.done $0x0  }
0xa0: {  	[sflag:s18] =	ssyncadd.s32 $0xFFFFC000  }
0xa1: {  	[tilespmem:s12], [sflag:$0x1] =	stream.indirect.gather [hbm4b:s4+s15], $0x80, s19, s15, $0xb8;
	[tilespmem:$0x1C800] =	vst v63  }
0xa2: {  	_ =	swait.ge [sflag:s25], $0x4000  }
0xa3: {  	[sflag:s25] =	ssyncset.done $0x0  }
0xa4: {  	[sflag:s25] =	ssyncadd.s32 $0xFFFFC000  }
0xa5: {  	[spmem:s1] =	stream.indirect.scatter.add.f32 [tilespmem:s16], [sflag:$0x4], $0x80, s26, s15, $0xb8;
	[tilespmem:$0x1C800] =	vst v63  }
0xa6: {  	_ =	swait.ge [sflag:s28], $0x4000  }
0xa7: {  	[sflag:s28] =	ssyncset.done $0x0  }
0xa8: {  	[sflag:s28] =	ssyncadd.s32 $0xFFFFC000  }
0xa9: {  	[tilespmem:s16], [sflag:$0x2] =	stream.indirect.gather [hbm4b:s4+s15], $0x80, s29, s15, $0xb8;
	[tilespmem:$0x1C800] =	vst v63  }
0xaa: {  	_ =	swait.ge [sflag:s17], $0x4000  }
0xab: {  	[sflag:s17] =	ssyncset.done $0x0  }
0xac: {  	[sflag:s17] =	ssyncadd.s32 $0xFFFFC000  }
0xad: {  	[spmem:s1] =	stream.indirect.scatter.add.f32 [tilespmem:s12], [sflag:$0x3], $0x80, s30, s15, $0xb8;
	[tilespmem:$0x1C800] =	vst v63  }
0xae: {  	_ =	swait.ge [sflag:s18], $0x4000  }
0xaf: {  	[sflag:s18] =	ssyncset.done $0x0  }
0xb0: {  	[sflag:s18] =	ssyncadd.s32 $0xFFFFC000  }
0xb1: {  	[tilespmem:s12], [sflag:$0x1] =	stream.indirect.gather [hbm4b:s4+s15], $0x80, s31, s15, $0xb8;
	[tilespmem:$0x1C800] =	vst v63  }
0xb2: {  	_ =	swait.ge [sflag:s25], $0x4000  }
0xb3: {  	[sflag:s25] =	ssyncset.done $0x0  }
0xb4: {  	[sflag:s25] =	ssyncadd.s32 $0xFFFFC000  }
0xb5: {  	[spmem:s1] =	stream.indirect.scatter.add.f32 [tilespmem:s16], [sflag:$0x4], $0x80, s0, s15, $0xb8;
	[tilespmem:$0x1C800] =	vst v63  }
0xb6: {  	_ =	swait.ge [sflag:s28], $0x4000  }
0xb7: {  	[sflag:s28] =	ssyncset.done $0x0  }
0xb8: {  	[sflag:s28] =	ssyncadd.s32 $0xFFFFC000  }
0xb9: {  	[tilespmem:s16], [sflag:$0x2] =	stream.indirect.gather [hbm4b:s4+s15], $0x80, s2, s15, $0xb8;
	[tilespmem:$0x1C800] =	vst v63  }
0xba: {  	_ =	swait.ge [sflag:s17], $0x4000  }
0xbb: {  	[sflag:s17] =	ssyncset.done $0x0  }
0xbc: {  	[sflag:s17] =	ssyncadd.s32 $0xFFFFC000  }
0xbd: {  	[spmem:s1] =	stream.indirect.scatter.add.f32 [tilespmem:s12], [sflag:$0x3], $0x80, s10, s15, $0xb8;
	[tilespmem:$0x1C800] =	vst v63  }
0xbe: {  	_ =	swait.ge [sflag:s18], $0x4000  }
0xbf: {  	[sflag:s18] =	ssyncset.done $0x0  }
0xc0: {  	[sflag:s18] =	ssyncadd.s32 $0xFFFFC000  }
0xc1: {  	[tilespmem:s12], [sflag:$0x1] =	stream.indirect.gather [hbm4b:s4+s15], $0x80, s20, s15, $0xb8;
	[tilespmem:$0x1C800] =	vst v63  }
0xc2: {  	_ =	swait.ge [sflag:s25], $0x4000  }
0xc3: {  	[sflag:s25] =	ssyncset.done $0x0  }
0xc4: {  	[sflag:s25] =	ssyncadd.s32 $0xFFFFC000  }
0xc5: {  	[spmem:s1] =	stream.indirect.scatter.add.f32 [tilespmem:s16], [sflag:$0x4], $0x80, s21, s15, $0xb8;
	[tilespmem:$0x1C800] =	vst v63  }
0xc6: {  	_ =	swait.ge [sflag:s28], $0x4000  }
0xc7: {  	[sflag:s28] =	ssyncset.done $0x0  }
0xc8: {  	[sflag:s28] =	ssyncadd.s32 $0xFFFFC000  }
0xc9: {  	[tilespmem:s16], [sflag:$0x2] =	stream.indirect.gather [hbm4b:s4+s15], $0x80, s22, s15, $0xb8;
	[tilespmem:$0x1C800] =	vst v63  }
0xca: {  	_ =	swait.ge [sflag:s17], $0x4000  }
0xcb: {  	[sflag:s17] =	ssyncset.done $0x0  }
0xcc: {  	[sflag:s17] =	ssyncadd.s32 $0xFFFFC000  }
0xcd: {  	[spmem:s1] =	stream.indirect.scatter.add.f32 [tilespmem:s12], [sflag:$0x3], $0x80, s23, s15, $0xb8;
	[tilespmem:$0x1C800] =	vst v63  }
0xce: {  	_ =	swait.ge [sflag:s25], $0x4000  }
0xcf: {  	[sflag:s25] =	ssyncset.done $0x0  }
0xd0: {  	[sflag:s25] =	ssyncadd.s32 $0xFFFFC000  }
0xd1: {  	[spmem:s1] =	stream.indirect.scatter.add.f32 [tilespmem:s16], [sflag:$0x4], $0x80, s24, s15, $0xb8;
	[tilespmem:$0x1C800] =	vst v63  }
.Ltmp1:
0xd2: {  	_ =	swait.ge [sflag:s18], $0x4000;
	(pc) =	sbr.rel @p0 .LBB2_4-.Ltmp1, $4  }
0xd3: {  	[sflag:s18] =	ssyncset.done $0x0  }
0xd4: {  	[sflag:s18] =	ssyncadd.s32 $0xFFFFC000  }
0xd5: {  	_ =	swait.ge [sflag:s28], $0x4000  }
0xd6: {  	s6 =	smov.u32 s5;
	s7 =	smov.u32 s8;
	[sflag:s28] =	ssyncset.done $0x0  }
0xd7: {  	s5 =	sadd.s32 s6, s11;
	[sflag:s28] =	ssyncadd.s32 $0xFFFFC000  }
0xd8: {  	[tilespmem:s3], [sflag:$0x5] =	stream.linear.gather [hbm4b:s5+s3], $0x400, $0x38;
	[tilespmem:$0x1C800] =	vst v63  }
0xd9: {  	_ =	swait.ge [sflag:s13], $0x400  }
0xda: {  	s9 =	rddreg [dreg:$0x5];
	[sflag:s13] =	ssyncset.done $0x0  }
0xdb: {  	[sflag:s13] =	ssyncadd.s32 $0xFFFFFC00;
	s5 =	sadd.s32 s6, s9  }
0xdc: {  	[tilespmem:s14], [sflag:$0x5] =	stream.linear.gather [hbm4b:s5+s3], $0x400, $0x38;
	[tilespmem:$0x1C800] =	vst v63  }
0xdd: {  	_ =	swait.ge [sflag:s13], $0x400  }
0xde: {  	[sflag:s13] =	ssyncset.done $0x0  }
0xdf: {  	[sflag:s13] =	ssyncadd.s32 $0xFFFFFC00  }
0xe0: {  	[tilespmem:s12], [sflag:$0x1] =	stream.indirect.gather [hbm4b:s4+s15], $0x80, s3, s15, $0xb8;
	[tilespmem:$0x1C800] =	vst v63  }
0xe1: {  	_ = 	snop  }
0xe2: {  	[tilespmem:s16], [sflag:$0x2] =	stream.indirect.gather [hbm4b:s4+s15], $0x80, s15, s15, $0xb8;
	[tilespmem:$0x1C800] =	vst v63  }
0xe3: {  	_ =	swait.ge [sflag:s17], $0x4000  }
0xe4: {  	[sflag:s17] =	ssyncset.done $0x0  }
0xe5: {  	[sflag:s17] =	ssyncadd.s32 $0xFFFFC000  }
0xe6: {  	[spmem:s1] =	stream.indirect.scatter.add.f32 [tilespmem:s12], [sflag:$0x3], $0x80, s14, s15, $0xb8;
	[tilespmem:$0x1C800] =	vst v63  }
0xe7: {  	_ =	swait.ge [sflag:s18], $0x4000  }
0xe8: {  	[sflag:s18] =	ssyncset.done $0x0  }
0xe9: {  	[sflag:s18] =	ssyncadd.s32 $0xFFFFC000  }
0xea: {  	[tilespmem:s12], [sflag:$0x1] =	stream.indirect.gather [hbm4b:s4+s15], $0x80, s19, s15, $0xb8;
	[tilespmem:$0x1C800] =	vst v63  }
0xeb: {  	_ =	swait.ge [sflag:s25], $0x4000  }
0xec: {  	[sflag:s25] =	ssyncset.done $0x0  }
0xed: {  	[sflag:s25] =	ssyncadd.s32 $0xFFFFC000  }
0xee: {  	[spmem:s1] =	stream.indirect.scatter.add.f32 [tilespmem:s16], [sflag:$0x4], $0x80, s26, s15, $0xb8;
	[tilespmem:$0x1C800] =	vst v63  }
0xef: {  	_ =	swait.ge [sflag:s28], $0x4000  }
0xf0: {  	[sflag:s28] =	ssyncset.done $0x0  }
0xf1: {  	[sflag:s28] =	ssyncadd.s32 $0xFFFFC000  }
0xf2: {  	[tilespmem:s16], [sflag:$0x2] =	stream.indirect.gather [hbm4b:s4+s15], $0x80, s29, s15, $0xb8;
	[tilespmem:$0x1C800] =	vst v63  }
0xf3: {  	_ =	swait.ge [sflag:s17], $0x4000  }
0xf4: {  	[sflag:s17] =	ssyncset.done $0x0  }
0xf5: {  	[sflag:s17] =	ssyncadd.s32 $0xFFFFC000  }
0xf6: {  	[spmem:s1] =	stream.indirect.scatter.add.f32 [tilespmem:s12], [sflag:$0x3], $0x80, s30, s15, $0xb8;
	[tilespmem:$0x1C800] =	vst v63  }
0xf7: {  	_ =	swait.ge [sflag:s18], $0x4000  }
0xf8: {  	[sflag:s18] =	ssyncset.done $0x0  }
0xf9: {  	[sflag:s18] =	ssyncadd.s32 $0xFFFFC000  }
0xfa: {  	[tilespmem:s12], [sflag:$0x1] =	stream.indirect.gather [hbm4b:s4+s15], $0x80, s31, s15, $0xb8;
	[tilespmem:$0x1C800] =	vst v63  }
0xfb: {  	_ =	swait.ge [sflag:s25], $0x4000  }
0xfc: {  	[sflag:s25] =	ssyncset.done $0x0  }
0xfd: {  	[sflag:s25] =	ssyncadd.s32 $0xFFFFC000  }
0xfe: {  	[spmem:s1] =	stream.indirect.scatter.add.f32 [tilespmem:s16], [sflag:$0x4], $0x80, s0, s15, $0xb8;
	[tilespmem:$0x1C800] =	vst v63  }
0xff: {  	_ =	swait.ge [sflag:s28], $0x4000  }
0x100: {  	[sflag:s28] =	ssyncset.done $0x0  }
0x101: {  	[sflag:s28] =	ssyncadd.s32 $0xFFFFC000  }
0x102: {  	[tilespmem:s16], [sflag:$0x2] =	stream.indirect.gather [hbm4b:s4+s15], $0x80, s2, s15, $0xb8;
	[tilespmem:$0x1C800] =	vst v63  }
0x103: {  	_ =	swait.ge [sflag:s17], $0x4000  }
0x104: {  	[sflag:s17] =	ssyncset.done $0x0  }
0x105: {  	[sflag:s17] =	ssyncadd.s32 $0xFFFFC000  }
0x106: {  	[spmem:s1] =	stream.indirect.scatter.add.f32 [tilespmem:s12], [sflag:$0x3], $0x80, s10, s15, $0xb8;
	[tilespmem:$0x1C800] =	vst v63  }
0x107: {  	_ =	swait.ge [sflag:s18], $0x4000  }
0x108: {  	[sflag:s18] =	ssyncset.done $0x0  }
0x109: {  	[sflag:s18] =	ssyncadd.s32 $0xFFFFC000  }
0x10a: {  	[tilespmem:s12], [sflag:$0x1] =	stream.indirect.gather [hbm4b:s4+s15], $0x80, s20, s15, $0xb8;
	[tilespmem:$0x1C800] =	vst v63  }
0x10b: {  	_ =	swait.ge [sflag:s25], $0x4000  }
0x10c: {  	[sflag:s25] =	ssyncset.done $0x0  }
0x10d: {  	[sflag:s25] =	ssyncadd.s32 $0xFFFFC000  }
0x10e: {  	[spmem:s1] =	stream.indirect.scatter.add.f32 [tilespmem:s16], [sflag:$0x4], $0x80, s21, s15, $0xb8;
	[tilespmem:$0x1C800] =	vst v63  }
0x10f: {  	_ =	swait.ge [sflag:s28], $0x4000  }
0x110: {  	[sflag:s28] =	ssyncset.done $0x0  }
0x111: {  	[sflag:s28] =	ssyncadd.s32 $0xFFFFC000  }
0x112: {  	[tilespmem:s16], [sflag:$0x2] =	stream.indirect.gather [hbm4b:s4+s15], $0x80, s22, s15, $0xb8;
	[tilespmem:$0x1C800] =	vst v63  }
0x113: {  	_ =	swait.ge [sflag:s17], $0x4000  }
0x114: {  	[sflag:s17] =	ssyncset.done $0x0  }
0x115: {  	[sflag:s17] =	ssyncadd.s32 $0xFFFFC000  }
0x116: {  	[spmem:s1] =	stream.indirect.scatter.add.f32 [tilespmem:s12], [sflag:$0x3], $0x80, s23, s15, $0xb8;
	[tilespmem:$0x1C800] =	vst v63  }
0x117: {  	_ =	swait.ge [sflag:s25], $0x4000  }
0x118: {  	[sflag:s25] =	ssyncset.done $0x0  }
0x119: {  	[sflag:s25] =	ssyncadd.s32 $0xFFFFC000  }
0x11a: {  	[spmem:s1] =	stream.indirect.scatter.add.f32 [tilespmem:s16], [sflag:$0x4], $0x80, s24, s15, $0xb8;
	[tilespmem:$0x1C800] =	vst v63  }
0x11b: {  	_ =	swait.ge [sflag:s18], $0x4000  }
0x11c: {  	[sflag:s18] =	ssyncset.done $0x0  }
0x11d: {  	[sflag:s18] =	ssyncadd.s32 $0xFFFFC000  }
0x11e: {  	_ =	swait.ge [sflag:s28], $0x4000  }
0x11f: {  	[sflag:s28] =	ssyncset.done $0x0  }
0x120: {  	[sflag:s28] =	ssyncadd.s32 $0xFFFFC000  }
0x121: {  	s6 =	stileid.u32;
	[bflag:$0x0] =	sbarrier.arrive $0xFFFF  }
0x122: {  	s5 =	sshll.u32 s6, $0x6;
	s7 =	rddreg [dreg:$0x6]  }
0x123: {  	s5 =	sor.u32 $0x1C05, s5;
	s6 =	sshrl.u32 s7, $0x3;
	s7 =	rddreg [dreg:$0xc]  }
0x124: {  	[hbm:s7], [sflag:s5] =	dma.local [spmem:s6], $0x800  }
0x125: {  	_ =	swait.ge [sflag:s13], $0x800  }
0x126: {  	[sflag:s13] =	ssyncset.done $0x0;
	s8 =	rddreg [dreg:$0x7]  }
0x127: {  	s9 =	rddreg [dreg:$0xd];
	[sflag:s13] =	ssyncadd.s32 $0xFFFFF800;
	s6 =	sshrl.u32 s8, $0x3  }
0x128: {  	[hbm:s9], [sflag:s5] =	dma.local [spmem:s6], $0x800  }
0x129: {  	_ =	swait.ge [sflag:s13], $0x800  }
0x12a: {  	[sflag:s13] =	ssyncset.done $0x0;
	s8 =	rddreg [dreg:$0x8]  }
0x12b: {  	s9 =	rddreg [dreg:$0xe];
	[sflag:s13] =	ssyncadd.s32 $0xFFFFF800;
	s6 =	sshrl.u32 s8, $0x3  }
0x12c: {  	[hbm:s9], [sflag:s5] =	dma.local [spmem:s6], $0x800  }
0x12d: {  	_ =	swait.ge [sflag:s13], $0x800  }
0x12e: {  	[sflag:s13] =	ssyncset.done $0x0;
	s8 =	rddreg [dreg:$0x9]  }
0x12f: {  	s9 =	rddreg [dreg:$0xf];
	[sflag:s13] =	ssyncadd.s32 $0xFFFFF800;
	s6 =	sshrl.u32 s8, $0x3  }
0x130: {  	[hbm:s9], [sflag:s5] =	dma.local [spmem:s6], $0x800  }
0x131: {  	_ =	swait.ge [sflag:s13], $0x800  }
0x132: {  	[sflag:s13] =	ssyncset.done $0x0;
	s9 =	rddreg [dreg:$0xa]  }
0x133: {  	s8 =	rddreg [dreg:$0x10];
	[sflag:s13] =	ssyncadd.s32 $0xFFFFF800;
	s7 =	sshrl.u32 s9, $0x3  }
0x134: {  	[hbm:s8], [sflag:s5] =	dma.local [spmem:s7], $0x800  }
0x135: {  	_ =	swait.ge [sflag:s13], $0x800  }
0x136: {  	s7 =	rddreg [dreg:$0x11]  }
0x137: {  	s8 =	rddreg [dreg:$0xb];
	s6 =	sadd.s32 $0x1, s7  }
0x138: {  	p0 =	sne.s32 s6, s8  }
.Ltmp2:
0x139: {  	_ = 	snop;
	(pc) =	sbr.rel @p0 .LBB2_1-.Ltmp2, $3  }
0x13a: {  	_ =	sdelay $0x1  }
0x13b: {  	[sflag:s13] =	ssyncset.done $0x0  }
0x13c: {  	[sflag:s13] =	ssyncadd.s32 $0xFFFFF800  }
0x13d: {  	_ =	sfence.sel $0x180000  }
0x13e: {  	[bflag:$0x0] =	sbarrier.arrive $0xFFFF  }
0x13f: {  	_ =	strace $0x9000004D  }
0x140: {  	s0 =	stileid.u32;
	[bflag:$0x2] =	sbarrier.arrive $0xFFFF  }
0x141: {  	p0 =	sne.s32 s0, $0x0;
	s0 =	rddreg [dreg:$0x4]  }
0x142: {  	s0 =	sadd.s32 @!p0 $0x100000, s0  }
0x143: {  	[sflag:s0] =	ssyncadd.tile.s32 @!p0 $0x1;
	_ =	shalt  }
.Lfunc_end2:
_tile_overlayer_lowered:
.L_overlay_start_2:
0x144: {  	(tag) =	ssettag $0x2  }
0x145: {  	s0 =	rddreg [dreg:$0x0];
	s2 =	stileid.u32  }
0x146: {  	s1 =	rddreg [dreg:$0x1];
	p0 =	sne.s32 s2, $0x0  }
0x147: {  	s3 =	rddreg [dreg:$0x2];
	[bflag:$0x3] =	sbarrier.arrive $0xFFFF;
	s2 =	simm.s32 @!p0 $0x1C05  }
0x148: {  	[timem:s3], [sflag:s2] =	dma.local @!p0 [hbm:s0], s1  }
0x149: {  	s0 =	simm.s32 @!p0 $0x5  }
0x14a: {  	_ =	swait.ge @!p0 [sflag:s0], s1  }
0x14b: {  	s1 =	ssub.s32 @!p0 $0x0, s1;
	[sflag:s0] =	ssyncset.done @!p0 $0x0  }
0x14c: {  	[sflag:s0] =	ssyncadd.s32 @!p0 s1  }
0x14d: {  	[bflag:$0x3] =	sbarrier.arrive $0xFFFF  }
0x14e: {  	_ =	shalt  }

// kernel: kernel.9.cloned.1.call-start
scs
__scs_entry_jumppad:
0x0: {  	(pc) =	sbr.rel $0x88, $3  }
0x1: {  	(tag) =	ssettag $0x0;
	lr =	simm.s32 $0x1  }
0x2: {  	[smem:$0x3F99] =	sst lr;
	_ =	strace $0xD0000000  }
0x3: {  	_ = 	snop  }
0x4: {  	_ = 	snop  }
0x5: {  	_ = 	snop  }
0x6: {  	_ = 	snop  }
0x7: {  	_ = 	snop  }
__scs_overlays_trampoline_lowered:
0x8: {  	[smem:$0x3FA8] =	sst s0  }
0x9: {  	[smem:$0x3FA9] =	sst s1  }
0xa: {  	[smem:$0x3FAA] =	sst s2  }
0xb: {  	[smem:$0x3FAB] =	sst s3  }
0xc: {  	[smem:$0x3FAC] =	sst s4  }
0xd: {  	[smem:$0x3FAD] =	sst s5  }
0xe: {  	[smem:$0x3FAE] =	sst s6  }
0xf: {  	[smem:$0x3FAF] =	sst s7  }
0x10: {  	[smem:$0x3FB0] =	sst s8  }
0x11: {  	[smem:$0x3FB1] =	sst s9;
	s0 =	simm.s32 @!p0 $0x0  }
0x12: {  	s1 =	sld [smem:$0x3F97];
	s0 =	simm.s32 @p0 $0x1  }
0x13: {  	[smem:$0x3FB2] =	sst s0;
	s0 =	simm.s32 @!p1 $0x0  }
0x14: {  	s2 =	sld [smem:$0x3F96];
	s0 =	simm.s32 @p1 $0x1  }
0x15: {  	[smem:$0x3FB3] =	sst s0;
	s0 =	simm.s32 @!p2 $0x0  }
0x16: {  	s3 =	sld [smem:$0x3FDB];
	s0 =	simm.s32 @p2 $0x1  }
0x17: {  	s4 =	simm.s32 $0x1BF5;
	[smem:$0x3FB5] =	sst s0  }
0x18: {  	s0 =	sld [smem:$0x3F98];
	_ =	swait.ge [sflag:s4], $0x0  }
0x19: {  	s7 =	sld [smem:$0x3F99]  }
0x1a: {  	s8 =	sadd.s32 $0xFFFFE003, lr  }
0x1b: {  	s9 =	sadd.s32 $0xFFFFFEF7, lr;
	s5 =	simm.s32 $0xFFFFFFFF;
	p2 =	slt.u32 s8, $0xFFFFF086  }
0x1c: {  	p1 =	slt.u32 s9, $0xF7A;
	s5 =	simm.s32 @!p2 $0x0  }
0x1d: {  	s5 =	simm.s32 @p1 $0x1;
	p0 =	seq.s32 s7, s2  }
0x1e: {  	s7 =	smul.u32 @!p0 $0xF7A, s2;
	p2 =	seq.s32 @!p0 s5, $0x0  }
0x1f: {  	s9 =	smul.u32 $0xF7A, s1;
	s8 =	simm.s32 @!p0 $0x1BF5;
	p2 =	por !p2, p0  }
0x20: {  	[sflag:s8] =	ssyncset.s32 @!p0 $0xFFFFF086;
	s6 =	sadd.s32 @!p0 s3, s7;
	s7 =	simm.s32 @!p0 $0x108  }
0x21: {  	s3 =	sadd.s32 s3, s9;
	s6 =	sadd.s32 @!p0 $0x88, s6;
	s7 =	simm.s32 @p2 $0x1082  }
0x22: {  	[simem:s7], [sflag:s8] =	dma.local @!p0 [hbm:s6], $0xF7A  }
0x23: {  	s9 =	sor.u32 $0xD0000000, s2;
	s6 =	simm.s32 $0x108;
	_ =	swait.ge @!p0 [sflag:s8], $0x0  }
0x24: {  	s3 =	sadd.s32 $0x88, s3;
	s6 =	simm.s32 @!p1 $0x1082;
	[sflag:s4] =	ssyncset.s32 $0xFFFFF086  }
0x25: {  	[simem:s6], [sflag:s4] =	dma.local [hbm:s3], $0xF7A  }
0x26: {  	[smem:$0x3F99] =	sst s1;
	(tag) =	ssettag s2;
	_ =	strace s9  }
0x27: {  	s1 =	sld [smem:$0x3FA9]  }
0x28: {  	s2 =	sld [smem:$0x3FAA]  }
0x29: {  	s4 =	sld [smem:$0x3FAC]  }
0x2a: {  	p0 =	seq.s32 s5, $0x0;
	s5 =	sld [smem:$0x3FAD]  }
0x2b: {  	s6 =	sld [smem:$0x3FAE]  }
0x2c: {  	s7 =	sld [smem:$0x3FAF]  }
0x2d: {  	s3 =	simm.s32 $0x108;
	s8 =	sld [smem:$0x3FB0]  }
0x2e: {  	s3 =	simm.s32 @!p0 $0x1082;
	s9 =	sld [smem:$0x3FB1]  }
0x2f: {  	lr =	sadd.s32 s0, s3;
	s0 =	sld [smem:$0x3FA8]  }
0x30: {  	s3 =	sld [smem:$0x3FAB]  }
0x31: {  	[smem:$0x3FB4] =	sst s10  }
0x32: {  	s10 =	sld [smem:$0x3FB2];
	_ =	sdelay $0x3  }
0x33: {  	p0 =	seq.s32 s10, $0x1;
	s10 =	sld [smem:$0x3FB4];
	_ =	sdelay $0x3  }
0x34: {  	[smem:$0x3FB4] =	sst s10  }
0x35: {  	s10 =	sld [smem:$0x3FB3];
	_ =	sdelay $0x3  }
0x36: {  	p1 =	seq.s32 s10, $0x1;
	s10 =	sld [smem:$0x3FB4];
	_ =	sdelay $0x3  }
0x37: {  	[smem:$0x3FB4] =	sst s10  }
0x38: {  	s10 =	sld [smem:$0x3FB5]  }
0x39: {  	_ = 	snop;
	(pc) =	sbr.ind lr, $3  }
0x3a: {  	_ = 	snop  }
0x3b: {  	_ = 	snop  }
0x3c: {  	p2 =	seq.s32 s10, $0x1;
	s10 =	sld [smem:$0x3FB4]  }
0x3d: {  	_ =	shalt  }
0x3e: {  	_ =	shalt  }
0x3f: {  	_ =	shalt  }
0x40: {  	_ =	shalt  }
0x41: {  	_ =	shalt  }
0x42: {  	_ =	shalt  }
0x43: {  	_ =	shalt  }
0x44: {  	_ =	shalt  }
0x45: {  	_ =	shalt  }
0x46: {  	_ =	shalt  }
0x47: {  	_ =	shalt  }
0x48: {  	_ =	shalt  }
0x49: {  	_ =	shalt  }
0x4a: {  	_ =	shalt  }
0x4b: {  	_ =	shalt  }
0x4c: {  	_ =	shalt  }
0x4d: {  	_ =	shalt  }
0x4e: {  	_ =	shalt  }
0x4f: {  	_ =	shalt  }
0x50: {  	_ =	shalt  }
0x51: {  	_ =	shalt  }
0x52: {  	_ =	shalt  }
0x53: {  	_ =	shalt  }
0x54: {  	_ =	shalt  }
0x55: {  	_ =	shalt  }
0x56: {  	_ =	shalt  }
0x57: {  	_ =	shalt  }
0x58: {  	_ =	shalt  }
0x59: {  	_ =	shalt  }
0x5a: {  	_ =	shalt  }
0x5b: {  	_ =	shalt  }
0x5c: {  	_ =	shalt  }
0x5d: {  	_ =	shalt  }
0x5e: {  	_ =	shalt  }
0x5f: {  	_ =	shalt  }
0x60: {  	_ =	shalt  }
0x61: {  	_ =	shalt  }
0x62: {  	_ =	shalt  }
0x63: {  	_ =	shalt  }
0x64: {  	_ =	shalt  }
0x65: {  	_ =	shalt  }
0x66: {  	_ =	shalt  }
0x67: {  	_ =	shalt  }
0x68: {  	_ =	shalt  }
0x69: {  	_ =	shalt  }
0x6a: {  	_ =	shalt  }
0x6b: {  	_ =	shalt  }
0x6c: {  	_ =	shalt  }
0x6d: {  	_ =	shalt  }
0x6e: {  	_ =	shalt  }
0x6f: {  	_ =	shalt  }
0x70: {  	_ =	shalt  }
0x71: {  	_ =	shalt  }
0x72: {  	_ =	shalt  }
0x73: {  	_ =	shalt  }
0x74: {  	_ =	shalt  }
0x75: {  	_ =	shalt  }
0x76: {  	_ =	shalt  }
0x77: {  	_ =	shalt  }
0x78: {  	_ =	shalt  }
0x79: {  	_ =	shalt  }
0x7a: {  	_ =	shalt  }
0x7b: {  	_ =	shalt  }
0x7c: {  	_ =	shalt  }
0x7d: {  	_ =	shalt  }
0x7e: {  	_ =	shalt  }
0x7f: {  	_ =	shalt  }
0x80: {  	_ =	shalt  }
0x81: {  	_ =	shalt  }
0x82: {  	_ =	shalt  }
0x83: {  	_ =	shalt  }
0x84: {  	_ =	shalt  }
0x85: {  	_ =	shalt  }
0x86: {  	_ =	shalt  }
0x87: {  	_ =	shalt  }
.Lfunc_end0:
.L_simem_size_0:
called_computation_lowered:
.L_overlay_start_0:
0x88: {  	s2 =	sld [smem:$0x3FD9]  }
0x89: {  	s3 =	sld [smem:$0x3FFE];
	_ =	sdelay $0x1  }
0x8a: {  	s1 =	srdreg.scid  }
0x8b: {  	s0 =	sand.u32 $0x1, s1  }
0x8c: {  	s14 =	sshll.u32 s0, $0xA;
	s2 =	sadd.s32 s3, s2  }
0x8d: {  	s2 =	sadd.s32 s2, s14  }
0x8e: {  	[smem:$0x3FC0] =	sst s2  }
0x8f: {  	_ = 	snop  }
0x90: {  	s2 =	sld [smem:$0x3FD0];
	_ =	sdelay $0x2  }
0x91: {  	s15 =	simm.s32 $0xA;
	s4 =	simm.s32 $0x10  }
0x92: {  	[smem:s4], [sflag:s15] =	dma.local [hbm:s2], $0x1  }
0x93: {  	_ =	swait.eq [sflag:s15], $0x1  }
0x94: {  	[sflag:s15] =	ssyncset.done $0x0  }
0x95: {  	[sflag:s15] =	ssyncadd.s32 $0xFFFFFFFF  }
0x96: {  	s16 =	sld [smem:$0x10];
	(tm) =	ssettm $0x1  }
0x97: {  	s17 =	sld [smem:$0x3FFB];
	_ =	sdelay $0x3  }
0x98: {  	_ =	strace s17  }
0x99: {  	s3 =	sld [smem:$0x3FFC];
	_ =	sdelay $0x3  }
0x9a: {  	_ =	strace s3  }
0x9b: {  	s3 =	sld [smem:$0x3FFD];
	_ =	sdelay $0x3  }
0x9c: {  	_ =	strace s3  }
0x9d: {  	_ =	strace $0x8FFFFFFF  }
0x9e: {  	s18 =	sld [smem:$0x3FDB];
	_ =	sdelay $0x1  }
0x9f: {  	s19 =	simm.s32 $_scs_section_size  }
0xa0: {  	s5 =	simm.s32 $_size__tile_overlayer_lowered;
	s6 =	simm.s32 $_tile_overlayer_lowered  }
0xa1: {  	s22 =	simm.s32 $0x1BFF;
	s21 =	sshll.u32 s6, $0x1;
	s3 =	sadd.s32 s19, s18  }
0xa2: {  	s7 =	simm.s32 $0x0;
	s20 =	sshll.u32 s5, $0x1;
	s5 =	sadd.s32 s21, s3  }
0xa3: {  	[timem:s7], [sflag:s22] =	dma.local [hbm:s5], s20  }
0xa4: {  	_ =	swait.ge [sflag:s22], s20  }
0xa5: {  	s4 =	ssub.s32 $0x0, s20;
	[sflag:s22] =	ssyncset.done $0x0  }
0xa6: {  	[sflag:s22] =	ssyncadd.s32 s4;
	_ =	sdelay $0x1  }
0xa7: {  	s23 =	simm.s32 $0x1B8B  }
0xa8: {  	_ =	swait.ge [sflag:s23], $0x1  }
0xa9: {  	[sflag:s23] =	ssyncset.done $0x0  }
0xaa: {  	s25 =	simm.s32 $0x1B8E;
	s24 =	sld [smem:$0x3FFE];
	[sflag:s23] =	ssyncadd.s32 $0xFFFFFFFF  }
0xab: {  	s26 =	simm.s32 $execute0_lowered;
	[smem:$0x3FD2] =	sst s25  }
0xac: {  	s5 =	sshll.u32 s26, $0x1;
	_ =	strace $0x80000046;
	[dreg:$0x1] =	wrdreg $0xFFFFFFFF  }
0xad: {  	s28 =	simm.s32 $_size_execute0_lowered;
	s3 =	sadd.s32 s3, s5;
	[dreg:$0x0] =	wrdreg $0x0  }
0xae: {  	s5 =	sshll.u32 s28, $0x1;
	[dreg:$0x2] =	wrdreg s3  }
0xaf: {  	[dreg:$0x3] =	wrdreg s5  }
0xb0: {  	[dreg:$0x4] =	wrdreg $0xC0  }
0xb1: {  	_ =	task [dreg:s7], $0x5FFFF  }
0xb2: {  	[dreg:$0x1] =	wrdreg $0xFFFFFFFF  }
0xb3: {  	[dreg:$0x0] =	wrdreg $0x60  }
0xb4: {  	[dreg:$0x2] =	wrdreg s16  }
0xb5: {  	[dreg:$0x3] =	wrdreg s24  }
0xb6: {  	[dreg:$0x4] =	wrdreg $0x68000  }
0xb7: {  	[dreg:$0x5] =	wrdreg $0x9  }
0xb8: {  	_ =	task.clear_ibuf [dreg:s7], $0x6FFFF;
	_ =	strace $0x90000046  }
0xb9: {  	s29 =	simm.s32 $0x9;
	_ =	strace $0x80000048  }
0xba: {  	_ =	swait.ge [sflag:s29], $0x1  }
0xbb: {  	[sflag:s29] =	ssyncadd.s32 $0xFFFFFFFF  }
0xbc: {  	_ =	strace $0x90000048  }
0xbd: {  	_ =	sfence  }
0xbe: {  	s30 =	sld [smem:$0x0];
	_ =	sdelay $0x2  }
0xbf: {  	s31 =	sshll.u32 s1, $0xD;
	s1 =	sshrl.u32 s1, $0x2  }
0xc0: {  	s3 =	sand.u32 $0x4000, s31;
	s1 =	sadd.s32 s1, s30  }
0xc1: {  	s0 =	sor.u32 s3, s0;
	s1 =	sshll.u32 s1, $0x11  }
0xc2: {  	s0 =	sor.u32 s1, s0  }
0xc3: {  	s0 =	sadd.s32 $0x8F2B, s0  }
0xc4: {  	[sflag:s0] =	ssyncadd.remote.s32 $0x1  }
0xc5: {  	_ =	sfence.sel $0xFFFF  }
0xc6: {  	[dreg:$0x0] =	wrdreg $0xFFFFFFFF;
	(pc) =	sbr.abs _section_cstart, $3  }
0xc7: {  	[dreg:$0x1] =	wrdreg $0xFFFFFFFF  }
0xc8: {  	_ =	task.clear_ibuf [dreg:s7], $0x2FFFF;
	_ =	strace $0x9FFFFFFF  }
0xc9: {  	(tm) =	ssettm $0x7FFFFFFF  }
tec
execute0_lowered:
.L_overlay_start_1:
0x0: {  	(tag) =	ssettag $0x1  }
0x1: {  	s9 =	rddreg [dreg:$0x0]  }
0x2: {  	s4 =	rddreg [dreg:$0x1]  }
0x3: {  	s1 =	rddreg [dreg:$0x2];
	s3 =	srdreg.scid  }
0x4: {  	s0 =	rddreg [dreg:$0x3];
	s5 =	sand.u32 $0x1, s3  }
0x5: {  	s2 =	simm.s32 $0x0;
	s3 =	stileid.u32;
	s6 =	smul.u32 $0x28000, s5  }
0x6: {  	[smem:$0x7FF] =	sst s2;
	s22 =	smul.u32 $0x280, s3  }
0x7: {  	_ =	strace $0x80000047;
	s21 =	ssub.s32 $0x2, s5;
	s11 =	smul.u32 $0x50000, s3  }
0x8: {  	s8 =	sshll.u32 s3, $0x1;
	s31 =	smul.u32 $0x2800, s3;
	s7 =	sshrl.u32 s21, $0x1  }
0x9: {  	s23 =	sor.u32 s5, s8;
	s10 =	sadd.s32 s6, s4;
	s12 =	ssub.s32 s21, s7  }
0xa: {  	s13 =	sadd.s32 $0x80, s22;
	s24 =	sshrl.u32 s11, $0x2;
	s26 =	sadd.s32 $0x100, s22  }
0xb: {  	s14 =	sadd.s32 $0x180, s22;
	s15 =	sadd.s32 $0x200, s22;
	s16 =	smul.u32 $0x500, s23  }
0xc: {  	s11 =	simm.s32 $0x2800;
	s25 =	sshll.u32 s13, $0x7;
	s4 =	sadd.s32 s24, s1  }
0xd: {  	s28 =	sshll.u32 s26, $0x7;
	s29 =	sshll.u32 s14, $0x7;
	s30 =	sshll.u32 s15, $0x7  }
0xe: {  	s18 =	sadd.s32 $0x2C00, s10;
	s17 =	sshll.u32 s13, $0x4;
	s19 =	sshll.u32 s26, $0x4  }
0xf: {  	s20 =	sshll.u32 s14, $0x4;
	s21 =	sshll.u32 s15, $0x4;
	s10 =	smax.u32 s12, $0x1  }
0x10: {  	s12 =	simm.s32 $0x1;
	s13 =	simm.s32 $0x80;
	s5 =	sadd.s32 s25, s1  }
0x11: {  	s6 =	sadd.s32 s28, s1;
	s7 =	sadd.s32 s29, s1;
	s8 =	sadd.s32 s30, s1  }
0x12: {  	s9 =	sadd.s32 s9, s16;
	s14 =	sadd.s32 s31, s18;
	s15 =	sadd.s32 s17, s18  }
0x13: {  	v0 =	vimm.f32 $0.0e+00;
	v1 =	vimm.f32 $1.000000000e+00;
	s16 =	sadd.s32 s19, s18;
	s17 =	sadd.s32 s20, s18;
	s18 =	sadd.s32 s21, s18  }
.LBB2_1:
0x14: {  	s19 =	simm.s32 $0x0;
	s20 =	simm.s32 $0x200  }
.LBB2_2:
0x15: {  	p0 =	sne.s32 s20, $0xFE00;
	[tilespmem:s19+$0x2870] =	vst v0  }
0x16: {  	[tilespmem:s19+$0x2800] =	vst v0  }
0x17: {  	[tilespmem:s19+$0x2810] =	vst v0  }
.Ltmp0:
0x18: {  	[tilespmem:s19+$0x2820] =	vst v0;
	(pc) =	sbr.rel @p0 .LBB2_2-.Ltmp0, $4  }
0x19: {  	[tilespmem:s19+$0x2830] =	vst v0  }
0x1a: {  	[tilespmem:s19+$0x2840] =	vst v0  }
0x1b: {  	[tilespmem:s19+$0x2850] =	vst v0  }
0x1c: {  	[tilespmem:s19+$0x2860] =	vst v0;
	s19 =	sshra.s32 s20, $0x2;
	s20 =	sadd.s32 $0x200, s20  }
0x1d: {  	[tilespmem:s19+$0x2870] =	vst v0  }
0x1e: {  	[tilespmem:s19+$0x2800] =	vst v0  }
0x1f: {  	[tilespmem:s19+$0x2810] =	vst v0  }
0x20: {  	[tilespmem:s19+$0x2820] =	vst v0  }
0x21: {  	[tilespmem:s19+$0x2830] =	vst v0  }
0x22: {  	[tilespmem:s19+$0x2840] =	vst v0  }
0x23: {  	[tilespmem:s19+$0x2850] =	vst v0  }
0x24: {  	[tilespmem:s19+$0x2860] =	vst v0  }
0x25: {  	[spmem:s4] =	stream.linear.scatter [tilespmem:s11], [sflag:$0x1], $0x4000, $0x38;
	[tilespmem:$0x1A800] =	vst v63  }
0x26: {  	_ =	swait.ge [sflag:s12], $0x4000  }
0x27: {  	[sflag:s12] =	ssyncset.done $0x0  }
0x28: {  	[sflag:s12] =	ssyncadd.s32 $0xFFFFC000  }
0x29: {  	[spmem:s5] =	stream.linear.scatter [tilespmem:s11], [sflag:$0x1], $0x4000, $0x38;
	[tilespmem:$0x1A800] =	vst v63  }
0x2a: {  	_ =	swait.ge [sflag:s12], $0x4000  }
0x2b: {  	[sflag:s12] =	ssyncset.done $0x0  }
0x2c: {  	[sflag:s12] =	ssyncadd.s32 $0xFFFFC000  }
0x2d: {  	[spmem:s6] =	stream.linear.scatter [tilespmem:s11], [sflag:$0x1], $0x4000, $0x38;
	[tilespmem:$0x1A800] =	vst v63  }
0x2e: {  	_ =	swait.ge [sflag:s12], $0x4000  }
0x2f: {  	[sflag:s12] =	ssyncset.done $0x0  }
0x30: {  	[sflag:s12] =	ssyncadd.s32 $0xFFFFC000  }
0x31: {  	[spmem:s7] =	stream.linear.scatter [tilespmem:s11], [sflag:$0x1], $0x4000, $0x38;
	[tilespmem:$0x1A800] =	vst v63  }
0x32: {  	_ =	swait.ge [sflag:s12], $0x4000  }
0x33: {  	[sflag:s12] =	ssyncset.done $0x0  }
0x34: {  	[sflag:s12] =	ssyncadd.s32 $0xFFFFC000  }
0x35: {  	[spmem:s8] =	stream.linear.scatter [tilespmem:s11], [sflag:$0x1], $0x4000, $0x38;
	[tilespmem:$0x1A800] =	vst v63  }
0x36: {  	_ =	swait.ge [sflag:s12], $0x4000  }
0x37: {  	[sflag:s12] =	ssyncset.done $0x0  }
0x38: {  	s19 =	simm.s32 $0x0;
	s20 =	simm.s32 $0x200;
	[sflag:s12] =	ssyncadd.s32 $0xFFFFC000  }
.LBB2_4:
0x39: {  	p0 =	sne.s32 s20, $0xFE00;
	[tilespmem:s19+$0x2870] =	vst v1  }
0x3a: {  	[tilespmem:s19+$0x2800] =	vst v1  }
0x3b: {  	[tilespmem:s19+$0x2810] =	vst v1  }
.Ltmp1:
0x3c: {  	[tilespmem:s19+$0x2820] =	vst v1;
	(pc) =	sbr.rel @p0 .LBB2_4-.Ltmp1, $4  }
0x3d: {  	[tilespmem:s19+$0x2830] =	vst v1  }
0x3e: {  	[tilespmem:s19+$0x2840] =	vst v1  }
0x3f: {  	[tilespmem:s19+$0x2850] =	vst v1  }
0x40: {  	[tilespmem:s19+$0x2860] =	vst v1;
	s19 =	sshra.s32 s20, $0x2;
	s20 =	sadd.s32 $0x200, s20  }
0x41: {  	[tilespmem:s19+$0x2870] =	vst v1  }
0x42: {  	[tilespmem:s19+$0x2800] =	vst v1  }
0x43: {  	[tilespmem:s19+$0x2810] =	vst v1  }
0x44: {  	[tilespmem:s19+$0x2820] =	vst v1  }
0x45: {  	[tilespmem:s19+$0x2830] =	vst v1  }
0x46: {  	[tilespmem:s19+$0x2840] =	vst v1  }
0x47: {  	[tilespmem:s19+$0x2850] =	vst v1  }
0x48: {  	[tilespmem:s19+$0x2860] =	vst v1  }
0x49: {  	s30 =	simm.s32 $0x0;
	[bflag:$0x0] =	sbarrier.arrive $0xFFFF  }
0x4a: {  	[tilespmem:s30], [sflag:$0x1] =	stream.linear.gather [hbm4b:s9+s30], $0x2800, $0x38;
	[tilespmem:$0x1A800] =	vst v63  }
0x4b: {  	_ =	swait.ge [sflag:s12], $0x2800  }
0x4c: {  	[sflag:s12] =	ssyncset.done $0x0  }
0x4d: {  	s31 =	simm.s32 $0x0;
	[sflag:s12] =	ssyncadd.s32 $0xFFFFD800  }
0x4e: {  	[spmem:s1] =	stream.indirect.scatter.add.f32 [tilespmem:s11], [sflag:$0x1], $0x80, s31, s13, $0xb8;
	[tilespmem:$0x1A800] =	vst v63  }
0x4f: {  	_ =	swait.ge [sflag:s12], $0x4000  }
0x50: {  	s19 =	simm.s32 $0x200;
	[sflag:s12] =	ssyncset.done $0x0  }
.LBB2_6:
0x51: {  	s20 =	sshra.s32 s19, $0x2;
	[sflag:s12] =	ssyncadd.s32 $0xFFFFC000;
	p0 =	sne.s32 s19, $0x9E00  }
0x52: {  	[spmem:s1] =	stream.indirect.scatter.add.f32 [tilespmem:s11], [sflag:$0x1], $0x80, s20, s13, $0xb8;
	[tilespmem:$0x1A800] =	vst v63  }
.Ltmp2:
0x53: {  	_ = 	snop;
	(pc) =	sbr.rel @p0 .LBB2_6-.Ltmp2, $4  }
0x54: {  	_ = 	snop  }
0x55: {  	s19 =	sadd.s32 $0x200, s19  }
0x56: {  	_ =	swait.ge [sflag:s12], $0x4000  }
0x57: {  	[sflag:s12] =	ssyncset.done $0x0  }
0x58: {  	[sflag:s12] =	ssyncadd.s32 $0xFFFFC000;
	s19 =	sshll.u32 s3, $0x6  }
0x59: {  	s20 =	sshrl.u32 s4, $0x3;
	[bflag:$0x0] =	sbarrier.arrive $0xFFFF;
	s19 =	sor.u32 $0x1C01, s19  }
0x5a: {  	[hbm:s14], [sflag:s19] =	dma.local [spmem:s20], $0x800  }
0x5b: {  	_ =	swait.ge [sflag:s12], $0x800  }
0x5c: {  	[sflag:s12] =	ssyncset.done $0x0  }
0x5d: {  	s28 =	sshrl.u32 s5, $0x3;
	[sflag:s12] =	ssyncadd.s32 $0xFFFFF800  }
0x5e: {  	[hbm:s15], [sflag:s19] =	dma.local [spmem:s28], $0x800  }
0x5f: {  	_ =	swait.ge [sflag:s12], $0x800  }
0x60: {  	[sflag:s12] =	ssyncset.done $0x0  }
0x61: {  	s29 =	sshrl.u32 s6, $0x3;
	[sflag:s12] =	ssyncadd.s32 $0xFFFFF800  }
0x62: {  	[hbm:s16], [sflag:s19] =	dma.local [spmem:s29], $0x800  }
0x63: {  	_ =	swait.ge [sflag:s12], $0x800  }
0x64: {  	[sflag:s12] =	ssyncset.done $0x0  }
0x65: {  	s30 =	sshrl.u32 s7, $0x3;
	[sflag:s12] =	ssyncadd.s32 $0xFFFFF800  }
0x66: {  	[hbm:s17], [sflag:s19] =	dma.local [spmem:s30], $0x800  }
0x67: {  	s2 =	sadd.s32 $0x1, s2;
	_ =	swait.ge [sflag:s12], $0x800  }
0x68: {  	p0 =	sne.s32 s2, s10;
	[sflag:s12] =	ssyncset.done $0x0  }
.Ltmp3:
0x69: {  	s31 =	sshrl.u32 s8, $0x3;
	[sflag:s12] =	ssyncadd.s32 $0xFFFFF800;
	(pc) =	sbr.rel @p0 .LBB2_1-.Ltmp3, $4  }
0x6a: {  	[hbm:s18], [sflag:s19] =	dma.local [spmem:s31], $0x800  }
0x6b: {  	_ =	swait.ge [sflag:s12], $0x800  }
0x6c: {  	[sflag:s12] =	ssyncset.done $0x0  }
0x6d: {  	[sflag:s12] =	ssyncadd.s32 $0xFFFFF800  }
0x6e: {  	_ =	sfence.sel $0x180000  }
0x6f: {  	[bflag:$0x0] =	sbarrier.arrive $0xFFFF  }
0x70: {  	p0 =	sne.s32 s3, $0x0;
	_ =	strace $0x90000047  }
0x71: {  	s0 =	sadd.s32 @!p0 $0x100000, s0;
	[bflag:$0x2] =	sbarrier.arrive $0xFFFF  }
0x72: {  	[sflag:s0] =	ssyncadd.tile.s32 @!p0 $0x1;
	_ =	shalt  }
.Lfunc_end2:
_tile_overlayer_lowered:
.L_overlay_start_2:
0x73: {  	(tag) =	ssettag $0x2  }
0x74: {  	s0 =	rddreg [dreg:$0x0];
	s2 =	stileid.u32  }
0x75: {  	s1 =	rddreg [dreg:$0x1];
	p0 =	sne.s32 s2, $0x0  }
0x76: {  	s3 =	rddreg [dreg:$0x2];
	[bflag:$0x3] =	sbarrier.arrive $0xFFFF;
	s2 =	simm.s32 @!p0 $0x1C01  }
0x77: {  	[timem:s3], [sflag:s2] =	dma.local @!p0 [hbm:s0], s1  }
0x78: {  	s0 =	simm.s32 @!p0 $0x1  }
0x79: {  	_ =	swait.ge @!p0 [sflag:s0], s1  }
0x7a: {  	s1 =	ssub.s32 @!p0 $0x0, s1;
	[sflag:s0] =	ssyncset.done @!p0 $0x0  }
0x7b: {  	[sflag:s0] =	ssyncadd.s32 @!p0 s1  }
0x7c: {  	[bflag:$0x3] =	sbarrier.arrive $0xFFFF  }
0x7d: {  	_ =	shalt  }

</sc_bundles>
